<compile_context>
chip_gen: v7x
topology: tpu7x:2x2x1
jax: 0.10.2.dev20260603
libtpu: 0.0.44.dev20260713+nightly
codegen_flags: <defaults>
</compile_context>

<pallas_src>
import functools

import jax
import jax.numpy as jnp
from jax import lax
from jax.experimental import pallas as pl
from jax.experimental.pallas import tpu as pltpu
from jax.experimental.pallas import tpu_sc as plsc

N = 10000
E = 320000
D = 128

NC = 2
NS = 16
NW = NC * NS
CHUNK = 128
NBLK = E // CHUNK
NCB = NBLK // NW
NXB = NBLK - NCB * NW
NPAD = 10240
RPT = NPAD // NS


def _prep_body(x_ref, wh_ref, w_ref):
    x = x_ref[...]
    a = lax.dot_general(x, wh_ref[...], (((1,), (1,)), ((), ())),
                        preferred_element_type=jnp.float32)
    scores = jnp.sum(a * x, axis=1, keepdims=True) / jnp.sqrt(jnp.float32(D))
    m = jnp.max(scores)
    e = jnp.exp(scores - m)
    attn = e / jnp.sum(e)
    w_ref[...] = x * attn


_prep = pl.pallas_call(
    _prep_body,
    out_shape=jax.ShapeDtypeStruct((N, D), jnp.float32),
)


_sc_mesh = plsc.VectorSubcoreMesh(core_axis_name="c", subcore_axis_name="s")


NEB = 4
NRB = 4
HC = CHUNK // 2
UPW = NCB * 2


@functools.partial(
    pl.kernel,
    out_type=jax.ShapeDtypeStruct((NC, NPAD, D), jnp.float32),
    mesh=_sc_mesh,
    scratch_types=[
        [pltpu.VMEM((2, CHUNK), jnp.int32)] * NEB,
        pltpu.VMEM((NRB, HC, D), jnp.float32),
        [pltpu.VMEM((HC,), jnp.int32)] * NRB,
        [pltpu.VMEM((HC,), jnp.int32)] * NRB,
        pltpu.VMEM_SHARED((NPAD, D), jnp.float32),
        [pltpu.SemaphoreType.DMA] * NEB,
        [pltpu.SemaphoreType.DMA] * NRB,
        [pltpu.SemaphoreType.DMA] * NRB,
    ],
)
def _sc_scatter(edge_hbm, w_hbm, out_hbm,
                ebufs, rows_v, sclean, dclean, acc_sh, esems, gsems, ssems):
    c = lax.axis_index("c")
    s = lax.axis_index("s")
    wid = s * NC + c
    blk0 = wid * NCB
    xblk = NW * NCB + lax.rem(wid, NXB)

    def start_efetch(block_addr, q):
        off = pl.multiple_of(block_addr * CHUNK, CHUNK)
        pltpu.async_copy(edge_hbm.at[:, pl.ds(off, CHUNK)],
                         ebufs[q], esems[q])

    def wait_e(q):
        pltpu.make_async_copy(edge_hbm.at[:, pl.ds(0, CHUNK)],
                              ebufs[q], esems[q]).wait()

    def copy_ids(q, h, row, bufs, r):
        for j in range(HC // 16):
            bufs[r][pl.ds(j * 16, 16)] = ebufs[q][row, pl.ds(h * HC + j * 16, 16)]

    def start_gather(q, h, r):
        copy_ids(q, h, 0, sclean, r)
        pltpu.async_copy(w_hbm.at[sclean[r]], rows_v.at[r], gsems[r])

    def wait_g(r):
        pltpu.make_async_copy(w_hbm.at[sclean[r]],
                              rows_v.at[r], gsems[r]).wait()

    def copy_dst(q, h, r):
        copy_ids(q, h, 1, dclean, r)

    def scat_async(r):
        pltpu.async_copy(rows_v.at[r], acc_sh.at[dclean[r]], ssems[r],
                         add=True)

    def scat_sync(r):
        pltpu.sync_copy(rows_v.at[r], acc_sh.at[dclean[r]], add=True)

    def wait_s(r):
        pltpu.make_async_copy(rows_v.at[r], acc_sh.at[dclean[r]],
                              ssems[r]).wait()

    for q in range(3):
        start_efetch(blk0 + q, q)
    wait_e(0)
    start_gather(0, 0, 0)
    start_gather(0, 1, 1)
    wait_e(1)
    start_gather(1, 0, 2)

    zero16 = jnp.zeros((16,), jnp.float32)

    def zfill(i, _):
        for j in range(D // 16):
            rows_v[3, i, pl.ds(j * 16, 16)] = zero16
        return ()

    lax.fori_loop(0, HC, zfill, ())
    for k in range(RPT // HC):
        pltpu.sync_copy(rows_v.at[3],
                        acc_sh.at[pl.ds(s * RPT + k * HC, HC)])
    plsc.subcore_barrier()

    def turn(pos, first=False, refetch_addr=None, do_gather=True,
             scat="sync"):
        r, q, h = pos % NRB, (pos // 2) % NEB, pos % 2
        wait_g(r)
        copy_dst(q, h, r)
        if scat == "async":
            scat_async(r)
        elif scat == "sync":
            scat_sync(r)
        if do_gather:
            p3 = pos + 3
            r3, q3, h3 = p3 % NRB, (p3 // 2) % NEB, p3 % 2
            if h3 == 0:
                wait_e(q3)
            if scat == "async" and not first:
                wait_s(r3)
            start_gather(q3, h3, r3)
        if refetch_addr is not None:
            start_efetch(refetch_addr, (pos // 2 + 3) % NEB)

    turn(0, first=True, refetch_addr=blk0 + 3)

    def body(t, _):
        for i in range(8):
            pp = 1 + i
            rf = (blk0 + 4 * t + pp // 2 + 3) if pp % 2 == 0 else None
            turn(pp % 8, refetch_addr=rf)
        return ()

    lax.fori_loop(0, 18, body, ())

    turn(1)
    turn(2, refetch_addr=blk0 + 76)
    turn(3)
    turn(4, refetch_addr=blk0 + 77)
    turn(5)
    turn(6, refetch_addr=xblk)
    turn(7)
    turn(0)
    turn(1)
    turn(2, scat="sync")
    turn(3, do_gather=False, scat="sync")
    wait_g(0)
    copy_dst(2, 0, 0)
    wait_g(1)
    copy_dst(2, 1, 1)

    @pl.when(wid < NXB)
    def _():
        scat_sync(0)
        scat_sync(1)

    plsc.subcore_barrier()
    pltpu.sync_copy(acc_sh.at[pl.ds(s * RPT, RPT)],
                    out_hbm.at[c, pl.ds(s * RPT, RPT)])


def _out_body(p_ref, wo_ref, o_ref):
    h = p_ref[0, :N] + p_ref[1, :N]
    o = jnp.dot(h, wo_ref[...], preferred_element_type=jnp.float32)
    o_ref[...] = jnp.maximum(o, 0.0)


_finish = pl.pallas_call(
    _out_body,
    out_shape=jax.ShapeDtypeStruct((N, D), jnp.float32),
)


def kernel(x, edge_index, W_head, W_out):
    w = _prep(x, W_head)
    parts = _sc_scatter(edge_index, w)
    return _finish(parts, W_out)

# --- scband reference (transcript-rebuilt; emitter-appended) ---
"""Pipeline reference for scband-gat-61289183314543 (READ-ONLY COPY).

The authoritative reference and input builder live on the scoring server;
editing this copy changes nothing except your own understanding.
"""

import jax, jax.numpy as jnp
import numpy as np

N = 10000
E = 320000
D = 128  # in_feats == out_feats required by a*h elementwise product


def setup_inputs(seed: int = 0) -> dict:
    key = jax.random.key(seed)
    k1, k2, k3, k4 = jax.random.split(key, 4)
    x = jax.random.normal(k1, (N, D), dtype=jnp.float32)
    edge_index = jax.random.randint(k2, (2, E), 0, N, dtype=jnp.int32)
    # attention head: nn.Linear(in_feats, out_feats, bias=False) -> weight [out, in]
    std_head = float(np.sqrt(2.0 / (D + D)))
    W_head = jax.random.normal(k3, (D, D), dtype=jnp.float32) * std_head
    # output projection: xavier_normal with gain=1.414, shape [in_feats, num_heads*out_feats]
    std_out = float(1.414 * np.sqrt(2.0 / (D + D)))
    W_out = jax.random.normal(k4, (D, D), dtype=jnp.float32) * std_out
    return {"x": x, "edge_index": edge_index, "W_head": W_head, "W_out": W_out}


def reference(x, edge_index, W_head, W_out):
    # feat_drop / attn_drop rates are 0.0 -> identity in eval-style reference
    h = x
    # single head (num_heads=1): a = Linear(h)
    a = h @ W_head.T
    # node-level attention scalar, softmax over ALL nodes (dim=0), scaled by sqrt(out_feats)
    scores = jnp.sum(a * h, axis=-1) / jnp.sqrt(jnp.float32(D))
    attn = jax.nn.softmax(scores, axis=0)
    # message passing: m_e = h[src] * attn[src]; h_prime[dst] = sum of incoming messages
    src = edge_index[0]
    dst = edge_index[1]
    m = h[src] * attn[src][:, None]
    h_prime = jax.ops.segment_sum(m, dst, num_segments=N)
    # concat over heads (num_heads=1 -> identity), then output projection + activation
    out = h_prime @ W_out
    return jax.nn.relu(out)

if __name__ == "__main__":
    import jax
    _d = setup_inputs()
    print(jax.jit(kernel)(*tuple(_d.values())))

</pallas_src>

<mosaic_0001>
#map = affine_map<(d0, d1) -> (0, 0)>
#map1 = affine_map<(d0, d1) -> (0, 0, 0)>
module attributes {stable_mosaic.version = 14 : i64} {
  func.func @_sc_scatter(%arg0: i32, %arg1: i32, %arg2: memref<2x320000xi32, #tpu.memory_space<hbm>>, %arg3: memref<10000x128xf32, #tpu.memory_space<hbm>>, %arg4: memref<2x10240x128xf32, #tpu.memory_space<hbm>>, %arg5: memref<2x128xi32, #tpu.memory_space<vmem>>, %arg6: memref<2x128xi32, #tpu.memory_space<vmem>>, %arg7: memref<2x128xi32, #tpu.memory_space<vmem>>, %arg8: memref<2x128xi32, #tpu.memory_space<vmem>>, %arg9: memref<4x64x128xf32, #tpu.memory_space<vmem>>, %arg10: memref<64xi32, #tpu.memory_space<vmem>>, %arg11: memref<64xi32, #tpu.memory_space<vmem>>, %arg12: memref<64xi32, #tpu.memory_space<vmem>>, %arg13: memref<64xi32, #tpu.memory_space<vmem>>, %arg14: memref<64xi32, #tpu.memory_space<vmem>>, %arg15: memref<64xi32, #tpu.memory_space<vmem>>, %arg16: memref<64xi32, #tpu.memory_space<vmem>>, %arg17: memref<64xi32, #tpu.memory_space<vmem>>, %arg18: memref<10240x128xf32, #tpu.memory_space<vmem_shared>>, %arg19: memref<!tpu.dma_semaphore, #tpu.memory_space<semaphore_mem>>, %arg20: memref<!tpu.dma_semaphore, #tpu.memory_space<semaphore_mem>>, %arg21: memref<!tpu.dma_semaphore, #tpu.memory_space<semaphore_mem>>, %arg22: memref<!tpu.dma_semaphore, #tpu.memory_space<semaphore_mem>>, %arg23: memref<!tpu.dma_semaphore, #tpu.memory_space<semaphore_mem>>, %arg24: memref<!tpu.dma_semaphore, #tpu.memory_space<semaphore_mem>>, %arg25: memref<!tpu.dma_semaphore, #tpu.memory_space<semaphore_mem>>, %arg26: memref<!tpu.dma_semaphore, #tpu.memory_space<semaphore_mem>>, %arg27: memref<!tpu.dma_semaphore, #tpu.memory_space<semaphore_mem>>, %arg28: memref<!tpu.dma_semaphore, #tpu.memory_space<semaphore_mem>>, %arg29: memref<!tpu.dma_semaphore, #tpu.memory_space<semaphore_mem>>, %arg30: memref<!tpu.dma_semaphore, #tpu.memory_space<semaphore_mem>>) attributes {dimension_semantics = [#tpu.dimension_semantics<core_parallel>, #tpu.dimension_semantics<subcore_parallel>], iteration_bounds = array<i64: 2, 16>, scalar_prefetch = 0 : i64, scratch_operands = 26 : i64, tpu.core_type = #tpu.core_type<sc_vector_subcore>, window_params = [{transform_indices = #map}, {transform_indices = #map}, {transform_indices = #map1}]} {
    %mul3A = arith.constant 2 : i32
    %mul3A_0 = arith.muli %arg1, %mul3A : i32
    %add3A = arith.addi %mul3A_0, %arg0 : i32
    %mul3A_1 = arith.constant 78 : i32
    %mul3A_2 = arith.muli %add3A, %mul3A_1 : i32
    %rem3A = arith.constant 4 : i32
    %rem3A_3 = arith.remsi %add3A, %rem3A : i32
    %add3A_4 = arith.constant 2496 : i32
    %add3A_5 = arith.addi %add3A_4, %rem3A_3 : i32
    %add3A_6 = arith.constant 0 : i32
    %add3A_7 = arith.addi %mul3A_2, %add3A_6 : i32
    %mul3A_8 = arith.constant 128 : i32
    %mul3A_9 = arith.muli %add3A_7, %mul3A_8 : i32
    %multiple_of3A = tpu.assume_multiple %mul3A_9, 128 : i32
    %dma_start3A = arith.constant 0 : i32
    %dma_start3A_10 = tpu.memref_slice %arg2[%dma_start3A, %multiple_of3A] : memref<2x320000xi32, #tpu.memory_space<hbm>> -> memref<2x128xi32, #tpu.memory_space<hbm>>
    %dma_start3A_11 = arith.constant 0 : i32
    %dma_start3A_12 = tpu.memref_slice %arg2[%dma_start3A_11, %multiple_of3A] : memref<2x320000xi32, #tpu.memory_space<hbm>> -> memref<2x128xi32, #tpu.memory_space<hbm>>
    tpu.enqueue_dma source(%dma_start3A_12 : memref<2x128xi32, #tpu.memory_space<hbm>>) target(%arg5 : memref<2x128xi32, #tpu.memory_space<vmem>>) target_semaphore(%arg19 : memref<!tpu.dma_semaphore, #tpu.memory_space<semaphore_mem>>)
    %add3A_13 = arith.constant 1 : i32
    %add3A_14 = arith.addi %mul3A_2, %add3A_13 : i32
    %mul3A_15 = arith.constant 128 : i32
    %mul3A_16 = arith.muli %add3A_14, %mul3A_15 : i32
    %multiple_of3A_17 = tpu.assume_multiple %mul3A_16, 128 : i32
    %dma_start3A_18 = arith.constant 0 : i32
    %dma_start3A_19 = tpu.memref_slice %arg2[%dma_start3A_18, %multiple_of3A_17] : memref<2x320000xi32, #tpu.memory_space<hbm>> -> memref<2x128xi32, #tpu.memory_space<hbm>>
    %dma_start3A_20 = arith.constant 0 : i32
    %dma_start3A_21 = tpu.memref_slice %arg2[%dma_start3A_20, %multiple_of3A_17] : memref<2x320000xi32, #tpu.memory_space<hbm>> -> memref<2x128xi32, #tpu.memory_space<hbm>>
    tpu.enqueue_dma source(%dma_start3A_21 : memref<2x128xi32, #tpu.memory_space<hbm>>) target(%arg6 : memref<2x128xi32, #tpu.memory_space<vmem>>) target_semaphore(%arg20 : memref<!tpu.dma_semaphore, #tpu.memory_space<semaphore_mem>>)
    %add3A_22 = arith.constant 2 : i32
    %add3A_23 = arith.addi %mul3A_2, %add3A_22 : i32
    %mul3A_24 = arith.constant 128 : i32
    %mul3A_25 = arith.muli %add3A_23, %mul3A_24 : i32
    %multiple_of3A_26 = tpu.assume_multiple %mul3A_25, 128 : i32
    %dma_start3A_27 = arith.constant 0 : i32
    %dma_start3A_28 = tpu.memref_slice %arg2[%dma_start3A_27, %multiple_of3A_26] : memref<2x320000xi32, #tpu.memory_space<hbm>> -> memref<2x128xi32, #tpu.memory_space<hbm>>
    %dma_start3A_29 = arith.constant 0 : i32
    %dma_start3A_30 = tpu.memref_slice %arg2[%dma_start3A_29, %multiple_of3A_26] : memref<2x320000xi32, #tpu.memory_space<hbm>> -> memref<2x128xi32, #tpu.memory_space<hbm>>
    tpu.enqueue_dma source(%dma_start3A_30 : memref<2x128xi32, #tpu.memory_space<hbm>>) target(%arg7 : memref<2x128xi32, #tpu.memory_space<vmem>>) target_semaphore(%arg21 : memref<!tpu.dma_semaphore, #tpu.memory_space<semaphore_mem>>)
    %dma_wait3A = arith.constant 0 : i32
    %dma_wait3A_31 = arith.constant 0 : i32
    %dma_wait3A_32 = tpu.memref_slice %arg2[%dma_wait3A, %dma_wait3A_31] : memref<2x320000xi32, #tpu.memory_space<hbm>> -> memref<2x128xi32, #tpu.memory_space<hbm>>
    %dma_wait3A_33 = arith.constant 0 : i32
    %dma_wait3A_34 = arith.constant 0 : i32
    %dma_wait3A_35 = tpu.memref_slice %arg2[%dma_wait3A_33, %dma_wait3A_34] : memref<2x320000xi32, #tpu.memory_space<hbm>> -> memref<2x128xi32, #tpu.memory_space<hbm>>
    tpu.wait_dma2 semaphore(%arg19 : memref<!tpu.dma_semaphore, #tpu.memory_space<semaphore_mem>>) src(%dma_wait3A_35 : memref<2x128xi32, #tpu.memory_space<hbm>>) dst(%arg5 : memref<2x128xi32, #tpu.memory_space<vmem>>)
    %get3A = arith.constant 0 : i32
    %get3A_36 = arith.index_cast %get3A : i32 to index
    %get3A_37 = arith.constant 0 : index
    %get3A_38 = tpu.vector_load %arg5[%get3A_36, %get3A_37] {strides = array<i32>} : memref<2x128xi32, #tpu.memory_space<vmem>>, vector<1x16xi32>,
    %get3A_39 = vector.shape_cast %get3A_38 : vector<1x16xi32> to vector<16xi32>
    %swap3A = arith.constant 0 : index
    %swap3A_40 = tpu.vector_load %arg10[%swap3A] {strides = array<i32>} : memref<64xi32, #tpu.memory_space<vmem>>, vector<16xi32>,
    %swap3A_41 = vector.shape_cast %swap3A_40 : vector<16xi32> to vector<16xi32>
    %swap3A_42 = vector.shape_cast %get3A_39 : vector<16xi32> to vector<16xi32>
    tpu.vector_store %arg10[%swap3A], %swap3A_42 {strides = array<i32>} : memref<64xi32, #tpu.memory_space<vmem>>, vector<16xi32>,
    %get3A_43 = arith.constant 0 : i32
    %get3A_44 = arith.index_cast %get3A_43 : i32 to index
    %get3A_45 = arith.constant 16 : index
    %get3A_46 = tpu.vector_load %arg5[%get3A_44, %get3A_45] {strides = array<i32>} : memref<2x128xi32, #tpu.memory_space<vmem>>, vector<1x16xi32>,
    %get3A_47 = vector.shape_cast %get3A_46 : vector<1x16xi32> to vector<16xi32>
    %swap3A_48 = arith.constant 16 : index
    %swap3A_49 = tpu.vector_load %arg10[%swap3A_48] {strides = array<i32>} : memref<64xi32, #tpu.memory_space<vmem>>, vector<16xi32>,
    %swap3A_50 = vector.shape_cast %swap3A_49 : vector<16xi32> to vector<16xi32>
    %swap3A_51 = vector.shape_cast %get3A_47 : vector<16xi32> to vector<16xi32>
    tpu.vector_store %arg10[%swap3A_48], %swap3A_51 {strides = array<i32>} : memref<64xi32, #tpu.memory_space<vmem>>, vector<16xi32>,
    %get3A_52 = arith.constant 0 : i32
    %get3A_53 = arith.index_cast %get3A_52 : i32 to index
    %get3A_54 = arith.constant 32 : index
    %get3A_55 = tpu.vector_load %arg5[%get3A_53, %get3A_54] {strides = array<i32>} : memref<2x128xi32, #tpu.memory_space<vmem>>, vector<1x16xi32>,
    %get3A_56 = vector.shape_cast %get3A_55 : vector<1x16xi32> to vector<16xi32>
    %swap3A_57 = arith.constant 32 : index
    %swap3A_58 = tpu.vector_load %arg10[%swap3A_57] {strides = array<i32>} : memref<64xi32, #tpu.memory_space<vmem>>, vector<16xi32>,
    %swap3A_59 = vector.shape_cast %swap3A_58 : vector<16xi32> to vector<16xi32>
    %swap3A_60 = vector.shape_cast %get3A_56 : vector<16xi32> to vector<16xi32>
    tpu.vector_store %arg10[%swap3A_57], %swap3A_60 {strides = array<i32>} : memref<64xi32, #tpu.memory_space<vmem>>, vector<16xi32>,
    %get3A_61 = arith.constant 0 : i32
    %get3A_62 = arith.index_cast %get3A_61 : i32 to index
    %get3A_63 = arith.constant 48 : index
    %get3A_64 = tpu.vector_load %arg5[%get3A_62, %get3A_63] {strides = array<i32>} : memref<2x128xi32, #tpu.memory_space<vmem>>, vector<1x16xi32>,
    %get3A_65 = vector.shape_cast %get3A_64 : vector<1x16xi32> to vector<16xi32>
    %swap3A_66 = arith.constant 48 : index
    %swap3A_67 = tpu.vector_load %arg10[%swap3A_66] {strides = array<i32>} : memref<64xi32, #tpu.memory_space<vmem>>, vector<16xi32>,
    %swap3A_68 = vector.shape_cast %swap3A_67 : vector<16xi32> to vector<16xi32>
    %swap3A_69 = vector.shape_cast %get3A_65 : vector<16xi32> to vector<16xi32>
    tpu.vector_store %arg10[%swap3A_66], %swap3A_69 {strides = array<i32>} : memref<64xi32, #tpu.memory_space<vmem>>, vector<16xi32>,
    %dma_start3A_70 = arith.constant 0 : i32
    %dma_start3A_71 = arith.constant 0 : i32
    %dma_start3A_72 = arith.constant 0 : i32
    %dma_start3A_73 = tpu.memref_slice %arg9[%dma_start3A_70, %dma_start3A_71, %dma_start3A_72] : memref<4x64x128xf32, #tpu.memory_space<vmem>> -> memref<1x64x128xf32, #tpu.memory_space<vmem>>
    %dma_start3A_74 = tpu.memref_squeeze %dma_start3A_73 : memref<1x64x128xf32, #tpu.memory_space<vmem>> -> memref<64x128xf32, #tpu.memory_space<vmem>>
    %dma_start3A_75 = arith.constant 0 : i32
    %dma_start3A_76 = arith.constant 0 : i32
    %dma_start3A_77 = tpu.memref_slice %arg3[%dma_start3A_75, %dma_start3A_76] : memref<10000x128xf32, #tpu.memory_space<hbm>> -> memref<10000x128xf32, #tpu.memory_space<hbm>>
    tpu.enqueue_indirect_dma source(%dma_start3A_77 : memref<10000x128xf32, #tpu.memory_space<hbm>>) target(%dma_start3A_74 : memref<64x128xf32, #tpu.memory_space<vmem>>) offsets(%arg10 : memref<64xi32, #tpu.memory_space<vmem>>) semaphore(%arg23 : memref<!tpu.dma_semaphore, #tpu.memory_space<semaphore_mem>>)
    %get3A_78 = arith.constant 0 : i32
    %get3A_79 = arith.index_cast %get3A_78 : i32 to index
    %get3A_80 = arith.constant 64 : index
    %get3A_81 = tpu.vector_load %arg5[%get3A_79, %get3A_80] {strides = array<i32>} : memref<2x128xi32, #tpu.memory_space<vmem>>, vector<1x16xi32>,
    %get3A_82 = vector.shape_cast %get3A_81 : vector<1x16xi32> to vector<16xi32>
    %swap3A_83 = arith.constant 0 : index
    %swap3A_84 = tpu.vector_load %arg11[%swap3A_83] {strides = array<i32>} : memref<64xi32, #tpu.memory_space<vmem>>, vector<16xi32>,
    %swap3A_85 = vector.shape_cast %swap3A_84 : vector<16xi32> to vector<16xi32>
    %swap3A_86 = vector.shape_cast %get3A_82 : vector<16xi32> to vector<16xi32>
    tpu.vector_store %arg11[%swap3A_83], %swap3A_86 {strides = array<i32>} : memref<64xi32, #tpu.memory_space<vmem>>, vector<16xi32>,
    %get3A_87 = arith.constant 0 : i32
    %get3A_88 = arith.index_cast %get3A_87 : i32 to index
    %get3A_89 = arith.constant 80 : index
    %get3A_90 = tpu.vector_load %arg5[%get3A_88, %get3A_89] {strides = array<i32>} : memref<2x128xi32, #tpu.memory_space<vmem>>, vector<1x16xi32>,
    %get3A_91 = vector.shape_cast %get3A_90 : vector<1x16xi32> to vector<16xi32>
    %swap3A_92 = arith.constant 16 : index
    %swap3A_93 = tpu.vector_load %arg11[%swap3A_92] {strides = array<i32>} : memref<64xi32, #tpu.memory_space<vmem>>, vector<16xi32>,
    %swap3A_94 = vector.shape_cast %swap3A_93 : vector<16xi32> to vector<16xi32>
    %swap3A_95 = vector.shape_cast %get3A_91 : vector<16xi32> to vector<16xi32>
    tpu.vector_store %arg11[%swap3A_92], %swap3A_95 {strides = array<i32>} : memref<64xi32, #tpu.memory_space<vmem>>, vector<16xi32>,
    %get3A_96 = arith.constant 0 : i32
    %get3A_97 = arith.index_cast %get3A_96 : i32 to index
    %get3A_98 = arith.constant 96 : index
    %get3A_99 = tpu.vector_load %arg5[%get3A_97, %get3A_98] {strides = array<i32>} : memref<2x128xi32, #tpu.memory_space<vmem>>, vector<1x16xi32>,
    %get3A_100 = vector.shape_cast %get3A_99 : vector<1x16xi32> to vector<16xi32>
    %swap3A_101 = arith.constant 32 : index
    %swap3A_102 = tpu.vector_load %arg11[%swap3A_101] {strides = array<i32>} : memref<64xi32, #tpu.memory_space<vmem>>, vector<16xi32>,
    %swap3A_103 = vector.shape_cast %swap3A_102 : vector<16xi32> to vector<16xi32>
    %swap3A_104 = vector.shape_cast %get3A_100 : vector<16xi32> to vector<16xi32>
    tpu.vector_store %arg11[%swap3A_101], %swap3A_104 {strides = array<i32>} : memref<64xi32, #tpu.memory_space<vmem>>, vector<16xi32>,
    %get3A_105 = arith.constant 0 : i32
    %get3A_106 = arith.index_cast %get3A_105 : i32 to index
    %get3A_107 = arith.constant 112 : index
    %get3A_108 = tpu.vector_load %arg5[%get3A_106, %get3A_107] {strides = array<i32>} : memref<2x128xi32, #tpu.memory_space<vmem>>, vector<1x16xi32>,
    %get3A_109 = vector.shape_cast %get3A_108 : vector<1x16xi32> to vector<16xi32>
    %swap3A_110 = arith.constant 48 : index
    %swap3A_111 = tpu.vector_load %arg11[%swap3A_110] {strides = array<i32>} : memref<64xi32, #tpu.memory_space<vmem>>, vector<16xi32>,
    %swap3A_112 = vector.shape_cast %swap3A_111 : vector<16xi32> to vector<16xi32>
    %swap3A_113 = vector.shape_cast %get3A_109 : vector<16xi32> to vector<16xi32>
    tpu.vector_store %arg11[%swap3A_110], %swap3A_113 {strides = array<i32>} : memref<64xi32, #tpu.memory_space<vmem>>, vector<16xi32>,
    %dma_start3A_114 = arith.constant 1 : i32
    %dma_start3A_115 = arith.constant 0 : i32
    %dma_start3A_116 = arith.constant 0 : i32
    %dma_start3A_117 = tpu.memref_slice %arg9[%dma_start3A_114, %dma_start3A_115, %dma_start3A_116] : memref<4x64x128xf32, #tpu.memory_space<vmem>> -> memref<1x64x128xf32, #tpu.memory_space<vmem>>
    %dma_start3A_118 = tpu.memref_squeeze %dma_start3A_117 : memref<1x64x128xf32, #tpu.memory_space<vmem>> -> memref<64x128xf32, #tpu.memory_space<vmem>>
    %dma_start3A_119 = arith.constant 0 : i32
    %dma_start3A_120 = arith.constant 0 : i32
    %dma_start3A_121 = tpu.memref_slice %arg3[%dma_start3A_119, %dma_start3A_120] : memref<10000x128xf32, #tpu.memory_space<hbm>> -> memref<10000x128xf32, #tpu.memory_space<hbm>>
    tpu.enqueue_indirect_dma source(%dma_start3A_121 : memref<10000x128xf32, #tpu.memory_space<hbm>>) target(%dma_start3A_118 : memref<64x128xf32, #tpu.memory_space<vmem>>) offsets(%arg11 : memref<64xi32, #tpu.memory_space<vmem>>) semaphore(%arg24 : memref<!tpu.dma_semaphore, #tpu.memory_space<semaphore_mem>>)
    %dma_wait3A_122 = arith.constant 0 : i32
    %dma_wait3A_123 = arith.constant 0 : i32
    %dma_wait3A_124 = tpu.memref_slice %arg2[%dma_wait3A_122, %dma_wait3A_123] : memref<2x320000xi32, #tpu.memory_space<hbm>> -> memref<2x128xi32, #tpu.memory_space<hbm>>
    %dma_wait3A_125 = arith.constant 0 : i32
    %dma_wait3A_126 = arith.constant 0 : i32
    %dma_wait3A_127 = tpu.memref_slice %arg2[%dma_wait3A_125, %dma_wait3A_126] : memref<2x320000xi32, #tpu.memory_space<hbm>> -> memref<2x128xi32, #tpu.memory_space<hbm>>
    tpu.wait_dma2 semaphore(%arg20 : memref<!tpu.dma_semaphore, #tpu.memory_space<semaphore_mem>>) src(%dma_wait3A_127 : memref<2x128xi32, #tpu.memory_space<hbm>>) dst(%arg6 : memref<2x128xi32, #tpu.memory_space<vmem>>)
    %get3A_128 = arith.constant 0 : i32
    %get3A_129 = arith.index_cast %get3A_128 : i32 to index
    %get3A_130 = arith.constant 0 : index
    %get3A_131 = tpu.vector_load %arg6[%get3A_129, %get3A_130] {strides = array<i32>} : memref<2x128xi32, #tpu.memory_space<vmem>>, vector<1x16xi32>,
    %get3A_132 = vector.shape_cast %get3A_131 : vector<1x16xi32> to vector<16xi32>
    %swap3A_133 = arith.constant 0 : index
    %swap3A_134 = tpu.vector_load %arg12[%swap3A_133] {strides = array<i32>} : memref<64xi32, #tpu.memory_space<vmem>>, vector<16xi32>,
    %swap3A_135 = vector.shape_cast %swap3A_134 : vector<16xi32> to vector<16xi32>
    %swap3A_136 = vector.shape_cast %get3A_132 : vector<16xi32> to vector<16xi32>
    tpu.vector_store %arg12[%swap3A_133], %swap3A_136 {strides = array<i32>} : memref<64xi32, #tpu.memory_space<vmem>>, vector<16xi32>,
    %get3A_137 = arith.constant 0 : i32
    %get3A_138 = arith.index_cast %get3A_137 : i32 to index
    %get3A_139 = arith.constant 16 : index
    %get3A_140 = tpu.vector_load %arg6[%get3A_138, %get3A_139] {strides = array<i32>} : memref<2x128xi32, #tpu.memory_space<vmem>>, vector<1x16xi32>,
    %get3A_141 = vector.shape_cast %get3A_140 : vector<1x16xi32> to vector<16xi32>
    %swap3A_142 = arith.constant 16 : index
    %swap3A_143 = tpu.vector_load %arg12[%swap3A_142] {strides = array<i32>} : memref<64xi32, #tpu.memory_space<vmem>>, vector<16xi32>,
    %swap3A_144 = vector.shape_cast %swap3A_143 : vector<16xi32> to vector<16xi32>
    %swap3A_145 = vector.shape_cast %get3A_141 : vector<16xi32> to vector<16xi32>
    tpu.vector_store %arg12[%swap3A_142], %swap3A_145 {strides = array<i32>} : memref<64xi32, #tpu.memory_space<vmem>>, vector<16xi32>,
    %get3A_146 = arith.constant 0 : i32
    %get3A_147 = arith.index_cast %get3A_146 : i32 to index
    %get3A_148 = arith.constant 32 : index
    %get3A_149 = tpu.vector_load %arg6[%get3A_147, %get3A_148] {strides = array<i32>} : memref<2x128xi32, #tpu.memory_space<vmem>>, vector<1x16xi32>,
    %get3A_150 = vector.shape_cast %get3A_149 : vector<1x16xi32> to vector<16xi32>
    %swap3A_151 = arith.constant 32 : index
    %swap3A_152 = tpu.vector_load %arg12[%swap3A_151] {strides = array<i32>} : memref<64xi32, #tpu.memory_space<vmem>>, vector<16xi32>,
    %swap3A_153 = vector.shape_cast %swap3A_152 : vector<16xi32> to vector<16xi32>
    %swap3A_154 = vector.shape_cast %get3A_150 : vector<16xi32> to vector<16xi32>
    tpu.vector_store %arg12[%swap3A_151], %swap3A_154 {strides = array<i32>} : memref<64xi32, #tpu.memory_space<vmem>>, vector<16xi32>,
    %get3A_155 = arith.constant 0 : i32
    %get3A_156 = arith.index_cast %get3A_155 : i32 to index
    %get3A_157 = arith.constant 48 : index
    %get3A_158 = tpu.vector_load %arg6[%get3A_156, %get3A_157] {strides = array<i32>} : memref<2x128xi32, #tpu.memory_space<vmem>>, vector<1x16xi32>,
    %get3A_159 = vector.shape_cast %get3A_158 : vector<1x16xi32> to vector<16xi32>
    %swap3A_160 = arith.constant 48 : index
    %swap3A_161 = tpu.vector_load %arg12[%swap3A_160] {strides = array<i32>} : memref<64xi32, #tpu.memory_space<vmem>>, vector<16xi32>,
    %swap3A_162 = vector.shape_cast %swap3A_161 : vector<16xi32> to vector<16xi32>
    %swap3A_163 = vector.shape_cast %get3A_159 : vector<16xi32> to vector<16xi32>
    tpu.vector_store %arg12[%swap3A_160], %swap3A_163 {strides = array<i32>} : memref<64xi32, #tpu.memory_space<vmem>>, vector<16xi32>,
    %dma_start3A_164 = arith.constant 2 : i32
    %dma_start3A_165 = arith.constant 0 : i32
    %dma_start3A_166 = arith.constant 0 : i32
    %dma_start3A_167 = tpu.memref_slice %arg9[%dma_start3A_164, %dma_start3A_165, %dma_start3A_166] : memref<4x64x128xf32, #tpu.memory_space<vmem>> -> memref<1x64x128xf32, #tpu.memory_space<vmem>>
    %dma_start3A_168 = tpu.memref_squeeze %dma_start3A_167 : memref<1x64x128xf32, #tpu.memory_space<vmem>> -> memref<64x128xf32, #tpu.memory_space<vmem>>
    %dma_start3A_169 = arith.constant 0 : i32
    %dma_start3A_170 = arith.constant 0 : i32
    %dma_start3A_171 = tpu.memref_slice %arg3[%dma_start3A_169, %dma_start3A_170] : memref<10000x128xf32, #tpu.memory_space<hbm>> -> memref<10000x128xf32, #tpu.memory_space<hbm>>
    tpu.enqueue_indirect_dma source(%dma_start3A_171 : memref<10000x128xf32, #tpu.memory_space<hbm>>) target(%dma_start3A_168 : memref<64x128xf32, #tpu.memory_space<vmem>>) offsets(%arg12 : memref<64xi32, #tpu.memory_space<vmem>>) semaphore(%arg25 : memref<!tpu.dma_semaphore, #tpu.memory_space<semaphore_mem>>)
    %broadcast_in_dim3A = arith.constant 0.000000e+00 : f32
    %broadcast_in_dim3A_172 = vector.broadcast %broadcast_in_dim3A : f32 to vector<16xf32>
    %scan3A = arith.constant 0 : i32
    %scan3A_173 = arith.constant 64 : i32
    %scan3A_174 = arith.addi %scan3A, %scan3A_173 : i32
    %scan3A_175 = arith.constant 1 : i32
    scf.for %scan3A_1414 = %scan3A to %scan3A_174 step %scan3A_175  : i32 {
      %swap3A_1415 = arith.constant 3 : i32
      %swap3A_1416 = arith.index_cast %swap3A_1415 : i32 to index
      %swap3A_1417 = arith.index_cast %scan3A_1414 : i32 to index
      %swap3A_1418 = arith.constant 0 : index
      %swap3A_1419 = tpu.vector_load %arg9[%swap3A_1416, %swap3A_1417, %swap3A_1418] {strides = array<i32>} : memref<4x64x128xf32, #tpu.memory_space<vmem>>, vector<1x1x16xf32>,
      %swap3A_1420 = vector.shape_cast %swap3A_1419 : vector<1x1x16xf32> to vector<16xf32>
      %swap3A_1421 = vector.shape_cast %broadcast_in_dim3A_172 : vector<16xf32> to vector<1x1x16xf32>
      tpu.vector_store %arg9[%swap3A_1416, %swap3A_1417, %swap3A_1418], %swap3A_1421 {strides = array<i32>} : memref<4x64x128xf32, #tpu.memory_space<vmem>>, vector<1x1x16xf32>,
      %swap3A_1422 = arith.constant 3 : i32
      %swap3A_1423 = arith.index_cast %swap3A_1422 : i32 to index
      %swap3A_1424 = arith.index_cast %scan3A_1414 : i32 to index
      %swap3A_1425 = arith.constant 16 : index
      %swap3A_1426 = tpu.vector_load %arg9[%swap3A_1423, %swap3A_1424, %swap3A_1425] {strides = array<i32>} : memref<4x64x128xf32, #tpu.memory_space<vmem>>, vector<1x1x16xf32>,
      %swap3A_1427 = vector.shape_cast %swap3A_1426 : vector<1x1x16xf32> to vector<16xf32>
      %swap3A_1428 = vector.shape_cast %broadcast_in_dim3A_172 : vector<16xf32> to vector<1x1x16xf32>
      tpu.vector_store %arg9[%swap3A_1423, %swap3A_1424, %swap3A_1425], %swap3A_1428 {strides = array<i32>} : memref<4x64x128xf32, #tpu.memory_space<vmem>>, vector<1x1x16xf32>,
      %swap3A_1429 = arith.constant 3 : i32
      %swap3A_1430 = arith.index_cast %swap3A_1429 : i32 to index
      %swap3A_1431 = arith.index_cast %scan3A_1414 : i32 to index
      %swap3A_1432 = arith.constant 32 : index
      %swap3A_1433 = tpu.vector_load %arg9[%swap3A_1430, %swap3A_1431, %swap3A_1432] {strides = array<i32>} : memref<4x64x128xf32, #tpu.memory_space<vmem>>, vector<1x1x16xf32>,
      %swap3A_1434 = vector.shape_cast %swap3A_1433 : vector<1x1x16xf32> to vector<16xf32>
      %swap3A_1435 = vector.shape_cast %broadcast_in_dim3A_172 : vector<16xf32> to vector<1x1x16xf32>
      tpu.vector_store %arg9[%swap3A_1430, %swap3A_1431, %swap3A_1432], %swap3A_1435 {strides = array<i32>} : memref<4x64x128xf32, #tpu.memory_space<vmem>>, vector<1x1x16xf32>,
      %swap3A_1436 = arith.constant 3 : i32
      %swap3A_1437 = arith.index_cast %swap3A_1436 : i32 to index
      %swap3A_1438 = arith.index_cast %scan3A_1414 : i32 to index
      %swap3A_1439 = arith.constant 48 : index
      %swap3A_1440 = tpu.vector_load %arg9[%swap3A_1437, %swap3A_1438, %swap3A_1439] {strides = array<i32>} : memref<4x64x128xf32, #tpu.memory_space<vmem>>, vector<1x1x16xf32>,
      %swap3A_1441 = vector.shape_cast %swap3A_1440 : vector<1x1x16xf32> to vector<16xf32>
      %swap3A_1442 = vector.shape_cast %broadcast_in_dim3A_172 : vector<16xf32> to vector<1x1x16xf32>
      tpu.vector_store %arg9[%swap3A_1437, %swap3A_1438, %swap3A_1439], %swap3A_1442 {strides = array<i32>} : memref<4x64x128xf32, #tpu.memory_space<vmem>>, vector<1x1x16xf32>,
      %swap3A_1443 = arith.constant 3 : i32
      %swap3A_1444 = arith.index_cast %swap3A_1443 : i32 to index
      %swap3A_1445 = arith.index_cast %scan3A_1414 : i32 to index
      %swap3A_1446 = arith.constant 64 : index
      %swap3A_1447 = tpu.vector_load %arg9[%swap3A_1444, %swap3A_1445, %swap3A_1446] {strides = array<i32>} : memref<4x64x128xf32, #tpu.memory_space<vmem>>, vector<1x1x16xf32>,
      %swap3A_1448 = vector.shape_cast %swap3A_1447 : vector<1x1x16xf32> to vector<16xf32>
      %swap3A_1449 = vector.shape_cast %broadcast_in_dim3A_172 : vector<16xf32> to vector<1x1x16xf32>
      tpu.vector_store %arg9[%swap3A_1444, %swap3A_1445, %swap3A_1446], %swap3A_1449 {strides = array<i32>} : memref<4x64x128xf32, #tpu.memory_space<vmem>>, vector<1x1x16xf32>,
      %swap3A_1450 = arith.constant 3 : i32
      %swap3A_1451 = arith.index_cast %swap3A_1450 : i32 to index
      %swap3A_1452 = arith.index_cast %scan3A_1414 : i32 to index
      %swap3A_1453 = arith.constant 80 : index
      %swap3A_1454 = tpu.vector_load %arg9[%swap3A_1451, %swap3A_1452, %swap3A_1453] {strides = array<i32>} : memref<4x64x128xf32, #tpu.memory_space<vmem>>, vector<1x1x16xf32>,
      %swap3A_1455 = vector.shape_cast %swap3A_1454 : vector<1x1x16xf32> to vector<16xf32>
      %swap3A_1456 = vector.shape_cast %broadcast_in_dim3A_172 : vector<16xf32> to vector<1x1x16xf32>
      tpu.vector_store %arg9[%swap3A_1451, %swap3A_1452, %swap3A_1453], %swap3A_1456 {strides = array<i32>} : memref<4x64x128xf32, #tpu.memory_space<vmem>>, vector<1x1x16xf32>,
      %swap3A_1457 = arith.constant 3 : i32
      %swap3A_1458 = arith.index_cast %swap3A_1457 : i32 to index
      %swap3A_1459 = arith.index_cast %scan3A_1414 : i32 to index
      %swap3A_1460 = arith.constant 96 : index
      %swap3A_1461 = tpu.vector_load %arg9[%swap3A_1458, %swap3A_1459, %swap3A_1460] {strides = array<i32>} : memref<4x64x128xf32, #tpu.memory_space<vmem>>, vector<1x1x16xf32>,
      %swap3A_1462 = vector.shape_cast %swap3A_1461 : vector<1x1x16xf32> to vector<16xf32>
      %swap3A_1463 = vector.shape_cast %broadcast_in_dim3A_172 : vector<16xf32> to vector<1x1x16xf32>
      tpu.vector_store %arg9[%swap3A_1458, %swap3A_1459, %swap3A_1460], %swap3A_1463 {strides = array<i32>} : memref<4x64x128xf32, #tpu.memory_space<vmem>>, vector<1x1x16xf32>,
      %swap3A_1464 = arith.constant 3 : i32
      %swap3A_1465 = arith.index_cast %swap3A_1464 : i32 to index
      %swap3A_1466 = arith.index_cast %scan3A_1414 : i32 to index
      %swap3A_1467 = arith.constant 112 : index
      %swap3A_1468 = tpu.vector_load %arg9[%swap3A_1465, %swap3A_1466, %swap3A_1467] {strides = array<i32>} : memref<4x64x128xf32, #tpu.memory_space<vmem>>, vector<1x1x16xf32>,
      %swap3A_1469 = vector.shape_cast %swap3A_1468 : vector<1x1x16xf32> to vector<16xf32>
      %swap3A_1470 = vector.shape_cast %broadcast_in_dim3A_172 : vector<16xf32> to vector<1x1x16xf32>
      tpu.vector_store %arg9[%swap3A_1465, %swap3A_1466, %swap3A_1467], %swap3A_1470 {strides = array<i32>} : memref<4x64x128xf32, #tpu.memory_space<vmem>>, vector<1x1x16xf32>,
    }
    %scan3A_176 = arith.constant 64 : i32
    %mul3A_177 = arith.constant 640 : i32
    %mul3A_178 = arith.muli %arg1, %mul3A_177 : i32
    %add3A_179 = arith.constant 0 : i32
    %add3A_180 = arith.addi %mul3A_178, %add3A_179 : i32
    %run_scoped3A = arith.constant 3 : i32
    "tpu.region"() ({
      %run_scoped3A_1414 = tpu.sem_alloc : memref<!tpu.dma_semaphore, #tpu.memory_space<semaphore_mem>>
      %dma_start3A_1415 = arith.constant 0 : i32
      %dma_start3A_1416 = arith.constant 0 : i32
      %dma_start3A_1417 = tpu.memref_slice %arg9[%run_scoped3A, %dma_start3A_1415, %dma_start3A_1416] : memref<4x64x128xf32, #tpu.memory_space<vmem>> -> memref<1x64x128xf32, #tpu.memory_space<vmem>>
      %dma_start3A_1418 = tpu.memref_squeeze %dma_start3A_1417 : memref<1x64x128xf32, #tpu.memory_space<vmem>> -> memref<64x128xf32, #tpu.memory_space<vmem>>
      %dma_start3A_1419 = arith.constant 0 : i32
      %dma_start3A_1420 = tpu.memref_slice %arg18[%add3A_180, %dma_start3A_1419] : memref<10240x128xf32, #tpu.memory_space<vmem_shared>> -> memref<64x128xf32, #tpu.memory_space<vmem_shared>>
      %dma_start3A_1421 = arith.constant 0 : i32
      %dma_start3A_1422 = tpu.memref_slice %arg18[%add3A_180, %dma_start3A_1421] : memref<10240x128xf32, #tpu.memory_space<vmem_shared>> -> memref<64x128xf32, #tpu.memory_space<vmem_shared>>
      %dma_start3A_1423 = arith.constant 0 : i32
      %dma_start3A_1424 = arith.constant 0 : i32
      %dma_start3A_1425 = tpu.memref_slice %arg9[%run_scoped3A, %dma_start3A_1423, %dma_start3A_1424] : memref<4x64x128xf32, #tpu.memory_space<vmem>> -> memref<1x64x128xf32, #tpu.memory_space<vmem>>
      %dma_start3A_1426 = tpu.memref_squeeze %dma_start3A_1425 : memref<1x64x128xf32, #tpu.memory_space<vmem>> -> memref<64x128xf32, #tpu.memory_space<vmem>>
      tpu.enqueue_dma source(%dma_start3A_1426 : memref<64x128xf32, #tpu.memory_space<vmem>>) target(%dma_start3A_1422 : memref<64x128xf32, #tpu.memory_space<vmem_shared>>) target_semaphore(%run_scoped3A_1414 : memref<!tpu.dma_semaphore, #tpu.memory_space<semaphore_mem>>)
      %dma_wait3A_1427 = arith.constant 0 : i32
      %dma_wait3A_1428 = arith.constant 0 : i32
      %dma_wait3A_1429 = tpu.memref_slice %arg9[%run_scoped3A, %dma_wait3A_1427, %dma_wait3A_1428] : memref<4x64x128xf32, #tpu.memory_space<vmem>> -> memref<1x64x128xf32, #tpu.memory_space<vmem>>
      %dma_wait3A_1430 = tpu.memref_squeeze %dma_wait3A_1429 : memref<1x64x128xf32, #tpu.memory_space<vmem>> -> memref<64x128xf32, #tpu.memory_space<vmem>>
      %dma_wait3A_1431 = arith.constant 0 : i32
      %dma_wait3A_1432 = tpu.memref_slice %arg18[%add3A_180, %dma_wait3A_1431] : memref<10240x128xf32, #tpu.memory_space<vmem_shared>> -> memref<64x128xf32, #tpu.memory_space<vmem_shared>>
      %dma_wait3A_1433 = arith.constant 0 : i32
      %dma_wait3A_1434 = tpu.memref_slice %arg18[%add3A_180, %dma_wait3A_1433] : memref<10240x128xf32, #tpu.memory_space<vmem_shared>> -> memref<64x128xf32, #tpu.memory_space<vmem_shared>>
      %dma_wait3A_1435 = arith.constant 0 : i32
      %dma_wait3A_1436 = arith.constant 0 : i32
      %dma_wait3A_1437 = tpu.memref_slice %arg9[%run_scoped3A, %dma_wait3A_1435, %dma_wait3A_1436] : memref<4x64x128xf32, #tpu.memory_space<vmem>> -> memref<1x64x128xf32, #tpu.memory_space<vmem>>
      %dma_wait3A_1438 = tpu.memref_squeeze %dma_wait3A_1437 : memref<1x64x128xf32, #tpu.memory_space<vmem>> -> memref<64x128xf32, #tpu.memory_space<vmem>>
      tpu.wait_dma2 semaphore(%run_scoped3A_1414 : memref<!tpu.dma_semaphore, #tpu.memory_space<semaphore_mem>>) src(%dma_wait3A_1438 : memref<64x128xf32, #tpu.memory_space<vmem>>) dst(%dma_wait3A_1434 : memref<64x128xf32, #tpu.memory_space<vmem_shared>>)
      tpu.yield
    }) : () -> ()
    %mul3A_181 = arith.constant 640 : i32
    %mul3A_182 = arith.muli %arg1, %mul3A_181 : i32
    %add3A_183 = arith.constant 64 : i32
    %add3A_184 = arith.addi %mul3A_182, %add3A_183 : i32
    %run_scoped3A_185 = arith.constant 3 : i32
    "tpu.region"() ({
      %run_scoped3A_1414 = tpu.sem_alloc : memref<!tpu.dma_semaphore, #tpu.memory_space<semaphore_mem>>
      %dma_start3A_1415 = arith.constant 0 : i32
      %dma_start3A_1416 = arith.constant 0 : i32
      %dma_start3A_1417 = tpu.memref_slice %arg9[%run_scoped3A_185, %dma_start3A_1415, %dma_start3A_1416] : memref<4x64x128xf32, #tpu.memory_space<vmem>> -> memref<1x64x128xf32, #tpu.memory_space<vmem>>
      %dma_start3A_1418 = tpu.memref_squeeze %dma_start3A_1417 : memref<1x64x128xf32, #tpu.memory_space<vmem>> -> memref<64x128xf32, #tpu.memory_space<vmem>>
      %dma_start3A_1419 = arith.constant 0 : i32
      %dma_start3A_1420 = tpu.memref_slice %arg18[%add3A_184, %dma_start3A_1419] : memref<10240x128xf32, #tpu.memory_space<vmem_shared>> -> memref<64x128xf32, #tpu.memory_space<vmem_shared>>
      %dma_start3A_1421 = arith.constant 0 : i32
      %dma_start3A_1422 = tpu.memref_slice %arg18[%add3A_184, %dma_start3A_1421] : memref<10240x128xf32, #tpu.memory_space<vmem_shared>> -> memref<64x128xf32, #tpu.memory_space<vmem_shared>>
      %dma_start3A_1423 = arith.constant 0 : i32
      %dma_start3A_1424 = arith.constant 0 : i32
      %dma_start3A_1425 = tpu.memref_slice %arg9[%run_scoped3A_185, %dma_start3A_1423, %dma_start3A_1424] : memref<4x64x128xf32, #tpu.memory_space<vmem>> -> memref<1x64x128xf32, #tpu.memory_space<vmem>>
      %dma_start3A_1426 = tpu.memref_squeeze %dma_start3A_1425 : memref<1x64x128xf32, #tpu.memory_space<vmem>> -> memref<64x128xf32, #tpu.memory_space<vmem>>
      tpu.enqueue_dma source(%dma_start3A_1426 : memref<64x128xf32, #tpu.memory_space<vmem>>) target(%dma_start3A_1422 : memref<64x128xf32, #tpu.memory_space<vmem_shared>>) target_semaphore(%run_scoped3A_1414 : memref<!tpu.dma_semaphore, #tpu.memory_space<semaphore_mem>>)
      %dma_wait3A_1427 = arith.constant 0 : i32
      %dma_wait3A_1428 = arith.constant 0 : i32
      %dma_wait3A_1429 = tpu.memref_slice %arg9[%run_scoped3A_185, %dma_wait3A_1427, %dma_wait3A_1428] : memref<4x64x128xf32, #tpu.memory_space<vmem>> -> memref<1x64x128xf32, #tpu.memory_space<vmem>>
      %dma_wait3A_1430 = tpu.memref_squeeze %dma_wait3A_1429 : memref<1x64x128xf32, #tpu.memory_space<vmem>> -> memref<64x128xf32, #tpu.memory_space<vmem>>
      %dma_wait3A_1431 = arith.constant 0 : i32
      %dma_wait3A_1432 = tpu.memref_slice %arg18[%add3A_184, %dma_wait3A_1431] : memref<10240x128xf32, #tpu.memory_space<vmem_shared>> -> memref<64x128xf32, #tpu.memory_space<vmem_shared>>
      %dma_wait3A_1433 = arith.constant 0 : i32
      %dma_wait3A_1434 = tpu.memref_slice %arg18[%add3A_184, %dma_wait3A_1433] : memref<10240x128xf32, #tpu.memory_space<vmem_shared>> -> memref<64x128xf32, #tpu.memory_space<vmem_shared>>
      %dma_wait3A_1435 = arith.constant 0 : i32
      %dma_wait3A_1436 = arith.constant 0 : i32
      %dma_wait3A_1437 = tpu.memref_slice %arg9[%run_scoped3A_185, %dma_wait3A_1435, %dma_wait3A_1436] : memref<4x64x128xf32, #tpu.memory_space<vmem>> -> memref<1x64x128xf32, #tpu.memory_space<vmem>>
      %dma_wait3A_1438 = tpu.memref_squeeze %dma_wait3A_1437 : memref<1x64x128xf32, #tpu.memory_space<vmem>> -> memref<64x128xf32, #tpu.memory_space<vmem>>
      tpu.wait_dma2 semaphore(%run_scoped3A_1414 : memref<!tpu.dma_semaphore, #tpu.memory_space<semaphore_mem>>) src(%dma_wait3A_1438 : memref<64x128xf32, #tpu.memory_space<vmem>>) dst(%dma_wait3A_1434 : memref<64x128xf32, #tpu.memory_space<vmem_shared>>)
      tpu.yield
    }) : () -> ()
    %mul3A_186 = arith.constant 640 : i32
    %mul3A_187 = arith.muli %arg1, %mul3A_186 : i32
    %add3A_188 = arith.constant 128 : i32
    %add3A_189 = arith.addi %mul3A_187, %add3A_188 : i32
    %run_scoped3A_190 = arith.constant 3 : i32
    "tpu.region"() ({
      %run_scoped3A_1414 = tpu.sem_alloc : memref<!tpu.dma_semaphore, #tpu.memory_space<semaphore_mem>>
      %dma_start3A_1415 = arith.constant 0 : i32
      %dma_start3A_1416 = arith.constant 0 : i32
      %dma_start3A_1417 = tpu.memref_slice %arg9[%run_scoped3A_190, %dma_start3A_1415, %dma_start3A_1416] : memref<4x64x128xf32, #tpu.memory_space<vmem>> -> memref<1x64x128xf32, #tpu.memory_space<vmem>>
      %dma_start3A_1418 = tpu.memref_squeeze %dma_start3A_1417 : memref<1x64x128xf32, #tpu.memory_space<vmem>> -> memref<64x128xf32, #tpu.memory_space<vmem>>
      %dma_start3A_1419 = arith.constant 0 : i32
      %dma_start3A_1420 = tpu.memref_slice %arg18[%add3A_189, %dma_start3A_1419] : memref<10240x128xf32, #tpu.memory_space<vmem_shared>> -> memref<64x128xf32, #tpu.memory_space<vmem_shared>>
      %dma_start3A_1421 = arith.constant 0 : i32
      %dma_start3A_1422 = tpu.memref_slice %arg18[%add3A_189, %dma_start3A_1421] : memref<10240x128xf32, #tpu.memory_space<vmem_shared>> -> memref<64x128xf32, #tpu.memory_space<vmem_shared>>
      %dma_start3A_1423 = arith.constant 0 : i32
      %dma_start3A_1424 = arith.constant 0 : i32
      %dma_start3A_1425 = tpu.memref_slice %arg9[%run_scoped3A_190, %dma_start3A_1423, %dma_start3A_1424] : memref<4x64x128xf32, #tpu.memory_space<vmem>> -> memref<1x64x128xf32, #tpu.memory_space<vmem>>
      %dma_start3A_1426 = tpu.memref_squeeze %dma_start3A_1425 : memref<1x64x128xf32, #tpu.memory_space<vmem>> -> memref<64x128xf32, #tpu.memory_space<vmem>>
      tpu.enqueue_dma source(%dma_start3A_1426 : memref<64x128xf32, #tpu.memory_space<vmem>>) target(%dma_start3A_1422 : memref<64x128xf32, #tpu.memory_space<vmem_shared>>) target_semaphore(%run_scoped3A_1414 : memref<!tpu.dma_semaphore, #tpu.memory_space<semaphore_mem>>)
      %dma_wait3A_1427 = arith.constant 0 : i32
      %dma_wait3A_1428 = arith.constant 0 : i32
      %dma_wait3A_1429 = tpu.memref_slice %arg9[%run_scoped3A_190, %dma_wait3A_1427, %dma_wait3A_1428] : memref<4x64x128xf32, #tpu.memory_space<vmem>> -> memref<1x64x128xf32, #tpu.memory_space<vmem>>
      %dma_wait3A_1430 = tpu.memref_squeeze %dma_wait3A_1429 : memref<1x64x128xf32, #tpu.memory_space<vmem>> -> memref<64x128xf32, #tpu.memory_space<vmem>>
      %dma_wait3A_1431 = arith.constant 0 : i32
      %dma_wait3A_1432 = tpu.memref_slice %arg18[%add3A_189, %dma_wait3A_1431] : memref<10240x128xf32, #tpu.memory_space<vmem_shared>> -> memref<64x128xf32, #tpu.memory_space<vmem_shared>>
      %dma_wait3A_1433 = arith.constant 0 : i32
      %dma_wait3A_1434 = tpu.memref_slice %arg18[%add3A_189, %dma_wait3A_1433] : memref<10240x128xf32, #tpu.memory_space<vmem_shared>> -> memref<64x128xf32, #tpu.memory_space<vmem_shared>>
      %dma_wait3A_1435 = arith.constant 0 : i32
      %dma_wait3A_1436 = arith.constant 0 : i32
      %dma_wait3A_1437 = tpu.memref_slice %arg9[%run_scoped3A_190, %dma_wait3A_1435, %dma_wait3A_1436] : memref<4x64x128xf32, #tpu.memory_space<vmem>> -> memref<1x64x128xf32, #tpu.memory_space<vmem>>
      %dma_wait3A_1438 = tpu.memref_squeeze %dma_wait3A_1437 : memref<1x64x128xf32, #tpu.memory_space<vmem>> -> memref<64x128xf32, #tpu.memory_space<vmem>>
      tpu.wait_dma2 semaphore(%run_scoped3A_1414 : memref<!tpu.dma_semaphore, #tpu.memory_space<semaphore_mem>>) src(%dma_wait3A_1438 : memref<64x128xf32, #tpu.memory_space<vmem>>) dst(%dma_wait3A_1434 : memref<64x128xf32, #tpu.memory_space<vmem_shared>>)
      tpu.yield
    }) : () -> ()
    %mul3A_191 = arith.constant 640 : i32
    %mul3A_192 = arith.muli %arg1, %mul3A_191 : i32
    %add3A_193 = arith.constant 192 : i32
    %add3A_194 = arith.addi %mul3A_192, %add3A_193 : i32
    %run_scoped3A_195 = arith.constant 3 : i32
    "tpu.region"() ({
      %run_scoped3A_1414 = tpu.sem_alloc : memref<!tpu.dma_semaphore, #tpu.memory_space<semaphore_mem>>
      %dma_start3A_1415 = arith.constant 0 : i32
      %dma_start3A_1416 = arith.constant 0 : i32
      %dma_start3A_1417 = tpu.memref_slice %arg9[%run_scoped3A_195, %dma_start3A_1415, %dma_start3A_1416] : memref<4x64x128xf32, #tpu.memory_space<vmem>> -> memref<1x64x128xf32, #tpu.memory_space<vmem>>
      %dma_start3A_1418 = tpu.memref_squeeze %dma_start3A_1417 : memref<1x64x128xf32, #tpu.memory_space<vmem>> -> memref<64x128xf32, #tpu.memory_space<vmem>>
      %dma_start3A_1419 = arith.constant 0 : i32
      %dma_start3A_1420 = tpu.memref_slice %arg18[%add3A_194, %dma_start3A_1419] : memref<10240x128xf32, #tpu.memory_space<vmem_shared>> -> memref<64x128xf32, #tpu.memory_space<vmem_shared>>
      %dma_start3A_1421 = arith.constant 0 : i32
      %dma_start3A_1422 = tpu.memref_slice %arg18[%add3A_194, %dma_start3A_1421] : memref<10240x128xf32, #tpu.memory_space<vmem_shared>> -> memref<64x128xf32, #tpu.memory_space<vmem_shared>>
      %dma_start3A_1423 = arith.constant 0 : i32
      %dma_start3A_1424 = arith.constant 0 : i32
      %dma_start3A_1425 = tpu.memref_slice %arg9[%run_scoped3A_195, %dma_start3A_1423, %dma_start3A_1424] : memref<4x64x128xf32, #tpu.memory_space<vmem>> -> memref<1x64x128xf32, #tpu.memory_space<vmem>>
      %dma_start3A_1426 = tpu.memref_squeeze %dma_start3A_1425 : memref<1x64x128xf32, #tpu.memory_space<vmem>> -> memref<64x128xf32, #tpu.memory_space<vmem>>
      tpu.enqueue_dma source(%dma_start3A_1426 : memref<64x128xf32, #tpu.memory_space<vmem>>) target(%dma_start3A_1422 : memref<64x128xf32, #tpu.memory_space<vmem_shared>>) target_semaphore(%run_scoped3A_1414 : memref<!tpu.dma_semaphore, #tpu.memory_space<semaphore_mem>>)
      %dma_wait3A_1427 = arith.constant 0 : i32
      %dma_wait3A_1428 = arith.constant 0 : i32
      %dma_wait3A_1429 = tpu.memref_slice %arg9[%run_scoped3A_195, %dma_wait3A_1427, %dma_wait3A_1428] : memref<4x64x128xf32, #tpu.memory_space<vmem>> -> memref<1x64x128xf32, #tpu.memory_space<vmem>>
      %dma_wait3A_1430 = tpu.memref_squeeze %dma_wait3A_1429 : memref<1x64x128xf32, #tpu.memory_space<vmem>> -> memref<64x128xf32, #tpu.memory_space<vmem>>
      %dma_wait3A_1431 = arith.constant 0 : i32
      %dma_wait3A_1432 = tpu.memref_slice %arg18[%add3A_194, %dma_wait3A_1431] : memref<10240x128xf32, #tpu.memory_space<vmem_shared>> -> memref<64x128xf32, #tpu.memory_space<vmem_shared>>
      %dma_wait3A_1433 = arith.constant 0 : i32
      %dma_wait3A_1434 = tpu.memref_slice %arg18[%add3A_194, %dma_wait3A_1433] : memref<10240x128xf32, #tpu.memory_space<vmem_shared>> -> memref<64x128xf32, #tpu.memory_space<vmem_shared>>
      %dma_wait3A_1435 = arith.constant 0 : i32
      %dma_wait3A_1436 = arith.constant 0 : i32
      %dma_wait3A_1437 = tpu.memref_slice %arg9[%run_scoped3A_195, %dma_wait3A_1435, %dma_wait3A_1436] : memref<4x64x128xf32, #tpu.memory_space<vmem>> -> memref<1x64x128xf32, #tpu.memory_space<vmem>>
      %dma_wait3A_1438 = tpu.memref_squeeze %dma_wait3A_1437 : memref<1x64x128xf32, #tpu.memory_space<vmem>> -> memref<64x128xf32, #tpu.memory_space<vmem>>
      tpu.wait_dma2 semaphore(%run_scoped3A_1414 : memref<!tpu.dma_semaphore, #tpu.memory_space<semaphore_mem>>) src(%dma_wait3A_1438 : memref<64x128xf32, #tpu.memory_space<vmem>>) dst(%dma_wait3A_1434 : memref<64x128xf32, #tpu.memory_space<vmem_shared>>)
      tpu.yield
    }) : () -> ()
    %mul3A_196 = arith.constant 640 : i32
    %mul3A_197 = arith.muli %arg1, %mul3A_196 : i32
    %add3A_198 = arith.constant 256 : i32
    %add3A_199 = arith.addi %mul3A_197, %add3A_198 : i32
    %run_scoped3A_200 = arith.constant 3 : i32
    "tpu.region"() ({
      %run_scoped3A_1414 = tpu.sem_alloc : memref<!tpu.dma_semaphore, #tpu.memory_space<semaphore_mem>>
      %dma_start3A_1415 = arith.constant 0 : i32
      %dma_start3A_1416 = arith.constant 0 : i32
      %dma_start3A_1417 = tpu.memref_slice %arg9[%run_scoped3A_200, %dma_start3A_1415, %dma_start3A_1416] : memref<4x64x128xf32, #tpu.memory_space<vmem>> -> memref<1x64x128xf32, #tpu.memory_space<vmem>>
      %dma_start3A_1418 = tpu.memref_squeeze %dma_start3A_1417 : memref<1x64x128xf32, #tpu.memory_space<vmem>> -> memref<64x128xf32, #tpu.memory_space<vmem>>
      %dma_start3A_1419 = arith.constant 0 : i32
      %dma_start3A_1420 = tpu.memref_slice %arg18[%add3A_199, %dma_start3A_1419] : memref<10240x128xf32, #tpu.memory_space<vmem_shared>> -> memref<64x128xf32, #tpu.memory_space<vmem_shared>>
      %dma_start3A_1421 = arith.constant 0 : i32
      %dma_start3A_1422 = tpu.memref_slice %arg18[%add3A_199, %dma_start3A_1421] : memref<10240x128xf32, #tpu.memory_space<vmem_shared>> -> memref<64x128xf32, #tpu.memory_space<vmem_shared>>
      %dma_start3A_1423 = arith.constant 0 : i32
      %dma_start3A_1424 = arith.constant 0 : i32
      %dma_start3A_1425 = tpu.memref_slice %arg9[%run_scoped3A_200, %dma_start3A_1423, %dma_start3A_1424] : memref<4x64x128xf32, #tpu.memory_space<vmem>> -> memref<1x64x128xf32, #tpu.memory_space<vmem>>
      %dma_start3A_1426 = tpu.memref_squeeze %dma_start3A_1425 : memref<1x64x128xf32, #tpu.memory_space<vmem>> -> memref<64x128xf32, #tpu.memory_space<vmem>>
      tpu.enqueue_dma source(%dma_start3A_1426 : memref<64x128xf32, #tpu.memory_space<vmem>>) target(%dma_start3A_1422 : memref<64x128xf32, #tpu.memory_space<vmem_shared>>) target_semaphore(%run_scoped3A_1414 : memref<!tpu.dma_semaphore, #tpu.memory_space<semaphore_mem>>)
      %dma_wait3A_1427 = arith.constant 0 : i32
      %dma_wait3A_1428 = arith.constant 0 : i32
      %dma_wait3A_1429 = tpu.memref_slice %arg9[%run_scoped3A_200, %dma_wait3A_1427, %dma_wait3A_1428] : memref<4x64x128xf32, #tpu.memory_space<vmem>> -> memref<1x64x128xf32, #tpu.memory_space<vmem>>
      %dma_wait3A_1430 = tpu.memref_squeeze %dma_wait3A_1429 : memref<1x64x128xf32, #tpu.memory_space<vmem>> -> memref<64x128xf32, #tpu.memory_space<vmem>>
      %dma_wait3A_1431 = arith.constant 0 : i32
      %dma_wait3A_1432 = tpu.memref_slice %arg18[%add3A_199, %dma_wait3A_1431] : memref<10240x128xf32, #tpu.memory_space<vmem_shared>> -> memref<64x128xf32, #tpu.memory_space<vmem_shared>>
      %dma_wait3A_1433 = arith.constant 0 : i32
      %dma_wait3A_1434 = tpu.memref_slice %arg18[%add3A_199, %dma_wait3A_1433] : memref<10240x128xf32, #tpu.memory_space<vmem_shared>> -> memref<64x128xf32, #tpu.memory_space<vmem_shared>>
      %dma_wait3A_1435 = arith.constant 0 : i32
      %dma_wait3A_1436 = arith.constant 0 : i32
      %dma_wait3A_1437 = tpu.memref_slice %arg9[%run_scoped3A_200, %dma_wait3A_1435, %dma_wait3A_1436] : memref<4x64x128xf32, #tpu.memory_space<vmem>> -> memref<1x64x128xf32, #tpu.memory_space<vmem>>
      %dma_wait3A_1438 = tpu.memref_squeeze %dma_wait3A_1437 : memref<1x64x128xf32, #tpu.memory_space<vmem>> -> memref<64x128xf32, #tpu.memory_space<vmem>>
      tpu.wait_dma2 semaphore(%run_scoped3A_1414 : memref<!tpu.dma_semaphore, #tpu.memory_space<semaphore_mem>>) src(%dma_wait3A_1438 : memref<64x128xf32, #tpu.memory_space<vmem>>) dst(%dma_wait3A_1434 : memref<64x128xf32, #tpu.memory_space<vmem_shared>>)
      tpu.yield
    }) : () -> ()
    %mul3A_201 = arith.constant 640 : i32
    %mul3A_202 = arith.muli %arg1, %mul3A_201 : i32
    %add3A_203 = arith.constant 320 : i32
    %add3A_204 = arith.addi %mul3A_202, %add3A_203 : i32
    %run_scoped3A_205 = arith.constant 3 : i32
    "tpu.region"() ({
      %run_scoped3A_1414 = tpu.sem_alloc : memref<!tpu.dma_semaphore, #tpu.memory_space<semaphore_mem>>
      %dma_start3A_1415 = arith.constant 0 : i32
      %dma_start3A_1416 = arith.constant 0 : i32
      %dma_start3A_1417 = tpu.memref_slice %arg9[%run_scoped3A_205, %dma_start3A_1415, %dma_start3A_1416] : memref<4x64x128xf32, #tpu.memory_space<vmem>> -> memref<1x64x128xf32, #tpu.memory_space<vmem>>
      %dma_start3A_1418 = tpu.memref_squeeze %dma_start3A_1417 : memref<1x64x128xf32, #tpu.memory_space<vmem>> -> memref<64x128xf32, #tpu.memory_space<vmem>>
      %dma_start3A_1419 = arith.constant 0 : i32
      %dma_start3A_1420 = tpu.memref_slice %arg18[%add3A_204, %dma_start3A_1419] : memref<10240x128xf32, #tpu.memory_space<vmem_shared>> -> memref<64x128xf32, #tpu.memory_space<vmem_shared>>
      %dma_start3A_1421 = arith.constant 0 : i32
      %dma_start3A_1422 = tpu.memref_slice %arg18[%add3A_204, %dma_start3A_1421] : memref<10240x128xf32, #tpu.memory_space<vmem_shared>> -> memref<64x128xf32, #tpu.memory_space<vmem_shared>>
      %dma_start3A_1423 = arith.constant 0 : i32
      %dma_start3A_1424 = arith.constant 0 : i32
      %dma_start3A_1425 = tpu.memref_slice %arg9[%run_scoped3A_205, %dma_start3A_1423, %dma_start3A_1424] : memref<4x64x128xf32, #tpu.memory_space<vmem>> -> memref<1x64x128xf32, #tpu.memory_space<vmem>>
      %dma_start3A_1426 = tpu.memref_squeeze %dma_start3A_1425 : memref<1x64x128xf32, #tpu.memory_space<vmem>> -> memref<64x128xf32, #tpu.memory_space<vmem>>
      tpu.enqueue_dma source(%dma_start3A_1426 : memref<64x128xf32, #tpu.memory_space<vmem>>) target(%dma_start3A_1422 : memref<64x128xf32, #tpu.memory_space<vmem_shared>>) target_semaphore(%run_scoped3A_1414 : memref<!tpu.dma_semaphore, #tpu.memory_space<semaphore_mem>>)
      %dma_wait3A_1427 = arith.constant 0 : i32
      %dma_wait3A_1428 = arith.constant 0 : i32
      %dma_wait3A_1429 = tpu.memref_slice %arg9[%run_scoped3A_205, %dma_wait3A_1427, %dma_wait3A_1428] : memref<4x64x128xf32, #tpu.memory_space<vmem>> -> memref<1x64x128xf32, #tpu.memory_space<vmem>>
      %dma_wait3A_1430 = tpu.memref_squeeze %dma_wait3A_1429 : memref<1x64x128xf32, #tpu.memory_space<vmem>> -> memref<64x128xf32, #tpu.memory_space<vmem>>
      %dma_wait3A_1431 = arith.constant 0 : i32
      %dma_wait3A_1432 = tpu.memref_slice %arg18[%add3A_204, %dma_wait3A_1431] : memref<10240x128xf32, #tpu.memory_space<vmem_shared>> -> memref<64x128xf32, #tpu.memory_space<vmem_shared>>
      %dma_wait3A_1433 = arith.constant 0 : i32
      %dma_wait3A_1434 = tpu.memref_slice %arg18[%add3A_204, %dma_wait3A_1433] : memref<10240x128xf32, #tpu.memory_space<vmem_shared>> -> memref<64x128xf32, #tpu.memory_space<vmem_shared>>
      %dma_wait3A_1435 = arith.constant 0 : i32
      %dma_wait3A_1436 = arith.constant 0 : i32
      %dma_wait3A_1437 = tpu.memref_slice %arg9[%run_scoped3A_205, %dma_wait3A_1435, %dma_wait3A_1436] : memref<4x64x128xf32, #tpu.memory_space<vmem>> -> memref<1x64x128xf32, #tpu.memory_space<vmem>>
      %dma_wait3A_1438 = tpu.memref_squeeze %dma_wait3A_1437 : memref<1x64x128xf32, #tpu.memory_space<vmem>> -> memref<64x128xf32, #tpu.memory_space<vmem>>
      tpu.wait_dma2 semaphore(%run_scoped3A_1414 : memref<!tpu.dma_semaphore, #tpu.memory_space<semaphore_mem>>) src(%dma_wait3A_1438 : memref<64x128xf32, #tpu.memory_space<vmem>>) dst(%dma_wait3A_1434 : memref<64x128xf32, #tpu.memory_space<vmem_shared>>)
      tpu.yield
    }) : () -> ()
    %mul3A_206 = arith.constant 640 : i32
    %mul3A_207 = arith.muli %arg1, %mul3A_206 : i32
    %add3A_208 = arith.constant 384 : i32
    %add3A_209 = arith.addi %mul3A_207, %add3A_208 : i32
    %run_scoped3A_210 = arith.constant 3 : i32
    "tpu.region"() ({
      %run_scoped3A_1414 = tpu.sem_alloc : memref<!tpu.dma_semaphore, #tpu.memory_space<semaphore_mem>>
      %dma_start3A_1415 = arith.constant 0 : i32
      %dma_start3A_1416 = arith.constant 0 : i32
      %dma_start3A_1417 = tpu.memref_slice %arg9[%run_scoped3A_210, %dma_start3A_1415, %dma_start3A_1416] : memref<4x64x128xf32, #tpu.memory_space<vmem>> -> memref<1x64x128xf32, #tpu.memory_space<vmem>>
      %dma_start3A_1418 = tpu.memref_squeeze %dma_start3A_1417 : memref<1x64x128xf32, #tpu.memory_space<vmem>> -> memref<64x128xf32, #tpu.memory_space<vmem>>
      %dma_start3A_1419 = arith.constant 0 : i32
      %dma_start3A_1420 = tpu.memref_slice %arg18[%add3A_209, %dma_start3A_1419] : memref<10240x128xf32, #tpu.memory_space<vmem_shared>> -> memref<64x128xf32, #tpu.memory_space<vmem_shared>>
      %dma_start3A_1421 = arith.constant 0 : i32
      %dma_start3A_1422 = tpu.memref_slice %arg18[%add3A_209, %dma_start3A_1421] : memref<10240x128xf32, #tpu.memory_space<vmem_shared>> -> memref<64x128xf32, #tpu.memory_space<vmem_shared>>
      %dma_start3A_1423 = arith.constant 0 : i32
      %dma_start3A_1424 = arith.constant 0 : i32
      %dma_start3A_1425 = tpu.memref_slice %arg9[%run_scoped3A_210, %dma_start3A_1423, %dma_start3A_1424] : memref<4x64x128xf32, #tpu.memory_space<vmem>> -> memref<1x64x128xf32, #tpu.memory_space<vmem>>
      %dma_start3A_1426 = tpu.memref_squeeze %dma_start3A_1425 : memref<1x64x128xf32, #tpu.memory_space<vmem>> -> memref<64x128xf32, #tpu.memory_space<vmem>>
      tpu.enqueue_dma source(%dma_start3A_1426 : memref<64x128xf32, #tpu.memory_space<vmem>>) target(%dma_start3A_1422 : memref<64x128xf32, #tpu.memory_space<vmem_shared>>) target_semaphore(%run_scoped3A_1414 : memref<!tpu.dma_semaphore, #tpu.memory_space<semaphore_mem>>)
      %dma_wait3A_1427 = arith.constant 0 : i32
      %dma_wait3A_1428 = arith.constant 0 : i32
      %dma_wait3A_1429 = tpu.memref_slice %arg9[%run_scoped3A_210, %dma_wait3A_1427, %dma_wait3A_1428] : memref<4x64x128xf32, #tpu.memory_space<vmem>> -> memref<1x64x128xf32, #tpu.memory_space<vmem>>
      %dma_wait3A_1430 = tpu.memref_squeeze %dma_wait3A_1429 : memref<1x64x128xf32, #tpu.memory_space<vmem>> -> memref<64x128xf32, #tpu.memory_space<vmem>>
      %dma_wait3A_1431 = arith.constant 0 : i32
      %dma_wait3A_1432 = tpu.memref_slice %arg18[%add3A_209, %dma_wait3A_1431] : memref<10240x128xf32, #tpu.memory_space<vmem_shared>> -> memref<64x128xf32, #tpu.memory_space<vmem_shared>>
      %dma_wait3A_1433 = arith.constant 0 : i32
      %dma_wait3A_1434 = tpu.memref_slice %arg18[%add3A_209, %dma_wait3A_1433] : memref<10240x128xf32, #tpu.memory_space<vmem_shared>> -> memref<64x128xf32, #tpu.memory_space<vmem_shared>>
      %dma_wait3A_1435 = arith.constant 0 : i32
      %dma_wait3A_1436 = arith.constant 0 : i32
      %dma_wait3A_1437 = tpu.memref_slice %arg9[%run_scoped3A_210, %dma_wait3A_1435, %dma_wait3A_1436] : memref<4x64x128xf32, #tpu.memory_space<vmem>> -> memref<1x64x128xf32, #tpu.memory_space<vmem>>
      %dma_wait3A_1438 = tpu.memref_squeeze %dma_wait3A_1437 : memref<1x64x128xf32, #tpu.memory_space<vmem>> -> memref<64x128xf32, #tpu.memory_space<vmem>>
      tpu.wait_dma2 semaphore(%run_scoped3A_1414 : memref<!tpu.dma_semaphore, #tpu.memory_space<semaphore_mem>>) src(%dma_wait3A_1438 : memref<64x128xf32, #tpu.memory_space<vmem>>) dst(%dma_wait3A_1434 : memref<64x128xf32, #tpu.memory_space<vmem_shared>>)
      tpu.yield
    }) : () -> ()
    %mul3A_211 = arith.constant 640 : i32
    %mul3A_212 = arith.muli %arg1, %mul3A_211 : i32
    %add3A_213 = arith.constant 448 : i32
    %add3A_214 = arith.addi %mul3A_212, %add3A_213 : i32
    %run_scoped3A_215 = arith.constant 3 : i32
    "tpu.region"() ({
      %run_scoped3A_1414 = tpu.sem_alloc : memref<!tpu.dma_semaphore, #tpu.memory_space<semaphore_mem>>
      %dma_start3A_1415 = arith.constant 0 : i32
      %dma_start3A_1416 = arith.constant 0 : i32
      %dma_start3A_1417 = tpu.memref_slice %arg9[%run_scoped3A_215, %dma_start3A_1415, %dma_start3A_1416] : memref<4x64x128xf32, #tpu.memory_space<vmem>> -> memref<1x64x128xf32, #tpu.memory_space<vmem>>
      %dma_start3A_1418 = tpu.memref_squeeze %dma_start3A_1417 : memref<1x64x128xf32, #tpu.memory_space<vmem>> -> memref<64x128xf32, #tpu.memory_space<vmem>>
      %dma_start3A_1419 = arith.constant 0 : i32
      %dma_start3A_1420 = tpu.memref_slice %arg18[%add3A_214, %dma_start3A_1419] : memref<10240x128xf32, #tpu.memory_space<vmem_shared>> -> memref<64x128xf32, #tpu.memory_space<vmem_shared>>
      %dma_start3A_1421 = arith.constant 0 : i32
      %dma_start3A_1422 = tpu.memref_slice %arg18[%add3A_214, %dma_start3A_1421] : memref<10240x128xf32, #tpu.memory_space<vmem_shared>> -> memref<64x128xf32, #tpu.memory_space<vmem_shared>>
      %dma_start3A_1423 = arith.constant 0 : i32
      %dma_start3A_1424 = arith.constant 0 : i32
      %dma_start3A_1425 = tpu.memref_slice %arg9[%run_scoped3A_215, %dma_start3A_1423, %dma_start3A_1424] : memref<4x64x128xf32, #tpu.memory_space<vmem>> -> memref<1x64x128xf32, #tpu.memory_space<vmem>>
      %dma_start3A_1426 = tpu.memref_squeeze %dma_start3A_1425 : memref<1x64x128xf32, #tpu.memory_space<vmem>> -> memref<64x128xf32, #tpu.memory_space<vmem>>
      tpu.enqueue_dma source(%dma_start3A_1426 : memref<64x128xf32, #tpu.memory_space<vmem>>) target(%dma_start3A_1422 : memref<64x128xf32, #tpu.memory_space<vmem_shared>>) target_semaphore(%run_scoped3A_1414 : memref<!tpu.dma_semaphore, #tpu.memory_space<semaphore_mem>>)
      %dma_wait3A_1427 = arith.constant 0 : i32
      %dma_wait3A_1428 = arith.constant 0 : i32
      %dma_wait3A_1429 = tpu.memref_slice %arg9[%run_scoped3A_215, %dma_wait3A_1427, %dma_wait3A_1428] : memref<4x64x128xf32, #tpu.memory_space<vmem>> -> memref<1x64x128xf32, #tpu.memory_space<vmem>>
      %dma_wait3A_1430 = tpu.memref_squeeze %dma_wait3A_1429 : memref<1x64x128xf32, #tpu.memory_space<vmem>> -> memref<64x128xf32, #tpu.memory_space<vmem>>
      %dma_wait3A_1431 = arith.constant 0 : i32
      %dma_wait3A_1432 = tpu.memref_slice %arg18[%add3A_214, %dma_wait3A_1431] : memref<10240x128xf32, #tpu.memory_space<vmem_shared>> -> memref<64x128xf32, #tpu.memory_space<vmem_shared>>
      %dma_wait3A_1433 = arith.constant 0 : i32
      %dma_wait3A_1434 = tpu.memref_slice %arg18[%add3A_214, %dma_wait3A_1433] : memref<10240x128xf32, #tpu.memory_space<vmem_shared>> -> memref<64x128xf32, #tpu.memory_space<vmem_shared>>
      %dma_wait3A_1435 = arith.constant 0 : i32
      %dma_wait3A_1436 = arith.constant 0 : i32
      %dma_wait3A_1437 = tpu.memref_slice %arg9[%run_scoped3A_215, %dma_wait3A_1435, %dma_wait3A_1436] : memref<4x64x128xf32, #tpu.memory_space<vmem>> -> memref<1x64x128xf32, #tpu.memory_space<vmem>>
      %dma_wait3A_1438 = tpu.memref_squeeze %dma_wait3A_1437 : memref<1x64x128xf32, #tpu.memory_space<vmem>> -> memref<64x128xf32, #tpu.memory_space<vmem>>
      tpu.wait_dma2 semaphore(%run_scoped3A_1414 : memref<!tpu.dma_semaphore, #tpu.memory_space<semaphore_mem>>) src(%dma_wait3A_1438 : memref<64x128xf32, #tpu.memory_space<vmem>>) dst(%dma_wait3A_1434 : memref<64x128xf32, #tpu.memory_space<vmem_shared>>)
      tpu.yield
    }) : () -> ()
    %mul3A_216 = arith.constant 640 : i32
    %mul3A_217 = arith.muli %arg1, %mul3A_216 : i32
    %add3A_218 = arith.constant 512 : i32
    %add3A_219 = arith.addi %mul3A_217, %add3A_218 : i32
    %run_scoped3A_220 = arith.constant 3 : i32
    "tpu.region"() ({
      %run_scoped3A_1414 = tpu.sem_alloc : memref<!tpu.dma_semaphore, #tpu.memory_space<semaphore_mem>>
      %dma_start3A_1415 = arith.constant 0 : i32
      %dma_start3A_1416 = arith.constant 0 : i32
      %dma_start3A_1417 = tpu.memref_slice %arg9[%run_scoped3A_220, %dma_start3A_1415, %dma_start3A_1416] : memref<4x64x128xf32, #tpu.memory_space<vmem>> -> memref<1x64x128xf32, #tpu.memory_space<vmem>>
      %dma_start3A_1418 = tpu.memref_squeeze %dma_start3A_1417 : memref<1x64x128xf32, #tpu.memory_space<vmem>> -> memref<64x128xf32, #tpu.memory_space<vmem>>
      %dma_start3A_1419 = arith.constant 0 : i32
      %dma_start3A_1420 = tpu.memref_slice %arg18[%add3A_219, %dma_start3A_1419] : memref<10240x128xf32, #tpu.memory_space<vmem_shared>> -> memref<64x128xf32, #tpu.memory_space<vmem_shared>>
      %dma_start3A_1421 = arith.constant 0 : i32
      %dma_start3A_1422 = tpu.memref_slice %arg18[%add3A_219, %dma_start3A_1421] : memref<10240x128xf32, #tpu.memory_space<vmem_shared>> -> memref<64x128xf32, #tpu.memory_space<vmem_shared>>
      %dma_start3A_1423 = arith.constant 0 : i32
      %dma_start3A_1424 = arith.constant 0 : i32
      %dma_start3A_1425 = tpu.memref_slice %arg9[%run_scoped3A_220, %dma_start3A_1423, %dma_start3A_1424] : memref<4x64x128xf32, #tpu.memory_space<vmem>> -> memref<1x64x128xf32, #tpu.memory_space<vmem>>
      %dma_start3A_1426 = tpu.memref_squeeze %dma_start3A_1425 : memref<1x64x128xf32, #tpu.memory_space<vmem>> -> memref<64x128xf32, #tpu.memory_space<vmem>>
      tpu.enqueue_dma source(%dma_start3A_1426 : memref<64x128xf32, #tpu.memory_space<vmem>>) target(%dma_start3A_1422 : memref<64x128xf32, #tpu.memory_space<vmem_shared>>) target_semaphore(%run_scoped3A_1414 : memref<!tpu.dma_semaphore, #tpu.memory_space<semaphore_mem>>)
      %dma_wait3A_1427 = arith.constant 0 : i32
      %dma_wait3A_1428 = arith.constant 0 : i32
      %dma_wait3A_1429 = tpu.memref_slice %arg9[%run_scoped3A_220, %dma_wait3A_1427, %dma_wait3A_1428] : memref<4x64x128xf32, #tpu.memory_space<vmem>> -> memref<1x64x128xf32, #tpu.memory_space<vmem>>
      %dma_wait3A_1430 = tpu.memref_squeeze %dma_wait3A_1429 : memref<1x64x128xf32, #tpu.memory_space<vmem>> -> memref<64x128xf32, #tpu.memory_space<vmem>>
      %dma_wait3A_1431 = arith.constant 0 : i32
      %dma_wait3A_1432 = tpu.memref_slice %arg18[%add3A_219, %dma_wait3A_1431] : memref<10240x128xf32, #tpu.memory_space<vmem_shared>> -> memref<64x128xf32, #tpu.memory_space<vmem_shared>>
      %dma_wait3A_1433 = arith.constant 0 : i32
      %dma_wait3A_1434 = tpu.memref_slice %arg18[%add3A_219, %dma_wait3A_1433] : memref<10240x128xf32, #tpu.memory_space<vmem_shared>> -> memref<64x128xf32, #tpu.memory_space<vmem_shared>>
      %dma_wait3A_1435 = arith.constant 0 : i32
      %dma_wait3A_1436 = arith.constant 0 : i32
      %dma_wait3A_1437 = tpu.memref_slice %arg9[%run_scoped3A_220, %dma_wait3A_1435, %dma_wait3A_1436] : memref<4x64x128xf32, #tpu.memory_space<vmem>> -> memref<1x64x128xf32, #tpu.memory_space<vmem>>
      %dma_wait3A_1438 = tpu.memref_squeeze %dma_wait3A_1437 : memref<1x64x128xf32, #tpu.memory_space<vmem>> -> memref<64x128xf32, #tpu.memory_space<vmem>>
      tpu.wait_dma2 semaphore(%run_scoped3A_1414 : memref<!tpu.dma_semaphore, #tpu.memory_space<semaphore_mem>>) src(%dma_wait3A_1438 : memref<64x128xf32, #tpu.memory_space<vmem>>) dst(%dma_wait3A_1434 : memref<64x128xf32, #tpu.memory_space<vmem_shared>>)
      tpu.yield
    }) : () -> ()
    %mul3A_221 = arith.constant 640 : i32
    %mul3A_222 = arith.muli %arg1, %mul3A_221 : i32
    %add3A_223 = arith.constant 576 : i32
    %add3A_224 = arith.addi %mul3A_222, %add3A_223 : i32
    %run_scoped3A_225 = arith.constant 3 : i32
    "tpu.region"() ({
      %run_scoped3A_1414 = tpu.sem_alloc : memref<!tpu.dma_semaphore, #tpu.memory_space<semaphore_mem>>
      %dma_start3A_1415 = arith.constant 0 : i32
      %dma_start3A_1416 = arith.constant 0 : i32
      %dma_start3A_1417 = tpu.memref_slice %arg9[%run_scoped3A_225, %dma_start3A_1415, %dma_start3A_1416] : memref<4x64x128xf32, #tpu.memory_space<vmem>> -> memref<1x64x128xf32, #tpu.memory_space<vmem>>
      %dma_start3A_1418 = tpu.memref_squeeze %dma_start3A_1417 : memref<1x64x128xf32, #tpu.memory_space<vmem>> -> memref<64x128xf32, #tpu.memory_space<vmem>>
      %dma_start3A_1419 = arith.constant 0 : i32
      %dma_start3A_1420 = tpu.memref_slice %arg18[%add3A_224, %dma_start3A_1419] : memref<10240x128xf32, #tpu.memory_space<vmem_shared>> -> memref<64x128xf32, #tpu.memory_space<vmem_shared>>
      %dma_start3A_1421 = arith.constant 0 : i32
      %dma_start3A_1422 = tpu.memref_slice %arg18[%add3A_224, %dma_start3A_1421] : memref<10240x128xf32, #tpu.memory_space<vmem_shared>> -> memref<64x128xf32, #tpu.memory_space<vmem_shared>>
      %dma_start3A_1423 = arith.constant 0 : i32
      %dma_start3A_1424 = arith.constant 0 : i32
      %dma_start3A_1425 = tpu.memref_slice %arg9[%run_scoped3A_225, %dma_start3A_1423, %dma_start3A_1424] : memref<4x64x128xf32, #tpu.memory_space<vmem>> -> memref<1x64x128xf32, #tpu.memory_space<vmem>>
      %dma_start3A_1426 = tpu.memref_squeeze %dma_start3A_1425 : memref<1x64x128xf32, #tpu.memory_space<vmem>> -> memref<64x128xf32, #tpu.memory_space<vmem>>
      tpu.enqueue_dma source(%dma_start3A_1426 : memref<64x128xf32, #tpu.memory_space<vmem>>) target(%dma_start3A_1422 : memref<64x128xf32, #tpu.memory_space<vmem_shared>>) target_semaphore(%run_scoped3A_1414 : memref<!tpu.dma_semaphore, #tpu.memory_space<semaphore_mem>>)
      %dma_wait3A_1427 = arith.constant 0 : i32
      %dma_wait3A_1428 = arith.constant 0 : i32
      %dma_wait3A_1429 = tpu.memref_slice %arg9[%run_scoped3A_225, %dma_wait3A_1427, %dma_wait3A_1428] : memref<4x64x128xf32, #tpu.memory_space<vmem>> -> memref<1x64x128xf32, #tpu.memory_space<vmem>>
      %dma_wait3A_1430 = tpu.memref_squeeze %dma_wait3A_1429 : memref<1x64x128xf32, #tpu.memory_space<vmem>> -> memref<64x128xf32, #tpu.memory_space<vmem>>
      %dma_wait3A_1431 = arith.constant 0 : i32
      %dma_wait3A_1432 = tpu.memref_slice %arg18[%add3A_224, %dma_wait3A_1431] : memref<10240x128xf32, #tpu.memory_space<vmem_shared>> -> memref<64x128xf32, #tpu.memory_space<vmem_shared>>
      %dma_wait3A_1433 = arith.constant 0 : i32
      %dma_wait3A_1434 = tpu.memref_slice %arg18[%add3A_224, %dma_wait3A_1433] : memref<10240x128xf32, #tpu.memory_space<vmem_shared>> -> memref<64x128xf32, #tpu.memory_space<vmem_shared>>
      %dma_wait3A_1435 = arith.constant 0 : i32
      %dma_wait3A_1436 = arith.constant 0 : i32
      %dma_wait3A_1437 = tpu.memref_slice %arg9[%run_scoped3A_225, %dma_wait3A_1435, %dma_wait3A_1436] : memref<4x64x128xf32, #tpu.memory_space<vmem>> -> memref<1x64x128xf32, #tpu.memory_space<vmem>>
      %dma_wait3A_1438 = tpu.memref_squeeze %dma_wait3A_1437 : memref<1x64x128xf32, #tpu.memory_space<vmem>> -> memref<64x128xf32, #tpu.memory_space<vmem>>
      tpu.wait_dma2 semaphore(%run_scoped3A_1414 : memref<!tpu.dma_semaphore, #tpu.memory_space<semaphore_mem>>) src(%dma_wait3A_1438 : memref<64x128xf32, #tpu.memory_space<vmem>>) dst(%dma_wait3A_1434 : memref<64x128xf32, #tpu.memory_space<vmem_shared>>)
      tpu.yield
    }) : () -> ()
    %barrier3A = arith.constant 0 : index
    tpu.barrier barrier_id(%barrier3A)
    %add3A_226 = arith.constant 3 : i32
    %add3A_227 = arith.addi %mul3A_2, %add3A_226 : i32
    %dma_wait3A_228 = arith.constant 0 : i32
    %dma_wait3A_229 = arith.constant 0 : i32
    %dma_wait3A_230 = arith.constant 0 : i32
    %dma_wait3A_231 = tpu.memref_slice %arg9[%dma_wait3A_228, %dma_wait3A_229, %dma_wait3A_230] : memref<4x64x128xf32, #tpu.memory_space<vmem>> -> memref<1x64x128xf32, #tpu.memory_space<vmem>>
    %dma_wait3A_232 = tpu.memref_squeeze %dma_wait3A_231 : memref<1x64x128xf32, #tpu.memory_space<vmem>> -> memref<64x128xf32, #tpu.memory_space<vmem>>
    %dma_wait3A_233 = arith.constant 0 : i32
    %dma_wait3A_234 = arith.constant 0 : i32
    %dma_wait3A_235 = tpu.memref_slice %arg3[%dma_wait3A_233, %dma_wait3A_234] : memref<10000x128xf32, #tpu.memory_space<hbm>> -> memref<10000x128xf32, #tpu.memory_space<hbm>>
    tpu.wait_indirect_dma semaphore(%arg23 : memref<!tpu.dma_semaphore, #tpu.memory_space<semaphore_mem>>) src(%dma_wait3A_235 : memref<10000x128xf32, #tpu.memory_space<hbm>>) dst(%dma_wait3A_232 : memref<64x128xf32, #tpu.memory_space<vmem>>)
    %get3A_236 = arith.constant 1 : i32
    %get3A_237 = arith.index_cast %get3A_236 : i32 to index
    %get3A_238 = arith.constant 0 : index
    %get3A_239 = tpu.vector_load %arg5[%get3A_237, %get3A_238] {strides = array<i32>} : memref<2x128xi32, #tpu.memory_space<vmem>>, vector<1x16xi32>,
    %get3A_240 = vector.shape_cast %get3A_239 : vector<1x16xi32> to vector<16xi32>
    %swap3A_241 = arith.constant 0 : index
    %swap3A_242 = tpu.vector_load %arg14[%swap3A_241] {strides = array<i32>} : memref<64xi32, #tpu.memory_space<vmem>>, vector<16xi32>,
    %swap3A_243 = vector.shape_cast %swap3A_242 : vector<16xi32> to vector<16xi32>
    %swap3A_244 = vector.shape_cast %get3A_240 : vector<16xi32> to vector<16xi32>
    tpu.vector_store %arg14[%swap3A_241], %swap3A_244 {strides = array<i32>} : memref<64xi32, #tpu.memory_space<vmem>>, vector<16xi32>,
    %get3A_245 = arith.constant 1 : i32
    %get3A_246 = arith.index_cast %get3A_245 : i32 to index
    %get3A_247 = arith.constant 16 : index
    %get3A_248 = tpu.vector_load %arg5[%get3A_246, %get3A_247] {strides = array<i32>} : memref<2x128xi32, #tpu.memory_space<vmem>>, vector<1x16xi32>,
    %get3A_249 = vector.shape_cast %get3A_248 : vector<1x16xi32> to vector<16xi32>
    %swap3A_250 = arith.constant 16 : index
    %swap3A_251 = tpu.vector_load %arg14[%swap3A_250] {strides = array<i32>} : memref<64xi32, #tpu.memory_space<vmem>>, vector<16xi32>,
    %swap3A_252 = vector.shape_cast %swap3A_251 : vector<16xi32> to vector<16xi32>
    %swap3A_253 = vector.shape_cast %get3A_249 : vector<16xi32> to vector<16xi32>
    tpu.vector_store %arg14[%swap3A_250], %swap3A_253 {strides = array<i32>} : memref<64xi32, #tpu.memory_space<vmem>>, vector<16xi32>,
    %get3A_254 = arith.constant 1 : i32
    %get3A_255 = arith.index_cast %get3A_254 : i32 to index
    %get3A_256 = arith.constant 32 : index
    %get3A_257 = tpu.vector_load %arg5[%get3A_255, %get3A_256] {strides = array<i32>} : memref<2x128xi32, #tpu.memory_space<vmem>>, vector<1x16xi32>,
    %get3A_258 = vector.shape_cast %get3A_257 : vector<1x16xi32> to vector<16xi32>
    %swap3A_259 = arith.constant 32 : index
    %swap3A_260 = tpu.vector_load %arg14[%swap3A_259] {strides = array<i32>} : memref<64xi32, #tpu.memory_space<vmem>>, vector<16xi32>,
    %swap3A_261 = vector.shape_cast %swap3A_260 : vector<16xi32> to vector<16xi32>
    %swap3A_262 = vector.shape_cast %get3A_258 : vector<16xi32> to vector<16xi32>
    tpu.vector_store %arg14[%swap3A_259], %swap3A_262 {strides = array<i32>} : memref<64xi32, #tpu.memory_space<vmem>>, vector<16xi32>,
    %get3A_263 = arith.constant 1 : i32
    %get3A_264 = arith.index_cast %get3A_263 : i32 to index
    %get3A_265 = arith.constant 48 : index
    %get3A_266 = tpu.vector_load %arg5[%get3A_264, %get3A_265] {strides = array<i32>} : memref<2x128xi32, #tpu.memory_space<vmem>>, vector<1x16xi32>,
    %get3A_267 = vector.shape_cast %get3A_266 : vector<1x16xi32> to vector<16xi32>
    %swap3A_268 = arith.constant 48 : index
    %swap3A_269 = tpu.vector_load %arg14[%swap3A_268] {strides = array<i32>} : memref<64xi32, #tpu.memory_space<vmem>>, vector<16xi32>,
    %swap3A_270 = vector.shape_cast %swap3A_269 : vector<16xi32> to vector<16xi32>
    %swap3A_271 = vector.shape_cast %get3A_267 : vector<16xi32> to vector<16xi32>
    tpu.vector_store %arg14[%swap3A_268], %swap3A_271 {strides = array<i32>} : memref<64xi32, #tpu.memory_space<vmem>>, vector<16xi32>,
    %run_scoped3A_272 = arith.constant 0 : i32
    "tpu.region"() ({
      %run_scoped3A_1414 = tpu.sem_alloc : memref<!tpu.dma_semaphore, #tpu.memory_space<semaphore_mem>>
      %dma_start3A_1415 = arith.constant 0 : i32
      %dma_start3A_1416 = arith.constant 0 : i32
      %dma_start3A_1417 = tpu.memref_slice %arg9[%run_scoped3A_272, %dma_start3A_1415, %dma_start3A_1416] : memref<4x64x128xf32, #tpu.memory_space<vmem>> -> memref<1x64x128xf32, #tpu.memory_space<vmem>>
      %dma_start3A_1418 = tpu.memref_squeeze %dma_start3A_1417 : memref<1x64x128xf32, #tpu.memory_space<vmem>> -> memref<64x128xf32, #tpu.memory_space<vmem>>
      %dma_start3A_1419 = arith.constant 0 : i32
      %dma_start3A_1420 = arith.constant 0 : i32
      %dma_start3A_1421 = tpu.memref_slice %arg18[%dma_start3A_1419, %dma_start3A_1420] : memref<10240x128xf32, #tpu.memory_space<vmem_shared>> -> memref<10240x128xf32, #tpu.memory_space<vmem_shared>>
      tpu.enqueue_indirect_dma source(%dma_start3A_1418 : memref<64x128xf32, #tpu.memory_space<vmem>>) target(%dma_start3A_1421 : memref<10240x128xf32, #tpu.memory_space<vmem_shared>>) offsets(%arg14 : memref<64xi32, #tpu.memory_space<vmem>>) semaphore(%run_scoped3A_1414 : memref<!tpu.dma_semaphore, #tpu.memory_space<semaphore_mem>>) {add = true}
      %dma_wait3A_1422 = arith.constant 0 : i32
      %dma_wait3A_1423 = arith.constant 0 : i32
      %dma_wait3A_1424 = tpu.memref_slice %arg9[%run_scoped3A_272, %dma_wait3A_1422, %dma_wait3A_1423] : memref<4x64x128xf32, #tpu.memory_space<vmem>> -> memref<1x64x128xf32, #tpu.memory_space<vmem>>
      %dma_wait3A_1425 = tpu.memref_squeeze %dma_wait3A_1424 : memref<1x64x128xf32, #tpu.memory_space<vmem>> -> memref<64x128xf32, #tpu.memory_space<vmem>>
      %dma_wait3A_1426 = arith.constant 0 : i32
      %dma_wait3A_1427 = arith.constant 0 : i32
      %dma_wait3A_1428 = tpu.memref_slice %arg18[%dma_wait3A_1426, %dma_wait3A_1427] : memref<10240x128xf32, #tpu.memory_space<vmem_shared>> -> memref<10240x128xf32, #tpu.memory_space<vmem_shared>>
      tpu.wait_indirect_dma semaphore(%run_scoped3A_1414 : memref<!tpu.dma_semaphore, #tpu.memory_space<semaphore_mem>>) src(%dma_wait3A_1425 : memref<64x128xf32, #tpu.memory_space<vmem>>) dst(%dma_wait3A_1428 : memref<10240x128xf32, #tpu.memory_space<vmem_shared>>)
      tpu.yield
    }) : () -> ()
    %get3A_273 = arith.constant 0 : i32
    %get3A_274 = arith.index_cast %get3A_273 : i32 to index
    %get3A_275 = arith.constant 64 : index
    %get3A_276 = tpu.vector_load %arg6[%get3A_274, %get3A_275] {strides = array<i32>} : memref<2x128xi32, #tpu.memory_space<vmem>>, vector<1x16xi32>,
    %get3A_277 = vector.shape_cast %get3A_276 : vector<1x16xi32> to vector<16xi32>
    %swap3A_278 = arith.constant 0 : index
    %swap3A_279 = tpu.vector_load %arg13[%swap3A_278] {strides = array<i32>} : memref<64xi32, #tpu.memory_space<vmem>>, vector<16xi32>,
    %swap3A_280 = vector.shape_cast %swap3A_279 : vector<16xi32> to vector<16xi32>
    %swap3A_281 = vector.shape_cast %get3A_277 : vector<16xi32> to vector<16xi32>
    tpu.vector_store %arg13[%swap3A_278], %swap3A_281 {strides = array<i32>} : memref<64xi32, #tpu.memory_space<vmem>>, vector<16xi32>,
    %get3A_282 = arith.constant 0 : i32
    %get3A_283 = arith.index_cast %get3A_282 : i32 to index
    %get3A_284 = arith.constant 80 : index
    %get3A_285 = tpu.vector_load %arg6[%get3A_283, %get3A_284] {strides = array<i32>} : memref<2x128xi32, #tpu.memory_space<vmem>>, vector<1x16xi32>,
    %get3A_286 = vector.shape_cast %get3A_285 : vector<1x16xi32> to vector<16xi32>
    %swap3A_287 = arith.constant 16 : index
    %swap3A_288 = tpu.vector_load %arg13[%swap3A_287] {strides = array<i32>} : memref<64xi32, #tpu.memory_space<vmem>>, vector<16xi32>,
    %swap3A_289 = vector.shape_cast %swap3A_288 : vector<16xi32> to vector<16xi32>
    %swap3A_290 = vector.shape_cast %get3A_286 : vector<16xi32> to vector<16xi32>
    tpu.vector_store %arg13[%swap3A_287], %swap3A_290 {strides = array<i32>} : memref<64xi32, #tpu.memory_space<vmem>>, vector<16xi32>,
    %get3A_291 = arith.constant 0 : i32
    %get3A_292 = arith.index_cast %get3A_291 : i32 to index
    %get3A_293 = arith.constant 96 : index
    %get3A_294 = tpu.vector_load %arg6[%get3A_292, %get3A_293] {strides = array<i32>} : memref<2x128xi32, #tpu.memory_space<vmem>>, vector<1x16xi32>,
    %get3A_295 = vector.shape_cast %get3A_294 : vector<1x16xi32> to vector<16xi32>
    %swap3A_296 = arith.constant 32 : index
    %swap3A_297 = tpu.vector_load %arg13[%swap3A_296] {strides = array<i32>} : memref<64xi32, #tpu.memory_space<vmem>>, vector<16xi32>,
    %swap3A_298 = vector.shape_cast %swap3A_297 : vector<16xi32> to vector<16xi32>
    %swap3A_299 = vector.shape_cast %get3A_295 : vector<16xi32> to vector<16xi32>
    tpu.vector_store %arg13[%swap3A_296], %swap3A_299 {strides = array<i32>} : memref<64xi32, #tpu.memory_space<vmem>>, vector<16xi32>,
    %get3A_300 = arith.constant 0 : i32
    %get3A_301 = arith.index_cast %get3A_300 : i32 to index
    %get3A_302 = arith.constant 112 : index
    %get3A_303 = tpu.vector_load %arg6[%get3A_301, %get3A_302] {strides = array<i32>} : memref<2x128xi32, #tpu.memory_space<vmem>>, vector<1x16xi32>,
    %get3A_304 = vector.shape_cast %get3A_303 : vector<1x16xi32> to vector<16xi32>
    %swap3A_305 = arith.constant 48 : index
    %swap3A_306 = tpu.vector_load %arg13[%swap3A_305] {strides = array<i32>} : memref<64xi32, #tpu.memory_space<vmem>>, vector<16xi32>,
    %swap3A_307 = vector.shape_cast %swap3A_306 : vector<16xi32> to vector<16xi32>
    %swap3A_308 = vector.shape_cast %get3A_304 : vector<16xi32> to vector<16xi32>
    tpu.vector_store %arg13[%swap3A_305], %swap3A_308 {strides = array<i32>} : memref<64xi32, #tpu.memory_space<vmem>>, vector<16xi32>,
    %dma_start3A_309 = arith.constant 3 : i32
    %dma_start3A_310 = arith.constant 0 : i32
    %dma_start3A_311 = arith.constant 0 : i32
    %dma_start3A_312 = tpu.memref_slice %arg9[%dma_start3A_309, %dma_start3A_310, %dma_start3A_311] : memref<4x64x128xf32, #tpu.memory_space<vmem>> -> memref<1x64x128xf32, #tpu.memory_space<vmem>>
    %dma_start3A_313 = tpu.memref_squeeze %dma_start3A_312 : memref<1x64x128xf32, #tpu.memory_space<vmem>> -> memref<64x128xf32, #tpu.memory_space<vmem>>
    %dma_start3A_314 = arith.constant 0 : i32
    %dma_start3A_315 = arith.constant 0 : i32
    %dma_start3A_316 = tpu.memref_slice %arg3[%dma_start3A_314, %dma_start3A_315] : memref<10000x128xf32, #tpu.memory_space<hbm>> -> memref<10000x128xf32, #tpu.memory_space<hbm>>
    tpu.enqueue_indirect_dma source(%dma_start3A_316 : memref<10000x128xf32, #tpu.memory_space<hbm>>) target(%dma_start3A_313 : memref<64x128xf32, #tpu.memory_space<vmem>>) offsets(%arg13 : memref<64xi32, #tpu.memory_space<vmem>>) semaphore(%arg26 : memref<!tpu.dma_semaphore, #tpu.memory_space<semaphore_mem>>)
    %mul3A_317 = arith.constant 128 : i32
    %mul3A_318 = arith.muli %add3A_227, %mul3A_317 : i32
    %multiple_of3A_319 = tpu.assume_multiple %mul3A_318, 128 : i32
    %dma_start3A_320 = arith.constant 0 : i32
    %dma_start3A_321 = tpu.memref_slice %arg2[%dma_start3A_320, %multiple_of3A_319] : memref<2x320000xi32, #tpu.memory_space<hbm>> -> memref<2x128xi32, #tpu.memory_space<hbm>>
    %dma_start3A_322 = arith.constant 0 : i32
    %dma_start3A_323 = tpu.memref_slice %arg2[%dma_start3A_322, %multiple_of3A_319] : memref<2x320000xi32, #tpu.memory_space<hbm>> -> memref<2x128xi32, #tpu.memory_space<hbm>>
    tpu.enqueue_dma source(%dma_start3A_323 : memref<2x128xi32, #tpu.memory_space<hbm>>) target(%arg8 : memref<2x128xi32, #tpu.memory_space<vmem>>) target_semaphore(%arg22 : memref<!tpu.dma_semaphore, #tpu.memory_space<semaphore_mem>>)
    %scan3A_324 = arith.constant 0 : i32
    %scan3A_325 = arith.constant 18 : i32
    %scan3A_326 = arith.addi %scan3A_324, %scan3A_325 : i32
    %scan3A_327 = arith.constant 1 : i32
    scf.for %scan3A_1414 = %scan3A_324 to %scan3A_326 step %scan3A_327  : i32 {
      %dma_wait3A_1415 = arith.constant 1 : i32
      %dma_wait3A_1416 = arith.constant 0 : i32
      %dma_wait3A_1417 = arith.constant 0 : i32
      %dma_wait3A_1418 = tpu.memref_slice %arg9[%dma_wait3A_1415, %dma_wait3A_1416, %dma_wait3A_1417] : memref<4x64x128xf32, #tpu.memory_space<vmem>> -> memref<1x64x128xf32, #tpu.memory_space<vmem>>
      %dma_wait3A_1419 = tpu.memref_squeeze %dma_wait3A_1418 : memref<1x64x128xf32, #tpu.memory_space<vmem>> -> memref<64x128xf32, #tpu.memory_space<vmem>>
      %dma_wait3A_1420 = arith.constant 0 : i32
      %dma_wait3A_1421 = arith.constant 0 : i32
      %dma_wait3A_1422 = tpu.memref_slice %arg3[%dma_wait3A_1420, %dma_wait3A_1421] : memref<10000x128xf32, #tpu.memory_space<hbm>> -> memref<10000x128xf32, #tpu.memory_space<hbm>>
      tpu.wait_indirect_dma semaphore(%arg24 : memref<!tpu.dma_semaphore, #tpu.memory_space<semaphore_mem>>) src(%dma_wait3A_1422 : memref<10000x128xf32, #tpu.memory_space<hbm>>) dst(%dma_wait3A_1419 : memref<64x128xf32, #tpu.memory_space<vmem>>)
      %get3A_1423 = arith.constant 1 : i32
      %get3A_1424 = arith.index_cast %get3A_1423 : i32 to index
      %get3A_1425 = arith.constant 64 : index
      %get3A_1426 = tpu.vector_load %arg5[%get3A_1424, %get3A_1425] {strides = array<i32>} : memref<2x128xi32, #tpu.memory_space<vmem>>, vector<1x16xi32>,
      %get3A_1427 = vector.shape_cast %get3A_1426 : vector<1x16xi32> to vector<16xi32>
      %swap3A_1428 = arith.constant 0 : index
      %swap3A_1429 = tpu.vector_load %arg15[%swap3A_1428] {strides = array<i32>} : memref<64xi32, #tpu.memory_space<vmem>>, vector<16xi32>,
      %swap3A_1430 = vector.shape_cast %swap3A_1429 : vector<16xi32> to vector<16xi32>
      %swap3A_1431 = vector.shape_cast %get3A_1427 : vector<16xi32> to vector<16xi32>
      tpu.vector_store %arg15[%swap3A_1428], %swap3A_1431 {strides = array<i32>} : memref<64xi32, #tpu.memory_space<vmem>>, vector<16xi32>,
      %get3A_1432 = arith.constant 1 : i32
      %get3A_1433 = arith.index_cast %get3A_1432 : i32 to index
      %get3A_1434 = arith.constant 80 : index
      %get3A_1435 = tpu.vector_load %arg5[%get3A_1433, %get3A_1434] {strides = array<i32>} : memref<2x128xi32, #tpu.memory_space<vmem>>, vector<1x16xi32>,
      %get3A_1436 = vector.shape_cast %get3A_1435 : vector<1x16xi32> to vector<16xi32>
      %swap3A_1437 = arith.constant 16 : index
      %swap3A_1438 = tpu.vector_load %arg15[%swap3A_1437] {strides = array<i32>} : memref<64xi32, #tpu.memory_space<vmem>>, vector<16xi32>,
      %swap3A_1439 = vector.shape_cast %swap3A_1438 : vector<16xi32> to vector<16xi32>
      %swap3A_1440 = vector.shape_cast %get3A_1436 : vector<16xi32> to vector<16xi32>
      tpu.vector_store %arg15[%swap3A_1437], %swap3A_1440 {strides = array<i32>} : memref<64xi32, #tpu.memory_space<vmem>>, vector<16xi32>,
      %get3A_1441 = arith.constant 1 : i32
      %get3A_1442 = arith.index_cast %get3A_1441 : i32 to index
      %get3A_1443 = arith.constant 96 : index
      %get3A_1444 = tpu.vector_load %arg5[%get3A_1442, %get3A_1443] {strides = array<i32>} : memref<2x128xi32, #tpu.memory_space<vmem>>, vector<1x16xi32>,
      %get3A_1445 = vector.shape_cast %get3A_1444 : vector<1x16xi32> to vector<16xi32>
      %swap3A_1446 = arith.constant 32 : index
      %swap3A_1447 = tpu.vector_load %arg15[%swap3A_1446] {strides = array<i32>} : memref<64xi32, #tpu.memory_space<vmem>>, vector<16xi32>,
      %swap3A_1448 = vector.shape_cast %swap3A_1447 : vector<16xi32> to vector<16xi32>
      %swap3A_1449 = vector.shape_cast %get3A_1445 : vector<16xi32> to vector<16xi32>
      tpu.vector_store %arg15[%swap3A_1446], %swap3A_1449 {strides = array<i32>} : memref<64xi32, #tpu.memory_space<vmem>>, vector<16xi32>,
      %get3A_1450 = arith.constant 1 : i32
      %get3A_1451 = arith.index_cast %get3A_1450 : i32 to index
      %get3A_1452 = arith.constant 112 : index
      %get3A_1453 = tpu.vector_load %arg5[%get3A_1451, %get3A_1452] {strides = array<i32>} : memref<2x128xi32, #tpu.memory_space<vmem>>, vector<1x16xi32>,
      %get3A_1454 = vector.shape_cast %get3A_1453 : vector<1x16xi32> to vector<16xi32>
      %swap3A_1455 = arith.constant 48 : index
      %swap3A_1456 = tpu.vector_load %arg15[%swap3A_1455] {strides = array<i32>} : memref<64xi32, #tpu.memory_space<vmem>>, vector<16xi32>,
      %swap3A_1457 = vector.shape_cast %swap3A_1456 : vector<16xi32> to vector<16xi32>
      %swap3A_1458 = vector.shape_cast %get3A_1454 : vector<16xi32> to vector<16xi32>
      tpu.vector_store %arg15[%swap3A_1455], %swap3A_1458 {strides = array<i32>} : memref<64xi32, #tpu.memory_space<vmem>>, vector<16xi32>,
      %run_scoped3A_1459 = arith.constant 1 : i32
      "tpu.region"() ({
        %run_scoped3A_2207 = tpu.sem_alloc : memref<!tpu.dma_semaphore, #tpu.memory_space<semaphore_mem>>
        %dma_start3A_2208 = arith.constant 0 : i32
        %dma_start3A_2209 = arith.constant 0 : i32
        %dma_start3A_2210 = tpu.memref_slice %arg9[%run_scoped3A_1459, %dma_start3A_2208, %dma_start3A_2209] : memref<4x64x128xf32, #tpu.memory_space<vmem>> -> memref<1x64x128xf32, #tpu.memory_space<vmem>>
        %dma_start3A_2211 = tpu.memref_squeeze %dma_start3A_2210 : memref<1x64x128xf32, #tpu.memory_space<vmem>> -> memref<64x128xf32, #tpu.memory_space<vmem>>
        %dma_start3A_2212 = arith.constant 0 : i32
        %dma_start3A_2213 = arith.constant 0 : i32
        %dma_start3A_2214 = tpu.memref_slice %arg18[%dma_start3A_2212, %dma_start3A_2213] : memref<10240x128xf32, #tpu.memory_space<vmem_shared>> -> memref<10240x128xf32, #tpu.memory_space<vmem_shared>>
        tpu.enqueue_indirect_dma source(%dma_start3A_2211 : memref<64x128xf32, #tpu.memory_space<vmem>>) target(%dma_start3A_2214 : memref<10240x128xf32, #tpu.memory_space<vmem_shared>>) offsets(%arg15 : memref<64xi32, #tpu.memory_space<vmem>>) semaphore(%run_scoped3A_2207 : memref<!tpu.dma_semaphore, #tpu.memory_space<semaphore_mem>>) {add = true}
        %dma_wait3A_2215 = arith.constant 0 : i32
        %dma_wait3A_2216 = arith.constant 0 : i32
        %dma_wait3A_2217 = tpu.memref_slice %arg9[%run_scoped3A_1459, %dma_wait3A_2215, %dma_wait3A_2216] : memref<4x64x128xf32, #tpu.memory_space<vmem>> -> memref<1x64x128xf32, #tpu.memory_space<vmem>>
        %dma_wait3A_2218 = tpu.memref_squeeze %dma_wait3A_2217 : memref<1x64x128xf32, #tpu.memory_space<vmem>> -> memref<64x128xf32, #tpu.memory_space<vmem>>
        %dma_wait3A_2219 = arith.constant 0 : i32
        %dma_wait3A_2220 = arith.constant 0 : i32
        %dma_wait3A_2221 = tpu.memref_slice %arg18[%dma_wait3A_2219, %dma_wait3A_2220] : memref<10240x128xf32, #tpu.memory_space<vmem_shared>> -> memref<10240x128xf32, #tpu.memory_space<vmem_shared>>
        tpu.wait_indirect_dma semaphore(%run_scoped3A_2207 : memref<!tpu.dma_semaphore, #tpu.memory_space<semaphore_mem>>) src(%dma_wait3A_2218 : memref<64x128xf32, #tpu.memory_space<vmem>>) dst(%dma_wait3A_2221 : memref<10240x128xf32, #tpu.memory_space<vmem_shared>>)
        tpu.yield
      }) : () -> ()
      %dma_wait3A_1460 = arith.constant 0 : i32
      %dma_wait3A_1461 = arith.constant 0 : i32
      %dma_wait3A_1462 = tpu.memref_slice %arg2[%dma_wait3A_1460, %dma_wait3A_1461] : memref<2x320000xi32, #tpu.memory_space<hbm>> -> memref<2x128xi32, #tpu.memory_space<hbm>>
      %dma_wait3A_1463 = arith.constant 0 : i32
      %dma_wait3A_1464 = arith.constant 0 : i32
      %dma_wait3A_1465 = tpu.memref_slice %arg2[%dma_wait3A_1463, %dma_wait3A_1464] : memref<2x320000xi32, #tpu.memory_space<hbm>> -> memref<2x128xi32, #tpu.memory_space<hbm>>
      tpu.wait_dma2 semaphore(%arg21 : memref<!tpu.dma_semaphore, #tpu.memory_space<semaphore_mem>>) src(%dma_wait3A_1465 : memref<2x128xi32, #tpu.memory_space<hbm>>) dst(%arg7 : memref<2x128xi32, #tpu.memory_space<vmem>>)
      %get3A_1466 = arith.constant 0 : i32
      %get3A_1467 = arith.index_cast %get3A_1466 : i32 to index
      %get3A_1468 = arith.constant 0 : index
      %get3A_1469 = tpu.vector_load %arg7[%get3A_1467, %get3A_1468] {strides = array<i32>} : memref<2x128xi32, #tpu.memory_space<vmem>>, vector<1x16xi32>,
      %get3A_1470 = vector.shape_cast %get3A_1469 : vector<1x16xi32> to vector<16xi32>
      %swap3A_1471 = arith.constant 0 : index
      %swap3A_1472 = tpu.vector_load %arg10[%swap3A_1471] {strides = array<i32>} : memref<64xi32, #tpu.memory_space<vmem>>, vector<16xi32>,
      %swap3A_1473 = vector.shape_cast %swap3A_1472 : vector<16xi32> to vector<16xi32>
      %swap3A_1474 = vector.shape_cast %get3A_1470 : vector<16xi32> to vector<16xi32>
      tpu.vector_store %arg10[%swap3A_1471], %swap3A_1474 {strides = array<i32>} : memref<64xi32, #tpu.memory_space<vmem>>, vector<16xi32>,
      %get3A_1475 = arith.constant 0 : i32
      %get3A_1476 = arith.index_cast %get3A_1475 : i32 to index
      %get3A_1477 = arith.constant 16 : index
      %get3A_1478 = tpu.vector_load %arg7[%get3A_1476, %get3A_1477] {strides = array<i32>} : memref<2x128xi32, #tpu.memory_space<vmem>>, vector<1x16xi32>,
      %get3A_1479 = vector.shape_cast %get3A_1478 : vector<1x16xi32> to vector<16xi32>
      %swap3A_1480 = arith.constant 16 : index
      %swap3A_1481 = tpu.vector_load %arg10[%swap3A_1480] {strides = array<i32>} : memref<64xi32, #tpu.memory_space<vmem>>, vector<16xi32>,
      %swap3A_1482 = vector.shape_cast %swap3A_1481 : vector<16xi32> to vector<16xi32>
      %swap3A_1483 = vector.shape_cast %get3A_1479 : vector<16xi32> to vector<16xi32>
      tpu.vector_store %arg10[%swap3A_1480], %swap3A_1483 {strides = array<i32>} : memref<64xi32, #tpu.memory_space<vmem>>, vector<16xi32>,
      %get3A_1484 = arith.constant 0 : i32
      %get3A_1485 = arith.index_cast %get3A_1484 : i32 to index
      %get3A_1486 = arith.constant 32 : index
      %get3A_1487 = tpu.vector_load %arg7[%get3A_1485, %get3A_1486] {strides = array<i32>} : memref<2x128xi32, #tpu.memory_space<vmem>>, vector<1x16xi32>,
      %get3A_1488 = vector.shape_cast %get3A_1487 : vector<1x16xi32> to vector<16xi32>
      %swap3A_1489 = arith.constant 32 : index
      %swap3A_1490 = tpu.vector_load %arg10[%swap3A_1489] {strides = array<i32>} : memref<64xi32, #tpu.memory_space<vmem>>, vector<16xi32>,
      %swap3A_1491 = vector.shape_cast %swap3A_1490 : vector<16xi32> to vector<16xi32>
      %swap3A_1492 = vector.shape_cast %get3A_1488 : vector<16xi32> to vector<16xi32>
      tpu.vector_store %arg10[%swap3A_1489], %swap3A_1492 {strides = array<i32>} : memref<64xi32, #tpu.memory_space<vmem>>, vector<16xi32>,
      %get3A_1493 = arith.constant 0 : i32
      %get3A_1494 = arith.index_cast %get3A_1493 : i32 to index
      %get3A_1495 = arith.constant 48 : index
      %get3A_1496 = tpu.vector_load %arg7[%get3A_1494, %get3A_1495] {strides = array<i32>} : memref<2x128xi32, #tpu.memory_space<vmem>>, vector<1x16xi32>,
      %get3A_1497 = vector.shape_cast %get3A_1496 : vector<1x16xi32> to vector<16xi32>
      %swap3A_1498 = arith.constant 48 : index
      %swap3A_1499 = tpu.vector_load %arg10[%swap3A_1498] {strides = array<i32>} : memref<64xi32, #tpu.memory_space<vmem>>, vector<16xi32>,
      %swap3A_1500 = vector.shape_cast %swap3A_1499 : vector<16xi32> to vector<16xi32>
      %swap3A_1501 = vector.shape_cast %get3A_1497 : vector<16xi32> to vector<16xi32>
      tpu.vector_store %arg10[%swap3A_1498], %swap3A_1501 {strides = array<i32>} : memref<64xi32, #tpu.memory_space<vmem>>, vector<16xi32>,
      %dma_start3A_1502 = arith.constant 0 : i32
      %dma_start3A_1503 = arith.constant 0 : i32
      %dma_start3A_1504 = arith.constant 0 : i32
      %dma_start3A_1505 = tpu.memref_slice %arg9[%dma_start3A_1502, %dma_start3A_1503, %dma_start3A_1504] : memref<4x64x128xf32, #tpu.memory_space<vmem>> -> memref<1x64x128xf32, #tpu.memory_space<vmem>>
      %dma_start3A_1506 = tpu.memref_squeeze %dma_start3A_1505 : memref<1x64x128xf32, #tpu.memory_space<vmem>> -> memref<64x128xf32, #tpu.memory_space<vmem>>
      %dma_start3A_1507 = arith.constant 0 : i32
      %dma_start3A_1508 = arith.constant 0 : i32
      %dma_start3A_1509 = tpu.memref_slice %arg3[%dma_start3A_1507, %dma_start3A_1508] : memref<10000x128xf32, #tpu.memory_space<hbm>> -> memref<10000x128xf32, #tpu.memory_space<hbm>>
      tpu.enqueue_indirect_dma source(%dma_start3A_1509 : memref<10000x128xf32, #tpu.memory_space<hbm>>) target(%dma_start3A_1506 : memref<64x128xf32, #tpu.memory_space<vmem>>) offsets(%arg10 : memref<64xi32, #tpu.memory_space<vmem>>) semaphore(%arg23 : memref<!tpu.dma_semaphore, #tpu.memory_space<semaphore_mem>>)
      %mul3A_1510 = arith.constant 4 : i32
      %mul3A_1511 = arith.muli %mul3A_1510, %scan3A_1414 : i32
      %add3A_1512 = arith.addi %mul3A_2, %mul3A_1511 : i32
      %add3A_1513 = arith.constant 1 : i32
      %add3A_1514 = arith.addi %add3A_1512, %add3A_1513 : i32
      %add3A_1515 = arith.constant 3 : i32
      %add3A_1516 = arith.addi %add3A_1514, %add3A_1515 : i32
      %dma_wait3A_1517 = arith.constant 2 : i32
      %dma_wait3A_1518 = arith.constant 0 : i32
      %dma_wait3A_1519 = arith.constant 0 : i32
      %dma_wait3A_1520 = tpu.memref_slice %arg9[%dma_wait3A_1517, %dma_wait3A_1518, %dma_wait3A_1519] : memref<4x64x128xf32, #tpu.memory_space<vmem>> -> memref<1x64x128xf32, #tpu.memory_space<vmem>>
      %dma_wait3A_1521 = tpu.memref_squeeze %dma_wait3A_1520 : memref<1x64x128xf32, #tpu.memory_space<vmem>> -> memref<64x128xf32, #tpu.memory_space<vmem>>
      %dma_wait3A_1522 = arith.constant 0 : i32
      %dma_wait3A_1523 = arith.constant 0 : i32
      %dma_wait3A_1524 = tpu.memref_slice %arg3[%dma_wait3A_1522, %dma_wait3A_1523] : memref<10000x128xf32, #tpu.memory_space<hbm>> -> memref<10000x128xf32, #tpu.memory_space<hbm>>
      tpu.wait_indirect_dma semaphore(%arg25 : memref<!tpu.dma_semaphore, #tpu.memory_space<semaphore_mem>>) src(%dma_wait3A_1524 : memref<10000x128xf32, #tpu.memory_space<hbm>>) dst(%dma_wait3A_1521 : memref<64x128xf32, #tpu.memory_space<vmem>>)
      %get3A_1525 = arith.constant 1 : i32
      %get3A_1526 = arith.index_cast %get3A_1525 : i32 to index
      %get3A_1527 = arith.constant 0 : index
      %get3A_1528 = tpu.vector_load %arg6[%get3A_1526, %get3A_1527] {strides = array<i32>} : memref<2x128xi32, #tpu.memory_space<vmem>>, vector<1x16xi32>,
      %get3A_1529 = vector.shape_cast %get3A_1528 : vector<1x16xi32> to vector<16xi32>
      %swap3A_1530 = arith.constant 0 : index
      %swap3A_1531 = tpu.vector_load %arg16[%swap3A_1530] {strides = array<i32>} : memref<64xi32, #tpu.memory_space<vmem>>, vector<16xi32>,
      %swap3A_1532 = vector.shape_cast %swap3A_1531 : vector<16xi32> to vector<16xi32>
      %swap3A_1533 = vector.shape_cast %get3A_1529 : vector<16xi32> to vector<16xi32>
      tpu.vector_store %arg16[%swap3A_1530], %swap3A_1533 {strides = array<i32>} : memref<64xi32, #tpu.memory_space<vmem>>, vector<16xi32>,
      %get3A_1534 = arith.constant 1 : i32
      %get3A_1535 = arith.index_cast %get3A_1534 : i32 to index
      %get3A_1536 = arith.constant 16 : index
      %get3A_1537 = tpu.vector_load %arg6[%get3A_1535, %get3A_1536] {strides = array<i32>} : memref<2x128xi32, #tpu.memory_space<vmem>>, vector<1x16xi32>,
      %get3A_1538 = vector.shape_cast %get3A_1537 : vector<1x16xi32> to vector<16xi32>
      %swap3A_1539 = arith.constant 16 : index
      %swap3A_1540 = tpu.vector_load %arg16[%swap3A_1539] {strides = array<i32>} : memref<64xi32, #tpu.memory_space<vmem>>, vector<16xi32>,
      %swap3A_1541 = vector.shape_cast %swap3A_1540 : vector<16xi32> to vector<16xi32>
      %swap3A_1542 = vector.shape_cast %get3A_1538 : vector<16xi32> to vector<16xi32>
      tpu.vector_store %arg16[%swap3A_1539], %swap3A_1542 {strides = array<i32>} : memref<64xi32, #tpu.memory_space<vmem>>, vector<16xi32>,
      %get3A_1543 = arith.constant 1 : i32
      %get3A_1544 = arith.index_cast %get3A_1543 : i32 to index
      %get3A_1545 = arith.constant 32 : index
      %get3A_1546 = tpu.vector_load %arg6[%get3A_1544, %get3A_1545] {strides = array<i32>} : memref<2x128xi32, #tpu.memory_space<vmem>>, vector<1x16xi32>,
      %get3A_1547 = vector.shape_cast %get3A_1546 : vector<1x16xi32> to vector<16xi32>
      %swap3A_1548 = arith.constant 32 : index
      %swap3A_1549 = tpu.vector_load %arg16[%swap3A_1548] {strides = array<i32>} : memref<64xi32, #tpu.memory_space<vmem>>, vector<16xi32>,
      %swap3A_1550 = vector.shape_cast %swap3A_1549 : vector<16xi32> to vector<16xi32>
      %swap3A_1551 = vector.shape_cast %get3A_1547 : vector<16xi32> to vector<16xi32>
      tpu.vector_store %arg16[%swap3A_1548], %swap3A_1551 {strides = array<i32>} : memref<64xi32, #tpu.memory_space<vmem>>, vector<16xi32>,
      %get3A_1552 = arith.constant 1 : i32
      %get3A_1553 = arith.index_cast %get3A_1552 : i32 to index
      %get3A_1554 = arith.constant 48 : index
      %get3A_1555 = tpu.vector_load %arg6[%get3A_1553, %get3A_1554] {strides = array<i32>} : memref<2x128xi32, #tpu.memory_space<vmem>>, vector<1x16xi32>,
      %get3A_1556 = vector.shape_cast %get3A_1555 : vector<1x16xi32> to vector<16xi32>
      %swap3A_1557 = arith.constant 48 : index
      %swap3A_1558 = tpu.vector_load %arg16[%swap3A_1557] {strides = array<i32>} : memref<64xi32, #tpu.memory_space<vmem>>, vector<16xi32>,
      %swap3A_1559 = vector.shape_cast %swap3A_1558 : vector<16xi32> to vector<16xi32>
      %swap3A_1560 = vector.shape_cast %get3A_1556 : vector<16xi32> to vector<16xi32>
      tpu.vector_store %arg16[%swap3A_1557], %swap3A_1560 {strides = array<i32>} : memref<64xi32, #tpu.memory_space<vmem>>, vector<16xi32>,
      %run_scoped3A_1561 = arith.constant 2 : i32
      "tpu.region"() ({
        %run_scoped3A_2207 = tpu.sem_alloc : memref<!tpu.dma_semaphore, #tpu.memory_space<semaphore_mem>>
        %dma_start3A_2208 = arith.constant 0 : i32
        %dma_start3A_2209 = arith.constant 0 : i32
        %dma_start3A_2210 = tpu.memref_slice %arg9[%run_scoped3A_1561, %dma_start3A_2208, %dma_start3A_2209] : memref<4x64x128xf32, #tpu.memory_space<vmem>> -> memref<1x64x128xf32, #tpu.memory_space<vmem>>
        %dma_start3A_2211 = tpu.memref_squeeze %dma_start3A_2210 : memref<1x64x128xf32, #tpu.memory_space<vmem>> -> memref<64x128xf32, #tpu.memory_space<vmem>>
        %dma_start3A_2212 = arith.constant 0 : i32
        %dma_start3A_2213 = arith.constant 0 : i32
        %dma_start3A_2214 = tpu.memref_slice %arg18[%dma_start3A_2212, %dma_start3A_2213] : memref<10240x128xf32, #tpu.memory_space<vmem_shared>> -> memref<10240x128xf32, #tpu.memory_space<vmem_shared>>
        tpu.enqueue_indirect_dma source(%dma_start3A_2211 : memref<64x128xf32, #tpu.memory_space<vmem>>) target(%dma_start3A_2214 : memref<10240x128xf32, #tpu.memory_space<vmem_shared>>) offsets(%arg16 : memref<64xi32, #tpu.memory_space<vmem>>) semaphore(%run_scoped3A_2207 : memref<!tpu.dma_semaphore, #tpu.memory_space<semaphore_mem>>) {add = true}
        %dma_wait3A_2215 = arith.constant 0 : i32
        %dma_wait3A_2216 = arith.constant 0 : i32
        %dma_wait3A_2217 = tpu.memref_slice %arg9[%run_scoped3A_1561, %dma_wait3A_2215, %dma_wait3A_2216] : memref<4x64x128xf32, #tpu.memory_space<vmem>> -> memref<1x64x128xf32, #tpu.memory_space<vmem>>
        %dma_wait3A_2218 = tpu.memref_squeeze %dma_wait3A_2217 : memref<1x64x128xf32, #tpu.memory_space<vmem>> -> memref<64x128xf32, #tpu.memory_space<vmem>>
        %dma_wait3A_2219 = arith.constant 0 : i32
        %dma_wait3A_2220 = arith.constant 0 : i32
        %dma_wait3A_2221 = tpu.memref_slice %arg18[%dma_wait3A_2219, %dma_wait3A_2220] : memref<10240x128xf32, #tpu.memory_space<vmem_shared>> -> memref<10240x128xf32, #tpu.memory_space<vmem_shared>>
        tpu.wait_indirect_dma semaphore(%run_scoped3A_2207 : memref<!tpu.dma_semaphore, #tpu.memory_space<semaphore_mem>>) src(%dma_wait3A_2218 : memref<64x128xf32, #tpu.memory_space<vmem>>) dst(%dma_wait3A_2221 : memref<10240x128xf32, #tpu.memory_space<vmem_shared>>)
        tpu.yield
      }) : () -> ()
      %get3A_1562 = arith.constant 0 : i32
      %get3A_1563 = arith.index_cast %get3A_1562 : i32 to index
      %get3A_1564 = arith.constant 64 : index
      %get3A_1565 = tpu.vector_load %arg7[%get3A_1563, %get3A_1564] {strides = array<i32>} : memref<2x128xi32, #tpu.memory_space<vmem>>, vector<1x16xi32>,
      %get3A_1566 = vector.shape_cast %get3A_1565 : vector<1x16xi32> to vector<16xi32>
      %swap3A_1567 = arith.constant 0 : index
      %swap3A_1568 = tpu.vector_load %arg11[%swap3A_1567] {strides = array<i32>} : memref<64xi32, #tpu.memory_space<vmem>>, vector<16xi32>,
      %swap3A_1569 = vector.shape_cast %swap3A_1568 : vector<16xi32> to vector<16xi32>
      %swap3A_1570 = vector.shape_cast %get3A_1566 : vector<16xi32> to vector<16xi32>
      tpu.vector_store %arg11[%swap3A_1567], %swap3A_1570 {strides = array<i32>} : memref<64xi32, #tpu.memory_space<vmem>>, vector<16xi32>,
      %get3A_1571 = arith.constant 0 : i32
      %get3A_1572 = arith.index_cast %get3A_1571 : i32 to index
      %get3A_1573 = arith.constant 80 : index
      %get3A_1574 = tpu.vector_load %arg7[%get3A_1572, %get3A_1573] {strides = array<i32>} : memref<2x128xi32, #tpu.memory_space<vmem>>, vector<1x16xi32>,
      %get3A_1575 = vector.shape_cast %get3A_1574 : vector<1x16xi32> to vector<16xi32>
      %swap3A_1576 = arith.constant 16 : index
      %swap3A_1577 = tpu.vector_load %arg11[%swap3A_1576] {strides = array<i32>} : memref<64xi32, #tpu.memory_space<vmem>>, vector<16xi32>,
      %swap3A_1578 = vector.shape_cast %swap3A_1577 : vector<16xi32> to vector<16xi32>
      %swap3A_1579 = vector.shape_cast %get3A_1575 : vector<16xi32> to vector<16xi32>
      tpu.vector_store %arg11[%swap3A_1576], %swap3A_1579 {strides = array<i32>} : memref<64xi32, #tpu.memory_space<vmem>>, vector<16xi32>,
      %get3A_1580 = arith.constant 0 : i32
      %get3A_1581 = arith.index_cast %get3A_1580 : i32 to index
      %get3A_1582 = arith.constant 96 : index
      %get3A_1583 = tpu.vector_load %arg7[%get3A_1581, %get3A_1582] {strides = array<i32>} : memref<2x128xi32, #tpu.memory_space<vmem>>, vector<1x16xi32>,
      %get3A_1584 = vector.shape_cast %get3A_1583 : vector<1x16xi32> to vector<16xi32>
      %swap3A_1585 = arith.constant 32 : index
      %swap3A_1586 = tpu.vector_load %arg11[%swap3A_1585] {strides = array<i32>} : memref<64xi32, #tpu.memory_space<vmem>>, vector<16xi32>,
      %swap3A_1587 = vector.shape_cast %swap3A_1586 : vector<16xi32> to vector<16xi32>
      %swap3A_1588 = vector.shape_cast %get3A_1584 : vector<16xi32> to vector<16xi32>
      tpu.vector_store %arg11[%swap3A_1585], %swap3A_1588 {strides = array<i32>} : memref<64xi32, #tpu.memory_space<vmem>>, vector<16xi32>,
      %get3A_1589 = arith.constant 0 : i32
      %get3A_1590 = arith.index_cast %get3A_1589 : i32 to index
      %get3A_1591 = arith.constant 112 : index
      %get3A_1592 = tpu.vector_load %arg7[%get3A_1590, %get3A_1591] {strides = array<i32>} : memref<2x128xi32, #tpu.memory_space<vmem>>, vector<1x16xi32>,
      %get3A_1593 = vector.shape_cast %get3A_1592 : vector<1x16xi32> to vector<16xi32>
      %swap3A_1594 = arith.constant 48 : index
      %swap3A_1595 = tpu.vector_load %arg11[%swap3A_1594] {strides = array<i32>} : memref<64xi32, #tpu.memory_space<vmem>>, vector<16xi32>,
      %swap3A_1596 = vector.shape_cast %swap3A_1595 : vector<16xi32> to vector<16xi32>
      %swap3A_1597 = vector.shape_cast %get3A_1593 : vector<16xi32> to vector<16xi32>
      tpu.vector_store %arg11[%swap3A_1594], %swap3A_1597 {strides = array<i32>} : memref<64xi32, #tpu.memory_space<vmem>>, vector<16xi32>,
      %dma_start3A_1598 = arith.constant 1 : i32
      %dma_start3A_1599 = arith.constant 0 : i32
      %dma_start3A_1600 = arith.constant 0 : i32
      %dma_start3A_1601 = tpu.memref_slice %arg9[%dma_start3A_1598, %dma_start3A_1599, %dma_start3A_1600] : memref<4x64x128xf32, #tpu.memory_space<vmem>> -> memref<1x64x128xf32, #tpu.memory_space<vmem>>
      %dma_start3A_1602 = tpu.memref_squeeze %dma_start3A_1601 : memref<1x64x128xf32, #tpu.memory_space<vmem>> -> memref<64x128xf32, #tpu.memory_space<vmem>>
      %dma_start3A_1603 = arith.constant 0 : i32
      %dma_start3A_1604 = arith.constant 0 : i32
      %dma_start3A_1605 = tpu.memref_slice %arg3[%dma_start3A_1603, %dma_start3A_1604] : memref<10000x128xf32, #tpu.memory_space<hbm>> -> memref<10000x128xf32, #tpu.memory_space<hbm>>
      tpu.enqueue_indirect_dma source(%dma_start3A_1605 : memref<10000x128xf32, #tpu.memory_space<hbm>>) target(%dma_start3A_1602 : memref<64x128xf32, #tpu.memory_space<vmem>>) offsets(%arg11 : memref<64xi32, #tpu.memory_space<vmem>>) semaphore(%arg24 : memref<!tpu.dma_semaphore, #tpu.memory_space<semaphore_mem>>)
      %mul3A_1606 = arith.constant 128 : i32
      %mul3A_1607 = arith.muli %add3A_1516, %mul3A_1606 : i32
      %multiple_of3A_1608 = tpu.assume_multiple %mul3A_1607, 128 : i32
      %dma_start3A_1609 = arith.constant 0 : i32
      %dma_start3A_1610 = tpu.memref_slice %arg2[%dma_start3A_1609, %multiple_of3A_1608] : memref<2x320000xi32, #tpu.memory_space<hbm>> -> memref<2x128xi32, #tpu.memory_space<hbm>>
      %dma_start3A_1611 = arith.constant 0 : i32
      %dma_start3A_1612 = tpu.memref_slice %arg2[%dma_start3A_1611, %multiple_of3A_1608] : memref<2x320000xi32, #tpu.memory_space<hbm>> -> memref<2x128xi32, #tpu.memory_space<hbm>>
      tpu.enqueue_dma source(%dma_start3A_1612 : memref<2x128xi32, #tpu.memory_space<hbm>>) target(%arg5 : memref<2x128xi32, #tpu.memory_space<vmem>>) target_semaphore(%arg19 : memref<!tpu.dma_semaphore, #tpu.memory_space<semaphore_mem>>)
      %dma_wait3A_1613 = arith.constant 3 : i32
      %dma_wait3A_1614 = arith.constant 0 : i32
      %dma_wait3A_1615 = arith.constant 0 : i32
      %dma_wait3A_1616 = tpu.memref_slice %arg9[%dma_wait3A_1613, %dma_wait3A_1614, %dma_wait3A_1615] : memref<4x64x128xf32, #tpu.memory_space<vmem>> -> memref<1x64x128xf32, #tpu.memory_space<vmem>>
      %dma_wait3A_1617 = tpu.memref_squeeze %dma_wait3A_1616 : memref<1x64x128xf32, #tpu.memory_space<vmem>> -> memref<64x128xf32, #tpu.memory_space<vmem>>
      %dma_wait3A_1618 = arith.constant 0 : i32
      %dma_wait3A_1619 = arith.constant 0 : i32
      %dma_wait3A_1620 = tpu.memref_slice %arg3[%dma_wait3A_1618, %dma_wait3A_1619] : memref<10000x128xf32, #tpu.memory_space<hbm>> -> memref<10000x128xf32, #tpu.memory_space<hbm>>
      tpu.wait_indirect_dma semaphore(%arg26 : memref<!tpu.dma_semaphore, #tpu.memory_space<semaphore_mem>>) src(%dma_wait3A_1620 : memref<10000x128xf32, #tpu.memory_space<hbm>>) dst(%dma_wait3A_1617 : memref<64x128xf32, #tpu.memory_space<vmem>>)
      %get3A_1621 = arith.constant 1 : i32
      %get3A_1622 = arith.index_cast %get3A_1621 : i32 to index
      %get3A_1623 = arith.constant 64 : index
      %get3A_1624 = tpu.vector_load %arg6[%get3A_1622, %get3A_1623] {strides = array<i32>} : memref<2x128xi32, #tpu.memory_space<vmem>>, vector<1x16xi32>,
      %get3A_1625 = vector.shape_cast %get3A_1624 : vector<1x16xi32> to vector<16xi32>
      %swap3A_1626 = arith.constant 0 : index
      %swap3A_1627 = tpu.vector_load %arg17[%swap3A_1626] {strides = array<i32>} : memref<64xi32, #tpu.memory_space<vmem>>, vector<16xi32>,
      %swap3A_1628 = vector.shape_cast %swap3A_1627 : vector<16xi32> to vector<16xi32>
      %swap3A_1629 = vector.shape_cast %get3A_1625 : vector<16xi32> to vector<16xi32>
      tpu.vector_store %arg17[%swap3A_1626], %swap3A_1629 {strides = array<i32>} : memref<64xi32, #tpu.memory_space<vmem>>, vector<16xi32>,
      %get3A_1630 = arith.constant 1 : i32
      %get3A_1631 = arith.index_cast %get3A_1630 : i32 to index
      %get3A_1632 = arith.constant 80 : index
      %get3A_1633 = tpu.vector_load %arg6[%get3A_1631, %get3A_1632] {strides = array<i32>} : memref<2x128xi32, #tpu.memory_space<vmem>>, vector<1x16xi32>,
      %get3A_1634 = vector.shape_cast %get3A_1633 : vector<1x16xi32> to vector<16xi32>
      %swap3A_1635 = arith.constant 16 : index
      %swap3A_1636 = tpu.vector_load %arg17[%swap3A_1635] {strides = array<i32>} : memref<64xi32, #tpu.memory_space<vmem>>, vector<16xi32>,
      %swap3A_1637 = vector.shape_cast %swap3A_1636 : vector<16xi32> to vector<16xi32>
      %swap3A_1638 = vector.shape_cast %get3A_1634 : vector<16xi32> to vector<16xi32>
      tpu.vector_store %arg17[%swap3A_1635], %swap3A_1638 {strides = array<i32>} : memref<64xi32, #tpu.memory_space<vmem>>, vector<16xi32>,
      %get3A_1639 = arith.constant 1 : i32
      %get3A_1640 = arith.index_cast %get3A_1639 : i32 to index
      %get3A_1641 = arith.constant 96 : index
      %get3A_1642 = tpu.vector_load %arg6[%get3A_1640, %get3A_1641] {strides = array<i32>} : memref<2x128xi32, #tpu.memory_space<vmem>>, vector<1x16xi32>,
      %get3A_1643 = vector.shape_cast %get3A_1642 : vector<1x16xi32> to vector<16xi32>
      %swap3A_1644 = arith.constant 32 : index
      %swap3A_1645 = tpu.vector_load %arg17[%swap3A_1644] {strides = array<i32>} : memref<64xi32, #tpu.memory_space<vmem>>, vector<16xi32>,
      %swap3A_1646 = vector.shape_cast %swap3A_1645 : vector<16xi32> to vector<16xi32>
      %swap3A_1647 = vector.shape_cast %get3A_1643 : vector<16xi32> to vector<16xi32>
      tpu.vector_store %arg17[%swap3A_1644], %swap3A_1647 {strides = array<i32>} : memref<64xi32, #tpu.memory_space<vmem>>, vector<16xi32>,
      %get3A_1648 = arith.constant 1 : i32
      %get3A_1649 = arith.index_cast %get3A_1648 : i32 to index
      %get3A_1650 = arith.constant 112 : index
      %get3A_1651 = tpu.vector_load %arg6[%get3A_1649, %get3A_1650] {strides = array<i32>} : memref<2x128xi32, #tpu.memory_space<vmem>>, vector<1x16xi32>,
      %get3A_1652 = vector.shape_cast %get3A_1651 : vector<1x16xi32> to vector<16xi32>
      %swap3A_1653 = arith.constant 48 : index
      %swap3A_1654 = tpu.vector_load %arg17[%swap3A_1653] {strides = array<i32>} : memref<64xi32, #tpu.memory_space<vmem>>, vector<16xi32>,
      %swap3A_1655 = vector.shape_cast %swap3A_1654 : vector<16xi32> to vector<16xi32>
      %swap3A_1656 = vector.shape_cast %get3A_1652 : vector<16xi32> to vector<16xi32>
      tpu.vector_store %arg17[%swap3A_1653], %swap3A_1656 {strides = array<i32>} : memref<64xi32, #tpu.memory_space<vmem>>, vector<16xi32>,
      %run_scoped3A_1657 = arith.constant 3 : i32
      "tpu.region"() ({
        %run_scoped3A_2207 = tpu.sem_alloc : memref<!tpu.dma_semaphore, #tpu.memory_space<semaphore_mem>>
        %dma_start3A_2208 = arith.constant 0 : i32
        %dma_start3A_2209 = arith.constant 0 : i32
        %dma_start3A_2210 = tpu.memref_slice %arg9[%run_scoped3A_1657, %dma_start3A_2208, %dma_start3A_2209] : memref<4x64x128xf32, #tpu.memory_space<vmem>> -> memref<1x64x128xf32, #tpu.memory_space<vmem>>
        %dma_start3A_2211 = tpu.memref_squeeze %dma_start3A_2210 : memref<1x64x128xf32, #tpu.memory_space<vmem>> -> memref<64x128xf32, #tpu.memory_space<vmem>>
        %dma_start3A_2212 = arith.constant 0 : i32
        %dma_start3A_2213 = arith.constant 0 : i32
        %dma_start3A_2214 = tpu.memref_slice %arg18[%dma_start3A_2212, %dma_start3A_2213] : memref<10240x128xf32, #tpu.memory_space<vmem_shared>> -> memref<10240x128xf32, #tpu.memory_space<vmem_shared>>
        tpu.enqueue_indirect_dma source(%dma_start3A_2211 : memref<64x128xf32, #tpu.memory_space<vmem>>) target(%dma_start3A_2214 : memref<10240x128xf32, #tpu.memory_space<vmem_shared>>) offsets(%arg17 : memref<64xi32, #tpu.memory_space<vmem>>) semaphore(%run_scoped3A_2207 : memref<!tpu.dma_semaphore, #tpu.memory_space<semaphore_mem>>) {add = true}
        %dma_wait3A_2215 = arith.constant 0 : i32
        %dma_wait3A_2216 = arith.constant 0 : i32
        %dma_wait3A_2217 = tpu.memref_slice %arg9[%run_scoped3A_1657, %dma_wait3A_2215, %dma_wait3A_2216] : memref<4x64x128xf32, #tpu.memory_space<vmem>> -> memref<1x64x128xf32, #tpu.memory_space<vmem>>
        %dma_wait3A_2218 = tpu.memref_squeeze %dma_wait3A_2217 : memref<1x64x128xf32, #tpu.memory_space<vmem>> -> memref<64x128xf32, #tpu.memory_space<vmem>>
        %dma_wait3A_2219 = arith.constant 0 : i32
        %dma_wait3A_2220 = arith.constant 0 : i32
        %dma_wait3A_2221 = tpu.memref_slice %arg18[%dma_wait3A_2219, %dma_wait3A_2220] : memref<10240x128xf32, #tpu.memory_space<vmem_shared>> -> memref<10240x128xf32, #tpu.memory_space<vmem_shared>>
        tpu.wait_indirect_dma semaphore(%run_scoped3A_2207 : memref<!tpu.dma_semaphore, #tpu.memory_space<semaphore_mem>>) src(%dma_wait3A_2218 : memref<64x128xf32, #tpu.memory_space<vmem>>) dst(%dma_wait3A_2221 : memref<10240x128xf32, #tpu.memory_space<vmem_shared>>)
        tpu.yield
      }) : () -> ()
      %dma_wait3A_1658 = arith.constant 0 : i32
      %dma_wait3A_1659 = arith.constant 0 : i32
      %dma_wait3A_1660 = tpu.memref_slice %arg2[%dma_wait3A_1658, %dma_wait3A_1659] : memref<2x320000xi32, #tpu.memory_space<hbm>> -> memref<2x128xi32, #tpu.memory_space<hbm>>
      %dma_wait3A_1661 = arith.constant 0 : i32
      %dma_wait3A_1662 = arith.constant 0 : i32
      %dma_wait3A_1663 = tpu.memref_slice %arg2[%dma_wait3A_1661, %dma_wait3A_1662] : memref<2x320000xi32, #tpu.memory_space<hbm>> -> memref<2x128xi32, #tpu.memory_space<hbm>>
      tpu.wait_dma2 semaphore(%arg22 : memref<!tpu.dma_semaphore, #tpu.memory_space<semaphore_mem>>) src(%dma_wait3A_1663 : memref<2x128xi32, #tpu.memory_space<hbm>>) dst(%arg8 : memref<2x128xi32, #tpu.memory_space<vmem>>)
      %get3A_1664 = arith.constant 0 : i32
      %get3A_1665 = arith.index_cast %get3A_1664 : i32 to index
      %get3A_1666 = arith.constant 0 : index
      %get3A_1667 = tpu.vector_load %arg8[%get3A_1665, %get3A_1666] {strides = array<i32>} : memref<2x128xi32, #tpu.memory_space<vmem>>, vector<1x16xi32>,
      %get3A_1668 = vector.shape_cast %get3A_1667 : vector<1x16xi32> to vector<16xi32>
      %swap3A_1669 = arith.constant 0 : index
      %swap3A_1670 = tpu.vector_load %arg12[%swap3A_1669] {strides = array<i32>} : memref<64xi32, #tpu.memory_space<vmem>>, vector<16xi32>,
      %swap3A_1671 = vector.shape_cast %swap3A_1670 : vector<16xi32> to vector<16xi32>
      %swap3A_1672 = vector.shape_cast %get3A_1668 : vector<16xi32> to vector<16xi32>
      tpu.vector_store %arg12[%swap3A_1669], %swap3A_1672 {strides = array<i32>} : memref<64xi32, #tpu.memory_space<vmem>>, vector<16xi32>,
      %get3A_1673 = arith.constant 0 : i32
      %get3A_1674 = arith.index_cast %get3A_1673 : i32 to index
      %get3A_1675 = arith.constant 16 : index
      %get3A_1676 = tpu.vector_load %arg8[%get3A_1674, %get3A_1675] {strides = array<i32>} : memref<2x128xi32, #tpu.memory_space<vmem>>, vector<1x16xi32>,
      %get3A_1677 = vector.shape_cast %get3A_1676 : vector<1x16xi32> to vector<16xi32>
      %swap3A_1678 = arith.constant 16 : index
      %swap3A_1679 = tpu.vector_load %arg12[%swap3A_1678] {strides = array<i32>} : memref<64xi32, #tpu.memory_space<vmem>>, vector<16xi32>,
      %swap3A_1680 = vector.shape_cast %swap3A_1679 : vector<16xi32> to vector<16xi32>
      %swap3A_1681 = vector.shape_cast %get3A_1677 : vector<16xi32> to vector<16xi32>
      tpu.vector_store %arg12[%swap3A_1678], %swap3A_1681 {strides = array<i32>} : memref<64xi32, #tpu.memory_space<vmem>>, vector<16xi32>,
      %get3A_1682 = arith.constant 0 : i32
      %get3A_1683 = arith.index_cast %get3A_1682 : i32 to index
      %get3A_1684 = arith.constant 32 : index
      %get3A_1685 = tpu.vector_load %arg8[%get3A_1683, %get3A_1684] {strides = array<i32>} : memref<2x128xi32, #tpu.memory_space<vmem>>, vector<1x16xi32>,
      %get3A_1686 = vector.shape_cast %get3A_1685 : vector<1x16xi32> to vector<16xi32>
      %swap3A_1687 = arith.constant 32 : index
      %swap3A_1688 = tpu.vector_load %arg12[%swap3A_1687] {strides = array<i32>} : memref<64xi32, #tpu.memory_space<vmem>>, vector<16xi32>,
      %swap3A_1689 = vector.shape_cast %swap3A_1688 : vector<16xi32> to vector<16xi32>
      %swap3A_1690 = vector.shape_cast %get3A_1686 : vector<16xi32> to vector<16xi32>
      tpu.vector_store %arg12[%swap3A_1687], %swap3A_1690 {strides = array<i32>} : memref<64xi32, #tpu.memory_space<vmem>>, vector<16xi32>,
      %get3A_1691 = arith.constant 0 : i32
      %get3A_1692 = arith.index_cast %get3A_1691 : i32 to index
      %get3A_1693 = arith.constant 48 : index
      %get3A_1694 = tpu.vector_load %arg8[%get3A_1692, %get3A_1693] {strides = array<i32>} : memref<2x128xi32, #tpu.memory_space<vmem>>, vector<1x16xi32>,
      %get3A_1695 = vector.shape_cast %get3A_1694 : vector<1x16xi32> to vector<16xi32>
      %swap3A_1696 = arith.constant 48 : index
      %swap3A_1697 = tpu.vector_load %arg12[%swap3A_1696] {strides = array<i32>} : memref<64xi32, #tpu.memory_space<vmem>>, vector<16xi32>,
      %swap3A_1698 = vector.shape_cast %swap3A_1697 : vector<16xi32> to vector<16xi32>
      %swap3A_1699 = vector.shape_cast %get3A_1695 : vector<16xi32> to vector<16xi32>
      tpu.vector_store %arg12[%swap3A_1696], %swap3A_1699 {strides = array<i32>} : memref<64xi32, #tpu.memory_space<vmem>>, vector<16xi32>,
      %dma_start3A_1700 = arith.constant 2 : i32
      %dma_start3A_1701 = arith.constant 0 : i32
      %dma_start3A_1702 = arith.constant 0 : i32
      %dma_start3A_1703 = tpu.memref_slice %arg9[%dma_start3A_1700, %dma_start3A_1701, %dma_start3A_1702] : memref<4x64x128xf32, #tpu.memory_space<vmem>> -> memref<1x64x128xf32, #tpu.memory_space<vmem>>
      %dma_start3A_1704 = tpu.memref_squeeze %dma_start3A_1703 : memref<1x64x128xf32, #tpu.memory_space<vmem>> -> memref<64x128xf32, #tpu.memory_space<vmem>>
      %dma_start3A_1705 = arith.constant 0 : i32
      %dma_start3A_1706 = arith.constant 0 : i32
      %dma_start3A_1707 = tpu.memref_slice %arg3[%dma_start3A_1705, %dma_start3A_1706] : memref<10000x128xf32, #tpu.memory_space<hbm>> -> memref<10000x128xf32, #tpu.memory_space<hbm>>
      tpu.enqueue_indirect_dma source(%dma_start3A_1707 : memref<10000x128xf32, #tpu.memory_space<hbm>>) target(%dma_start3A_1704 : memref<64x128xf32, #tpu.memory_space<vmem>>) offsets(%arg12 : memref<64xi32, #tpu.memory_space<vmem>>) semaphore(%arg25 : memref<!tpu.dma_semaphore, #tpu.memory_space<semaphore_mem>>)
      %mul3A_1708 = arith.constant 4 : i32
      %mul3A_1709 = arith.muli %mul3A_1708, %scan3A_1414 : i32
      %add3A_1710 = arith.addi %mul3A_2, %mul3A_1709 : i32
      %add3A_1711 = arith.constant 2 : i32
      %add3A_1712 = arith.addi %add3A_1710, %add3A_1711 : i32
      %add3A_1713 = arith.constant 3 : i32
      %add3A_1714 = arith.addi %add3A_1712, %add3A_1713 : i32
      %dma_wait3A_1715 = arith.constant 0 : i32
      %dma_wait3A_1716 = arith.constant 0 : i32
      %dma_wait3A_1717 = arith.constant 0 : i32
      %dma_wait3A_1718 = tpu.memref_slice %arg9[%dma_wait3A_1715, %dma_wait3A_1716, %dma_wait3A_1717] : memref<4x64x128xf32, #tpu.memory_space<vmem>> -> memref<1x64x128xf32, #tpu.memory_space<vmem>>
      %dma_wait3A_1719 = tpu.memref_squeeze %dma_wait3A_1718 : memref<1x64x128xf32, #tpu.memory_space<vmem>> -> memref<64x128xf32, #tpu.memory_space<vmem>>
      %dma_wait3A_1720 = arith.constant 0 : i32
      %dma_wait3A_1721 = arith.constant 0 : i32
      %dma_wait3A_1722 = tpu.memref_slice %arg3[%dma_wait3A_1720, %dma_wait3A_1721] : memref<10000x128xf32, #tpu.memory_space<hbm>> -> memref<10000x128xf32, #tpu.memory_space<hbm>>
      tpu.wait_indirect_dma semaphore(%arg23 : memref<!tpu.dma_semaphore, #tpu.memory_space<semaphore_mem>>) src(%dma_wait3A_1722 : memref<10000x128xf32, #tpu.memory_space<hbm>>) dst(%dma_wait3A_1719 : memref<64x128xf32, #tpu.memory_space<vmem>>)
      %get3A_1723 = arith.constant 1 : i32
      %get3A_1724 = arith.index_cast %get3A_1723 : i32 to index
      %get3A_1725 = arith.constant 0 : index
      %get3A_1726 = tpu.vector_load %arg7[%get3A_1724, %get3A_1725] {strides = array<i32>} : memref<2x128xi32, #tpu.memory_space<vmem>>, vector<1x16xi32>,
      %get3A_1727 = vector.shape_cast %get3A_1726 : vector<1x16xi32> to vector<16xi32>
      %swap3A_1728 = arith.constant 0 : index
      %swap3A_1729 = tpu.vector_load %arg14[%swap3A_1728] {strides = array<i32>} : memref<64xi32, #tpu.memory_space<vmem>>, vector<16xi32>,
      %swap3A_1730 = vector.shape_cast %swap3A_1729 : vector<16xi32> to vector<16xi32>
      %swap3A_1731 = vector.shape_cast %get3A_1727 : vector<16xi32> to vector<16xi32>
      tpu.vector_store %arg14[%swap3A_1728], %swap3A_1731 {strides = array<i32>} : memref<64xi32, #tpu.memory_space<vmem>>, vector<16xi32>,
      %get3A_1732 = arith.constant 1 : i32
      %get3A_1733 = arith.index_cast %get3A_1732 : i32 to index
      %get3A_1734 = arith.constant 16 : index
      %get3A_1735 = tpu.vector_load %arg7[%get3A_1733, %get3A_1734] {strides = array<i32>} : memref<2x128xi32, #tpu.memory_space<vmem>>, vector<1x16xi32>,
      %get3A_1736 = vector.shape_cast %get3A_1735 : vector<1x16xi32> to vector<16xi32>
      %swap3A_1737 = arith.constant 16 : index
      %swap3A_1738 = tpu.vector_load %arg14[%swap3A_1737] {strides = array<i32>} : memref<64xi32, #tpu.memory_space<vmem>>, vector<16xi32>,
      %swap3A_1739 = vector.shape_cast %swap3A_1738 : vector<16xi32> to vector<16xi32>
      %swap3A_1740 = vector.shape_cast %get3A_1736 : vector<16xi32> to vector<16xi32>
      tpu.vector_store %arg14[%swap3A_1737], %swap3A_1740 {strides = array<i32>} : memref<64xi32, #tpu.memory_space<vmem>>, vector<16xi32>,
      %get3A_1741 = arith.constant 1 : i32
      %get3A_1742 = arith.index_cast %get3A_1741 : i32 to index
      %get3A_1743 = arith.constant 32 : index
      %get3A_1744 = tpu.vector_load %arg7[%get3A_1742, %get3A_1743] {strides = array<i32>} : memref<2x128xi32, #tpu.memory_space<vmem>>, vector<1x16xi32>,
      %get3A_1745 = vector.shape_cast %get3A_1744 : vector<1x16xi32> to vector<16xi32>
      %swap3A_1746 = arith.constant 32 : index
      %swap3A_1747 = tpu.vector_load %arg14[%swap3A_1746] {strides = array<i32>} : memref<64xi32, #tpu.memory_space<vmem>>, vector<16xi32>,
      %swap3A_1748 = vector.shape_cast %swap3A_1747 : vector<16xi32> to vector<16xi32>
      %swap3A_1749 = vector.shape_cast %get3A_1745 : vector<16xi32> to vector<16xi32>
      tpu.vector_store %arg14[%swap3A_1746], %swap3A_1749 {strides = array<i32>} : memref<64xi32, #tpu.memory_space<vmem>>, vector<16xi32>,
      %get3A_1750 = arith.constant 1 : i32
      %get3A_1751 = arith.index_cast %get3A_1750 : i32 to index
      %get3A_1752 = arith.constant 48 : index
      %get3A_1753 = tpu.vector_load %arg7[%get3A_1751, %get3A_1752] {strides = array<i32>} : memref<2x128xi32, #tpu.memory_space<vmem>>, vector<1x16xi32>,
      %get3A_1754 = vector.shape_cast %get3A_1753 : vector<1x16xi32> to vector<16xi32>
      %swap3A_1755 = arith.constant 48 : index
      %swap3A_1756 = tpu.vector_load %arg14[%swap3A_1755] {strides = array<i32>} : memref<64xi32, #tpu.memory_space<vmem>>, vector<16xi32>,
      %swap3A_1757 = vector.shape_cast %swap3A_1756 : vector<16xi32> to vector<16xi32>
      %swap3A_1758 = vector.shape_cast %get3A_1754 : vector<16xi32> to vector<16xi32>
      tpu.vector_store %arg14[%swap3A_1755], %swap3A_1758 {strides = array<i32>} : memref<64xi32, #tpu.memory_space<vmem>>, vector<16xi32>,
      %run_scoped3A_1759 = arith.constant 0 : i32
      "tpu.region"() ({
        %run_scoped3A_2207 = tpu.sem_alloc : memref<!tpu.dma_semaphore, #tpu.memory_space<semaphore_mem>>
        %dma_start3A_2208 = arith.constant 0 : i32
        %dma_start3A_2209 = arith.constant 0 : i32
        %dma_start3A_2210 = tpu.memref_slice %arg9[%run_scoped3A_1759, %dma_start3A_2208, %dma_start3A_2209] : memref<4x64x128xf32, #tpu.memory_space<vmem>> -> memref<1x64x128xf32, #tpu.memory_space<vmem>>
        %dma_start3A_2211 = tpu.memref_squeeze %dma_start3A_2210 : memref<1x64x128xf32, #tpu.memory_space<vmem>> -> memref<64x128xf32, #tpu.memory_space<vmem>>
        %dma_start3A_2212 = arith.constant 0 : i32
        %dma_start3A_2213 = arith.constant 0 : i32
        %dma_start3A_2214 = tpu.memref_slice %arg18[%dma_start3A_2212, %dma_start3A_2213] : memref<10240x128xf32, #tpu.memory_space<vmem_shared>> -> memref<10240x128xf32, #tpu.memory_space<vmem_shared>>
        tpu.enqueue_indirect_dma source(%dma_start3A_2211 : memref<64x128xf32, #tpu.memory_space<vmem>>) target(%dma_start3A_2214 : memref<10240x128xf32, #tpu.memory_space<vmem_shared>>) offsets(%arg14 : memref<64xi32, #tpu.memory_space<vmem>>) semaphore(%run_scoped3A_2207 : memref<!tpu.dma_semaphore, #tpu.memory_space<semaphore_mem>>) {add = true}
        %dma_wait3A_2215 = arith.constant 0 : i32
        %dma_wait3A_2216 = arith.constant 0 : i32
        %dma_wait3A_2217 = tpu.memref_slice %arg9[%run_scoped3A_1759, %dma_wait3A_2215, %dma_wait3A_2216] : memref<4x64x128xf32, #tpu.memory_space<vmem>> -> memref<1x64x128xf32, #tpu.memory_space<vmem>>
        %dma_wait3A_2218 = tpu.memref_squeeze %dma_wait3A_2217 : memref<1x64x128xf32, #tpu.memory_space<vmem>> -> memref<64x128xf32, #tpu.memory_space<vmem>>
        %dma_wait3A_2219 = arith.constant 0 : i32
        %dma_wait3A_2220 = arith.constant 0 : i32
        %dma_wait3A_2221 = tpu.memref_slice %arg18[%dma_wait3A_2219, %dma_wait3A_2220] : memref<10240x128xf32, #tpu.memory_space<vmem_shared>> -> memref<10240x128xf32, #tpu.memory_space<vmem_shared>>
        tpu.wait_indirect_dma semaphore(%run_scoped3A_2207 : memref<!tpu.dma_semaphore, #tpu.memory_space<semaphore_mem>>) src(%dma_wait3A_2218 : memref<64x128xf32, #tpu.memory_space<vmem>>) dst(%dma_wait3A_2221 : memref<10240x128xf32, #tpu.memory_space<vmem_shared>>)
        tpu.yield
      }) : () -> ()
      %get3A_1760 = arith.constant 0 : i32
      %get3A_1761 = arith.index_cast %get3A_1760 : i32 to index
      %get3A_1762 = arith.constant 64 : index
      %get3A_1763 = tpu.vector_load %arg8[%get3A_1761, %get3A_1762] {strides = array<i32>} : memref<2x128xi32, #tpu.memory_space<vmem>>, vector<1x16xi32>,
      %get3A_1764 = vector.shape_cast %get3A_1763 : vector<1x16xi32> to vector<16xi32>
      %swap3A_1765 = arith.constant 0 : index
      %swap3A_1766 = tpu.vector_load %arg13[%swap3A_1765] {strides = array<i32>} : memref<64xi32, #tpu.memory_space<vmem>>, vector<16xi32>,
      %swap3A_1767 = vector.shape_cast %swap3A_1766 : vector<16xi32> to vector<16xi32>
      %swap3A_1768 = vector.shape_cast %get3A_1764 : vector<16xi32> to vector<16xi32>
      tpu.vector_store %arg13[%swap3A_1765], %swap3A_1768 {strides = array<i32>} : memref<64xi32, #tpu.memory_space<vmem>>, vector<16xi32>,
      %get3A_1769 = arith.constant 0 : i32
      %get3A_1770 = arith.index_cast %get3A_1769 : i32 to index
      %get3A_1771 = arith.constant 80 : index
      %get3A_1772 = tpu.vector_load %arg8[%get3A_1770, %get3A_1771] {strides = array<i32>} : memref<2x128xi32, #tpu.memory_space<vmem>>, vector<1x16xi32>,
      %get3A_1773 = vector.shape_cast %get3A_1772 : vector<1x16xi32> to vector<16xi32>
      %swap3A_1774 = arith.constant 16 : index
      %swap3A_1775 = tpu.vector_load %arg13[%swap3A_1774] {strides = array<i32>} : memref<64xi32, #tpu.memory_space<vmem>>, vector<16xi32>,
      %swap3A_1776 = vector.shape_cast %swap3A_1775 : vector<16xi32> to vector<16xi32>
      %swap3A_1777 = vector.shape_cast %get3A_1773 : vector<16xi32> to vector<16xi32>
      tpu.vector_store %arg13[%swap3A_1774], %swap3A_1777 {strides = array<i32>} : memref<64xi32, #tpu.memory_space<vmem>>, vector<16xi32>,
      %get3A_1778 = arith.constant 0 : i32
      %get3A_1779 = arith.index_cast %get3A_1778 : i32 to index
      %get3A_1780 = arith.constant 96 : index
      %get3A_1781 = tpu.vector_load %arg8[%get3A_1779, %get3A_1780] {strides = array<i32>} : memref<2x128xi32, #tpu.memory_space<vmem>>, vector<1x16xi32>,
      %get3A_1782 = vector.shape_cast %get3A_1781 : vector<1x16xi32> to vector<16xi32>
      %swap3A_1783 = arith.constant 32 : index
      %swap3A_1784 = tpu.vector_load %arg13[%swap3A_1783] {strides = array<i32>} : memref<64xi32, #tpu.memory_space<vmem>>, vector<16xi32>,
      %swap3A_1785 = vector.shape_cast %swap3A_1784 : vector<16xi32> to vector<16xi32>
      %swap3A_1786 = vector.shape_cast %get3A_1782 : vector<16xi32> to vector<16xi32>
      tpu.vector_store %arg13[%swap3A_1783], %swap3A_1786 {strides = array<i32>} : memref<64xi32, #tpu.memory_space<vmem>>, vector<16xi32>,
      %get3A_1787 = arith.constant 0 : i32
      %get3A_1788 = arith.index_cast %get3A_1787 : i32 to index
      %get3A_1789 = arith.constant 112 : index
      %get3A_1790 = tpu.vector_load %arg8[%get3A_1788, %get3A_1789] {strides = array<i32>} : memref<2x128xi32, #tpu.memory_space<vmem>>, vector<1x16xi32>,
      %get3A_1791 = vector.shape_cast %get3A_1790 : vector<1x16xi32> to vector<16xi32>
      %swap3A_1792 = arith.constant 48 : index
      %swap3A_1793 = tpu.vector_load %arg13[%swap3A_1792] {strides = array<i32>} : memref<64xi32, #tpu.memory_space<vmem>>, vector<16xi32>,
      %swap3A_1794 = vector.shape_cast %swap3A_1793 : vector<16xi32> to vector<16xi32>
      %swap3A_1795 = vector.shape_cast %get3A_1791 : vector<16xi32> to vector<16xi32>
      tpu.vector_store %arg13[%swap3A_1792], %swap3A_1795 {strides = array<i32>} : memref<64xi32, #tpu.memory_space<vmem>>, vector<16xi32>,
      %dma_start3A_1796 = arith.constant 3 : i32
      %dma_start3A_1797 = arith.constant 0 : i32
      %dma_start3A_1798 = arith.constant 0 : i32
      %dma_start3A_1799 = tpu.memref_slice %arg9[%dma_start3A_1796, %dma_start3A_1797, %dma_start3A_1798] : memref<4x64x128xf32, #tpu.memory_space<vmem>> -> memref<1x64x128xf32, #tpu.memory_space<vmem>>
      %dma_start3A_1800 = tpu.memref_squeeze %dma_start3A_1799 : memref<1x64x128xf32, #tpu.memory_space<vmem>> -> memref<64x128xf32, #tpu.memory_space<vmem>>
      %dma_start3A_1801 = arith.constant 0 : i32
      %dma_start3A_1802 = arith.constant 0 : i32
      %dma_start3A_1803 = tpu.memref_slice %arg3[%dma_start3A_1801, %dma_start3A_1802] : memref<10000x128xf32, #tpu.memory_space<hbm>> -> memref<10000x128xf32, #tpu.memory_space<hbm>>
      tpu.enqueue_indirect_dma source(%dma_start3A_1803 : memref<10000x128xf32, #tpu.memory_space<hbm>>) target(%dma_start3A_1800 : memref<64x128xf32, #tpu.memory_space<vmem>>) offsets(%arg13 : memref<64xi32, #tpu.memory_space<vmem>>) semaphore(%arg26 : memref<!tpu.dma_semaphore, #tpu.memory_space<semaphore_mem>>)
      %mul3A_1804 = arith.constant 128 : i32
      %mul3A_1805 = arith.muli %add3A_1714, %mul3A_1804 : i32
      %multiple_of3A_1806 = tpu.assume_multiple %mul3A_1805, 128 : i32
      %dma_start3A_1807 = arith.constant 0 : i32
      %dma_start3A_1808 = tpu.memref_slice %arg2[%dma_start3A_1807, %multiple_of3A_1806] : memref<2x320000xi32, #tpu.memory_space<hbm>> -> memref<2x128xi32, #tpu.memory_space<hbm>>
      %dma_start3A_1809 = arith.constant 0 : i32
      %dma_start3A_1810 = tpu.memref_slice %arg2[%dma_start3A_1809, %multiple_of3A_1806] : memref<2x320000xi32, #tpu.memory_space<hbm>> -> memref<2x128xi32, #tpu.memory_space<hbm>>
      tpu.enqueue_dma source(%dma_start3A_1810 : memref<2x128xi32, #tpu.memory_space<hbm>>) target(%arg6 : memref<2x128xi32, #tpu.memory_space<vmem>>) target_semaphore(%arg20 : memref<!tpu.dma_semaphore, #tpu.memory_space<semaphore_mem>>)
      %dma_wait3A_1811 = arith.constant 1 : i32
      %dma_wait3A_1812 = arith.constant 0 : i32
      %dma_wait3A_1813 = arith.constant 0 : i32
      %dma_wait3A_1814 = tpu.memref_slice %arg9[%dma_wait3A_1811, %dma_wait3A_1812, %dma_wait3A_1813] : memref<4x64x128xf32, #tpu.memory_space<vmem>> -> memref<1x64x128xf32, #tpu.memory_space<vmem>>
      %dma_wait3A_1815 = tpu.memref_squeeze %dma_wait3A_1814 : memref<1x64x128xf32, #tpu.memory_space<vmem>> -> memref<64x128xf32, #tpu.memory_space<vmem>>
      %dma_wait3A_1816 = arith.constant 0 : i32
      %dma_wait3A_1817 = arith.constant 0 : i32
      %dma_wait3A_1818 = tpu.memref_slice %arg3[%dma_wait3A_1816, %dma_wait3A_1817] : memref<10000x128xf32, #tpu.memory_space<hbm>> -> memref<10000x128xf32, #tpu.memory_space<hbm>>
      tpu.wait_indirect_dma semaphore(%arg24 : memref<!tpu.dma_semaphore, #tpu.memory_space<semaphore_mem>>) src(%dma_wait3A_1818 : memref<10000x128xf32, #tpu.memory_space<hbm>>) dst(%dma_wait3A_1815 : memref<64x128xf32, #tpu.memory_space<vmem>>)
      %get3A_1819 = arith.constant 1 : i32
      %get3A_1820 = arith.index_cast %get3A_1819 : i32 to index
      %get3A_1821 = arith.constant 64 : index
      %get3A_1822 = tpu.vector_load %arg7[%get3A_1820, %get3A_1821] {strides = array<i32>} : memref<2x128xi32, #tpu.memory_space<vmem>>, vector<1x16xi32>,
      %get3A_1823 = vector.shape_cast %get3A_1822 : vector<1x16xi32> to vector<16xi32>
      %swap3A_1824 = arith.constant 0 : index
      %swap3A_1825 = tpu.vector_load %arg15[%swap3A_1824] {strides = array<i32>} : memref<64xi32, #tpu.memory_space<vmem>>, vector<16xi32>,
      %swap3A_1826 = vector.shape_cast %swap3A_1825 : vector<16xi32> to vector<16xi32>
      %swap3A_1827 = vector.shape_cast %get3A_1823 : vector<16xi32> to vector<16xi32>
      tpu.vector_store %arg15[%swap3A_1824], %swap3A_1827 {strides = array<i32>} : memref<64xi32, #tpu.memory_space<vmem>>, vector<16xi32>,
      %get3A_1828 = arith.constant 1 : i32
      %get3A_1829 = arith.index_cast %get3A_1828 : i32 to index
      %get3A_1830 = arith.constant 80 : index
      %get3A_1831 = tpu.vector_load %arg7[%get3A_1829, %get3A_1830] {strides = array<i32>} : memref<2x128xi32, #tpu.memory_space<vmem>>, vector<1x16xi32>,
      %get3A_1832 = vector.shape_cast %get3A_1831 : vector<1x16xi32> to vector<16xi32>
      %swap3A_1833 = arith.constant 16 : index
      %swap3A_1834 = tpu.vector_load %arg15[%swap3A_1833] {strides = array<i32>} : memref<64xi32, #tpu.memory_space<vmem>>, vector<16xi32>,
      %swap3A_1835 = vector.shape_cast %swap3A_1834 : vector<16xi32> to vector<16xi32>
      %swap3A_1836 = vector.shape_cast %get3A_1832 : vector<16xi32> to vector<16xi32>
      tpu.vector_store %arg15[%swap3A_1833], %swap3A_1836 {strides = array<i32>} : memref<64xi32, #tpu.memory_space<vmem>>, vector<16xi32>,
      %get3A_1837 = arith.constant 1 : i32
      %get3A_1838 = arith.index_cast %get3A_1837 : i32 to index
      %get3A_1839 = arith.constant 96 : index
      %get3A_1840 = tpu.vector_load %arg7[%get3A_1838, %get3A_1839] {strides = array<i32>} : memref<2x128xi32, #tpu.memory_space<vmem>>, vector<1x16xi32>,
      %get3A_1841 = vector.shape_cast %get3A_1840 : vector<1x16xi32> to vector<16xi32>
      %swap3A_1842 = arith.constant 32 : index
      %swap3A_1843 = tpu.vector_load %arg15[%swap3A_1842] {strides = array<i32>} : memref<64xi32, #tpu.memory_space<vmem>>, vector<16xi32>,
      %swap3A_1844 = vector.shape_cast %swap3A_1843 : vector<16xi32> to vector<16xi32>
      %swap3A_1845 = vector.shape_cast %get3A_1841 : vector<16xi32> to vector<16xi32>
      tpu.vector_store %arg15[%swap3A_1842], %swap3A_1845 {strides = array<i32>} : memref<64xi32, #tpu.memory_space<vmem>>, vector<16xi32>,
      %get3A_1846 = arith.constant 1 : i32
      %get3A_1847 = arith.index_cast %get3A_1846 : i32 to index
      %get3A_1848 = arith.constant 112 : index
      %get3A_1849 = tpu.vector_load %arg7[%get3A_1847, %get3A_1848] {strides = array<i32>} : memref<2x128xi32, #tpu.memory_space<vmem>>, vector<1x16xi32>,
      %get3A_1850 = vector.shape_cast %get3A_1849 : vector<1x16xi32> to vector<16xi32>
      %swap3A_1851 = arith.constant 48 : index
      %swap3A_1852 = tpu.vector_load %arg15[%swap3A_1851] {strides = array<i32>} : memref<64xi32, #tpu.memory_space<vmem>>, vector<16xi32>,
      %swap3A_1853 = vector.shape_cast %swap3A_1852 : vector<16xi32> to vector<16xi32>
      %swap3A_1854 = vector.shape_cast %get3A_1850 : vector<16xi32> to vector<16xi32>
      tpu.vector_store %arg15[%swap3A_1851], %swap3A_1854 {strides = array<i32>} : memref<64xi32, #tpu.memory_space<vmem>>, vector<16xi32>,
      %run_scoped3A_1855 = arith.constant 1 : i32
      "tpu.region"() ({
        %run_scoped3A_2207 = tpu.sem_alloc : memref<!tpu.dma_semaphore, #tpu.memory_space<semaphore_mem>>
        %dma_start3A_2208 = arith.constant 0 : i32
        %dma_start3A_2209 = arith.constant 0 : i32
        %dma_start3A_2210 = tpu.memref_slice %arg9[%run_scoped3A_1855, %dma_start3A_2208, %dma_start3A_2209] : memref<4x64x128xf32, #tpu.memory_space<vmem>> -> memref<1x64x128xf32, #tpu.memory_space<vmem>>
        %dma_start3A_2211 = tpu.memref_squeeze %dma_start3A_2210 : memref<1x64x128xf32, #tpu.memory_space<vmem>> -> memref<64x128xf32, #tpu.memory_space<vmem>>
        %dma_start3A_2212 = arith.constant 0 : i32
        %dma_start3A_2213 = arith.constant 0 : i32
        %dma_start3A_2214 = tpu.memref_slice %arg18[%dma_start3A_2212, %dma_start3A_2213] : memref<10240x128xf32, #tpu.memory_space<vmem_shared>> -> memref<10240x128xf32, #tpu.memory_space<vmem_shared>>
        tpu.enqueue_indirect_dma source(%dma_start3A_2211 : memref<64x128xf32, #tpu.memory_space<vmem>>) target(%dma_start3A_2214 : memref<10240x128xf32, #tpu.memory_space<vmem_shared>>) offsets(%arg15 : memref<64xi32, #tpu.memory_space<vmem>>) semaphore(%run_scoped3A_2207 : memref<!tpu.dma_semaphore, #tpu.memory_space<semaphore_mem>>) {add = true}
        %dma_wait3A_2215 = arith.constant 0 : i32
        %dma_wait3A_2216 = arith.constant 0 : i32
        %dma_wait3A_2217 = tpu.memref_slice %arg9[%run_scoped3A_1855, %dma_wait3A_2215, %dma_wait3A_2216] : memref<4x64x128xf32, #tpu.memory_space<vmem>> -> memref<1x64x128xf32, #tpu.memory_space<vmem>>
        %dma_wait3A_2218 = tpu.memref_squeeze %dma_wait3A_2217 : memref<1x64x128xf32, #tpu.memory_space<vmem>> -> memref<64x128xf32, #tpu.memory_space<vmem>>
        %dma_wait3A_2219 = arith.constant 0 : i32
        %dma_wait3A_2220 = arith.constant 0 : i32
        %dma_wait3A_2221 = tpu.memref_slice %arg18[%dma_wait3A_2219, %dma_wait3A_2220] : memref<10240x128xf32, #tpu.memory_space<vmem_shared>> -> memref<10240x128xf32, #tpu.memory_space<vmem_shared>>
        tpu.wait_indirect_dma semaphore(%run_scoped3A_2207 : memref<!tpu.dma_semaphore, #tpu.memory_space<semaphore_mem>>) src(%dma_wait3A_2218 : memref<64x128xf32, #tpu.memory_space<vmem>>) dst(%dma_wait3A_2221 : memref<10240x128xf32, #tpu.memory_space<vmem_shared>>)
        tpu.yield
      }) : () -> ()
      %dma_wait3A_1856 = arith.constant 0 : i32
      %dma_wait3A_1857 = arith.constant 0 : i32
      %dma_wait3A_1858 = tpu.memref_slice %arg2[%dma_wait3A_1856, %dma_wait3A_1857] : memref<2x320000xi32, #tpu.memory_space<hbm>> -> memref<2x128xi32, #tpu.memory_space<hbm>>
      %dma_wait3A_1859 = arith.constant 0 : i32
      %dma_wait3A_1860 = arith.constant 0 : i32
      %dma_wait3A_1861 = tpu.memref_slice %arg2[%dma_wait3A_1859, %dma_wait3A_1860] : memref<2x320000xi32, #tpu.memory_space<hbm>> -> memref<2x128xi32, #tpu.memory_space<hbm>>
      tpu.wait_dma2 semaphore(%arg19 : memref<!tpu.dma_semaphore, #tpu.memory_space<semaphore_mem>>) src(%dma_wait3A_1861 : memref<2x128xi32, #tpu.memory_space<hbm>>) dst(%arg5 : memref<2x128xi32, #tpu.memory_space<vmem>>)
      %get3A_1862 = arith.constant 0 : i32
      %get3A_1863 = arith.index_cast %get3A_1862 : i32 to index
      %get3A_1864 = arith.constant 0 : index
      %get3A_1865 = tpu.vector_load %arg5[%get3A_1863, %get3A_1864] {strides = array<i32>} : memref<2x128xi32, #tpu.memory_space<vmem>>, vector<1x16xi32>,
      %get3A_1866 = vector.shape_cast %get3A_1865 : vector<1x16xi32> to vector<16xi32>
      %swap3A_1867 = arith.constant 0 : index
      %swap3A_1868 = tpu.vector_load %arg10[%swap3A_1867] {strides = array<i32>} : memref<64xi32, #tpu.memory_space<vmem>>, vector<16xi32>,
      %swap3A_1869 = vector.shape_cast %swap3A_1868 : vector<16xi32> to vector<16xi32>
      %swap3A_1870 = vector.shape_cast %get3A_1866 : vector<16xi32> to vector<16xi32>
      tpu.vector_store %arg10[%swap3A_1867], %swap3A_1870 {strides = array<i32>} : memref<64xi32, #tpu.memory_space<vmem>>, vector<16xi32>,
      %get3A_1871 = arith.constant 0 : i32
      %get3A_1872 = arith.index_cast %get3A_1871 : i32 to index
      %get3A_1873 = arith.constant 16 : index
      %get3A_1874 = tpu.vector_load %arg5[%get3A_1872, %get3A_1873] {strides = array<i32>} : memref<2x128xi32, #tpu.memory_space<vmem>>, vector<1x16xi32>,
      %get3A_1875 = vector.shape_cast %get3A_1874 : vector<1x16xi32> to vector<16xi32>
      %swap3A_1876 = arith.constant 16 : index
      %swap3A_1877 = tpu.vector_load %arg10[%swap3A_1876] {strides = array<i32>} : memref<64xi32, #tpu.memory_space<vmem>>, vector<16xi32>,
      %swap3A_1878 = vector.shape_cast %swap3A_1877 : vector<16xi32> to vector<16xi32>
      %swap3A_1879 = vector.shape_cast %get3A_1875 : vector<16xi32> to vector<16xi32>
      tpu.vector_store %arg10[%swap3A_1876], %swap3A_1879 {strides = array<i32>} : memref<64xi32, #tpu.memory_space<vmem>>, vector<16xi32>,
      %get3A_1880 = arith.constant 0 : i32
      %get3A_1881 = arith.index_cast %get3A_1880 : i32 to index
      %get3A_1882 = arith.constant 32 : index
      %get3A_1883 = tpu.vector_load %arg5[%get3A_1881, %get3A_1882] {strides = array<i32>} : memref<2x128xi32, #tpu.memory_space<vmem>>, vector<1x16xi32>,
      %get3A_1884 = vector.shape_cast %get3A_1883 : vector<1x16xi32> to vector<16xi32>
      %swap3A_1885 = arith.constant 32 : index
      %swap3A_1886 = tpu.vector_load %arg10[%swap3A_1885] {strides = array<i32>} : memref<64xi32, #tpu.memory_space<vmem>>, vector<16xi32>,
      %swap3A_1887 = vector.shape_cast %swap3A_1886 : vector<16xi32> to vector<16xi32>
      %swap3A_1888 = vector.shape_cast %get3A_1884 : vector<16xi32> to vector<16xi32>
      tpu.vector_store %arg10[%swap3A_1885], %swap3A_1888 {strides = array<i32>} : memref<64xi32, #tpu.memory_space<vmem>>, vector<16xi32>,
      %get3A_1889 = arith.constant 0 : i32
      %get3A_1890 = arith.index_cast %get3A_1889 : i32 to index
      %get3A_1891 = arith.constant 48 : index
      %get3A_1892 = tpu.vector_load %arg5[%get3A_1890, %get3A_1891] {strides = array<i32>} : memref<2x128xi32, #tpu.memory_space<vmem>>, vector<1x16xi32>,
      %get3A_1893 = vector.shape_cast %get3A_1892 : vector<1x16xi32> to vector<16xi32>
      %swap3A_1894 = arith.constant 48 : index
      %swap3A_1895 = tpu.vector_load %arg10[%swap3A_1894] {strides = array<i32>} : memref<64xi32, #tpu.memory_space<vmem>>, vector<16xi32>,
      %swap3A_1896 = vector.shape_cast %swap3A_1895 : vector<16xi32> to vector<16xi32>
      %swap3A_1897 = vector.shape_cast %get3A_1893 : vector<16xi32> to vector<16xi32>
      tpu.vector_store %arg10[%swap3A_1894], %swap3A_1897 {strides = array<i32>} : memref<64xi32, #tpu.memory_space<vmem>>, vector<16xi32>,
      %dma_start3A_1898 = arith.constant 0 : i32
      %dma_start3A_1899 = arith.constant 0 : i32
      %dma_start3A_1900 = arith.constant 0 : i32
      %dma_start3A_1901 = tpu.memref_slice %arg9[%dma_start3A_1898, %dma_start3A_1899, %dma_start3A_1900] : memref<4x64x128xf32, #tpu.memory_space<vmem>> -> memref<1x64x128xf32, #tpu.memory_space<vmem>>
      %dma_start3A_1902 = tpu.memref_squeeze %dma_start3A_1901 : memref<1x64x128xf32, #tpu.memory_space<vmem>> -> memref<64x128xf32, #tpu.memory_space<vmem>>
      %dma_start3A_1903 = arith.constant 0 : i32
      %dma_start3A_1904 = arith.constant 0 : i32
      %dma_start3A_1905 = tpu.memref_slice %arg3[%dma_start3A_1903, %dma_start3A_1904] : memref<10000x128xf32, #tpu.memory_space<hbm>> -> memref<10000x128xf32, #tpu.memory_space<hbm>>
      tpu.enqueue_indirect_dma source(%dma_start3A_1905 : memref<10000x128xf32, #tpu.memory_space<hbm>>) target(%dma_start3A_1902 : memref<64x128xf32, #tpu.memory_space<vmem>>) offsets(%arg10 : memref<64xi32, #tpu.memory_space<vmem>>) semaphore(%arg23 : memref<!tpu.dma_semaphore, #tpu.memory_space<semaphore_mem>>)
      %mul3A_1906 = arith.constant 4 : i32
      %mul3A_1907 = arith.muli %mul3A_1906, %scan3A_1414 : i32
      %add3A_1908 = arith.addi %mul3A_2, %mul3A_1907 : i32
      %add3A_1909 = arith.constant 3 : i32
      %add3A_1910 = arith.addi %add3A_1908, %add3A_1909 : i32
      %add3A_1911 = arith.constant 3 : i32
      %add3A_1912 = arith.addi %add3A_1910, %add3A_1911 : i32
      %dma_wait3A_1913 = arith.constant 2 : i32
      %dma_wait3A_1914 = arith.constant 0 : i32
      %dma_wait3A_1915 = arith.constant 0 : i32
      %dma_wait3A_1916 = tpu.memref_slice %arg9[%dma_wait3A_1913, %dma_wait3A_1914, %dma_wait3A_1915] : memref<4x64x128xf32, #tpu.memory_space<vmem>> -> memref<1x64x128xf32, #tpu.memory_space<vmem>>
      %dma_wait3A_1917 = tpu.memref_squeeze %dma_wait3A_1916 : memref<1x64x128xf32, #tpu.memory_space<vmem>> -> memref<64x128xf32, #tpu.memory_space<vmem>>
      %dma_wait3A_1918 = arith.constant 0 : i32
      %dma_wait3A_1919 = arith.constant 0 : i32
      %dma_wait3A_1920 = tpu.memref_slice %arg3[%dma_wait3A_1918, %dma_wait3A_1919] : memref<10000x128xf32, #tpu.memory_space<hbm>> -> memref<10000x128xf32, #tpu.memory_space<hbm>>
      tpu.wait_indirect_dma semaphore(%arg25 : memref<!tpu.dma_semaphore, #tpu.memory_space<semaphore_mem>>) src(%dma_wait3A_1920 : memref<10000x128xf32, #tpu.memory_space<hbm>>) dst(%dma_wait3A_1917 : memref<64x128xf32, #tpu.memory_space<vmem>>)
      %get3A_1921 = arith.constant 1 : i32
      %get3A_1922 = arith.index_cast %get3A_1921 : i32 to index
      %get3A_1923 = arith.constant 0 : index
      %get3A_1924 = tpu.vector_load %arg8[%get3A_1922, %get3A_1923] {strides = array<i32>} : memref<2x128xi32, #tpu.memory_space<vmem>>, vector<1x16xi32>,
      %get3A_1925 = vector.shape_cast %get3A_1924 : vector<1x16xi32> to vector<16xi32>
      %swap3A_1926 = arith.constant 0 : index
      %swap3A_1927 = tpu.vector_load %arg16[%swap3A_1926] {strides = array<i32>} : memref<64xi32, #tpu.memory_space<vmem>>, vector<16xi32>,
      %swap3A_1928 = vector.shape_cast %swap3A_1927 : vector<16xi32> to vector<16xi32>
      %swap3A_1929 = vector.shape_cast %get3A_1925 : vector<16xi32> to vector<16xi32>
      tpu.vector_store %arg16[%swap3A_1926], %swap3A_1929 {strides = array<i32>} : memref<64xi32, #tpu.memory_space<vmem>>, vector<16xi32>,
      %get3A_1930 = arith.constant 1 : i32
      %get3A_1931 = arith.index_cast %get3A_1930 : i32 to index
      %get3A_1932 = arith.constant 16 : index
      %get3A_1933 = tpu.vector_load %arg8[%get3A_1931, %get3A_1932] {strides = array<i32>} : memref<2x128xi32, #tpu.memory_space<vmem>>, vector<1x16xi32>,
      %get3A_1934 = vector.shape_cast %get3A_1933 : vector<1x16xi32> to vector<16xi32>
      %swap3A_1935 = arith.constant 16 : index
      %swap3A_1936 = tpu.vector_load %arg16[%swap3A_1935] {strides = array<i32>} : memref<64xi32, #tpu.memory_space<vmem>>, vector<16xi32>,
      %swap3A_1937 = vector.shape_cast %swap3A_1936 : vector<16xi32> to vector<16xi32>
      %swap3A_1938 = vector.shape_cast %get3A_1934 : vector<16xi32> to vector<16xi32>
      tpu.vector_store %arg16[%swap3A_1935], %swap3A_1938 {strides = array<i32>} : memref<64xi32, #tpu.memory_space<vmem>>, vector<16xi32>,
      %get3A_1939 = arith.constant 1 : i32
      %get3A_1940 = arith.index_cast %get3A_1939 : i32 to index
      %get3A_1941 = arith.constant 32 : index
      %get3A_1942 = tpu.vector_load %arg8[%get3A_1940, %get3A_1941] {strides = array<i32>} : memref<2x128xi32, #tpu.memory_space<vmem>>, vector<1x16xi32>,
      %get3A_1943 = vector.shape_cast %get3A_1942 : vector<1x16xi32> to vector<16xi32>
      %swap3A_1944 = arith.constant 32 : index
      %swap3A_1945 = tpu.vector_load %arg16[%swap3A_1944] {strides = array<i32>} : memref<64xi32, #tpu.memory_space<vmem>>, vector<16xi32>,
      %swap3A_1946 = vector.shape_cast %swap3A_1945 : vector<16xi32> to vector<16xi32>
      %swap3A_1947 = vector.shape_cast %get3A_1943 : vector<16xi32> to vector<16xi32>
      tpu.vector_store %arg16[%swap3A_1944], %swap3A_1947 {strides = array<i32>} : memref<64xi32, #tpu.memory_space<vmem>>, vector<16xi32>,
      %get3A_1948 = arith.constant 1 : i32
      %get3A_1949 = arith.index_cast %get3A_1948 : i32 to index
      %get3A_1950 = arith.constant 48 : index
      %get3A_1951 = tpu.vector_load %arg8[%get3A_1949, %get3A_1950] {strides = array<i32>} : memref<2x128xi32, #tpu.memory_space<vmem>>, vector<1x16xi32>,
      %get3A_1952 = vector.shape_cast %get3A_1951 : vector<1x16xi32> to vector<16xi32>
      %swap3A_1953 = arith.constant 48 : index
      %swap3A_1954 = tpu.vector_load %arg16[%swap3A_1953] {strides = array<i32>} : memref<64xi32, #tpu.memory_space<vmem>>, vector<16xi32>,
      %swap3A_1955 = vector.shape_cast %swap3A_1954 : vector<16xi32> to vector<16xi32>
      %swap3A_1956 = vector.shape_cast %get3A_1952 : vector<16xi32> to vector<16xi32>
      tpu.vector_store %arg16[%swap3A_1953], %swap3A_1956 {strides = array<i32>} : memref<64xi32, #tpu.memory_space<vmem>>, vector<16xi32>,
      %run_scoped3A_1957 = arith.constant 2 : i32
      "tpu.region"() ({
        %run_scoped3A_2207 = tpu.sem_alloc : memref<!tpu.dma_semaphore, #tpu.memory_space<semaphore_mem>>
        %dma_start3A_2208 = arith.constant 0 : i32
        %dma_start3A_2209 = arith.constant 0 : i32
        %dma_start3A_2210 = tpu.memref_slice %arg9[%run_scoped3A_1957, %dma_start3A_2208, %dma_start3A_2209] : memref<4x64x128xf32, #tpu.memory_space<vmem>> -> memref<1x64x128xf32, #tpu.memory_space<vmem>>
        %dma_start3A_2211 = tpu.memref_squeeze %dma_start3A_2210 : memref<1x64x128xf32, #tpu.memory_space<vmem>> -> memref<64x128xf32, #tpu.memory_space<vmem>>
        %dma_start3A_2212 = arith.constant 0 : i32
        %dma_start3A_2213 = arith.constant 0 : i32
        %dma_start3A_2214 = tpu.memref_slice %arg18[%dma_start3A_2212, %dma_start3A_2213] : memref<10240x128xf32, #tpu.memory_space<vmem_shared>> -> memref<10240x128xf32, #tpu.memory_space<vmem_shared>>
        tpu.enqueue_indirect_dma source(%dma_start3A_2211 : memref<64x128xf32, #tpu.memory_space<vmem>>) target(%dma_start3A_2214 : memref<10240x128xf32, #tpu.memory_space<vmem_shared>>) offsets(%arg16 : memref<64xi32, #tpu.memory_space<vmem>>) semaphore(%run_scoped3A_2207 : memref<!tpu.dma_semaphore, #tpu.memory_space<semaphore_mem>>) {add = true}
        %dma_wait3A_2215 = arith.constant 0 : i32
        %dma_wait3A_2216 = arith.constant 0 : i32
        %dma_wait3A_2217 = tpu.memref_slice %arg9[%run_scoped3A_1957, %dma_wait3A_2215, %dma_wait3A_2216] : memref<4x64x128xf32, #tpu.memory_space<vmem>> -> memref<1x64x128xf32, #tpu.memory_space<vmem>>
        %dma_wait3A_2218 = tpu.memref_squeeze %dma_wait3A_2217 : memref<1x64x128xf32, #tpu.memory_space<vmem>> -> memref<64x128xf32, #tpu.memory_space<vmem>>
        %dma_wait3A_2219 = arith.constant 0 : i32
        %dma_wait3A_2220 = arith.constant 0 : i32
        %dma_wait3A_2221 = tpu.memref_slice %arg18[%dma_wait3A_2219, %dma_wait3A_2220] : memref<10240x128xf32, #tpu.memory_space<vmem_shared>> -> memref<10240x128xf32, #tpu.memory_space<vmem_shared>>
        tpu.wait_indirect_dma semaphore(%run_scoped3A_2207 : memref<!tpu.dma_semaphore, #tpu.memory_space<semaphore_mem>>) src(%dma_wait3A_2218 : memref<64x128xf32, #tpu.memory_space<vmem>>) dst(%dma_wait3A_2221 : memref<10240x128xf32, #tpu.memory_space<vmem_shared>>)
        tpu.yield
      }) : () -> ()
      %get3A_1958 = arith.constant 0 : i32
      %get3A_1959 = arith.index_cast %get3A_1958 : i32 to index
      %get3A_1960 = arith.constant 64 : index
      %get3A_1961 = tpu.vector_load %arg5[%get3A_1959, %get3A_1960] {strides = array<i32>} : memref<2x128xi32, #tpu.memory_space<vmem>>, vector<1x16xi32>,
      %get3A_1962 = vector.shape_cast %get3A_1961 : vector<1x16xi32> to vector<16xi32>
      %swap3A_1963 = arith.constant 0 : index
      %swap3A_1964 = tpu.vector_load %arg11[%swap3A_1963] {strides = array<i32>} : memref<64xi32, #tpu.memory_space<vmem>>, vector<16xi32>,
      %swap3A_1965 = vector.shape_cast %swap3A_1964 : vector<16xi32> to vector<16xi32>
      %swap3A_1966 = vector.shape_cast %get3A_1962 : vector<16xi32> to vector<16xi32>
      tpu.vector_store %arg11[%swap3A_1963], %swap3A_1966 {strides = array<i32>} : memref<64xi32, #tpu.memory_space<vmem>>, vector<16xi32>,
      %get3A_1967 = arith.constant 0 : i32
      %get3A_1968 = arith.index_cast %get3A_1967 : i32 to index
      %get3A_1969 = arith.constant 80 : index
      %get3A_1970 = tpu.vector_load %arg5[%get3A_1968, %get3A_1969] {strides = array<i32>} : memref<2x128xi32, #tpu.memory_space<vmem>>, vector<1x16xi32>,
      %get3A_1971 = vector.shape_cast %get3A_1970 : vector<1x16xi32> to vector<16xi32>
      %swap3A_1972 = arith.constant 16 : index
      %swap3A_1973 = tpu.vector_load %arg11[%swap3A_1972] {strides = array<i32>} : memref<64xi32, #tpu.memory_space<vmem>>, vector<16xi32>,
      %swap3A_1974 = vector.shape_cast %swap3A_1973 : vector<16xi32> to vector<16xi32>
      %swap3A_1975 = vector.shape_cast %get3A_1971 : vector<16xi32> to vector<16xi32>
      tpu.vector_store %arg11[%swap3A_1972], %swap3A_1975 {strides = array<i32>} : memref<64xi32, #tpu.memory_space<vmem>>, vector<16xi32>,
      %get3A_1976 = arith.constant 0 : i32
      %get3A_1977 = arith.index_cast %get3A_1976 : i32 to index
      %get3A_1978 = arith.constant 96 : index
      %get3A_1979 = tpu.vector_load %arg5[%get3A_1977, %get3A_1978] {strides = array<i32>} : memref<2x128xi32, #tpu.memory_space<vmem>>, vector<1x16xi32>,
      %get3A_1980 = vector.shape_cast %get3A_1979 : vector<1x16xi32> to vector<16xi32>
      %swap3A_1981 = arith.constant 32 : index
      %swap3A_1982 = tpu.vector_load %arg11[%swap3A_1981] {strides = array<i32>} : memref<64xi32, #tpu.memory_space<vmem>>, vector<16xi32>,
      %swap3A_1983 = vector.shape_cast %swap3A_1982 : vector<16xi32> to vector<16xi32>
      %swap3A_1984 = vector.shape_cast %get3A_1980 : vector<16xi32> to vector<16xi32>
      tpu.vector_store %arg11[%swap3A_1981], %swap3A_1984 {strides = array<i32>} : memref<64xi32, #tpu.memory_space<vmem>>, vector<16xi32>,
      %get3A_1985 = arith.constant 0 : i32
      %get3A_1986 = arith.index_cast %get3A_1985 : i32 to index
      %get3A_1987 = arith.constant 112 : index
      %get3A_1988 = tpu.vector_load %arg5[%get3A_1986, %get3A_1987] {strides = array<i32>} : memref<2x128xi32, #tpu.memory_space<vmem>>, vector<1x16xi32>,
      %get3A_1989 = vector.shape_cast %get3A_1988 : vector<1x16xi32> to vector<16xi32>
      %swap3A_1990 = arith.constant 48 : index
      %swap3A_1991 = tpu.vector_load %arg11[%swap3A_1990] {strides = array<i32>} : memref<64xi32, #tpu.memory_space<vmem>>, vector<16xi32>,
      %swap3A_1992 = vector.shape_cast %swap3A_1991 : vector<16xi32> to vector<16xi32>
      %swap3A_1993 = vector.shape_cast %get3A_1989 : vector<16xi32> to vector<16xi32>
      tpu.vector_store %arg11[%swap3A_1990], %swap3A_1993 {strides = array<i32>} : memref<64xi32, #tpu.memory_space<vmem>>, vector<16xi32>,
      %dma_start3A_1994 = arith.constant 1 : i32
      %dma_start3A_1995 = arith.constant 0 : i32
      %dma_start3A_1996 = arith.constant 0 : i32
      %dma_start3A_1997 = tpu.memref_slice %arg9[%dma_start3A_1994, %dma_start3A_1995, %dma_start3A_1996] : memref<4x64x128xf32, #tpu.memory_space<vmem>> -> memref<1x64x128xf32, #tpu.memory_space<vmem>>
      %dma_start3A_1998 = tpu.memref_squeeze %dma_start3A_1997 : memref<1x64x128xf32, #tpu.memory_space<vmem>> -> memref<64x128xf32, #tpu.memory_space<vmem>>
      %dma_start3A_1999 = arith.constant 0 : i32
      %dma_start3A_2000 = arith.constant 0 : i32
      %dma_start3A_2001 = tpu.memref_slice %arg3[%dma_start3A_1999, %dma_start3A_2000] : memref<10000x128xf32, #tpu.memory_space<hbm>> -> memref<10000x128xf32, #tpu.memory_space<hbm>>
      tpu.enqueue_indirect_dma source(%dma_start3A_2001 : memref<10000x128xf32, #tpu.memory_space<hbm>>) target(%dma_start3A_1998 : memref<64x128xf32, #tpu.memory_space<vmem>>) offsets(%arg11 : memref<64xi32, #tpu.memory_space<vmem>>) semaphore(%arg24 : memref<!tpu.dma_semaphore, #tpu.memory_space<semaphore_mem>>)
      %mul3A_2002 = arith.constant 128 : i32
      %mul3A_2003 = arith.muli %add3A_1912, %mul3A_2002 : i32
      %multiple_of3A_2004 = tpu.assume_multiple %mul3A_2003, 128 : i32
      %dma_start3A_2005 = arith.constant 0 : i32
      %dma_start3A_2006 = tpu.memref_slice %arg2[%dma_start3A_2005, %multiple_of3A_2004] : memref<2x320000xi32, #tpu.memory_space<hbm>> -> memref<2x128xi32, #tpu.memory_space<hbm>>
      %dma_start3A_2007 = arith.constant 0 : i32
      %dma_start3A_2008 = tpu.memref_slice %arg2[%dma_start3A_2007, %multiple_of3A_2004] : memref<2x320000xi32, #tpu.memory_space<hbm>> -> memref<2x128xi32, #tpu.memory_space<hbm>>
      tpu.enqueue_dma source(%dma_start3A_2008 : memref<2x128xi32, #tpu.memory_space<hbm>>) target(%arg7 : memref<2x128xi32, #tpu.memory_space<vmem>>) target_semaphore(%arg21 : memref<!tpu.dma_semaphore, #tpu.memory_space<semaphore_mem>>)
      %dma_wait3A_2009 = arith.constant 3 : i32
      %dma_wait3A_2010 = arith.constant 0 : i32
      %dma_wait3A_2011 = arith.constant 0 : i32
      %dma_wait3A_2012 = tpu.memref_slice %arg9[%dma_wait3A_2009, %dma_wait3A_2010, %dma_wait3A_2011] : memref<4x64x128xf32, #tpu.memory_space<vmem>> -> memref<1x64x128xf32, #tpu.memory_space<vmem>>
      %dma_wait3A_2013 = tpu.memref_squeeze %dma_wait3A_2012 : memref<1x64x128xf32, #tpu.memory_space<vmem>> -> memref<64x128xf32, #tpu.memory_space<vmem>>
      %dma_wait3A_2014 = arith.constant 0 : i32
      %dma_wait3A_2015 = arith.constant 0 : i32
      %dma_wait3A_2016 = tpu.memref_slice %arg3[%dma_wait3A_2014, %dma_wait3A_2015] : memref<10000x128xf32, #tpu.memory_space<hbm>> -> memref<10000x128xf32, #tpu.memory_space<hbm>>
      tpu.wait_indirect_dma semaphore(%arg26 : memref<!tpu.dma_semaphore, #tpu.memory_space<semaphore_mem>>) src(%dma_wait3A_2016 : memref<10000x128xf32, #tpu.memory_space<hbm>>) dst(%dma_wait3A_2013 : memref<64x128xf32, #tpu.memory_space<vmem>>)
      %get3A_2017 = arith.constant 1 : i32
      %get3A_2018 = arith.index_cast %get3A_2017 : i32 to index
      %get3A_2019 = arith.constant 64 : index
      %get3A_2020 = tpu.vector_load %arg8[%get3A_2018, %get3A_2019] {strides = array<i32>} : memref<2x128xi32, #tpu.memory_space<vmem>>, vector<1x16xi32>,
      %get3A_2021 = vector.shape_cast %get3A_2020 : vector<1x16xi32> to vector<16xi32>
      %swap3A_2022 = arith.constant 0 : index
      %swap3A_2023 = tpu.vector_load %arg17[%swap3A_2022] {strides = array<i32>} : memref<64xi32, #tpu.memory_space<vmem>>, vector<16xi32>,
      %swap3A_2024 = vector.shape_cast %swap3A_2023 : vector<16xi32> to vector<16xi32>
      %swap3A_2025 = vector.shape_cast %get3A_2021 : vector<16xi32> to vector<16xi32>
      tpu.vector_store %arg17[%swap3A_2022], %swap3A_2025 {strides = array<i32>} : memref<64xi32, #tpu.memory_space<vmem>>, vector<16xi32>,
      %get3A_2026 = arith.constant 1 : i32
      %get3A_2027 = arith.index_cast %get3A_2026 : i32 to index
      %get3A_2028 = arith.constant 80 : index
      %get3A_2029 = tpu.vector_load %arg8[%get3A_2027, %get3A_2028] {strides = array<i32>} : memref<2x128xi32, #tpu.memory_space<vmem>>, vector<1x16xi32>,
      %get3A_2030 = vector.shape_cast %get3A_2029 : vector<1x16xi32> to vector<16xi32>
      %swap3A_2031 = arith.constant 16 : index
      %swap3A_2032 = tpu.vector_load %arg17[%swap3A_2031] {strides = array<i32>} : memref<64xi32, #tpu.memory_space<vmem>>, vector<16xi32>,
      %swap3A_2033 = vector.shape_cast %swap3A_2032 : vector<16xi32> to vector<16xi32>
      %swap3A_2034 = vector.shape_cast %get3A_2030 : vector<16xi32> to vector<16xi32>
      tpu.vector_store %arg17[%swap3A_2031], %swap3A_2034 {strides = array<i32>} : memref<64xi32, #tpu.memory_space<vmem>>, vector<16xi32>,
      %get3A_2035 = arith.constant 1 : i32
      %get3A_2036 = arith.index_cast %get3A_2035 : i32 to index
      %get3A_2037 = arith.constant 96 : index
      %get3A_2038 = tpu.vector_load %arg8[%get3A_2036, %get3A_2037] {strides = array<i32>} : memref<2x128xi32, #tpu.memory_space<vmem>>, vector<1x16xi32>,
      %get3A_2039 = vector.shape_cast %get3A_2038 : vector<1x16xi32> to vector<16xi32>
      %swap3A_2040 = arith.constant 32 : index
      %swap3A_2041 = tpu.vector_load %arg17[%swap3A_2040] {strides = array<i32>} : memref<64xi32, #tpu.memory_space<vmem>>, vector<16xi32>,
      %swap3A_2042 = vector.shape_cast %swap3A_2041 : vector<16xi32> to vector<16xi32>
      %swap3A_2043 = vector.shape_cast %get3A_2039 : vector<16xi32> to vector<16xi32>
      tpu.vector_store %arg17[%swap3A_2040], %swap3A_2043 {strides = array<i32>} : memref<64xi32, #tpu.memory_space<vmem>>, vector<16xi32>,
      %get3A_2044 = arith.constant 1 : i32
      %get3A_2045 = arith.index_cast %get3A_2044 : i32 to index
      %get3A_2046 = arith.constant 112 : index
      %get3A_2047 = tpu.vector_load %arg8[%get3A_2045, %get3A_2046] {strides = array<i32>} : memref<2x128xi32, #tpu.memory_space<vmem>>, vector<1x16xi32>,
      %get3A_2048 = vector.shape_cast %get3A_2047 : vector<1x16xi32> to vector<16xi32>
      %swap3A_2049 = arith.constant 48 : index
      %swap3A_2050 = tpu.vector_load %arg17[%swap3A_2049] {strides = array<i32>} : memref<64xi32, #tpu.memory_space<vmem>>, vector<16xi32>,
      %swap3A_2051 = vector.shape_cast %swap3A_2050 : vector<16xi32> to vector<16xi32>
      %swap3A_2052 = vector.shape_cast %get3A_2048 : vector<16xi32> to vector<16xi32>
      tpu.vector_store %arg17[%swap3A_2049], %swap3A_2052 {strides = array<i32>} : memref<64xi32, #tpu.memory_space<vmem>>, vector<16xi32>,
      %run_scoped3A_2053 = arith.constant 3 : i32
      "tpu.region"() ({
        %run_scoped3A_2207 = tpu.sem_alloc : memref<!tpu.dma_semaphore, #tpu.memory_space<semaphore_mem>>
        %dma_start3A_2208 = arith.constant 0 : i32
        %dma_start3A_2209 = arith.constant 0 : i32
        %dma_start3A_2210 = tpu.memref_slice %arg9[%run_scoped3A_2053, %dma_start3A_2208, %dma_start3A_2209] : memref<4x64x128xf32, #tpu.memory_space<vmem>> -> memref<1x64x128xf32, #tpu.memory_space<vmem>>
        %dma_start3A_2211 = tpu.memref_squeeze %dma_start3A_2210 : memref<1x64x128xf32, #tpu.memory_space<vmem>> -> memref<64x128xf32, #tpu.memory_space<vmem>>
        %dma_start3A_2212 = arith.constant 0 : i32
        %dma_start3A_2213 = arith.constant 0 : i32
        %dma_start3A_2214 = tpu.memref_slice %arg18[%dma_start3A_2212, %dma_start3A_2213] : memref<10240x128xf32, #tpu.memory_space<vmem_shared>> -> memref<10240x128xf32, #tpu.memory_space<vmem_shared>>
        tpu.enqueue_indirect_dma source(%dma_start3A_2211 : memref<64x128xf32, #tpu.memory_space<vmem>>) target(%dma_start3A_2214 : memref<10240x128xf32, #tpu.memory_space<vmem_shared>>) offsets(%arg17 : memref<64xi32, #tpu.memory_space<vmem>>) semaphore(%run_scoped3A_2207 : memref<!tpu.dma_semaphore, #tpu.memory_space<semaphore_mem>>) {add = true}
        %dma_wait3A_2215 = arith.constant 0 : i32
        %dma_wait3A_2216 = arith.constant 0 : i32
        %dma_wait3A_2217 = tpu.memref_slice %arg9[%run_scoped3A_2053, %dma_wait3A_2215, %dma_wait3A_2216] : memref<4x64x128xf32, #tpu.memory_space<vmem>> -> memref<1x64x128xf32, #tpu.memory_space<vmem>>
        %dma_wait3A_2218 = tpu.memref_squeeze %dma_wait3A_2217 : memref<1x64x128xf32, #tpu.memory_space<vmem>> -> memref<64x128xf32, #tpu.memory_space<vmem>>
        %dma_wait3A_2219 = arith.constant 0 : i32
        %dma_wait3A_2220 = arith.constant 0 : i32
        %dma_wait3A_2221 = tpu.memref_slice %arg18[%dma_wait3A_2219, %dma_wait3A_2220] : memref<10240x128xf32, #tpu.memory_space<vmem_shared>> -> memref<10240x128xf32, #tpu.memory_space<vmem_shared>>
        tpu.wait_indirect_dma semaphore(%run_scoped3A_2207 : memref<!tpu.dma_semaphore, #tpu.memory_space<semaphore_mem>>) src(%dma_wait3A_2218 : memref<64x128xf32, #tpu.memory_space<vmem>>) dst(%dma_wait3A_2221 : memref<10240x128xf32, #tpu.memory_space<vmem_shared>>)
        tpu.yield
      }) : () -> ()
      %dma_wait3A_2054 = arith.constant 0 : i32
      %dma_wait3A_2055 = arith.constant 0 : i32
      %dma_wait3A_2056 = tpu.memref_slice %arg2[%dma_wait3A_2054, %dma_wait3A_2055] : memref<2x320000xi32, #tpu.memory_space<hbm>> -> memref<2x128xi32, #tpu.memory_space<hbm>>
      %dma_wait3A_2057 = arith.constant 0 : i32
      %dma_wait3A_2058 = arith.constant 0 : i32
      %dma_wait3A_2059 = tpu.memref_slice %arg2[%dma_wait3A_2057, %dma_wait3A_2058] : memref<2x320000xi32, #tpu.memory_space<hbm>> -> memref<2x128xi32, #tpu.memory_space<hbm>>
      tpu.wait_dma2 semaphore(%arg20 : memref<!tpu.dma_semaphore, #tpu.memory_space<semaphore_mem>>) src(%dma_wait3A_2059 : memref<2x128xi32, #tpu.memory_space<hbm>>) dst(%arg6 : memref<2x128xi32, #tpu.memory_space<vmem>>)
      %get3A_2060 = arith.constant 0 : i32
      %get3A_2061 = arith.index_cast %get3A_2060 : i32 to index
      %get3A_2062 = arith.constant 0 : index
      %get3A_2063 = tpu.vector_load %arg6[%get3A_2061, %get3A_2062] {strides = array<i32>} : memref<2x128xi32, #tpu.memory_space<vmem>>, vector<1x16xi32>,
      %get3A_2064 = vector.shape_cast %get3A_2063 : vector<1x16xi32> to vector<16xi32>
      %swap3A_2065 = arith.constant 0 : index
      %swap3A_2066 = tpu.vector_load %arg12[%swap3A_2065] {strides = array<i32>} : memref<64xi32, #tpu.memory_space<vmem>>, vector<16xi32>,
      %swap3A_2067 = vector.shape_cast %swap3A_2066 : vector<16xi32> to vector<16xi32>
      %swap3A_2068 = vector.shape_cast %get3A_2064 : vector<16xi32> to vector<16xi32>
      tpu.vector_store %arg12[%swap3A_2065], %swap3A_2068 {strides = array<i32>} : memref<64xi32, #tpu.memory_space<vmem>>, vector<16xi32>,
      %get3A_2069 = arith.constant 0 : i32
      %get3A_2070 = arith.index_cast %get3A_2069 : i32 to index
      %get3A_2071 = arith.constant 16 : index
      %get3A_2072 = tpu.vector_load %arg6[%get3A_2070, %get3A_2071] {strides = array<i32>} : memref<2x128xi32, #tpu.memory_space<vmem>>, vector<1x16xi32>,
      %get3A_2073 = vector.shape_cast %get3A_2072 : vector<1x16xi32> to vector<16xi32>
      %swap3A_2074 = arith.constant 16 : index
      %swap3A_2075 = tpu.vector_load %arg12[%swap3A_2074] {strides = array<i32>} : memref<64xi32, #tpu.memory_space<vmem>>, vector<16xi32>,
      %swap3A_2076 = vector.shape_cast %swap3A_2075 : vector<16xi32> to vector<16xi32>
      %swap3A_2077 = vector.shape_cast %get3A_2073 : vector<16xi32> to vector<16xi32>
      tpu.vector_store %arg12[%swap3A_2074], %swap3A_2077 {strides = array<i32>} : memref<64xi32, #tpu.memory_space<vmem>>, vector<16xi32>,
      %get3A_2078 = arith.constant 0 : i32
      %get3A_2079 = arith.index_cast %get3A_2078 : i32 to index
      %get3A_2080 = arith.constant 32 : index
      %get3A_2081 = tpu.vector_load %arg6[%get3A_2079, %get3A_2080] {strides = array<i32>} : memref<2x128xi32, #tpu.memory_space<vmem>>, vector<1x16xi32>,
      %get3A_2082 = vector.shape_cast %get3A_2081 : vector<1x16xi32> to vector<16xi32>
      %swap3A_2083 = arith.constant 32 : index
      %swap3A_2084 = tpu.vector_load %arg12[%swap3A_2083] {strides = array<i32>} : memref<64xi32, #tpu.memory_space<vmem>>, vector<16xi32>,
      %swap3A_2085 = vector.shape_cast %swap3A_2084 : vector<16xi32> to vector<16xi32>
      %swap3A_2086 = vector.shape_cast %get3A_2082 : vector<16xi32> to vector<16xi32>
      tpu.vector_store %arg12[%swap3A_2083], %swap3A_2086 {strides = array<i32>} : memref<64xi32, #tpu.memory_space<vmem>>, vector<16xi32>,
      %get3A_2087 = arith.constant 0 : i32
      %get3A_2088 = arith.index_cast %get3A_2087 : i32 to index
      %get3A_2089 = arith.constant 48 : index
      %get3A_2090 = tpu.vector_load %arg6[%get3A_2088, %get3A_2089] {strides = array<i32>} : memref<2x128xi32, #tpu.memory_space<vmem>>, vector<1x16xi32>,
      %get3A_2091 = vector.shape_cast %get3A_2090 : vector<1x16xi32> to vector<16xi32>
      %swap3A_2092 = arith.constant 48 : index
      %swap3A_2093 = tpu.vector_load %arg12[%swap3A_2092] {strides = array<i32>} : memref<64xi32, #tpu.memory_space<vmem>>, vector<16xi32>,
      %swap3A_2094 = vector.shape_cast %swap3A_2093 : vector<16xi32> to vector<16xi32>
      %swap3A_2095 = vector.shape_cast %get3A_2091 : vector<16xi32> to vector<16xi32>
      tpu.vector_store %arg12[%swap3A_2092], %swap3A_2095 {strides = array<i32>} : memref<64xi32, #tpu.memory_space<vmem>>, vector<16xi32>,
      %dma_start3A_2096 = arith.constant 2 : i32
      %dma_start3A_2097 = arith.constant 0 : i32
      %dma_start3A_2098 = arith.constant 0 : i32
      %dma_start3A_2099 = tpu.memref_slice %arg9[%dma_start3A_2096, %dma_start3A_2097, %dma_start3A_2098] : memref<4x64x128xf32, #tpu.memory_space<vmem>> -> memref<1x64x128xf32, #tpu.memory_space<vmem>>
      %dma_start3A_2100 = tpu.memref_squeeze %dma_start3A_2099 : memref<1x64x128xf32, #tpu.memory_space<vmem>> -> memref<64x128xf32, #tpu.memory_space<vmem>>
      %dma_start3A_2101 = arith.constant 0 : i32
      %dma_start3A_2102 = arith.constant 0 : i32
      %dma_start3A_2103 = tpu.memref_slice %arg3[%dma_start3A_2101, %dma_start3A_2102] : memref<10000x128xf32, #tpu.memory_space<hbm>> -> memref<10000x128xf32, #tpu.memory_space<hbm>>
      tpu.enqueue_indirect_dma source(%dma_start3A_2103 : memref<10000x128xf32, #tpu.memory_space<hbm>>) target(%dma_start3A_2100 : memref<64x128xf32, #tpu.memory_space<vmem>>) offsets(%arg12 : memref<64xi32, #tpu.memory_space<vmem>>) semaphore(%arg25 : memref<!tpu.dma_semaphore, #tpu.memory_space<semaphore_mem>>)
      %mul3A_2104 = arith.constant 4 : i32
      %mul3A_2105 = arith.muli %mul3A_2104, %scan3A_1414 : i32
      %add3A_2106 = arith.addi %mul3A_2, %mul3A_2105 : i32
      %add3A_2107 = arith.constant 4 : i32
      %add3A_2108 = arith.addi %add3A_2106, %add3A_2107 : i32
      %add3A_2109 = arith.constant 3 : i32
      %add3A_2110 = arith.addi %add3A_2108, %add3A_2109 : i32
      %dma_wait3A_2111 = arith.constant 0 : i32
      %dma_wait3A_2112 = arith.constant 0 : i32
      %dma_wait3A_2113 = arith.constant 0 : i32
      %dma_wait3A_2114 = tpu.memref_slice %arg9[%dma_wait3A_2111, %dma_wait3A_2112, %dma_wait3A_2113] : memref<4x64x128xf32, #tpu.memory_space<vmem>> -> memref<1x64x128xf32, #tpu.memory_space<vmem>>
      %dma_wait3A_2115 = tpu.memref_squeeze %dma_wait3A_2114 : memref<1x64x128xf32, #tpu.memory_space<vmem>> -> memref<64x128xf32, #tpu.memory_space<vmem>>
      %dma_wait3A_2116 = arith.constant 0 : i32
      %dma_wait3A_2117 = arith.constant 0 : i32
      %dma_wait3A_2118 = tpu.memref_slice %arg3[%dma_wait3A_2116, %dma_wait3A_2117] : memref<10000x128xf32, #tpu.memory_space<hbm>> -> memref<10000x128xf32, #tpu.memory_space<hbm>>
      tpu.wait_indirect_dma semaphore(%arg23 : memref<!tpu.dma_semaphore, #tpu.memory_space<semaphore_mem>>) src(%dma_wait3A_2118 : memref<10000x128xf32, #tpu.memory_space<hbm>>) dst(%dma_wait3A_2115 : memref<64x128xf32, #tpu.memory_space<vmem>>)
      %get3A_2119 = arith.constant 1 : i32
      %get3A_2120 = arith.index_cast %get3A_2119 : i32 to index
      %get3A_2121 = arith.constant 0 : index
      %get3A_2122 = tpu.vector_load %arg5[%get3A_2120, %get3A_2121] {strides = array<i32>} : memref<2x128xi32, #tpu.memory_space<vmem>>, vector<1x16xi32>,
      %get3A_2123 = vector.shape_cast %get3A_2122 : vector<1x16xi32> to vector<16xi32>
      %swap3A_2124 = arith.constant 0 : index
      %swap3A_2125 = tpu.vector_load %arg14[%swap3A_2124] {strides = array<i32>} : memref<64xi32, #tpu.memory_space<vmem>>, vector<16xi32>,
      %swap3A_2126 = vector.shape_cast %swap3A_2125 : vector<16xi32> to vector<16xi32>
      %swap3A_2127 = vector.shape_cast %get3A_2123 : vector<16xi32> to vector<16xi32>
      tpu.vector_store %arg14[%swap3A_2124], %swap3A_2127 {strides = array<i32>} : memref<64xi32, #tpu.memory_space<vmem>>, vector<16xi32>,
      %get3A_2128 = arith.constant 1 : i32
      %get3A_2129 = arith.index_cast %get3A_2128 : i32 to index
      %get3A_2130 = arith.constant 16 : index
      %get3A_2131 = tpu.vector_load %arg5[%get3A_2129, %get3A_2130] {strides = array<i32>} : memref<2x128xi32, #tpu.memory_space<vmem>>, vector<1x16xi32>,
      %get3A_2132 = vector.shape_cast %get3A_2131 : vector<1x16xi32> to vector<16xi32>
      %swap3A_2133 = arith.constant 16 : index
      %swap3A_2134 = tpu.vector_load %arg14[%swap3A_2133] {strides = array<i32>} : memref<64xi32, #tpu.memory_space<vmem>>, vector<16xi32>,
      %swap3A_2135 = vector.shape_cast %swap3A_2134 : vector<16xi32> to vector<16xi32>
      %swap3A_2136 = vector.shape_cast %get3A_2132 : vector<16xi32> to vector<16xi32>
      tpu.vector_store %arg14[%swap3A_2133], %swap3A_2136 {strides = array<i32>} : memref<64xi32, #tpu.memory_space<vmem>>, vector<16xi32>,
      %get3A_2137 = arith.constant 1 : i32
      %get3A_2138 = arith.index_cast %get3A_2137 : i32 to index
      %get3A_2139 = arith.constant 32 : index
      %get3A_2140 = tpu.vector_load %arg5[%get3A_2138, %get3A_2139] {strides = array<i32>} : memref<2x128xi32, #tpu.memory_space<vmem>>, vector<1x16xi32>,
      %get3A_2141 = vector.shape_cast %get3A_2140 : vector<1x16xi32> to vector<16xi32>
      %swap3A_2142 = arith.constant 32 : index
      %swap3A_2143 = tpu.vector_load %arg14[%swap3A_2142] {strides = array<i32>} : memref<64xi32, #tpu.memory_space<vmem>>, vector<16xi32>,
      %swap3A_2144 = vector.shape_cast %swap3A_2143 : vector<16xi32> to vector<16xi32>
      %swap3A_2145 = vector.shape_cast %get3A_2141 : vector<16xi32> to vector<16xi32>
      tpu.vector_store %arg14[%swap3A_2142], %swap3A_2145 {strides = array<i32>} : memref<64xi32, #tpu.memory_space<vmem>>, vector<16xi32>,
      %get3A_2146 = arith.constant 1 : i32
      %get3A_2147 = arith.index_cast %get3A_2146 : i32 to index
      %get3A_2148 = arith.constant 48 : index
      %get3A_2149 = tpu.vector_load %arg5[%get3A_2147, %get3A_2148] {strides = array<i32>} : memref<2x128xi32, #tpu.memory_space<vmem>>, vector<1x16xi32>,
      %get3A_2150 = vector.shape_cast %get3A_2149 : vector<1x16xi32> to vector<16xi32>
      %swap3A_2151 = arith.constant 48 : index
      %swap3A_2152 = tpu.vector_load %arg14[%swap3A_2151] {strides = array<i32>} : memref<64xi32, #tpu.memory_space<vmem>>, vector<16xi32>,
      %swap3A_2153 = vector.shape_cast %swap3A_2152 : vector<16xi32> to vector<16xi32>
      %swap3A_2154 = vector.shape_cast %get3A_2150 : vector<16xi32> to vector<16xi32>
      tpu.vector_store %arg14[%swap3A_2151], %swap3A_2154 {strides = array<i32>} : memref<64xi32, #tpu.memory_space<vmem>>, vector<16xi32>,
      %run_scoped3A_2155 = arith.constant 0 : i32
      "tpu.region"() ({
        %run_scoped3A_2207 = tpu.sem_alloc : memref<!tpu.dma_semaphore, #tpu.memory_space<semaphore_mem>>
        %dma_start3A_2208 = arith.constant 0 : i32
        %dma_start3A_2209 = arith.constant 0 : i32
        %dma_start3A_2210 = tpu.memref_slice %arg9[%run_scoped3A_2155, %dma_start3A_2208, %dma_start3A_2209] : memref<4x64x128xf32, #tpu.memory_space<vmem>> -> memref<1x64x128xf32, #tpu.memory_space<vmem>>
        %dma_start3A_2211 = tpu.memref_squeeze %dma_start3A_2210 : memref<1x64x128xf32, #tpu.memory_space<vmem>> -> memref<64x128xf32, #tpu.memory_space<vmem>>
        %dma_start3A_2212 = arith.constant 0 : i32
        %dma_start3A_2213 = arith.constant 0 : i32
        %dma_start3A_2214 = tpu.memref_slice %arg18[%dma_start3A_2212, %dma_start3A_2213] : memref<10240x128xf32, #tpu.memory_space<vmem_shared>> -> memref<10240x128xf32, #tpu.memory_space<vmem_shared>>
        tpu.enqueue_indirect_dma source(%dma_start3A_2211 : memref<64x128xf32, #tpu.memory_space<vmem>>) target(%dma_start3A_2214 : memref<10240x128xf32, #tpu.memory_space<vmem_shared>>) offsets(%arg14 : memref<64xi32, #tpu.memory_space<vmem>>) semaphore(%run_scoped3A_2207 : memref<!tpu.dma_semaphore, #tpu.memory_space<semaphore_mem>>) {add = true}
        %dma_wait3A_2215 = arith.constant 0 : i32
        %dma_wait3A_2216 = arith.constant 0 : i32
        %dma_wait3A_2217 = tpu.memref_slice %arg9[%run_scoped3A_2155, %dma_wait3A_2215, %dma_wait3A_2216] : memref<4x64x128xf32, #tpu.memory_space<vmem>> -> memref<1x64x128xf32, #tpu.memory_space<vmem>>
        %dma_wait3A_2218 = tpu.memref_squeeze %dma_wait3A_2217 : memref<1x64x128xf32, #tpu.memory_space<vmem>> -> memref<64x128xf32, #tpu.memory_space<vmem>>
        %dma_wait3A_2219 = arith.constant 0 : i32
        %dma_wait3A_2220 = arith.constant 0 : i32
        %dma_wait3A_2221 = tpu.memref_slice %arg18[%dma_wait3A_2219, %dma_wait3A_2220] : memref<10240x128xf32, #tpu.memory_space<vmem_shared>> -> memref<10240x128xf32, #tpu.memory_space<vmem_shared>>
        tpu.wait_indirect_dma semaphore(%run_scoped3A_2207 : memref<!tpu.dma_semaphore, #tpu.memory_space<semaphore_mem>>) src(%dma_wait3A_2218 : memref<64x128xf32, #tpu.memory_space<vmem>>) dst(%dma_wait3A_2221 : memref<10240x128xf32, #tpu.memory_space<vmem_shared>>)
        tpu.yield
      }) : () -> ()
      %get3A_2156 = arith.constant 0 : i32
      %get3A_2157 = arith.index_cast %get3A_2156 : i32 to index
      %get3A_2158 = arith.constant 64 : index
      %get3A_2159 = tpu.vector_load %arg6[%get3A_2157, %get3A_2158] {strides = array<i32>} : memref<2x128xi32, #tpu.memory_space<vmem>>, vector<1x16xi32>,
      %get3A_2160 = vector.shape_cast %get3A_2159 : vector<1x16xi32> to vector<16xi32>
      %swap3A_2161 = arith.constant 0 : index
      %swap3A_2162 = tpu.vector_load %arg13[%swap3A_2161] {strides = array<i32>} : memref<64xi32, #tpu.memory_space<vmem>>, vector<16xi32>,
      %swap3A_2163 = vector.shape_cast %swap3A_2162 : vector<16xi32> to vector<16xi32>
      %swap3A_2164 = vector.shape_cast %get3A_2160 : vector<16xi32> to vector<16xi32>
      tpu.vector_store %arg13[%swap3A_2161], %swap3A_2164 {strides = array<i32>} : memref<64xi32, #tpu.memory_space<vmem>>, vector<16xi32>,
      %get3A_2165 = arith.constant 0 : i32
      %get3A_2166 = arith.index_cast %get3A_2165 : i32 to index
      %get3A_2167 = arith.constant 80 : index
      %get3A_2168 = tpu.vector_load %arg6[%get3A_2166, %get3A_2167] {strides = array<i32>} : memref<2x128xi32, #tpu.memory_space<vmem>>, vector<1x16xi32>,
      %get3A_2169 = vector.shape_cast %get3A_2168 : vector<1x16xi32> to vector<16xi32>
      %swap3A_2170 = arith.constant 16 : index
      %swap3A_2171 = tpu.vector_load %arg13[%swap3A_2170] {strides = array<i32>} : memref<64xi32, #tpu.memory_space<vmem>>, vector<16xi32>,
      %swap3A_2172 = vector.shape_cast %swap3A_2171 : vector<16xi32> to vector<16xi32>
      %swap3A_2173 = vector.shape_cast %get3A_2169 : vector<16xi32> to vector<16xi32>
      tpu.vector_store %arg13[%swap3A_2170], %swap3A_2173 {strides = array<i32>} : memref<64xi32, #tpu.memory_space<vmem>>, vector<16xi32>,
      %get3A_2174 = arith.constant 0 : i32
      %get3A_2175 = arith.index_cast %get3A_2174 : i32 to index
      %get3A_2176 = arith.constant 96 : index
      %get3A_2177 = tpu.vector_load %arg6[%get3A_2175, %get3A_2176] {strides = array<i32>} : memref<2x128xi32, #tpu.memory_space<vmem>>, vector<1x16xi32>,
      %get3A_2178 = vector.shape_cast %get3A_2177 : vector<1x16xi32> to vector<16xi32>
      %swap3A_2179 = arith.constant 32 : index
      %swap3A_2180 = tpu.vector_load %arg13[%swap3A_2179] {strides = array<i32>} : memref<64xi32, #tpu.memory_space<vmem>>, vector<16xi32>,
      %swap3A_2181 = vector.shape_cast %swap3A_2180 : vector<16xi32> to vector<16xi32>
      %swap3A_2182 = vector.shape_cast %get3A_2178 : vector<16xi32> to vector<16xi32>
      tpu.vector_store %arg13[%swap3A_2179], %swap3A_2182 {strides = array<i32>} : memref<64xi32, #tpu.memory_space<vmem>>, vector<16xi32>,
      %get3A_2183 = arith.constant 0 : i32
      %get3A_2184 = arith.index_cast %get3A_2183 : i32 to index
      %get3A_2185 = arith.constant 112 : index
      %get3A_2186 = tpu.vector_load %arg6[%get3A_2184, %get3A_2185] {strides = array<i32>} : memref<2x128xi32, #tpu.memory_space<vmem>>, vector<1x16xi32>,
      %get3A_2187 = vector.shape_cast %get3A_2186 : vector<1x16xi32> to vector<16xi32>
      %swap3A_2188 = arith.constant 48 : index
      %swap3A_2189 = tpu.vector_load %arg13[%swap3A_2188] {strides = array<i32>} : memref<64xi32, #tpu.memory_space<vmem>>, vector<16xi32>,
      %swap3A_2190 = vector.shape_cast %swap3A_2189 : vector<16xi32> to vector<16xi32>
      %swap3A_2191 = vector.shape_cast %get3A_2187 : vector<16xi32> to vector<16xi32>
      tpu.vector_store %arg13[%swap3A_2188], %swap3A_2191 {strides = array<i32>} : memref<64xi32, #tpu.memory_space<vmem>>, vector<16xi32>,
      %dma_start3A_2192 = arith.constant 3 : i32
      %dma_start3A_2193 = arith.constant 0 : i32
      %dma_start3A_2194 = arith.constant 0 : i32
      %dma_start3A_2195 = tpu.memref_slice %arg9[%dma_start3A_2192, %dma_start3A_2193, %dma_start3A_2194] : memref<4x64x128xf32, #tpu.memory_space<vmem>> -> memref<1x64x128xf32, #tpu.memory_space<vmem>>
      %dma_start3A_2196 = tpu.memref_squeeze %dma_start3A_2195 : memref<1x64x128xf32, #tpu.memory_space<vmem>> -> memref<64x128xf32, #tpu.memory_space<vmem>>
      %dma_start3A_2197 = arith.constant 0 : i32
      %dma_start3A_2198 = arith.constant 0 : i32
      %dma_start3A_2199 = tpu.memref_slice %arg3[%dma_start3A_2197, %dma_start3A_2198] : memref<10000x128xf32, #tpu.memory_space<hbm>> -> memref<10000x128xf32, #tpu.memory_space<hbm>>
      tpu.enqueue_indirect_dma source(%dma_start3A_2199 : memref<10000x128xf32, #tpu.memory_space<hbm>>) target(%dma_start3A_2196 : memref<64x128xf32, #tpu.memory_space<vmem>>) offsets(%arg13 : memref<64xi32, #tpu.memory_space<vmem>>) semaphore(%arg26 : memref<!tpu.dma_semaphore, #tpu.memory_space<semaphore_mem>>)
      %mul3A_2200 = arith.constant 128 : i32
      %mul3A_2201 = arith.muli %add3A_2110, %mul3A_2200 : i32
      %multiple_of3A_2202 = tpu.assume_multiple %mul3A_2201, 128 : i32
      %dma_start3A_2203 = arith.constant 0 : i32
      %dma_start3A_2204 = tpu.memref_slice %arg2[%dma_start3A_2203, %multiple_of3A_2202] : memref<2x320000xi32, #tpu.memory_space<hbm>> -> memref<2x128xi32, #tpu.memory_space<hbm>>
      %dma_start3A_2205 = arith.constant 0 : i32
      %dma_start3A_2206 = tpu.memref_slice %arg2[%dma_start3A_2205, %multiple_of3A_2202] : memref<2x320000xi32, #tpu.memory_space<hbm>> -> memref<2x128xi32, #tpu.memory_space<hbm>>
      tpu.enqueue_dma source(%dma_start3A_2206 : memref<2x128xi32, #tpu.memory_space<hbm>>) target(%arg8 : memref<2x128xi32, #tpu.memory_space<vmem>>) target_semaphore(%arg22 : memref<!tpu.dma_semaphore, #tpu.memory_space<semaphore_mem>>)
    }
    %scan3A_328 = arith.constant 18 : i32
    %dma_wait3A_329 = arith.constant 1 : i32
    %dma_wait3A_330 = arith.constant 0 : i32
    %dma_wait3A_331 = arith.constant 0 : i32
    %dma_wait3A_332 = tpu.memref_slice %arg9[%dma_wait3A_329, %dma_wait3A_330, %dma_wait3A_331] : memref<4x64x128xf32, #tpu.memory_space<vmem>> -> memref<1x64x128xf32, #tpu.memory_space<vmem>>
    %dma_wait3A_333 = tpu.memref_squeeze %dma_wait3A_332 : memref<1x64x128xf32, #tpu.memory_space<vmem>> -> memref<64x128xf32, #tpu.memory_space<vmem>>
    %dma_wait3A_334 = arith.constant 0 : i32
    %dma_wait3A_335 = arith.constant 0 : i32
    %dma_wait3A_336 = tpu.memref_slice %arg3[%dma_wait3A_334, %dma_wait3A_335] : memref<10000x128xf32, #tpu.memory_space<hbm>> -> memref<10000x128xf32, #tpu.memory_space<hbm>>
    tpu.wait_indirect_dma semaphore(%arg24 : memref<!tpu.dma_semaphore, #tpu.memory_space<semaphore_mem>>) src(%dma_wait3A_336 : memref<10000x128xf32, #tpu.memory_space<hbm>>) dst(%dma_wait3A_333 : memref<64x128xf32, #tpu.memory_space<vmem>>)
    %get3A_337 = arith.constant 1 : i32
    %get3A_338 = arith.index_cast %get3A_337 : i32 to index
    %get3A_339 = arith.constant 64 : index
    %get3A_340 = tpu.vector_load %arg5[%get3A_338, %get3A_339] {strides = array<i32>} : memref<2x128xi32, #tpu.memory_space<vmem>>, vector<1x16xi32>,
    %get3A_341 = vector.shape_cast %get3A_340 : vector<1x16xi32> to vector<16xi32>
    %swap3A_342 = arith.constant 0 : index
    %swap3A_343 = tpu.vector_load %arg15[%swap3A_342] {strides = array<i32>} : memref<64xi32, #tpu.memory_space<vmem>>, vector<16xi32>,
    %swap3A_344 = vector.shape_cast %swap3A_343 : vector<16xi32> to vector<16xi32>
    %swap3A_345 = vector.shape_cast %get3A_341 : vector<16xi32> to vector<16xi32>
    tpu.vector_store %arg15[%swap3A_342], %swap3A_345 {strides = array<i32>} : memref<64xi32, #tpu.memory_space<vmem>>, vector<16xi32>,
    %get3A_346 = arith.constant 1 : i32
    %get3A_347 = arith.index_cast %get3A_346 : i32 to index
    %get3A_348 = arith.constant 80 : index
    %get3A_349 = tpu.vector_load %arg5[%get3A_347, %get3A_348] {strides = array<i32>} : memref<2x128xi32, #tpu.memory_space<vmem>>, vector<1x16xi32>,
    %get3A_350 = vector.shape_cast %get3A_349 : vector<1x16xi32> to vector<16xi32>
    %swap3A_351 = arith.constant 16 : index
    %swap3A_352 = tpu.vector_load %arg15[%swap3A_351] {strides = array<i32>} : memref<64xi32, #tpu.memory_space<vmem>>, vector<16xi32>,
    %swap3A_353 = vector.shape_cast %swap3A_352 : vector<16xi32> to vector<16xi32>
    %swap3A_354 = vector.shape_cast %get3A_350 : vector<16xi32> to vector<16xi32>
    tpu.vector_store %arg15[%swap3A_351], %swap3A_354 {strides = array<i32>} : memref<64xi32, #tpu.memory_space<vmem>>, vector<16xi32>,
    %get3A_355 = arith.constant 1 : i32
    %get3A_356 = arith.index_cast %get3A_355 : i32 to index
    %get3A_357 = arith.constant 96 : index
    %get3A_358 = tpu.vector_load %arg5[%get3A_356, %get3A_357] {strides = array<i32>} : memref<2x128xi32, #tpu.memory_space<vmem>>, vector<1x16xi32>,
    %get3A_359 = vector.shape_cast %get3A_358 : vector<1x16xi32> to vector<16xi32>
    %swap3A_360 = arith.constant 32 : index
    %swap3A_361 = tpu.vector_load %arg15[%swap3A_360] {strides = array<i32>} : memref<64xi32, #tpu.memory_space<vmem>>, vector<16xi32>,
    %swap3A_362 = vector.shape_cast %swap3A_361 : vector<16xi32> to vector<16xi32>
    %swap3A_363 = vector.shape_cast %get3A_359 : vector<16xi32> to vector<16xi32>
    tpu.vector_store %arg15[%swap3A_360], %swap3A_363 {strides = array<i32>} : memref<64xi32, #tpu.memory_space<vmem>>, vector<16xi32>,
    %get3A_364 = arith.constant 1 : i32
    %get3A_365 = arith.index_cast %get3A_364 : i32 to index
    %get3A_366 = arith.constant 112 : index
    %get3A_367 = tpu.vector_load %arg5[%get3A_365, %get3A_366] {strides = array<i32>} : memref<2x128xi32, #tpu.memory_space<vmem>>, vector<1x16xi32>,
    %get3A_368 = vector.shape_cast %get3A_367 : vector<1x16xi32> to vector<16xi32>
    %swap3A_369 = arith.constant 48 : index
    %swap3A_370 = tpu.vector_load %arg15[%swap3A_369] {strides = array<i32>} : memref<64xi32, #tpu.memory_space<vmem>>, vector<16xi32>,
    %swap3A_371 = vector.shape_cast %swap3A_370 : vector<16xi32> to vector<16xi32>
    %swap3A_372 = vector.shape_cast %get3A_368 : vector<16xi32> to vector<16xi32>
    tpu.vector_store %arg15[%swap3A_369], %swap3A_372 {strides = array<i32>} : memref<64xi32, #tpu.memory_space<vmem>>, vector<16xi32>,
    %run_scoped3A_373 = arith.constant 1 : i32
    "tpu.region"() ({
      %run_scoped3A_1414 = tpu.sem_alloc : memref<!tpu.dma_semaphore, #tpu.memory_space<semaphore_mem>>
      %dma_start3A_1415 = arith.constant 0 : i32
      %dma_start3A_1416 = arith.constant 0 : i32
      %dma_start3A_1417 = tpu.memref_slice %arg9[%run_scoped3A_373, %dma_start3A_1415, %dma_start3A_1416] : memref<4x64x128xf32, #tpu.memory_space<vmem>> -> memref<1x64x128xf32, #tpu.memory_space<vmem>>
      %dma_start3A_1418 = tpu.memref_squeeze %dma_start3A_1417 : memref<1x64x128xf32, #tpu.memory_space<vmem>> -> memref<64x128xf32, #tpu.memory_space<vmem>>
      %dma_start3A_1419 = arith.constant 0 : i32
      %dma_start3A_1420 = arith.constant 0 : i32
      %dma_start3A_1421 = tpu.memref_slice %arg18[%dma_start3A_1419, %dma_start3A_1420] : memref<10240x128xf32, #tpu.memory_space<vmem_shared>> -> memref<10240x128xf32, #tpu.memory_space<vmem_shared>>
      tpu.enqueue_indirect_dma source(%dma_start3A_1418 : memref<64x128xf32, #tpu.memory_space<vmem>>) target(%dma_start3A_1421 : memref<10240x128xf32, #tpu.memory_space<vmem_shared>>) offsets(%arg15 : memref<64xi32, #tpu.memory_space<vmem>>) semaphore(%run_scoped3A_1414 : memref<!tpu.dma_semaphore, #tpu.memory_space<semaphore_mem>>) {add = true}
      %dma_wait3A_1422 = arith.constant 0 : i32
      %dma_wait3A_1423 = arith.constant 0 : i32
      %dma_wait3A_1424 = tpu.memref_slice %arg9[%run_scoped3A_373, %dma_wait3A_1422, %dma_wait3A_1423] : memref<4x64x128xf32, #tpu.memory_space<vmem>> -> memref<1x64x128xf32, #tpu.memory_space<vmem>>
      %dma_wait3A_1425 = tpu.memref_squeeze %dma_wait3A_1424 : memref<1x64x128xf32, #tpu.memory_space<vmem>> -> memref<64x128xf32, #tpu.memory_space<vmem>>
      %dma_wait3A_1426 = arith.constant 0 : i32
      %dma_wait3A_1427 = arith.constant 0 : i32
      %dma_wait3A_1428 = tpu.memref_slice %arg18[%dma_wait3A_1426, %dma_wait3A_1427] : memref<10240x128xf32, #tpu.memory_space<vmem_shared>> -> memref<10240x128xf32, #tpu.memory_space<vmem_shared>>
      tpu.wait_indirect_dma semaphore(%run_scoped3A_1414 : memref<!tpu.dma_semaphore, #tpu.memory_space<semaphore_mem>>) src(%dma_wait3A_1425 : memref<64x128xf32, #tpu.memory_space<vmem>>) dst(%dma_wait3A_1428 : memref<10240x128xf32, #tpu.memory_space<vmem_shared>>)
      tpu.yield
    }) : () -> ()
    %dma_wait3A_374 = arith.constant 0 : i32
    %dma_wait3A_375 = arith.constant 0 : i32
    %dma_wait3A_376 = tpu.memref_slice %arg2[%dma_wait3A_374, %dma_wait3A_375] : memref<2x320000xi32, #tpu.memory_space<hbm>> -> memref<2x128xi32, #tpu.memory_space<hbm>>
    %dma_wait3A_377 = arith.constant 0 : i32
    %dma_wait3A_378 = arith.constant 0 : i32
    %dma_wait3A_379 = tpu.memref_slice %arg2[%dma_wait3A_377, %dma_wait3A_378] : memref<2x320000xi32, #tpu.memory_space<hbm>> -> memref<2x128xi32, #tpu.memory_space<hbm>>
    tpu.wait_dma2 semaphore(%arg21 : memref<!tpu.dma_semaphore, #tpu.memory_space<semaphore_mem>>) src(%dma_wait3A_379 : memref<2x128xi32, #tpu.memory_space<hbm>>) dst(%arg7 : memref<2x128xi32, #tpu.memory_space<vmem>>)
    %get3A_380 = arith.constant 0 : i32
    %get3A_381 = arith.index_cast %get3A_380 : i32 to index
    %get3A_382 = arith.constant 0 : index
    %get3A_383 = tpu.vector_load %arg7[%get3A_381, %get3A_382] {strides = array<i32>} : memref<2x128xi32, #tpu.memory_space<vmem>>, vector<1x16xi32>,
    %get3A_384 = vector.shape_cast %get3A_383 : vector<1x16xi32> to vector<16xi32>
    %swap3A_385 = arith.constant 0 : index
    %swap3A_386 = tpu.vector_load %arg10[%swap3A_385] {strides = array<i32>} : memref<64xi32, #tpu.memory_space<vmem>>, vector<16xi32>,
    %swap3A_387 = vector.shape_cast %swap3A_386 : vector<16xi32> to vector<16xi32>
    %swap3A_388 = vector.shape_cast %get3A_384 : vector<16xi32> to vector<16xi32>
    tpu.vector_store %arg10[%swap3A_385], %swap3A_388 {strides = array<i32>} : memref<64xi32, #tpu.memory_space<vmem>>, vector<16xi32>,
    %get3A_389 = arith.constant 0 : i32
    %get3A_390 = arith.index_cast %get3A_389 : i32 to index
    %get3A_391 = arith.constant 16 : index
    %get3A_392 = tpu.vector_load %arg7[%get3A_390, %get3A_391] {strides = array<i32>} : memref<2x128xi32, #tpu.memory_space<vmem>>, vector<1x16xi32>,
    %get3A_393 = vector.shape_cast %get3A_392 : vector<1x16xi32> to vector<16xi32>
    %swap3A_394 = arith.constant 16 : index
    %swap3A_395 = tpu.vector_load %arg10[%swap3A_394] {strides = array<i32>} : memref<64xi32, #tpu.memory_space<vmem>>, vector<16xi32>,
    %swap3A_396 = vector.shape_cast %swap3A_395 : vector<16xi32> to vector<16xi32>
    %swap3A_397 = vector.shape_cast %get3A_393 : vector<16xi32> to vector<16xi32>
    tpu.vector_store %arg10[%swap3A_394], %swap3A_397 {strides = array<i32>} : memref<64xi32, #tpu.memory_space<vmem>>, vector<16xi32>,
    %get3A_398 = arith.constant 0 : i32
    %get3A_399 = arith.index_cast %get3A_398 : i32 to index
    %get3A_400 = arith.constant 32 : index
    %get3A_401 = tpu.vector_load %arg7[%get3A_399, %get3A_400] {strides = array<i32>} : memref<2x128xi32, #tpu.memory_space<vmem>>, vector<1x16xi32>,
    %get3A_402 = vector.shape_cast %get3A_401 : vector<1x16xi32> to vector<16xi32>
    %swap3A_403 = arith.constant 32 : index
    %swap3A_404 = tpu.vector_load %arg10[%swap3A_403] {strides = array<i32>} : memref<64xi32, #tpu.memory_space<vmem>>, vector<16xi32>,
    %swap3A_405 = vector.shape_cast %swap3A_404 : vector<16xi32> to vector<16xi32>
    %swap3A_406 = vector.shape_cast %get3A_402 : vector<16xi32> to vector<16xi32>
    tpu.vector_store %arg10[%swap3A_403], %swap3A_406 {strides = array<i32>} : memref<64xi32, #tpu.memory_space<vmem>>, vector<16xi32>,
    %get3A_407 = arith.constant 0 : i32
    %get3A_408 = arith.index_cast %get3A_407 : i32 to index
    %get3A_409 = arith.constant 48 : index
    %get3A_410 = tpu.vector_load %arg7[%get3A_408, %get3A_409] {strides = array<i32>} : memref<2x128xi32, #tpu.memory_space<vmem>>, vector<1x16xi32>,
    %get3A_411 = vector.shape_cast %get3A_410 : vector<1x16xi32> to vector<16xi32>
    %swap3A_412 = arith.constant 48 : index
    %swap3A_413 = tpu.vector_load %arg10[%swap3A_412] {strides = array<i32>} : memref<64xi32, #tpu.memory_space<vmem>>, vector<16xi32>,
    %swap3A_414 = vector.shape_cast %swap3A_413 : vector<16xi32> to vector<16xi32>
    %swap3A_415 = vector.shape_cast %get3A_411 : vector<16xi32> to vector<16xi32>
    tpu.vector_store %arg10[%swap3A_412], %swap3A_415 {strides = array<i32>} : memref<64xi32, #tpu.memory_space<vmem>>, vector<16xi32>,
    %dma_start3A_416 = arith.constant 0 : i32
    %dma_start3A_417 = arith.constant 0 : i32
    %dma_start3A_418 = arith.constant 0 : i32
    %dma_start3A_419 = tpu.memref_slice %arg9[%dma_start3A_416, %dma_start3A_417, %dma_start3A_418] : memref<4x64x128xf32, #tpu.memory_space<vmem>> -> memref<1x64x128xf32, #tpu.memory_space<vmem>>
    %dma_start3A_420 = tpu.memref_squeeze %dma_start3A_419 : memref<1x64x128xf32, #tpu.memory_space<vmem>> -> memref<64x128xf32, #tpu.memory_space<vmem>>
    %dma_start3A_421 = arith.constant 0 : i32
    %dma_start3A_422 = arith.constant 0 : i32
    %dma_start3A_423 = tpu.memref_slice %arg3[%dma_start3A_421, %dma_start3A_422] : memref<10000x128xf32, #tpu.memory_space<hbm>> -> memref<10000x128xf32, #tpu.memory_space<hbm>>
    tpu.enqueue_indirect_dma source(%dma_start3A_423 : memref<10000x128xf32, #tpu.memory_space<hbm>>) target(%dma_start3A_420 : memref<64x128xf32, #tpu.memory_space<vmem>>) offsets(%arg10 : memref<64xi32, #tpu.memory_space<vmem>>) semaphore(%arg23 : memref<!tpu.dma_semaphore, #tpu.memory_space<semaphore_mem>>)
    %add3A_424 = arith.constant 76 : i32
    %add3A_425 = arith.addi %mul3A_2, %add3A_424 : i32
    %dma_wait3A_426 = arith.constant 2 : i32
    %dma_wait3A_427 = arith.constant 0 : i32
    %dma_wait3A_428 = arith.constant 0 : i32
    %dma_wait3A_429 = tpu.memref_slice %arg9[%dma_wait3A_426, %dma_wait3A_427, %dma_wait3A_428] : memref<4x64x128xf32, #tpu.memory_space<vmem>> -> memref<1x64x128xf32, #tpu.memory_space<vmem>>
    %dma_wait3A_430 = tpu.memref_squeeze %dma_wait3A_429 : memref<1x64x128xf32, #tpu.memory_space<vmem>> -> memref<64x128xf32, #tpu.memory_space<vmem>>
    %dma_wait3A_431 = arith.constant 0 : i32
    %dma_wait3A_432 = arith.constant 0 : i32
    %dma_wait3A_433 = tpu.memref_slice %arg3[%dma_wait3A_431, %dma_wait3A_432] : memref<10000x128xf32, #tpu.memory_space<hbm>> -> memref<10000x128xf32, #tpu.memory_space<hbm>>
    tpu.wait_indirect_dma semaphore(%arg25 : memref<!tpu.dma_semaphore, #tpu.memory_space<semaphore_mem>>) src(%dma_wait3A_433 : memref<10000x128xf32, #tpu.memory_space<hbm>>) dst(%dma_wait3A_430 : memref<64x128xf32, #tpu.memory_space<vmem>>)
    %get3A_434 = arith.constant 1 : i32
    %get3A_435 = arith.index_cast %get3A_434 : i32 to index
    %get3A_436 = arith.constant 0 : index
    %get3A_437 = tpu.vector_load %arg6[%get3A_435, %get3A_436] {strides = array<i32>} : memref<2x128xi32, #tpu.memory_space<vmem>>, vector<1x16xi32>,
    %get3A_438 = vector.shape_cast %get3A_437 : vector<1x16xi32> to vector<16xi32>
    %swap3A_439 = arith.constant 0 : index
    %swap3A_440 = tpu.vector_load %arg16[%swap3A_439] {strides = array<i32>} : memref<64xi32, #tpu.memory_space<vmem>>, vector<16xi32>,
    %swap3A_441 = vector.shape_cast %swap3A_440 : vector<16xi32> to vector<16xi32>
    %swap3A_442 = vector.shape_cast %get3A_438 : vector<16xi32> to vector<16xi32>
    tpu.vector_store %arg16[%swap3A_439], %swap3A_442 {strides = array<i32>} : memref<64xi32, #tpu.memory_space<vmem>>, vector<16xi32>,
    %get3A_443 = arith.constant 1 : i32
    %get3A_444 = arith.index_cast %get3A_443 : i32 to index
    %get3A_445 = arith.constant 16 : index
    %get3A_446 = tpu.vector_load %arg6[%get3A_444, %get3A_445] {strides = array<i32>} : memref<2x128xi32, #tpu.memory_space<vmem>>, vector<1x16xi32>,
    %get3A_447 = vector.shape_cast %get3A_446 : vector<1x16xi32> to vector<16xi32>
    %swap3A_448 = arith.constant 16 : index
    %swap3A_449 = tpu.vector_load %arg16[%swap3A_448] {strides = array<i32>} : memref<64xi32, #tpu.memory_space<vmem>>, vector<16xi32>,
    %swap3A_450 = vector.shape_cast %swap3A_449 : vector<16xi32> to vector<16xi32>
    %swap3A_451 = vector.shape_cast %get3A_447 : vector<16xi32> to vector<16xi32>
    tpu.vector_store %arg16[%swap3A_448], %swap3A_451 {strides = array<i32>} : memref<64xi32, #tpu.memory_space<vmem>>, vector<16xi32>,
    %get3A_452 = arith.constant 1 : i32
    %get3A_453 = arith.index_cast %get3A_452 : i32 to index
    %get3A_454 = arith.constant 32 : index
    %get3A_455 = tpu.vector_load %arg6[%get3A_453, %get3A_454] {strides = array<i32>} : memref<2x128xi32, #tpu.memory_space<vmem>>, vector<1x16xi32>,
    %get3A_456 = vector.shape_cast %get3A_455 : vector<1x16xi32> to vector<16xi32>
    %swap3A_457 = arith.constant 32 : index
    %swap3A_458 = tpu.vector_load %arg16[%swap3A_457] {strides = array<i32>} : memref<64xi32, #tpu.memory_space<vmem>>, vector<16xi32>,
    %swap3A_459 = vector.shape_cast %swap3A_458 : vector<16xi32> to vector<16xi32>
    %swap3A_460 = vector.shape_cast %get3A_456 : vector<16xi32> to vector<16xi32>
    tpu.vector_store %arg16[%swap3A_457], %swap3A_460 {strides = array<i32>} : memref<64xi32, #tpu.memory_space<vmem>>, vector<16xi32>,
    %get3A_461 = arith.constant 1 : i32
    %get3A_462 = arith.index_cast %get3A_461 : i32 to index
    %get3A_463 = arith.constant 48 : index
    %get3A_464 = tpu.vector_load %arg6[%get3A_462, %get3A_463] {strides = array<i32>} : memref<2x128xi32, #tpu.memory_space<vmem>>, vector<1x16xi32>,
    %get3A_465 = vector.shape_cast %get3A_464 : vector<1x16xi32> to vector<16xi32>
    %swap3A_466 = arith.constant 48 : index
    %swap3A_467 = tpu.vector_load %arg16[%swap3A_466] {strides = array<i32>} : memref<64xi32, #tpu.memory_space<vmem>>, vector<16xi32>,
    %swap3A_468 = vector.shape_cast %swap3A_467 : vector<16xi32> to vector<16xi32>
    %swap3A_469 = vector.shape_cast %get3A_465 : vector<16xi32> to vector<16xi32>
    tpu.vector_store %arg16[%swap3A_466], %swap3A_469 {strides = array<i32>} : memref<64xi32, #tpu.memory_space<vmem>>, vector<16xi32>,
    %run_scoped3A_470 = arith.constant 2 : i32
    "tpu.region"() ({
      %run_scoped3A_1414 = tpu.sem_alloc : memref<!tpu.dma_semaphore, #tpu.memory_space<semaphore_mem>>
      %dma_start3A_1415 = arith.constant 0 : i32
      %dma_start3A_1416 = arith.constant 0 : i32
      %dma_start3A_1417 = tpu.memref_slice %arg9[%run_scoped3A_470, %dma_start3A_1415, %dma_start3A_1416] : memref<4x64x128xf32, #tpu.memory_space<vmem>> -> memref<1x64x128xf32, #tpu.memory_space<vmem>>
      %dma_start3A_1418 = tpu.memref_squeeze %dma_start3A_1417 : memref<1x64x128xf32, #tpu.memory_space<vmem>> -> memref<64x128xf32, #tpu.memory_space<vmem>>
      %dma_start3A_1419 = arith.constant 0 : i32
      %dma_start3A_1420 = arith.constant 0 : i32
      %dma_start3A_1421 = tpu.memref_slice %arg18[%dma_start3A_1419, %dma_start3A_1420] : memref<10240x128xf32, #tpu.memory_space<vmem_shared>> -> memref<10240x128xf32, #tpu.memory_space<vmem_shared>>
      tpu.enqueue_indirect_dma source(%dma_start3A_1418 : memref<64x128xf32, #tpu.memory_space<vmem>>) target(%dma_start3A_1421 : memref<10240x128xf32, #tpu.memory_space<vmem_shared>>) offsets(%arg16 : memref<64xi32, #tpu.memory_space<vmem>>) semaphore(%run_scoped3A_1414 : memref<!tpu.dma_semaphore, #tpu.memory_space<semaphore_mem>>) {add = true}
      %dma_wait3A_1422 = arith.constant 0 : i32
      %dma_wait3A_1423 = arith.constant 0 : i32
      %dma_wait3A_1424 = tpu.memref_slice %arg9[%run_scoped3A_470, %dma_wait3A_1422, %dma_wait3A_1423] : memref<4x64x128xf32, #tpu.memory_space<vmem>> -> memref<1x64x128xf32, #tpu.memory_space<vmem>>
      %dma_wait3A_1425 = tpu.memref_squeeze %dma_wait3A_1424 : memref<1x64x128xf32, #tpu.memory_space<vmem>> -> memref<64x128xf32, #tpu.memory_space<vmem>>
      %dma_wait3A_1426 = arith.constant 0 : i32
      %dma_wait3A_1427 = arith.constant 0 : i32
      %dma_wait3A_1428 = tpu.memref_slice %arg18[%dma_wait3A_1426, %dma_wait3A_1427] : memref<10240x128xf32, #tpu.memory_space<vmem_shared>> -> memref<10240x128xf32, #tpu.memory_space<vmem_shared>>
      tpu.wait_indirect_dma semaphore(%run_scoped3A_1414 : memref<!tpu.dma_semaphore, #tpu.memory_space<semaphore_mem>>) src(%dma_wait3A_1425 : memref<64x128xf32, #tpu.memory_space<vmem>>) dst(%dma_wait3A_1428 : memref<10240x128xf32, #tpu.memory_space<vmem_shared>>)
      tpu.yield
    }) : () -> ()
    %get3A_471 = arith.constant 0 : i32
    %get3A_472 = arith.index_cast %get3A_471 : i32 to index
    %get3A_473 = arith.constant 64 : index
    %get3A_474 = tpu.vector_load %arg7[%get3A_472, %get3A_473] {strides = array<i32>} : memref<2x128xi32, #tpu.memory_space<vmem>>, vector<1x16xi32>,
    %get3A_475 = vector.shape_cast %get3A_474 : vector<1x16xi32> to vector<16xi32>
    %swap3A_476 = arith.constant 0 : index
    %swap3A_477 = tpu.vector_load %arg11[%swap3A_476] {strides = array<i32>} : memref<64xi32, #tpu.memory_space<vmem>>, vector<16xi32>,
    %swap3A_478 = vector.shape_cast %swap3A_477 : vector<16xi32> to vector<16xi32>
    %swap3A_479 = vector.shape_cast %get3A_475 : vector<16xi32> to vector<16xi32>
    tpu.vector_store %arg11[%swap3A_476], %swap3A_479 {strides = array<i32>} : memref<64xi32, #tpu.memory_space<vmem>>, vector<16xi32>,
    %get3A_480 = arith.constant 0 : i32
    %get3A_481 = arith.index_cast %get3A_480 : i32 to index
    %get3A_482 = arith.constant 80 : index
    %get3A_483 = tpu.vector_load %arg7[%get3A_481, %get3A_482] {strides = array<i32>} : memref<2x128xi32, #tpu.memory_space<vmem>>, vector<1x16xi32>,
    %get3A_484 = vector.shape_cast %get3A_483 : vector<1x16xi32> to vector<16xi32>
    %swap3A_485 = arith.constant 16 : index
    %swap3A_486 = tpu.vector_load %arg11[%swap3A_485] {strides = array<i32>} : memref<64xi32, #tpu.memory_space<vmem>>, vector<16xi32>,
    %swap3A_487 = vector.shape_cast %swap3A_486 : vector<16xi32> to vector<16xi32>
    %swap3A_488 = vector.shape_cast %get3A_484 : vector<16xi32> to vector<16xi32>
    tpu.vector_store %arg11[%swap3A_485], %swap3A_488 {strides = array<i32>} : memref<64xi32, #tpu.memory_space<vmem>>, vector<16xi32>,
    %get3A_489 = arith.constant 0 : i32
    %get3A_490 = arith.index_cast %get3A_489 : i32 to index
    %get3A_491 = arith.constant 96 : index
    %get3A_492 = tpu.vector_load %arg7[%get3A_490, %get3A_491] {strides = array<i32>} : memref<2x128xi32, #tpu.memory_space<vmem>>, vector<1x16xi32>,
    %get3A_493 = vector.shape_cast %get3A_492 : vector<1x16xi32> to vector<16xi32>
    %swap3A_494 = arith.constant 32 : index
    %swap3A_495 = tpu.vector_load %arg11[%swap3A_494] {strides = array<i32>} : memref<64xi32, #tpu.memory_space<vmem>>, vector<16xi32>,
    %swap3A_496 = vector.shape_cast %swap3A_495 : vector<16xi32> to vector<16xi32>
    %swap3A_497 = vector.shape_cast %get3A_493 : vector<16xi32> to vector<16xi32>
    tpu.vector_store %arg11[%swap3A_494], %swap3A_497 {strides = array<i32>} : memref<64xi32, #tpu.memory_space<vmem>>, vector<16xi32>,
    %get3A_498 = arith.constant 0 : i32
    %get3A_499 = arith.index_cast %get3A_498 : i32 to index
    %get3A_500 = arith.constant 112 : index
    %get3A_501 = tpu.vector_load %arg7[%get3A_499, %get3A_500] {strides = array<i32>} : memref<2x128xi32, #tpu.memory_space<vmem>>, vector<1x16xi32>,
    %get3A_502 = vector.shape_cast %get3A_501 : vector<1x16xi32> to vector<16xi32>
    %swap3A_503 = arith.constant 48 : index
    %swap3A_504 = tpu.vector_load %arg11[%swap3A_503] {strides = array<i32>} : memref<64xi32, #tpu.memory_space<vmem>>, vector<16xi32>,
    %swap3A_505 = vector.shape_cast %swap3A_504 : vector<16xi32> to vector<16xi32>
    %swap3A_506 = vector.shape_cast %get3A_502 : vector<16xi32> to vector<16xi32>
    tpu.vector_store %arg11[%swap3A_503], %swap3A_506 {strides = array<i32>} : memref<64xi32, #tpu.memory_space<vmem>>, vector<16xi32>,
    %dma_start3A_507 = arith.constant 1 : i32
    %dma_start3A_508 = arith.constant 0 : i32
    %dma_start3A_509 = arith.constant 0 : i32
    %dma_start3A_510 = tpu.memref_slice %arg9[%dma_start3A_507, %dma_start3A_508, %dma_start3A_509] : memref<4x64x128xf32, #tpu.memory_space<vmem>> -> memref<1x64x128xf32, #tpu.memory_space<vmem>>
    %dma_start3A_511 = tpu.memref_squeeze %dma_start3A_510 : memref<1x64x128xf32, #tpu.memory_space<vmem>> -> memref<64x128xf32, #tpu.memory_space<vmem>>
    %dma_start3A_512 = arith.constant 0 : i32
    %dma_start3A_513 = arith.constant 0 : i32
    %dma_start3A_514 = tpu.memref_slice %arg3[%dma_start3A_512, %dma_start3A_513] : memref<10000x128xf32, #tpu.memory_space<hbm>> -> memref<10000x128xf32, #tpu.memory_space<hbm>>
    tpu.enqueue_indirect_dma source(%dma_start3A_514 : memref<10000x128xf32, #tpu.memory_space<hbm>>) target(%dma_start3A_511 : memref<64x128xf32, #tpu.memory_space<vmem>>) offsets(%arg11 : memref<64xi32, #tpu.memory_space<vmem>>) semaphore(%arg24 : memref<!tpu.dma_semaphore, #tpu.memory_space<semaphore_mem>>)
    %mul3A_515 = arith.constant 128 : i32
    %mul3A_516 = arith.muli %add3A_425, %mul3A_515 : i32
    %multiple_of3A_517 = tpu.assume_multiple %mul3A_516, 128 : i32
    %dma_start3A_518 = arith.constant 0 : i32
    %dma_start3A_519 = tpu.memref_slice %arg2[%dma_start3A_518, %multiple_of3A_517] : memref<2x320000xi32, #tpu.memory_space<hbm>> -> memref<2x128xi32, #tpu.memory_space<hbm>>
    %dma_start3A_520 = arith.constant 0 : i32
    %dma_start3A_521 = tpu.memref_slice %arg2[%dma_start3A_520, %multiple_of3A_517] : memref<2x320000xi32, #tpu.memory_space<hbm>> -> memref<2x128xi32, #tpu.memory_space<hbm>>
    tpu.enqueue_dma source(%dma_start3A_521 : memref<2x128xi32, #tpu.memory_space<hbm>>) target(%arg5 : memref<2x128xi32, #tpu.memory_space<vmem>>) target_semaphore(%arg19 : memref<!tpu.dma_semaphore, #tpu.memory_space<semaphore_mem>>)
    %dma_wait3A_522 = arith.constant 3 : i32
    %dma_wait3A_523 = arith.constant 0 : i32
    %dma_wait3A_524 = arith.constant 0 : i32
    %dma_wait3A_525 = tpu.memref_slice %arg9[%dma_wait3A_522, %dma_wait3A_523, %dma_wait3A_524] : memref<4x64x128xf32, #tpu.memory_space<vmem>> -> memref<1x64x128xf32, #tpu.memory_space<vmem>>
    %dma_wait3A_526 = tpu.memref_squeeze %dma_wait3A_525 : memref<1x64x128xf32, #tpu.memory_space<vmem>> -> memref<64x128xf32, #tpu.memory_space<vmem>>
    %dma_wait3A_527 = arith.constant 0 : i32
    %dma_wait3A_528 = arith.constant 0 : i32
    %dma_wait3A_529 = tpu.memref_slice %arg3[%dma_wait3A_527, %dma_wait3A_528] : memref<10000x128xf32, #tpu.memory_space<hbm>> -> memref<10000x128xf32, #tpu.memory_space<hbm>>
    tpu.wait_indirect_dma semaphore(%arg26 : memref<!tpu.dma_semaphore, #tpu.memory_space<semaphore_mem>>) src(%dma_wait3A_529 : memref<10000x128xf32, #tpu.memory_space<hbm>>) dst(%dma_wait3A_526 : memref<64x128xf32, #tpu.memory_space<vmem>>)
    %get3A_530 = arith.constant 1 : i32
    %get3A_531 = arith.index_cast %get3A_530 : i32 to index
    %get3A_532 = arith.constant 64 : index
    %get3A_533 = tpu.vector_load %arg6[%get3A_531, %get3A_532] {strides = array<i32>} : memref<2x128xi32, #tpu.memory_space<vmem>>, vector<1x16xi32>,
    %get3A_534 = vector.shape_cast %get3A_533 : vector<1x16xi32> to vector<16xi32>
    %swap3A_535 = arith.constant 0 : index
    %swap3A_536 = tpu.vector_load %arg17[%swap3A_535] {strides = array<i32>} : memref<64xi32, #tpu.memory_space<vmem>>, vector<16xi32>,
    %swap3A_537 = vector.shape_cast %swap3A_536 : vector<16xi32> to vector<16xi32>
    %swap3A_538 = vector.shape_cast %get3A_534 : vector<16xi32> to vector<16xi32>
    tpu.vector_store %arg17[%swap3A_535], %swap3A_538 {strides = array<i32>} : memref<64xi32, #tpu.memory_space<vmem>>, vector<16xi32>,
    %get3A_539 = arith.constant 1 : i32
    %get3A_540 = arith.index_cast %get3A_539 : i32 to index
    %get3A_541 = arith.constant 80 : index
    %get3A_542 = tpu.vector_load %arg6[%get3A_540, %get3A_541] {strides = array<i32>} : memref<2x128xi32, #tpu.memory_space<vmem>>, vector<1x16xi32>,
    %get3A_543 = vector.shape_cast %get3A_542 : vector<1x16xi32> to vector<16xi32>
    %swap3A_544 = arith.constant 16 : index
    %swap3A_545 = tpu.vector_load %arg17[%swap3A_544] {strides = array<i32>} : memref<64xi32, #tpu.memory_space<vmem>>, vector<16xi32>,
    %swap3A_546 = vector.shape_cast %swap3A_545 : vector<16xi32> to vector<16xi32>
    %swap3A_547 = vector.shape_cast %get3A_543 : vector<16xi32> to vector<16xi32>
    tpu.vector_store %arg17[%swap3A_544], %swap3A_547 {strides = array<i32>} : memref<64xi32, #tpu.memory_space<vmem>>, vector<16xi32>,
    %get3A_548 = arith.constant 1 : i32
    %get3A_549 = arith.index_cast %get3A_548 : i32 to index
    %get3A_550 = arith.constant 96 : index
    %get3A_551 = tpu.vector_load %arg6[%get3A_549, %get3A_550] {strides = array<i32>} : memref<2x128xi32, #tpu.memory_space<vmem>>, vector<1x16xi32>,
    %get3A_552 = vector.shape_cast %get3A_551 : vector<1x16xi32> to vector<16xi32>
    %swap3A_553 = arith.constant 32 : index
    %swap3A_554 = tpu.vector_load %arg17[%swap3A_553] {strides = array<i32>} : memref<64xi32, #tpu.memory_space<vmem>>, vector<16xi32>,
    %swap3A_555 = vector.shape_cast %swap3A_554 : vector<16xi32> to vector<16xi32>
    %swap3A_556 = vector.shape_cast %get3A_552 : vector<16xi32> to vector<16xi32>
    tpu.vector_store %arg17[%swap3A_553], %swap3A_556 {strides = array<i32>} : memref<64xi32, #tpu.memory_space<vmem>>, vector<16xi32>,
    %get3A_557 = arith.constant 1 : i32
    %get3A_558 = arith.index_cast %get3A_557 : i32 to index
    %get3A_559 = arith.constant 112 : index
    %get3A_560 = tpu.vector_load %arg6[%get3A_558, %get3A_559] {strides = array<i32>} : memref<2x128xi32, #tpu.memory_space<vmem>>, vector<1x16xi32>,
    %get3A_561 = vector.shape_cast %get3A_560 : vector<1x16xi32> to vector<16xi32>
    %swap3A_562 = arith.constant 48 : index
    %swap3A_563 = tpu.vector_load %arg17[%swap3A_562] {strides = array<i32>} : memref<64xi32, #tpu.memory_space<vmem>>, vector<16xi32>,
    %swap3A_564 = vector.shape_cast %swap3A_563 : vector<16xi32> to vector<16xi32>
    %swap3A_565 = vector.shape_cast %get3A_561 : vector<16xi32> to vector<16xi32>
    tpu.vector_store %arg17[%swap3A_562], %swap3A_565 {strides = array<i32>} : memref<64xi32, #tpu.memory_space<vmem>>, vector<16xi32>,
    %run_scoped3A_566 = arith.constant 3 : i32
    "tpu.region"() ({
      %run_scoped3A_1414 = tpu.sem_alloc : memref<!tpu.dma_semaphore, #tpu.memory_space<semaphore_mem>>
      %dma_start3A_1415 = arith.constant 0 : i32
      %dma_start3A_1416 = arith.constant 0 : i32
      %dma_start3A_1417 = tpu.memref_slice %arg9[%run_scoped3A_566, %dma_start3A_1415, %dma_start3A_1416] : memref<4x64x128xf32, #tpu.memory_space<vmem>> -> memref<1x64x128xf32, #tpu.memory_space<vmem>>
      %dma_start3A_1418 = tpu.memref_squeeze %dma_start3A_1417 : memref<1x64x128xf32, #tpu.memory_space<vmem>> -> memref<64x128xf32, #tpu.memory_space<vmem>>
      %dma_start3A_1419 = arith.constant 0 : i32
      %dma_start3A_1420 = arith.constant 0 : i32
      %dma_start3A_1421 = tpu.memref_slice %arg18[%dma_start3A_1419, %dma_start3A_1420] : memref<10240x128xf32, #tpu.memory_space<vmem_shared>> -> memref<10240x128xf32, #tpu.memory_space<vmem_shared>>
      tpu.enqueue_indirect_dma source(%dma_start3A_1418 : memref<64x128xf32, #tpu.memory_space<vmem>>) target(%dma_start3A_1421 : memref<10240x128xf32, #tpu.memory_space<vmem_shared>>) offsets(%arg17 : memref<64xi32, #tpu.memory_space<vmem>>) semaphore(%run_scoped3A_1414 : memref<!tpu.dma_semaphore, #tpu.memory_space<semaphore_mem>>) {add = true}
      %dma_wait3A_1422 = arith.constant 0 : i32
      %dma_wait3A_1423 = arith.constant 0 : i32
      %dma_wait3A_1424 = tpu.memref_slice %arg9[%run_scoped3A_566, %dma_wait3A_1422, %dma_wait3A_1423] : memref<4x64x128xf32, #tpu.memory_space<vmem>> -> memref<1x64x128xf32, #tpu.memory_space<vmem>>
      %dma_wait3A_1425 = tpu.memref_squeeze %dma_wait3A_1424 : memref<1x64x128xf32, #tpu.memory_space<vmem>> -> memref<64x128xf32, #tpu.memory_space<vmem>>
      %dma_wait3A_1426 = arith.constant 0 : i32
      %dma_wait3A_1427 = arith.constant 0 : i32
      %dma_wait3A_1428 = tpu.memref_slice %arg18[%dma_wait3A_1426, %dma_wait3A_1427] : memref<10240x128xf32, #tpu.memory_space<vmem_shared>> -> memref<10240x128xf32, #tpu.memory_space<vmem_shared>>
      tpu.wait_indirect_dma semaphore(%run_scoped3A_1414 : memref<!tpu.dma_semaphore, #tpu.memory_space<semaphore_mem>>) src(%dma_wait3A_1425 : memref<64x128xf32, #tpu.memory_space<vmem>>) dst(%dma_wait3A_1428 : memref<10240x128xf32, #tpu.memory_space<vmem_shared>>)
      tpu.yield
    }) : () -> ()
    %dma_wait3A_567 = arith.constant 0 : i32
    %dma_wait3A_568 = arith.constant 0 : i32
    %dma_wait3A_569 = tpu.memref_slice %arg2[%dma_wait3A_567, %dma_wait3A_568] : memref<2x320000xi32, #tpu.memory_space<hbm>> -> memref<2x128xi32, #tpu.memory_space<hbm>>
    %dma_wait3A_570 = arith.constant 0 : i32
    %dma_wait3A_571 = arith.constant 0 : i32
    %dma_wait3A_572 = tpu.memref_slice %arg2[%dma_wait3A_570, %dma_wait3A_571] : memref<2x320000xi32, #tpu.memory_space<hbm>> -> memref<2x128xi32, #tpu.memory_space<hbm>>
    tpu.wait_dma2 semaphore(%arg22 : memref<!tpu.dma_semaphore, #tpu.memory_space<semaphore_mem>>) src(%dma_wait3A_572 : memref<2x128xi32, #tpu.memory_space<hbm>>) dst(%arg8 : memref<2x128xi32, #tpu.memory_space<vmem>>)
    %get3A_573 = arith.constant 0 : i32
    %get3A_574 = arith.index_cast %get3A_573 : i32 to index
    %get3A_575 = arith.constant 0 : index
    %get3A_576 = tpu.vector_load %arg8[%get3A_574, %get3A_575] {strides = array<i32>} : memref<2x128xi32, #tpu.memory_space<vmem>>, vector<1x16xi32>,
    %get3A_577 = vector.shape_cast %get3A_576 : vector<1x16xi32> to vector<16xi32>
    %swap3A_578 = arith.constant 0 : index
    %swap3A_579 = tpu.vector_load %arg12[%swap3A_578] {strides = array<i32>} : memref<64xi32, #tpu.memory_space<vmem>>, vector<16xi32>,
    %swap3A_580 = vector.shape_cast %swap3A_579 : vector<16xi32> to vector<16xi32>
    %swap3A_581 = vector.shape_cast %get3A_577 : vector<16xi32> to vector<16xi32>
    tpu.vector_store %arg12[%swap3A_578], %swap3A_581 {strides = array<i32>} : memref<64xi32, #tpu.memory_space<vmem>>, vector<16xi32>,
    %get3A_582 = arith.constant 0 : i32
    %get3A_583 = arith.index_cast %get3A_582 : i32 to index
    %get3A_584 = arith.constant 16 : index
    %get3A_585 = tpu.vector_load %arg8[%get3A_583, %get3A_584] {strides = array<i32>} : memref<2x128xi32, #tpu.memory_space<vmem>>, vector<1x16xi32>,
    %get3A_586 = vector.shape_cast %get3A_585 : vector<1x16xi32> to vector<16xi32>
    %swap3A_587 = arith.constant 16 : index
    %swap3A_588 = tpu.vector_load %arg12[%swap3A_587] {strides = array<i32>} : memref<64xi32, #tpu.memory_space<vmem>>, vector<16xi32>,
    %swap3A_589 = vector.shape_cast %swap3A_588 : vector<16xi32> to vector<16xi32>
    %swap3A_590 = vector.shape_cast %get3A_586 : vector<16xi32> to vector<16xi32>
    tpu.vector_store %arg12[%swap3A_587], %swap3A_590 {strides = array<i32>} : memref<64xi32, #tpu.memory_space<vmem>>, vector<16xi32>,
    %get3A_591 = arith.constant 0 : i32
    %get3A_592 = arith.index_cast %get3A_591 : i32 to index
    %get3A_593 = arith.constant 32 : index
    %get3A_594 = tpu.vector_load %arg8[%get3A_592, %get3A_593] {strides = array<i32>} : memref<2x128xi32, #tpu.memory_space<vmem>>, vector<1x16xi32>,
    %get3A_595 = vector.shape_cast %get3A_594 : vector<1x16xi32> to vector<16xi32>
    %swap3A_596 = arith.constant 32 : index
    %swap3A_597 = tpu.vector_load %arg12[%swap3A_596] {strides = array<i32>} : memref<64xi32, #tpu.memory_space<vmem>>, vector<16xi32>,
    %swap3A_598 = vector.shape_cast %swap3A_597 : vector<16xi32> to vector<16xi32>
    %swap3A_599 = vector.shape_cast %get3A_595 : vector<16xi32> to vector<16xi32>
    tpu.vector_store %arg12[%swap3A_596], %swap3A_599 {strides = array<i32>} : memref<64xi32, #tpu.memory_space<vmem>>, vector<16xi32>,
    %get3A_600 = arith.constant 0 : i32
    %get3A_601 = arith.index_cast %get3A_600 : i32 to index
    %get3A_602 = arith.constant 48 : index
    %get3A_603 = tpu.vector_load %arg8[%get3A_601, %get3A_602] {strides = array<i32>} : memref<2x128xi32, #tpu.memory_space<vmem>>, vector<1x16xi32>,
    %get3A_604 = vector.shape_cast %get3A_603 : vector<1x16xi32> to vector<16xi32>
    %swap3A_605 = arith.constant 48 : index
    %swap3A_606 = tpu.vector_load %arg12[%swap3A_605] {strides = array<i32>} : memref<64xi32, #tpu.memory_space<vmem>>, vector<16xi32>,
    %swap3A_607 = vector.shape_cast %swap3A_606 : vector<16xi32> to vector<16xi32>
    %swap3A_608 = vector.shape_cast %get3A_604 : vector<16xi32> to vector<16xi32>
    tpu.vector_store %arg12[%swap3A_605], %swap3A_608 {strides = array<i32>} : memref<64xi32, #tpu.memory_space<vmem>>, vector<16xi32>,
    %dma_start3A_609 = arith.constant 2 : i32
    %dma_start3A_610 = arith.constant 0 : i32
    %dma_start3A_611 = arith.constant 0 : i32
    %dma_start3A_612 = tpu.memref_slice %arg9[%dma_start3A_609, %dma_start3A_610, %dma_start3A_611] : memref<4x64x128xf32, #tpu.memory_space<vmem>> -> memref<1x64x128xf32, #tpu.memory_space<vmem>>
    %dma_start3A_613 = tpu.memref_squeeze %dma_start3A_612 : memref<1x64x128xf32, #tpu.memory_space<vmem>> -> memref<64x128xf32, #tpu.memory_space<vmem>>
    %dma_start3A_614 = arith.constant 0 : i32
    %dma_start3A_615 = arith.constant 0 : i32
    %dma_start3A_616 = tpu.memref_slice %arg3[%dma_start3A_614, %dma_start3A_615] : memref<10000x128xf32, #tpu.memory_space<hbm>> -> memref<10000x128xf32, #tpu.memory_space<hbm>>
    tpu.enqueue_indirect_dma source(%dma_start3A_616 : memref<10000x128xf32, #tpu.memory_space<hbm>>) target(%dma_start3A_613 : memref<64x128xf32, #tpu.memory_space<vmem>>) offsets(%arg12 : memref<64xi32, #tpu.memory_space<vmem>>) semaphore(%arg25 : memref<!tpu.dma_semaphore, #tpu.memory_space<semaphore_mem>>)
    %add3A_617 = arith.constant 77 : i32
    %add3A_618 = arith.addi %mul3A_2, %add3A_617 : i32
    %dma_wait3A_619 = arith.constant 0 : i32
    %dma_wait3A_620 = arith.constant 0 : i32
    %dma_wait3A_621 = arith.constant 0 : i32
    %dma_wait3A_622 = tpu.memref_slice %arg9[%dma_wait3A_619, %dma_wait3A_620, %dma_wait3A_621] : memref<4x64x128xf32, #tpu.memory_space<vmem>> -> memref<1x64x128xf32, #tpu.memory_space<vmem>>
    %dma_wait3A_623 = tpu.memref_squeeze %dma_wait3A_622 : memref<1x64x128xf32, #tpu.memory_space<vmem>> -> memref<64x128xf32, #tpu.memory_space<vmem>>
    %dma_wait3A_624 = arith.constant 0 : i32
    %dma_wait3A_625 = arith.constant 0 : i32
    %dma_wait3A_626 = tpu.memref_slice %arg3[%dma_wait3A_624, %dma_wait3A_625] : memref<10000x128xf32, #tpu.memory_space<hbm>> -> memref<10000x128xf32, #tpu.memory_space<hbm>>
    tpu.wait_indirect_dma semaphore(%arg23 : memref<!tpu.dma_semaphore, #tpu.memory_space<semaphore_mem>>) src(%dma_wait3A_626 : memref<10000x128xf32, #tpu.memory_space<hbm>>) dst(%dma_wait3A_623 : memref<64x128xf32, #tpu.memory_space<vmem>>)
    %get3A_627 = arith.constant 1 : i32
    %get3A_628 = arith.index_cast %get3A_627 : i32 to index
    %get3A_629 = arith.constant 0 : index
    %get3A_630 = tpu.vector_load %arg7[%get3A_628, %get3A_629] {strides = array<i32>} : memref<2x128xi32, #tpu.memory_space<vmem>>, vector<1x16xi32>,
    %get3A_631 = vector.shape_cast %get3A_630 : vector<1x16xi32> to vector<16xi32>
    %swap3A_632 = arith.constant 0 : index
    %swap3A_633 = tpu.vector_load %arg14[%swap3A_632] {strides = array<i32>} : memref<64xi32, #tpu.memory_space<vmem>>, vector<16xi32>,
    %swap3A_634 = vector.shape_cast %swap3A_633 : vector<16xi32> to vector<16xi32>
    %swap3A_635 = vector.shape_cast %get3A_631 : vector<16xi32> to vector<16xi32>
    tpu.vector_store %arg14[%swap3A_632], %swap3A_635 {strides = array<i32>} : memref<64xi32, #tpu.memory_space<vmem>>, vector<16xi32>,
    %get3A_636 = arith.constant 1 : i32
    %get3A_637 = arith.index_cast %get3A_636 : i32 to index
    %get3A_638 = arith.constant 16 : index
    %get3A_639 = tpu.vector_load %arg7[%get3A_637, %get3A_638] {strides = array<i32>} : memref<2x128xi32, #tpu.memory_space<vmem>>, vector<1x16xi32>,
    %get3A_640 = vector.shape_cast %get3A_639 : vector<1x16xi32> to vector<16xi32>
    %swap3A_641 = arith.constant 16 : index
    %swap3A_642 = tpu.vector_load %arg14[%swap3A_641] {strides = array<i32>} : memref<64xi32, #tpu.memory_space<vmem>>, vector<16xi32>,
    %swap3A_643 = vector.shape_cast %swap3A_642 : vector<16xi32> to vector<16xi32>
    %swap3A_644 = vector.shape_cast %get3A_640 : vector<16xi32> to vector<16xi32>
    tpu.vector_store %arg14[%swap3A_641], %swap3A_644 {strides = array<i32>} : memref<64xi32, #tpu.memory_space<vmem>>, vector<16xi32>,
    %get3A_645 = arith.constant 1 : i32
    %get3A_646 = arith.index_cast %get3A_645 : i32 to index
    %get3A_647 = arith.constant 32 : index
    %get3A_648 = tpu.vector_load %arg7[%get3A_646, %get3A_647] {strides = array<i32>} : memref<2x128xi32, #tpu.memory_space<vmem>>, vector<1x16xi32>,
    %get3A_649 = vector.shape_cast %get3A_648 : vector<1x16xi32> to vector<16xi32>
    %swap3A_650 = arith.constant 32 : index
    %swap3A_651 = tpu.vector_load %arg14[%swap3A_650] {strides = array<i32>} : memref<64xi32, #tpu.memory_space<vmem>>, vector<16xi32>,
    %swap3A_652 = vector.shape_cast %swap3A_651 : vector<16xi32> to vector<16xi32>
    %swap3A_653 = vector.shape_cast %get3A_649 : vector<16xi32> to vector<16xi32>
    tpu.vector_store %arg14[%swap3A_650], %swap3A_653 {strides = array<i32>} : memref<64xi32, #tpu.memory_space<vmem>>, vector<16xi32>,
    %get3A_654 = arith.constant 1 : i32
    %get3A_655 = arith.index_cast %get3A_654 : i32 to index
    %get3A_656 = arith.constant 48 : index
    %get3A_657 = tpu.vector_load %arg7[%get3A_655, %get3A_656] {strides = array<i32>} : memref<2x128xi32, #tpu.memory_space<vmem>>, vector<1x16xi32>,
    %get3A_658 = vector.shape_cast %get3A_657 : vector<1x16xi32> to vector<16xi32>
    %swap3A_659 = arith.constant 48 : index
    %swap3A_660 = tpu.vector_load %arg14[%swap3A_659] {strides = array<i32>} : memref<64xi32, #tpu.memory_space<vmem>>, vector<16xi32>,
    %swap3A_661 = vector.shape_cast %swap3A_660 : vector<16xi32> to vector<16xi32>
    %swap3A_662 = vector.shape_cast %get3A_658 : vector<16xi32> to vector<16xi32>
    tpu.vector_store %arg14[%swap3A_659], %swap3A_662 {strides = array<i32>} : memref<64xi32, #tpu.memory_space<vmem>>, vector<16xi32>,
    %run_scoped3A_663 = arith.constant 0 : i32
    "tpu.region"() ({
      %run_scoped3A_1414 = tpu.sem_alloc : memref<!tpu.dma_semaphore, #tpu.memory_space<semaphore_mem>>
      %dma_start3A_1415 = arith.constant 0 : i32
      %dma_start3A_1416 = arith.constant 0 : i32
      %dma_start3A_1417 = tpu.memref_slice %arg9[%run_scoped3A_663, %dma_start3A_1415, %dma_start3A_1416] : memref<4x64x128xf32, #tpu.memory_space<vmem>> -> memref<1x64x128xf32, #tpu.memory_space<vmem>>
      %dma_start3A_1418 = tpu.memref_squeeze %dma_start3A_1417 : memref<1x64x128xf32, #tpu.memory_space<vmem>> -> memref<64x128xf32, #tpu.memory_space<vmem>>
      %dma_start3A_1419 = arith.constant 0 : i32
      %dma_start3A_1420 = arith.constant 0 : i32
      %dma_start3A_1421 = tpu.memref_slice %arg18[%dma_start3A_1419, %dma_start3A_1420] : memref<10240x128xf32, #tpu.memory_space<vmem_shared>> -> memref<10240x128xf32, #tpu.memory_space<vmem_shared>>
      tpu.enqueue_indirect_dma source(%dma_start3A_1418 : memref<64x128xf32, #tpu.memory_space<vmem>>) target(%dma_start3A_1421 : memref<10240x128xf32, #tpu.memory_space<vmem_shared>>) offsets(%arg14 : memref<64xi32, #tpu.memory_space<vmem>>) semaphore(%run_scoped3A_1414 : memref<!tpu.dma_semaphore, #tpu.memory_space<semaphore_mem>>) {add = true}
      %dma_wait3A_1422 = arith.constant 0 : i32
      %dma_wait3A_1423 = arith.constant 0 : i32
      %dma_wait3A_1424 = tpu.memref_slice %arg9[%run_scoped3A_663, %dma_wait3A_1422, %dma_wait3A_1423] : memref<4x64x128xf32, #tpu.memory_space<vmem>> -> memref<1x64x128xf32, #tpu.memory_space<vmem>>
      %dma_wait3A_1425 = tpu.memref_squeeze %dma_wait3A_1424 : memref<1x64x128xf32, #tpu.memory_space<vmem>> -> memref<64x128xf32, #tpu.memory_space<vmem>>
      %dma_wait3A_1426 = arith.constant 0 : i32
      %dma_wait3A_1427 = arith.constant 0 : i32
      %dma_wait3A_1428 = tpu.memref_slice %arg18[%dma_wait3A_1426, %dma_wait3A_1427] : memref<10240x128xf32, #tpu.memory_space<vmem_shared>> -> memref<10240x128xf32, #tpu.memory_space<vmem_shared>>
      tpu.wait_indirect_dma semaphore(%run_scoped3A_1414 : memref<!tpu.dma_semaphore, #tpu.memory_space<semaphore_mem>>) src(%dma_wait3A_1425 : memref<64x128xf32, #tpu.memory_space<vmem>>) dst(%dma_wait3A_1428 : memref<10240x128xf32, #tpu.memory_space<vmem_shared>>)
      tpu.yield
    }) : () -> ()
    %get3A_664 = arith.constant 0 : i32
    %get3A_665 = arith.index_cast %get3A_664 : i32 to index
    %get3A_666 = arith.constant 64 : index
    %get3A_667 = tpu.vector_load %arg8[%get3A_665, %get3A_666] {strides = array<i32>} : memref<2x128xi32, #tpu.memory_space<vmem>>, vector<1x16xi32>,
    %get3A_668 = vector.shape_cast %get3A_667 : vector<1x16xi32> to vector<16xi32>
    %swap3A_669 = arith.constant 0 : index
    %swap3A_670 = tpu.vector_load %arg13[%swap3A_669] {strides = array<i32>} : memref<64xi32, #tpu.memory_space<vmem>>, vector<16xi32>,
    %swap3A_671 = vector.shape_cast %swap3A_670 : vector<16xi32> to vector<16xi32>
    %swap3A_672 = vector.shape_cast %get3A_668 : vector<16xi32> to vector<16xi32>
    tpu.vector_store %arg13[%swap3A_669], %swap3A_672 {strides = array<i32>} : memref<64xi32, #tpu.memory_space<vmem>>, vector<16xi32>,
    %get3A_673 = arith.constant 0 : i32
    %get3A_674 = arith.index_cast %get3A_673 : i32 to index
    %get3A_675 = arith.constant 80 : index
    %get3A_676 = tpu.vector_load %arg8[%get3A_674, %get3A_675] {strides = array<i32>} : memref<2x128xi32, #tpu.memory_space<vmem>>, vector<1x16xi32>,
    %get3A_677 = vector.shape_cast %get3A_676 : vector<1x16xi32> to vector<16xi32>
    %swap3A_678 = arith.constant 16 : index
    %swap3A_679 = tpu.vector_load %arg13[%swap3A_678] {strides = array<i32>} : memref<64xi32, #tpu.memory_space<vmem>>, vector<16xi32>,
    %swap3A_680 = vector.shape_cast %swap3A_679 : vector<16xi32> to vector<16xi32>
    %swap3A_681 = vector.shape_cast %get3A_677 : vector<16xi32> to vector<16xi32>
    tpu.vector_store %arg13[%swap3A_678], %swap3A_681 {strides = array<i32>} : memref<64xi32, #tpu.memory_space<vmem>>, vector<16xi32>,
    %get3A_682 = arith.constant 0 : i32
    %get3A_683 = arith.index_cast %get3A_682 : i32 to index
    %get3A_684 = arith.constant 96 : index
    %get3A_685 = tpu.vector_load %arg8[%get3A_683, %get3A_684] {strides = array<i32>} : memref<2x128xi32, #tpu.memory_space<vmem>>, vector<1x16xi32>,
    %get3A_686 = vector.shape_cast %get3A_685 : vector<1x16xi32> to vector<16xi32>
    %swap3A_687 = arith.constant 32 : index
    %swap3A_688 = tpu.vector_load %arg13[%swap3A_687] {strides = array<i32>} : memref<64xi32, #tpu.memory_space<vmem>>, vector<16xi32>,
    %swap3A_689 = vector.shape_cast %swap3A_688 : vector<16xi32> to vector<16xi32>
    %swap3A_690 = vector.shape_cast %get3A_686 : vector<16xi32> to vector<16xi32>
    tpu.vector_store %arg13[%swap3A_687], %swap3A_690 {strides = array<i32>} : memref<64xi32, #tpu.memory_space<vmem>>, vector<16xi32>,
    %get3A_691 = arith.constant 0 : i32
    %get3A_692 = arith.index_cast %get3A_691 : i32 to index
    %get3A_693 = arith.constant 112 : index
    %get3A_694 = tpu.vector_load %arg8[%get3A_692, %get3A_693] {strides = array<i32>} : memref<2x128xi32, #tpu.memory_space<vmem>>, vector<1x16xi32>,
    %get3A_695 = vector.shape_cast %get3A_694 : vector<1x16xi32> to vector<16xi32>
    %swap3A_696 = arith.constant 48 : index
    %swap3A_697 = tpu.vector_load %arg13[%swap3A_696] {strides = array<i32>} : memref<64xi32, #tpu.memory_space<vmem>>, vector<16xi32>,
    %swap3A_698 = vector.shape_cast %swap3A_697 : vector<16xi32> to vector<16xi32>
    %swap3A_699 = vector.shape_cast %get3A_695 : vector<16xi32> to vector<16xi32>
    tpu.vector_store %arg13[%swap3A_696], %swap3A_699 {strides = array<i32>} : memref<64xi32, #tpu.memory_space<vmem>>, vector<16xi32>,
    %dma_start3A_700 = arith.constant 3 : i32
    %dma_start3A_701 = arith.constant 0 : i32
    %dma_start3A_702 = arith.constant 0 : i32
    %dma_start3A_703 = tpu.memref_slice %arg9[%dma_start3A_700, %dma_start3A_701, %dma_start3A_702] : memref<4x64x128xf32, #tpu.memory_space<vmem>> -> memref<1x64x128xf32, #tpu.memory_space<vmem>>
    %dma_start3A_704 = tpu.memref_squeeze %dma_start3A_703 : memref<1x64x128xf32, #tpu.memory_space<vmem>> -> memref<64x128xf32, #tpu.memory_space<vmem>>
    %dma_start3A_705 = arith.constant 0 : i32
    %dma_start3A_706 = arith.constant 0 : i32
    %dma_start3A_707 = tpu.memref_slice %arg3[%dma_start3A_705, %dma_start3A_706] : memref<10000x128xf32, #tpu.memory_space<hbm>> -> memref<10000x128xf32, #tpu.memory_space<hbm>>
    tpu.enqueue_indirect_dma source(%dma_start3A_707 : memref<10000x128xf32, #tpu.memory_space<hbm>>) target(%dma_start3A_704 : memref<64x128xf32, #tpu.memory_space<vmem>>) offsets(%arg13 : memref<64xi32, #tpu.memory_space<vmem>>) semaphore(%arg26 : memref<!tpu.dma_semaphore, #tpu.memory_space<semaphore_mem>>)
    %mul3A_708 = arith.constant 128 : i32
    %mul3A_709 = arith.muli %add3A_618, %mul3A_708 : i32
    %multiple_of3A_710 = tpu.assume_multiple %mul3A_709, 128 : i32
    %dma_start3A_711 = arith.constant 0 : i32
    %dma_start3A_712 = tpu.memref_slice %arg2[%dma_start3A_711, %multiple_of3A_710] : memref<2x320000xi32, #tpu.memory_space<hbm>> -> memref<2x128xi32, #tpu.memory_space<hbm>>
    %dma_start3A_713 = arith.constant 0 : i32
    %dma_start3A_714 = tpu.memref_slice %arg2[%dma_start3A_713, %multiple_of3A_710] : memref<2x320000xi32, #tpu.memory_space<hbm>> -> memref<2x128xi32, #tpu.memory_space<hbm>>
    tpu.enqueue_dma source(%dma_start3A_714 : memref<2x128xi32, #tpu.memory_space<hbm>>) target(%arg6 : memref<2x128xi32, #tpu.memory_space<vmem>>) target_semaphore(%arg20 : memref<!tpu.dma_semaphore, #tpu.memory_space<semaphore_mem>>)
    %dma_wait3A_715 = arith.constant 1 : i32
    %dma_wait3A_716 = arith.constant 0 : i32
    %dma_wait3A_717 = arith.constant 0 : i32
    %dma_wait3A_718 = tpu.memref_slice %arg9[%dma_wait3A_715, %dma_wait3A_716, %dma_wait3A_717] : memref<4x64x128xf32, #tpu.memory_space<vmem>> -> memref<1x64x128xf32, #tpu.memory_space<vmem>>
    %dma_wait3A_719 = tpu.memref_squeeze %dma_wait3A_718 : memref<1x64x128xf32, #tpu.memory_space<vmem>> -> memref<64x128xf32, #tpu.memory_space<vmem>>
    %dma_wait3A_720 = arith.constant 0 : i32
    %dma_wait3A_721 = arith.constant 0 : i32
    %dma_wait3A_722 = tpu.memref_slice %arg3[%dma_wait3A_720, %dma_wait3A_721] : memref<10000x128xf32, #tpu.memory_space<hbm>> -> memref<10000x128xf32, #tpu.memory_space<hbm>>
    tpu.wait_indirect_dma semaphore(%arg24 : memref<!tpu.dma_semaphore, #tpu.memory_space<semaphore_mem>>) src(%dma_wait3A_722 : memref<10000x128xf32, #tpu.memory_space<hbm>>) dst(%dma_wait3A_719 : memref<64x128xf32, #tpu.memory_space<vmem>>)
    %get3A_723 = arith.constant 1 : i32
    %get3A_724 = arith.index_cast %get3A_723 : i32 to index
    %get3A_725 = arith.constant 64 : index
    %get3A_726 = tpu.vector_load %arg7[%get3A_724, %get3A_725] {strides = array<i32>} : memref<2x128xi32, #tpu.memory_space<vmem>>, vector<1x16xi32>,
    %get3A_727 = vector.shape_cast %get3A_726 : vector<1x16xi32> to vector<16xi32>
    %swap3A_728 = arith.constant 0 : index
    %swap3A_729 = tpu.vector_load %arg15[%swap3A_728] {strides = array<i32>} : memref<64xi32, #tpu.memory_space<vmem>>, vector<16xi32>,
    %swap3A_730 = vector.shape_cast %swap3A_729 : vector<16xi32> to vector<16xi32>
    %swap3A_731 = vector.shape_cast %get3A_727 : vector<16xi32> to vector<16xi32>
    tpu.vector_store %arg15[%swap3A_728], %swap3A_731 {strides = array<i32>} : memref<64xi32, #tpu.memory_space<vmem>>, vector<16xi32>,
    %get3A_732 = arith.constant 1 : i32
    %get3A_733 = arith.index_cast %get3A_732 : i32 to index
    %get3A_734 = arith.constant 80 : index
    %get3A_735 = tpu.vector_load %arg7[%get3A_733, %get3A_734] {strides = array<i32>} : memref<2x128xi32, #tpu.memory_space<vmem>>, vector<1x16xi32>,
    %get3A_736 = vector.shape_cast %get3A_735 : vector<1x16xi32> to vector<16xi32>
    %swap3A_737 = arith.constant 16 : index
    %swap3A_738 = tpu.vector_load %arg15[%swap3A_737] {strides = array<i32>} : memref<64xi32, #tpu.memory_space<vmem>>, vector<16xi32>,
    %swap3A_739 = vector.shape_cast %swap3A_738 : vector<16xi32> to vector<16xi32>
    %swap3A_740 = vector.shape_cast %get3A_736 : vector<16xi32> to vector<16xi32>
    tpu.vector_store %arg15[%swap3A_737], %swap3A_740 {strides = array<i32>} : memref<64xi32, #tpu.memory_space<vmem>>, vector<16xi32>,
    %get3A_741 = arith.constant 1 : i32
    %get3A_742 = arith.index_cast %get3A_741 : i32 to index
    %get3A_743 = arith.constant 96 : index
    %get3A_744 = tpu.vector_load %arg7[%get3A_742, %get3A_743] {strides = array<i32>} : memref<2x128xi32, #tpu.memory_space<vmem>>, vector<1x16xi32>,
    %get3A_745 = vector.shape_cast %get3A_744 : vector<1x16xi32> to vector<16xi32>
    %swap3A_746 = arith.constant 32 : index
    %swap3A_747 = tpu.vector_load %arg15[%swap3A_746] {strides = array<i32>} : memref<64xi32, #tpu.memory_space<vmem>>, vector<16xi32>,
    %swap3A_748 = vector.shape_cast %swap3A_747 : vector<16xi32> to vector<16xi32>
    %swap3A_749 = vector.shape_cast %get3A_745 : vector<16xi32> to vector<16xi32>
    tpu.vector_store %arg15[%swap3A_746], %swap3A_749 {strides = array<i32>} : memref<64xi32, #tpu.memory_space<vmem>>, vector<16xi32>,
    %get3A_750 = arith.constant 1 : i32
    %get3A_751 = arith.index_cast %get3A_750 : i32 to index
    %get3A_752 = arith.constant 112 : index
    %get3A_753 = tpu.vector_load %arg7[%get3A_751, %get3A_752] {strides = array<i32>} : memref<2x128xi32, #tpu.memory_space<vmem>>, vector<1x16xi32>,
    %get3A_754 = vector.shape_cast %get3A_753 : vector<1x16xi32> to vector<16xi32>
    %swap3A_755 = arith.constant 48 : index
    %swap3A_756 = tpu.vector_load %arg15[%swap3A_755] {strides = array<i32>} : memref<64xi32, #tpu.memory_space<vmem>>, vector<16xi32>,
    %swap3A_757 = vector.shape_cast %swap3A_756 : vector<16xi32> to vector<16xi32>
    %swap3A_758 = vector.shape_cast %get3A_754 : vector<16xi32> to vector<16xi32>
    tpu.vector_store %arg15[%swap3A_755], %swap3A_758 {strides = array<i32>} : memref<64xi32, #tpu.memory_space<vmem>>, vector<16xi32>,
    %run_scoped3A_759 = arith.constant 1 : i32
    "tpu.region"() ({
      %run_scoped3A_1414 = tpu.sem_alloc : memref<!tpu.dma_semaphore, #tpu.memory_space<semaphore_mem>>
      %dma_start3A_1415 = arith.constant 0 : i32
      %dma_start3A_1416 = arith.constant 0 : i32
      %dma_start3A_1417 = tpu.memref_slice %arg9[%run_scoped3A_759, %dma_start3A_1415, %dma_start3A_1416] : memref<4x64x128xf32, #tpu.memory_space<vmem>> -> memref<1x64x128xf32, #tpu.memory_space<vmem>>
      %dma_start3A_1418 = tpu.memref_squeeze %dma_start3A_1417 : memref<1x64x128xf32, #tpu.memory_space<vmem>> -> memref<64x128xf32, #tpu.memory_space<vmem>>
      %dma_start3A_1419 = arith.constant 0 : i32
      %dma_start3A_1420 = arith.constant 0 : i32
      %dma_start3A_1421 = tpu.memref_slice %arg18[%dma_start3A_1419, %dma_start3A_1420] : memref<10240x128xf32, #tpu.memory_space<vmem_shared>> -> memref<10240x128xf32, #tpu.memory_space<vmem_shared>>
      tpu.enqueue_indirect_dma source(%dma_start3A_1418 : memref<64x128xf32, #tpu.memory_space<vmem>>) target(%dma_start3A_1421 : memref<10240x128xf32, #tpu.memory_space<vmem_shared>>) offsets(%arg15 : memref<64xi32, #tpu.memory_space<vmem>>) semaphore(%run_scoped3A_1414 : memref<!tpu.dma_semaphore, #tpu.memory_space<semaphore_mem>>) {add = true}
      %dma_wait3A_1422 = arith.constant 0 : i32
      %dma_wait3A_1423 = arith.constant 0 : i32
      %dma_wait3A_1424 = tpu.memref_slice %arg9[%run_scoped3A_759, %dma_wait3A_1422, %dma_wait3A_1423] : memref<4x64x128xf32, #tpu.memory_space<vmem>> -> memref<1x64x128xf32, #tpu.memory_space<vmem>>
      %dma_wait3A_1425 = tpu.memref_squeeze %dma_wait3A_1424 : memref<1x64x128xf32, #tpu.memory_space<vmem>> -> memref<64x128xf32, #tpu.memory_space<vmem>>
      %dma_wait3A_1426 = arith.constant 0 : i32
      %dma_wait3A_1427 = arith.constant 0 : i32
      %dma_wait3A_1428 = tpu.memref_slice %arg18[%dma_wait3A_1426, %dma_wait3A_1427] : memref<10240x128xf32, #tpu.memory_space<vmem_shared>> -> memref<10240x128xf32, #tpu.memory_space<vmem_shared>>
      tpu.wait_indirect_dma semaphore(%run_scoped3A_1414 : memref<!tpu.dma_semaphore, #tpu.memory_space<semaphore_mem>>) src(%dma_wait3A_1425 : memref<64x128xf32, #tpu.memory_space<vmem>>) dst(%dma_wait3A_1428 : memref<10240x128xf32, #tpu.memory_space<vmem_shared>>)
      tpu.yield
    }) : () -> ()
    %dma_wait3A_760 = arith.constant 0 : i32
    %dma_wait3A_761 = arith.constant 0 : i32
    %dma_wait3A_762 = tpu.memref_slice %arg2[%dma_wait3A_760, %dma_wait3A_761] : memref<2x320000xi32, #tpu.memory_space<hbm>> -> memref<2x128xi32, #tpu.memory_space<hbm>>
    %dma_wait3A_763 = arith.constant 0 : i32
    %dma_wait3A_764 = arith.constant 0 : i32
    %dma_wait3A_765 = tpu.memref_slice %arg2[%dma_wait3A_763, %dma_wait3A_764] : memref<2x320000xi32, #tpu.memory_space<hbm>> -> memref<2x128xi32, #tpu.memory_space<hbm>>
    tpu.wait_dma2 semaphore(%arg19 : memref<!tpu.dma_semaphore, #tpu.memory_space<semaphore_mem>>) src(%dma_wait3A_765 : memref<2x128xi32, #tpu.memory_space<hbm>>) dst(%arg5 : memref<2x128xi32, #tpu.memory_space<vmem>>)
    %get3A_766 = arith.constant 0 : i32
    %get3A_767 = arith.index_cast %get3A_766 : i32 to index
    %get3A_768 = arith.constant 0 : index
    %get3A_769 = tpu.vector_load %arg5[%get3A_767, %get3A_768] {strides = array<i32>} : memref<2x128xi32, #tpu.memory_space<vmem>>, vector<1x16xi32>,
    %get3A_770 = vector.shape_cast %get3A_769 : vector<1x16xi32> to vector<16xi32>
    %swap3A_771 = arith.constant 0 : index
    %swap3A_772 = tpu.vector_load %arg10[%swap3A_771] {strides = array<i32>} : memref<64xi32, #tpu.memory_space<vmem>>, vector<16xi32>,
    %swap3A_773 = vector.shape_cast %swap3A_772 : vector<16xi32> to vector<16xi32>
    %swap3A_774 = vector.shape_cast %get3A_770 : vector<16xi32> to vector<16xi32>
    tpu.vector_store %arg10[%swap3A_771], %swap3A_774 {strides = array<i32>} : memref<64xi32, #tpu.memory_space<vmem>>, vector<16xi32>,
    %get3A_775 = arith.constant 0 : i32
    %get3A_776 = arith.index_cast %get3A_775 : i32 to index
    %get3A_777 = arith.constant 16 : index
    %get3A_778 = tpu.vector_load %arg5[%get3A_776, %get3A_777] {strides = array<i32>} : memref<2x128xi32, #tpu.memory_space<vmem>>, vector<1x16xi32>,
    %get3A_779 = vector.shape_cast %get3A_778 : vector<1x16xi32> to vector<16xi32>
    %swap3A_780 = arith.constant 16 : index
    %swap3A_781 = tpu.vector_load %arg10[%swap3A_780] {strides = array<i32>} : memref<64xi32, #tpu.memory_space<vmem>>, vector<16xi32>,
    %swap3A_782 = vector.shape_cast %swap3A_781 : vector<16xi32> to vector<16xi32>
    %swap3A_783 = vector.shape_cast %get3A_779 : vector<16xi32> to vector<16xi32>
    tpu.vector_store %arg10[%swap3A_780], %swap3A_783 {strides = array<i32>} : memref<64xi32, #tpu.memory_space<vmem>>, vector<16xi32>,
    %get3A_784 = arith.constant 0 : i32
    %get3A_785 = arith.index_cast %get3A_784 : i32 to index
    %get3A_786 = arith.constant 32 : index
    %get3A_787 = tpu.vector_load %arg5[%get3A_785, %get3A_786] {strides = array<i32>} : memref<2x128xi32, #tpu.memory_space<vmem>>, vector<1x16xi32>,
    %get3A_788 = vector.shape_cast %get3A_787 : vector<1x16xi32> to vector<16xi32>
    %swap3A_789 = arith.constant 32 : index
    %swap3A_790 = tpu.vector_load %arg10[%swap3A_789] {strides = array<i32>} : memref<64xi32, #tpu.memory_space<vmem>>, vector<16xi32>,
    %swap3A_791 = vector.shape_cast %swap3A_790 : vector<16xi32> to vector<16xi32>
    %swap3A_792 = vector.shape_cast %get3A_788 : vector<16xi32> to vector<16xi32>
    tpu.vector_store %arg10[%swap3A_789], %swap3A_792 {strides = array<i32>} : memref<64xi32, #tpu.memory_space<vmem>>, vector<16xi32>,
    %get3A_793 = arith.constant 0 : i32
    %get3A_794 = arith.index_cast %get3A_793 : i32 to index
    %get3A_795 = arith.constant 48 : index
    %get3A_796 = tpu.vector_load %arg5[%get3A_794, %get3A_795] {strides = array<i32>} : memref<2x128xi32, #tpu.memory_space<vmem>>, vector<1x16xi32>,
    %get3A_797 = vector.shape_cast %get3A_796 : vector<1x16xi32> to vector<16xi32>
    %swap3A_798 = arith.constant 48 : index
    %swap3A_799 = tpu.vector_load %arg10[%swap3A_798] {strides = array<i32>} : memref<64xi32, #tpu.memory_space<vmem>>, vector<16xi32>,
    %swap3A_800 = vector.shape_cast %swap3A_799 : vector<16xi32> to vector<16xi32>
    %swap3A_801 = vector.shape_cast %get3A_797 : vector<16xi32> to vector<16xi32>
    tpu.vector_store %arg10[%swap3A_798], %swap3A_801 {strides = array<i32>} : memref<64xi32, #tpu.memory_space<vmem>>, vector<16xi32>,
    %dma_start3A_802 = arith.constant 0 : i32
    %dma_start3A_803 = arith.constant 0 : i32
    %dma_start3A_804 = arith.constant 0 : i32
    %dma_start3A_805 = tpu.memref_slice %arg9[%dma_start3A_802, %dma_start3A_803, %dma_start3A_804] : memref<4x64x128xf32, #tpu.memory_space<vmem>> -> memref<1x64x128xf32, #tpu.memory_space<vmem>>
    %dma_start3A_806 = tpu.memref_squeeze %dma_start3A_805 : memref<1x64x128xf32, #tpu.memory_space<vmem>> -> memref<64x128xf32, #tpu.memory_space<vmem>>
    %dma_start3A_807 = arith.constant 0 : i32
    %dma_start3A_808 = arith.constant 0 : i32
    %dma_start3A_809 = tpu.memref_slice %arg3[%dma_start3A_807, %dma_start3A_808] : memref<10000x128xf32, #tpu.memory_space<hbm>> -> memref<10000x128xf32, #tpu.memory_space<hbm>>
    tpu.enqueue_indirect_dma source(%dma_start3A_809 : memref<10000x128xf32, #tpu.memory_space<hbm>>) target(%dma_start3A_806 : memref<64x128xf32, #tpu.memory_space<vmem>>) offsets(%arg10 : memref<64xi32, #tpu.memory_space<vmem>>) semaphore(%arg23 : memref<!tpu.dma_semaphore, #tpu.memory_space<semaphore_mem>>)
    %dma_wait3A_810 = arith.constant 2 : i32
    %dma_wait3A_811 = arith.constant 0 : i32
    %dma_wait3A_812 = arith.constant 0 : i32
    %dma_wait3A_813 = tpu.memref_slice %arg9[%dma_wait3A_810, %dma_wait3A_811, %dma_wait3A_812] : memref<4x64x128xf32, #tpu.memory_space<vmem>> -> memref<1x64x128xf32, #tpu.memory_space<vmem>>
    %dma_wait3A_814 = tpu.memref_squeeze %dma_wait3A_813 : memref<1x64x128xf32, #tpu.memory_space<vmem>> -> memref<64x128xf32, #tpu.memory_space<vmem>>
    %dma_wait3A_815 = arith.constant 0 : i32
    %dma_wait3A_816 = arith.constant 0 : i32
    %dma_wait3A_817 = tpu.memref_slice %arg3[%dma_wait3A_815, %dma_wait3A_816] : memref<10000x128xf32, #tpu.memory_space<hbm>> -> memref<10000x128xf32, #tpu.memory_space<hbm>>
    tpu.wait_indirect_dma semaphore(%arg25 : memref<!tpu.dma_semaphore, #tpu.memory_space<semaphore_mem>>) src(%dma_wait3A_817 : memref<10000x128xf32, #tpu.memory_space<hbm>>) dst(%dma_wait3A_814 : memref<64x128xf32, #tpu.memory_space<vmem>>)
    %get3A_818 = arith.constant 1 : i32
    %get3A_819 = arith.index_cast %get3A_818 : i32 to index
    %get3A_820 = arith.constant 0 : index
    %get3A_821 = tpu.vector_load %arg8[%get3A_819, %get3A_820] {strides = array<i32>} : memref<2x128xi32, #tpu.memory_space<vmem>>, vector<1x16xi32>,
    %get3A_822 = vector.shape_cast %get3A_821 : vector<1x16xi32> to vector<16xi32>
    %swap3A_823 = arith.constant 0 : index
    %swap3A_824 = tpu.vector_load %arg16[%swap3A_823] {strides = array<i32>} : memref<64xi32, #tpu.memory_space<vmem>>, vector<16xi32>,
    %swap3A_825 = vector.shape_cast %swap3A_824 : vector<16xi32> to vector<16xi32>
    %swap3A_826 = vector.shape_cast %get3A_822 : vector<16xi32> to vector<16xi32>
    tpu.vector_store %arg16[%swap3A_823], %swap3A_826 {strides = array<i32>} : memref<64xi32, #tpu.memory_space<vmem>>, vector<16xi32>,
    %get3A_827 = arith.constant 1 : i32
    %get3A_828 = arith.index_cast %get3A_827 : i32 to index
    %get3A_829 = arith.constant 16 : index
    %get3A_830 = tpu.vector_load %arg8[%get3A_828, %get3A_829] {strides = array<i32>} : memref<2x128xi32, #tpu.memory_space<vmem>>, vector<1x16xi32>,
    %get3A_831 = vector.shape_cast %get3A_830 : vector<1x16xi32> to vector<16xi32>
    %swap3A_832 = arith.constant 16 : index
    %swap3A_833 = tpu.vector_load %arg16[%swap3A_832] {strides = array<i32>} : memref<64xi32, #tpu.memory_space<vmem>>, vector<16xi32>,
    %swap3A_834 = vector.shape_cast %swap3A_833 : vector<16xi32> to vector<16xi32>
    %swap3A_835 = vector.shape_cast %get3A_831 : vector<16xi32> to vector<16xi32>
    tpu.vector_store %arg16[%swap3A_832], %swap3A_835 {strides = array<i32>} : memref<64xi32, #tpu.memory_space<vmem>>, vector<16xi32>,
    %get3A_836 = arith.constant 1 : i32
    %get3A_837 = arith.index_cast %get3A_836 : i32 to index
    %get3A_838 = arith.constant 32 : index
    %get3A_839 = tpu.vector_load %arg8[%get3A_837, %get3A_838] {strides = array<i32>} : memref<2x128xi32, #tpu.memory_space<vmem>>, vector<1x16xi32>,
    %get3A_840 = vector.shape_cast %get3A_839 : vector<1x16xi32> to vector<16xi32>
    %swap3A_841 = arith.constant 32 : index
    %swap3A_842 = tpu.vector_load %arg16[%swap3A_841] {strides = array<i32>} : memref<64xi32, #tpu.memory_space<vmem>>, vector<16xi32>,
    %swap3A_843 = vector.shape_cast %swap3A_842 : vector<16xi32> to vector<16xi32>
    %swap3A_844 = vector.shape_cast %get3A_840 : vector<16xi32> to vector<16xi32>
    tpu.vector_store %arg16[%swap3A_841], %swap3A_844 {strides = array<i32>} : memref<64xi32, #tpu.memory_space<vmem>>, vector<16xi32>,
    %get3A_845 = arith.constant 1 : i32
    %get3A_846 = arith.index_cast %get3A_845 : i32 to index
    %get3A_847 = arith.constant 48 : index
    %get3A_848 = tpu.vector_load %arg8[%get3A_846, %get3A_847] {strides = array<i32>} : memref<2x128xi32, #tpu.memory_space<vmem>>, vector<1x16xi32>,
    %get3A_849 = vector.shape_cast %get3A_848 : vector<1x16xi32> to vector<16xi32>
    %swap3A_850 = arith.constant 48 : index
    %swap3A_851 = tpu.vector_load %arg16[%swap3A_850] {strides = array<i32>} : memref<64xi32, #tpu.memory_space<vmem>>, vector<16xi32>,
    %swap3A_852 = vector.shape_cast %swap3A_851 : vector<16xi32> to vector<16xi32>
    %swap3A_853 = vector.shape_cast %get3A_849 : vector<16xi32> to vector<16xi32>
    tpu.vector_store %arg16[%swap3A_850], %swap3A_853 {strides = array<i32>} : memref<64xi32, #tpu.memory_space<vmem>>, vector<16xi32>,
    %run_scoped3A_854 = arith.constant 2 : i32
    "tpu.region"() ({
      %run_scoped3A_1414 = tpu.sem_alloc : memref<!tpu.dma_semaphore, #tpu.memory_space<semaphore_mem>>
      %dma_start3A_1415 = arith.constant 0 : i32
      %dma_start3A_1416 = arith.constant 0 : i32
      %dma_start3A_1417 = tpu.memref_slice %arg9[%run_scoped3A_854, %dma_start3A_1415, %dma_start3A_1416] : memref<4x64x128xf32, #tpu.memory_space<vmem>> -> memref<1x64x128xf32, #tpu.memory_space<vmem>>
      %dma_start3A_1418 = tpu.memref_squeeze %dma_start3A_1417 : memref<1x64x128xf32, #tpu.memory_space<vmem>> -> memref<64x128xf32, #tpu.memory_space<vmem>>
      %dma_start3A_1419 = arith.constant 0 : i32
      %dma_start3A_1420 = arith.constant 0 : i32
      %dma_start3A_1421 = tpu.memref_slice %arg18[%dma_start3A_1419, %dma_start3A_1420] : memref<10240x128xf32, #tpu.memory_space<vmem_shared>> -> memref<10240x128xf32, #tpu.memory_space<vmem_shared>>
      tpu.enqueue_indirect_dma source(%dma_start3A_1418 : memref<64x128xf32, #tpu.memory_space<vmem>>) target(%dma_start3A_1421 : memref<10240x128xf32, #tpu.memory_space<vmem_shared>>) offsets(%arg16 : memref<64xi32, #tpu.memory_space<vmem>>) semaphore(%run_scoped3A_1414 : memref<!tpu.dma_semaphore, #tpu.memory_space<semaphore_mem>>) {add = true}
      %dma_wait3A_1422 = arith.constant 0 : i32
      %dma_wait3A_1423 = arith.constant 0 : i32
      %dma_wait3A_1424 = tpu.memref_slice %arg9[%run_scoped3A_854, %dma_wait3A_1422, %dma_wait3A_1423] : memref<4x64x128xf32, #tpu.memory_space<vmem>> -> memref<1x64x128xf32, #tpu.memory_space<vmem>>
      %dma_wait3A_1425 = tpu.memref_squeeze %dma_wait3A_1424 : memref<1x64x128xf32, #tpu.memory_space<vmem>> -> memref<64x128xf32, #tpu.memory_space<vmem>>
      %dma_wait3A_1426 = arith.constant 0 : i32
      %dma_wait3A_1427 = arith.constant 0 : i32
      %dma_wait3A_1428 = tpu.memref_slice %arg18[%dma_wait3A_1426, %dma_wait3A_1427] : memref<10240x128xf32, #tpu.memory_space<vmem_shared>> -> memref<10240x128xf32, #tpu.memory_space<vmem_shared>>
      tpu.wait_indirect_dma semaphore(%run_scoped3A_1414 : memref<!tpu.dma_semaphore, #tpu.memory_space<semaphore_mem>>) src(%dma_wait3A_1425 : memref<64x128xf32, #tpu.memory_space<vmem>>) dst(%dma_wait3A_1428 : memref<10240x128xf32, #tpu.memory_space<vmem_shared>>)
      tpu.yield
    }) : () -> ()
    %get3A_855 = arith.constant 0 : i32
    %get3A_856 = arith.index_cast %get3A_855 : i32 to index
    %get3A_857 = arith.constant 64 : index
    %get3A_858 = tpu.vector_load %arg5[%get3A_856, %get3A_857] {strides = array<i32>} : memref<2x128xi32, #tpu.memory_space<vmem>>, vector<1x16xi32>,
    %get3A_859 = vector.shape_cast %get3A_858 : vector<1x16xi32> to vector<16xi32>
    %swap3A_860 = arith.constant 0 : index
    %swap3A_861 = tpu.vector_load %arg11[%swap3A_860] {strides = array<i32>} : memref<64xi32, #tpu.memory_space<vmem>>, vector<16xi32>,
    %swap3A_862 = vector.shape_cast %swap3A_861 : vector<16xi32> to vector<16xi32>
    %swap3A_863 = vector.shape_cast %get3A_859 : vector<16xi32> to vector<16xi32>
    tpu.vector_store %arg11[%swap3A_860], %swap3A_863 {strides = array<i32>} : memref<64xi32, #tpu.memory_space<vmem>>, vector<16xi32>,
    %get3A_864 = arith.constant 0 : i32
    %get3A_865 = arith.index_cast %get3A_864 : i32 to index
    %get3A_866 = arith.constant 80 : index
    %get3A_867 = tpu.vector_load %arg5[%get3A_865, %get3A_866] {strides = array<i32>} : memref<2x128xi32, #tpu.memory_space<vmem>>, vector<1x16xi32>,
    %get3A_868 = vector.shape_cast %get3A_867 : vector<1x16xi32> to vector<16xi32>
    %swap3A_869 = arith.constant 16 : index
    %swap3A_870 = tpu.vector_load %arg11[%swap3A_869] {strides = array<i32>} : memref<64xi32, #tpu.memory_space<vmem>>, vector<16xi32>,
    %swap3A_871 = vector.shape_cast %swap3A_870 : vector<16xi32> to vector<16xi32>
    %swap3A_872 = vector.shape_cast %get3A_868 : vector<16xi32> to vector<16xi32>
    tpu.vector_store %arg11[%swap3A_869], %swap3A_872 {strides = array<i32>} : memref<64xi32, #tpu.memory_space<vmem>>, vector<16xi32>,
    %get3A_873 = arith.constant 0 : i32
    %get3A_874 = arith.index_cast %get3A_873 : i32 to index
    %get3A_875 = arith.constant 96 : index
    %get3A_876 = tpu.vector_load %arg5[%get3A_874, %get3A_875] {strides = array<i32>} : memref<2x128xi32, #tpu.memory_space<vmem>>, vector<1x16xi32>,
    %get3A_877 = vector.shape_cast %get3A_876 : vector<1x16xi32> to vector<16xi32>
    %swap3A_878 = arith.constant 32 : index
    %swap3A_879 = tpu.vector_load %arg11[%swap3A_878] {strides = array<i32>} : memref<64xi32, #tpu.memory_space<vmem>>, vector<16xi32>,
    %swap3A_880 = vector.shape_cast %swap3A_879 : vector<16xi32> to vector<16xi32>
    %swap3A_881 = vector.shape_cast %get3A_877 : vector<16xi32> to vector<16xi32>
    tpu.vector_store %arg11[%swap3A_878], %swap3A_881 {strides = array<i32>} : memref<64xi32, #tpu.memory_space<vmem>>, vector<16xi32>,
    %get3A_882 = arith.constant 0 : i32
    %get3A_883 = arith.index_cast %get3A_882 : i32 to index
    %get3A_884 = arith.constant 112 : index
    %get3A_885 = tpu.vector_load %arg5[%get3A_883, %get3A_884] {strides = array<i32>} : memref<2x128xi32, #tpu.memory_space<vmem>>, vector<1x16xi32>,
    %get3A_886 = vector.shape_cast %get3A_885 : vector<1x16xi32> to vector<16xi32>
    %swap3A_887 = arith.constant 48 : index
    %swap3A_888 = tpu.vector_load %arg11[%swap3A_887] {strides = array<i32>} : memref<64xi32, #tpu.memory_space<vmem>>, vector<16xi32>,
    %swap3A_889 = vector.shape_cast %swap3A_888 : vector<16xi32> to vector<16xi32>
    %swap3A_890 = vector.shape_cast %get3A_886 : vector<16xi32> to vector<16xi32>
    tpu.vector_store %arg11[%swap3A_887], %swap3A_890 {strides = array<i32>} : memref<64xi32, #tpu.memory_space<vmem>>, vector<16xi32>,
    %dma_start3A_891 = arith.constant 1 : i32
    %dma_start3A_892 = arith.constant 0 : i32
    %dma_start3A_893 = arith.constant 0 : i32
    %dma_start3A_894 = tpu.memref_slice %arg9[%dma_start3A_891, %dma_start3A_892, %dma_start3A_893] : memref<4x64x128xf32, #tpu.memory_space<vmem>> -> memref<1x64x128xf32, #tpu.memory_space<vmem>>
    %dma_start3A_895 = tpu.memref_squeeze %dma_start3A_894 : memref<1x64x128xf32, #tpu.memory_space<vmem>> -> memref<64x128xf32, #tpu.memory_space<vmem>>
    %dma_start3A_896 = arith.constant 0 : i32
    %dma_start3A_897 = arith.constant 0 : i32
    %dma_start3A_898 = tpu.memref_slice %arg3[%dma_start3A_896, %dma_start3A_897] : memref<10000x128xf32, #tpu.memory_space<hbm>> -> memref<10000x128xf32, #tpu.memory_space<hbm>>
    tpu.enqueue_indirect_dma source(%dma_start3A_898 : memref<10000x128xf32, #tpu.memory_space<hbm>>) target(%dma_start3A_895 : memref<64x128xf32, #tpu.memory_space<vmem>>) offsets(%arg11 : memref<64xi32, #tpu.memory_space<vmem>>) semaphore(%arg24 : memref<!tpu.dma_semaphore, #tpu.memory_space<semaphore_mem>>)
    %mul3A_899 = arith.constant 128 : i32
    %mul3A_900 = arith.muli %add3A_5, %mul3A_899 : i32
    %multiple_of3A_901 = tpu.assume_multiple %mul3A_900, 128 : i32
    %dma_start3A_902 = arith.constant 0 : i32
    %dma_start3A_903 = tpu.memref_slice %arg2[%dma_start3A_902, %multiple_of3A_901] : memref<2x320000xi32, #tpu.memory_space<hbm>> -> memref<2x128xi32, #tpu.memory_space<hbm>>
    %dma_start3A_904 = arith.constant 0 : i32
    %dma_start3A_905 = tpu.memref_slice %arg2[%dma_start3A_904, %multiple_of3A_901] : memref<2x320000xi32, #tpu.memory_space<hbm>> -> memref<2x128xi32, #tpu.memory_space<hbm>>
    tpu.enqueue_dma source(%dma_start3A_905 : memref<2x128xi32, #tpu.memory_space<hbm>>) target(%arg7 : memref<2x128xi32, #tpu.memory_space<vmem>>) target_semaphore(%arg21 : memref<!tpu.dma_semaphore, #tpu.memory_space<semaphore_mem>>)
    %dma_wait3A_906 = arith.constant 3 : i32
    %dma_wait3A_907 = arith.constant 0 : i32
    %dma_wait3A_908 = arith.constant 0 : i32
    %dma_wait3A_909 = tpu.memref_slice %arg9[%dma_wait3A_906, %dma_wait3A_907, %dma_wait3A_908] : memref<4x64x128xf32, #tpu.memory_space<vmem>> -> memref<1x64x128xf32, #tpu.memory_space<vmem>>
    %dma_wait3A_910 = tpu.memref_squeeze %dma_wait3A_909 : memref<1x64x128xf32, #tpu.memory_space<vmem>> -> memref<64x128xf32, #tpu.memory_space<vmem>>
    %dma_wait3A_911 = arith.constant 0 : i32
    %dma_wait3A_912 = arith.constant 0 : i32
    %dma_wait3A_913 = tpu.memref_slice %arg3[%dma_wait3A_911, %dma_wait3A_912] : memref<10000x128xf32, #tpu.memory_space<hbm>> -> memref<10000x128xf32, #tpu.memory_space<hbm>>
    tpu.wait_indirect_dma semaphore(%arg26 : memref<!tpu.dma_semaphore, #tpu.memory_space<semaphore_mem>>) src(%dma_wait3A_913 : memref<10000x128xf32, #tpu.memory_space<hbm>>) dst(%dma_wait3A_910 : memref<64x128xf32, #tpu.memory_space<vmem>>)
    %get3A_914 = arith.constant 1 : i32
    %get3A_915 = arith.index_cast %get3A_914 : i32 to index
    %get3A_916 = arith.constant 64 : index
    %get3A_917 = tpu.vector_load %arg8[%get3A_915, %get3A_916] {strides = array<i32>} : memref<2x128xi32, #tpu.memory_space<vmem>>, vector<1x16xi32>,
    %get3A_918 = vector.shape_cast %get3A_917 : vector<1x16xi32> to vector<16xi32>
    %swap3A_919 = arith.constant 0 : index
    %swap3A_920 = tpu.vector_load %arg17[%swap3A_919] {strides = array<i32>} : memref<64xi32, #tpu.memory_space<vmem>>, vector<16xi32>,
    %swap3A_921 = vector.shape_cast %swap3A_920 : vector<16xi32> to vector<16xi32>
    %swap3A_922 = vector.shape_cast %get3A_918 : vector<16xi32> to vector<16xi32>
    tpu.vector_store %arg17[%swap3A_919], %swap3A_922 {strides = array<i32>} : memref<64xi32, #tpu.memory_space<vmem>>, vector<16xi32>,
    %get3A_923 = arith.constant 1 : i32
    %get3A_924 = arith.index_cast %get3A_923 : i32 to index
    %get3A_925 = arith.constant 80 : index
    %get3A_926 = tpu.vector_load %arg8[%get3A_924, %get3A_925] {strides = array<i32>} : memref<2x128xi32, #tpu.memory_space<vmem>>, vector<1x16xi32>,
    %get3A_927 = vector.shape_cast %get3A_926 : vector<1x16xi32> to vector<16xi32>
    %swap3A_928 = arith.constant 16 : index
    %swap3A_929 = tpu.vector_load %arg17[%swap3A_928] {strides = array<i32>} : memref<64xi32, #tpu.memory_space<vmem>>, vector<16xi32>,
    %swap3A_930 = vector.shape_cast %swap3A_929 : vector<16xi32> to vector<16xi32>
    %swap3A_931 = vector.shape_cast %get3A_927 : vector<16xi32> to vector<16xi32>
    tpu.vector_store %arg17[%swap3A_928], %swap3A_931 {strides = array<i32>} : memref<64xi32, #tpu.memory_space<vmem>>, vector<16xi32>,
    %get3A_932 = arith.constant 1 : i32
    %get3A_933 = arith.index_cast %get3A_932 : i32 to index
    %get3A_934 = arith.constant 96 : index
    %get3A_935 = tpu.vector_load %arg8[%get3A_933, %get3A_934] {strides = array<i32>} : memref<2x128xi32, #tpu.memory_space<vmem>>, vector<1x16xi32>,
    %get3A_936 = vector.shape_cast %get3A_935 : vector<1x16xi32> to vector<16xi32>
    %swap3A_937 = arith.constant 32 : index
    %swap3A_938 = tpu.vector_load %arg17[%swap3A_937] {strides = array<i32>} : memref<64xi32, #tpu.memory_space<vmem>>, vector<16xi32>,
    %swap3A_939 = vector.shape_cast %swap3A_938 : vector<16xi32> to vector<16xi32>
    %swap3A_940 = vector.shape_cast %get3A_936 : vector<16xi32> to vector<16xi32>
    tpu.vector_store %arg17[%swap3A_937], %swap3A_940 {strides = array<i32>} : memref<64xi32, #tpu.memory_space<vmem>>, vector<16xi32>,
    %get3A_941 = arith.constant 1 : i32
    %get3A_942 = arith.index_cast %get3A_941 : i32 to index
    %get3A_943 = arith.constant 112 : index
    %get3A_944 = tpu.vector_load %arg8[%get3A_942, %get3A_943] {strides = array<i32>} : memref<2x128xi32, #tpu.memory_space<vmem>>, vector<1x16xi32>,
    %get3A_945 = vector.shape_cast %get3A_944 : vector<1x16xi32> to vector<16xi32>
    %swap3A_946 = arith.constant 48 : index
    %swap3A_947 = tpu.vector_load %arg17[%swap3A_946] {strides = array<i32>} : memref<64xi32, #tpu.memory_space<vmem>>, vector<16xi32>,
    %swap3A_948 = vector.shape_cast %swap3A_947 : vector<16xi32> to vector<16xi32>
    %swap3A_949 = vector.shape_cast %get3A_945 : vector<16xi32> to vector<16xi32>
    tpu.vector_store %arg17[%swap3A_946], %swap3A_949 {strides = array<i32>} : memref<64xi32, #tpu.memory_space<vmem>>, vector<16xi32>,
    %run_scoped3A_950 = arith.constant 3 : i32
    "tpu.region"() ({
      %run_scoped3A_1414 = tpu.sem_alloc : memref<!tpu.dma_semaphore, #tpu.memory_space<semaphore_mem>>
      %dma_start3A_1415 = arith.constant 0 : i32
      %dma_start3A_1416 = arith.constant 0 : i32
      %dma_start3A_1417 = tpu.memref_slice %arg9[%run_scoped3A_950, %dma_start3A_1415, %dma_start3A_1416] : memref<4x64x128xf32, #tpu.memory_space<vmem>> -> memref<1x64x128xf32, #tpu.memory_space<vmem>>
      %dma_start3A_1418 = tpu.memref_squeeze %dma_start3A_1417 : memref<1x64x128xf32, #tpu.memory_space<vmem>> -> memref<64x128xf32, #tpu.memory_space<vmem>>
      %dma_start3A_1419 = arith.constant 0 : i32
      %dma_start3A_1420 = arith.constant 0 : i32
      %dma_start3A_1421 = tpu.memref_slice %arg18[%dma_start3A_1419, %dma_start3A_1420] : memref<10240x128xf32, #tpu.memory_space<vmem_shared>> -> memref<10240x128xf32, #tpu.memory_space<vmem_shared>>
      tpu.enqueue_indirect_dma source(%dma_start3A_1418 : memref<64x128xf32, #tpu.memory_space<vmem>>) target(%dma_start3A_1421 : memref<10240x128xf32, #tpu.memory_space<vmem_shared>>) offsets(%arg17 : memref<64xi32, #tpu.memory_space<vmem>>) semaphore(%run_scoped3A_1414 : memref<!tpu.dma_semaphore, #tpu.memory_space<semaphore_mem>>) {add = true}
      %dma_wait3A_1422 = arith.constant 0 : i32
      %dma_wait3A_1423 = arith.constant 0 : i32
      %dma_wait3A_1424 = tpu.memref_slice %arg9[%run_scoped3A_950, %dma_wait3A_1422, %dma_wait3A_1423] : memref<4x64x128xf32, #tpu.memory_space<vmem>> -> memref<1x64x128xf32, #tpu.memory_space<vmem>>
      %dma_wait3A_1425 = tpu.memref_squeeze %dma_wait3A_1424 : memref<1x64x128xf32, #tpu.memory_space<vmem>> -> memref<64x128xf32, #tpu.memory_space<vmem>>
      %dma_wait3A_1426 = arith.constant 0 : i32
      %dma_wait3A_1427 = arith.constant 0 : i32
      %dma_wait3A_1428 = tpu.memref_slice %arg18[%dma_wait3A_1426, %dma_wait3A_1427] : memref<10240x128xf32, #tpu.memory_space<vmem_shared>> -> memref<10240x128xf32, #tpu.memory_space<vmem_shared>>
      tpu.wait_indirect_dma semaphore(%run_scoped3A_1414 : memref<!tpu.dma_semaphore, #tpu.memory_space<semaphore_mem>>) src(%dma_wait3A_1425 : memref<64x128xf32, #tpu.memory_space<vmem>>) dst(%dma_wait3A_1428 : memref<10240x128xf32, #tpu.memory_space<vmem_shared>>)
      tpu.yield
    }) : () -> ()
    %dma_wait3A_951 = arith.constant 0 : i32
    %dma_wait3A_952 = arith.constant 0 : i32
    %dma_wait3A_953 = tpu.memref_slice %arg2[%dma_wait3A_951, %dma_wait3A_952] : memref<2x320000xi32, #tpu.memory_space<hbm>> -> memref<2x128xi32, #tpu.memory_space<hbm>>
    %dma_wait3A_954 = arith.constant 0 : i32
    %dma_wait3A_955 = arith.constant 0 : i32
    %dma_wait3A_956 = tpu.memref_slice %arg2[%dma_wait3A_954, %dma_wait3A_955] : memref<2x320000xi32, #tpu.memory_space<hbm>> -> memref<2x128xi32, #tpu.memory_space<hbm>>
    tpu.wait_dma2 semaphore(%arg20 : memref<!tpu.dma_semaphore, #tpu.memory_space<semaphore_mem>>) src(%dma_wait3A_956 : memref<2x128xi32, #tpu.memory_space<hbm>>) dst(%arg6 : memref<2x128xi32, #tpu.memory_space<vmem>>)
    %get3A_957 = arith.constant 0 : i32
    %get3A_958 = arith.index_cast %get3A_957 : i32 to index
    %get3A_959 = arith.constant 0 : index
    %get3A_960 = tpu.vector_load %arg6[%get3A_958, %get3A_959] {strides = array<i32>} : memref<2x128xi32, #tpu.memory_space<vmem>>, vector<1x16xi32>,
    %get3A_961 = vector.shape_cast %get3A_960 : vector<1x16xi32> to vector<16xi32>
    %swap3A_962 = arith.constant 0 : index
    %swap3A_963 = tpu.vector_load %arg12[%swap3A_962] {strides = array<i32>} : memref<64xi32, #tpu.memory_space<vmem>>, vector<16xi32>,
    %swap3A_964 = vector.shape_cast %swap3A_963 : vector<16xi32> to vector<16xi32>
    %swap3A_965 = vector.shape_cast %get3A_961 : vector<16xi32> to vector<16xi32>
    tpu.vector_store %arg12[%swap3A_962], %swap3A_965 {strides = array<i32>} : memref<64xi32, #tpu.memory_space<vmem>>, vector<16xi32>,
    %get3A_966 = arith.constant 0 : i32
    %get3A_967 = arith.index_cast %get3A_966 : i32 to index
    %get3A_968 = arith.constant 16 : index
    %get3A_969 = tpu.vector_load %arg6[%get3A_967, %get3A_968] {strides = array<i32>} : memref<2x128xi32, #tpu.memory_space<vmem>>, vector<1x16xi32>,
    %get3A_970 = vector.shape_cast %get3A_969 : vector<1x16xi32> to vector<16xi32>
    %swap3A_971 = arith.constant 16 : index
    %swap3A_972 = tpu.vector_load %arg12[%swap3A_971] {strides = array<i32>} : memref<64xi32, #tpu.memory_space<vmem>>, vector<16xi32>,
    %swap3A_973 = vector.shape_cast %swap3A_972 : vector<16xi32> to vector<16xi32>
    %swap3A_974 = vector.shape_cast %get3A_970 : vector<16xi32> to vector<16xi32>
    tpu.vector_store %arg12[%swap3A_971], %swap3A_974 {strides = array<i32>} : memref<64xi32, #tpu.memory_space<vmem>>, vector<16xi32>,
    %get3A_975 = arith.constant 0 : i32
    %get3A_976 = arith.index_cast %get3A_975 : i32 to index
    %get3A_977 = arith.constant 32 : index
    %get3A_978 = tpu.vector_load %arg6[%get3A_976, %get3A_977] {strides = array<i32>} : memref<2x128xi32, #tpu.memory_space<vmem>>, vector<1x16xi32>,
    %get3A_979 = vector.shape_cast %get3A_978 : vector<1x16xi32> to vector<16xi32>
    %swap3A_980 = arith.constant 32 : index
    %swap3A_981 = tpu.vector_load %arg12[%swap3A_980] {strides = array<i32>} : memref<64xi32, #tpu.memory_space<vmem>>, vector<16xi32>,
    %swap3A_982 = vector.shape_cast %swap3A_981 : vector<16xi32> to vector<16xi32>
    %swap3A_983 = vector.shape_cast %get3A_979 : vector<16xi32> to vector<16xi32>
    tpu.vector_store %arg12[%swap3A_980], %swap3A_983 {strides = array<i32>} : memref<64xi32, #tpu.memory_space<vmem>>, vector<16xi32>,
    %get3A_984 = arith.constant 0 : i32
    %get3A_985 = arith.index_cast %get3A_984 : i32 to index
    %get3A_986 = arith.constant 48 : index
    %get3A_987 = tpu.vector_load %arg6[%get3A_985, %get3A_986] {strides = array<i32>} : memref<2x128xi32, #tpu.memory_space<vmem>>, vector<1x16xi32>,
    %get3A_988 = vector.shape_cast %get3A_987 : vector<1x16xi32> to vector<16xi32>
    %swap3A_989 = arith.constant 48 : index
    %swap3A_990 = tpu.vector_load %arg12[%swap3A_989] {strides = array<i32>} : memref<64xi32, #tpu.memory_space<vmem>>, vector<16xi32>,
    %swap3A_991 = vector.shape_cast %swap3A_990 : vector<16xi32> to vector<16xi32>
    %swap3A_992 = vector.shape_cast %get3A_988 : vector<16xi32> to vector<16xi32>
    tpu.vector_store %arg12[%swap3A_989], %swap3A_992 {strides = array<i32>} : memref<64xi32, #tpu.memory_space<vmem>>, vector<16xi32>,
    %dma_start3A_993 = arith.constant 2 : i32
    %dma_start3A_994 = arith.constant 0 : i32
    %dma_start3A_995 = arith.constant 0 : i32
    %dma_start3A_996 = tpu.memref_slice %arg9[%dma_start3A_993, %dma_start3A_994, %dma_start3A_995] : memref<4x64x128xf32, #tpu.memory_space<vmem>> -> memref<1x64x128xf32, #tpu.memory_space<vmem>>
    %dma_start3A_997 = tpu.memref_squeeze %dma_start3A_996 : memref<1x64x128xf32, #tpu.memory_space<vmem>> -> memref<64x128xf32, #tpu.memory_space<vmem>>
    %dma_start3A_998 = arith.constant 0 : i32
    %dma_start3A_999 = arith.constant 0 : i32
    %dma_start3A_1000 = tpu.memref_slice %arg3[%dma_start3A_998, %dma_start3A_999] : memref<10000x128xf32, #tpu.memory_space<hbm>> -> memref<10000x128xf32, #tpu.memory_space<hbm>>
    tpu.enqueue_indirect_dma source(%dma_start3A_1000 : memref<10000x128xf32, #tpu.memory_space<hbm>>) target(%dma_start3A_997 : memref<64x128xf32, #tpu.memory_space<vmem>>) offsets(%arg12 : memref<64xi32, #tpu.memory_space<vmem>>) semaphore(%arg25 : memref<!tpu.dma_semaphore, #tpu.memory_space<semaphore_mem>>)
    %dma_wait3A_1001 = arith.constant 0 : i32
    %dma_wait3A_1002 = arith.constant 0 : i32
    %dma_wait3A_1003 = arith.constant 0 : i32
    %dma_wait3A_1004 = tpu.memref_slice %arg9[%dma_wait3A_1001, %dma_wait3A_1002, %dma_wait3A_1003] : memref<4x64x128xf32, #tpu.memory_space<vmem>> -> memref<1x64x128xf32, #tpu.memory_space<vmem>>
    %dma_wait3A_1005 = tpu.memref_squeeze %dma_wait3A_1004 : memref<1x64x128xf32, #tpu.memory_space<vmem>> -> memref<64x128xf32, #tpu.memory_space<vmem>>
    %dma_wait3A_1006 = arith.constant 0 : i32
    %dma_wait3A_1007 = arith.constant 0 : i32
    %dma_wait3A_1008 = tpu.memref_slice %arg3[%dma_wait3A_1006, %dma_wait3A_1007] : memref<10000x128xf32, #tpu.memory_space<hbm>> -> memref<10000x128xf32, #tpu.memory_space<hbm>>
    tpu.wait_indirect_dma semaphore(%arg23 : memref<!tpu.dma_semaphore, #tpu.memory_space<semaphore_mem>>) src(%dma_wait3A_1008 : memref<10000x128xf32, #tpu.memory_space<hbm>>) dst(%dma_wait3A_1005 : memref<64x128xf32, #tpu.memory_space<vmem>>)
    %get3A_1009 = arith.constant 1 : i32
    %get3A_1010 = arith.index_cast %get3A_1009 : i32 to index
    %get3A_1011 = arith.constant 0 : index
    %get3A_1012 = tpu.vector_load %arg5[%get3A_1010, %get3A_1011] {strides = array<i32>} : memref<2x128xi32, #tpu.memory_space<vmem>>, vector<1x16xi32>,
    %get3A_1013 = vector.shape_cast %get3A_1012 : vector<1x16xi32> to vector<16xi32>
    %swap3A_1014 = arith.constant 0 : index
    %swap3A_1015 = tpu.vector_load %arg14[%swap3A_1014] {strides = array<i32>} : memref<64xi32, #tpu.memory_space<vmem>>, vector<16xi32>,
    %swap3A_1016 = vector.shape_cast %swap3A_1015 : vector<16xi32> to vector<16xi32>
    %swap3A_1017 = vector.shape_cast %get3A_1013 : vector<16xi32> to vector<16xi32>
    tpu.vector_store %arg14[%swap3A_1014], %swap3A_1017 {strides = array<i32>} : memref<64xi32, #tpu.memory_space<vmem>>, vector<16xi32>,
    %get3A_1018 = arith.constant 1 : i32
    %get3A_1019 = arith.index_cast %get3A_1018 : i32 to index
    %get3A_1020 = arith.constant 16 : index
    %get3A_1021 = tpu.vector_load %arg5[%get3A_1019, %get3A_1020] {strides = array<i32>} : memref<2x128xi32, #tpu.memory_space<vmem>>, vector<1x16xi32>,
    %get3A_1022 = vector.shape_cast %get3A_1021 : vector<1x16xi32> to vector<16xi32>
    %swap3A_1023 = arith.constant 16 : index
    %swap3A_1024 = tpu.vector_load %arg14[%swap3A_1023] {strides = array<i32>} : memref<64xi32, #tpu.memory_space<vmem>>, vector<16xi32>,
    %swap3A_1025 = vector.shape_cast %swap3A_1024 : vector<16xi32> to vector<16xi32>
    %swap3A_1026 = vector.shape_cast %get3A_1022 : vector<16xi32> to vector<16xi32>
    tpu.vector_store %arg14[%swap3A_1023], %swap3A_1026 {strides = array<i32>} : memref<64xi32, #tpu.memory_space<vmem>>, vector<16xi32>,
    %get3A_1027 = arith.constant 1 : i32
    %get3A_1028 = arith.index_cast %get3A_1027 : i32 to index
    %get3A_1029 = arith.constant 32 : index
    %get3A_1030 = tpu.vector_load %arg5[%get3A_1028, %get3A_1029] {strides = array<i32>} : memref<2x128xi32, #tpu.memory_space<vmem>>, vector<1x16xi32>,
    %get3A_1031 = vector.shape_cast %get3A_1030 : vector<1x16xi32> to vector<16xi32>
    %swap3A_1032 = arith.constant 32 : index
    %swap3A_1033 = tpu.vector_load %arg14[%swap3A_1032] {strides = array<i32>} : memref<64xi32, #tpu.memory_space<vmem>>, vector<16xi32>,
    %swap3A_1034 = vector.shape_cast %swap3A_1033 : vector<16xi32> to vector<16xi32>
    %swap3A_1035 = vector.shape_cast %get3A_1031 : vector<16xi32> to vector<16xi32>
    tpu.vector_store %arg14[%swap3A_1032], %swap3A_1035 {strides = array<i32>} : memref<64xi32, #tpu.memory_space<vmem>>, vector<16xi32>,
    %get3A_1036 = arith.constant 1 : i32
    %get3A_1037 = arith.index_cast %get3A_1036 : i32 to index
    %get3A_1038 = arith.constant 48 : index
    %get3A_1039 = tpu.vector_load %arg5[%get3A_1037, %get3A_1038] {strides = array<i32>} : memref<2x128xi32, #tpu.memory_space<vmem>>, vector<1x16xi32>,
    %get3A_1040 = vector.shape_cast %get3A_1039 : vector<1x16xi32> to vector<16xi32>
    %swap3A_1041 = arith.constant 48 : index
    %swap3A_1042 = tpu.vector_load %arg14[%swap3A_1041] {strides = array<i32>} : memref<64xi32, #tpu.memory_space<vmem>>, vector<16xi32>,
    %swap3A_1043 = vector.shape_cast %swap3A_1042 : vector<16xi32> to vector<16xi32>
    %swap3A_1044 = vector.shape_cast %get3A_1040 : vector<16xi32> to vector<16xi32>
    tpu.vector_store %arg14[%swap3A_1041], %swap3A_1044 {strides = array<i32>} : memref<64xi32, #tpu.memory_space<vmem>>, vector<16xi32>,
    %run_scoped3A_1045 = arith.constant 0 : i32
    "tpu.region"() ({
      %run_scoped3A_1414 = tpu.sem_alloc : memref<!tpu.dma_semaphore, #tpu.memory_space<semaphore_mem>>
      %dma_start3A_1415 = arith.constant 0 : i32
      %dma_start3A_1416 = arith.constant 0 : i32
      %dma_start3A_1417 = tpu.memref_slice %arg9[%run_scoped3A_1045, %dma_start3A_1415, %dma_start3A_1416] : memref<4x64x128xf32, #tpu.memory_space<vmem>> -> memref<1x64x128xf32, #tpu.memory_space<vmem>>
      %dma_start3A_1418 = tpu.memref_squeeze %dma_start3A_1417 : memref<1x64x128xf32, #tpu.memory_space<vmem>> -> memref<64x128xf32, #tpu.memory_space<vmem>>
      %dma_start3A_1419 = arith.constant 0 : i32
      %dma_start3A_1420 = arith.constant 0 : i32
      %dma_start3A_1421 = tpu.memref_slice %arg18[%dma_start3A_1419, %dma_start3A_1420] : memref<10240x128xf32, #tpu.memory_space<vmem_shared>> -> memref<10240x128xf32, #tpu.memory_space<vmem_shared>>
      tpu.enqueue_indirect_dma source(%dma_start3A_1418 : memref<64x128xf32, #tpu.memory_space<vmem>>) target(%dma_start3A_1421 : memref<10240x128xf32, #tpu.memory_space<vmem_shared>>) offsets(%arg14 : memref<64xi32, #tpu.memory_space<vmem>>) semaphore(%run_scoped3A_1414 : memref<!tpu.dma_semaphore, #tpu.memory_space<semaphore_mem>>) {add = true}
      %dma_wait3A_1422 = arith.constant 0 : i32
      %dma_wait3A_1423 = arith.constant 0 : i32
      %dma_wait3A_1424 = tpu.memref_slice %arg9[%run_scoped3A_1045, %dma_wait3A_1422, %dma_wait3A_1423] : memref<4x64x128xf32, #tpu.memory_space<vmem>> -> memref<1x64x128xf32, #tpu.memory_space<vmem>>
      %dma_wait3A_1425 = tpu.memref_squeeze %dma_wait3A_1424 : memref<1x64x128xf32, #tpu.memory_space<vmem>> -> memref<64x128xf32, #tpu.memory_space<vmem>>
      %dma_wait3A_1426 = arith.constant 0 : i32
      %dma_wait3A_1427 = arith.constant 0 : i32
      %dma_wait3A_1428 = tpu.memref_slice %arg18[%dma_wait3A_1426, %dma_wait3A_1427] : memref<10240x128xf32, #tpu.memory_space<vmem_shared>> -> memref<10240x128xf32, #tpu.memory_space<vmem_shared>>
      tpu.wait_indirect_dma semaphore(%run_scoped3A_1414 : memref<!tpu.dma_semaphore, #tpu.memory_space<semaphore_mem>>) src(%dma_wait3A_1425 : memref<64x128xf32, #tpu.memory_space<vmem>>) dst(%dma_wait3A_1428 : memref<10240x128xf32, #tpu.memory_space<vmem_shared>>)
      tpu.yield
    }) : () -> ()
    %get3A_1046 = arith.constant 0 : i32
    %get3A_1047 = arith.index_cast %get3A_1046 : i32 to index
    %get3A_1048 = arith.constant 64 : index
    %get3A_1049 = tpu.vector_load %arg6[%get3A_1047, %get3A_1048] {strides = array<i32>} : memref<2x128xi32, #tpu.memory_space<vmem>>, vector<1x16xi32>,
    %get3A_1050 = vector.shape_cast %get3A_1049 : vector<1x16xi32> to vector<16xi32>
    %swap3A_1051 = arith.constant 0 : index
    %swap3A_1052 = tpu.vector_load %arg13[%swap3A_1051] {strides = array<i32>} : memref<64xi32, #tpu.memory_space<vmem>>, vector<16xi32>,
    %swap3A_1053 = vector.shape_cast %swap3A_1052 : vector<16xi32> to vector<16xi32>
    %swap3A_1054 = vector.shape_cast %get3A_1050 : vector<16xi32> to vector<16xi32>
    tpu.vector_store %arg13[%swap3A_1051], %swap3A_1054 {strides = array<i32>} : memref<64xi32, #tpu.memory_space<vmem>>, vector<16xi32>,
    %get3A_1055 = arith.constant 0 : i32
    %get3A_1056 = arith.index_cast %get3A_1055 : i32 to index
    %get3A_1057 = arith.constant 80 : index
    %get3A_1058 = tpu.vector_load %arg6[%get3A_1056, %get3A_1057] {strides = array<i32>} : memref<2x128xi32, #tpu.memory_space<vmem>>, vector<1x16xi32>,
    %get3A_1059 = vector.shape_cast %get3A_1058 : vector<1x16xi32> to vector<16xi32>
    %swap3A_1060 = arith.constant 16 : index
    %swap3A_1061 = tpu.vector_load %arg13[%swap3A_1060] {strides = array<i32>} : memref<64xi32, #tpu.memory_space<vmem>>, vector<16xi32>,
    %swap3A_1062 = vector.shape_cast %swap3A_1061 : vector<16xi32> to vector<16xi32>
    %swap3A_1063 = vector.shape_cast %get3A_1059 : vector<16xi32> to vector<16xi32>
    tpu.vector_store %arg13[%swap3A_1060], %swap3A_1063 {strides = array<i32>} : memref<64xi32, #tpu.memory_space<vmem>>, vector<16xi32>,
    %get3A_1064 = arith.constant 0 : i32
    %get3A_1065 = arith.index_cast %get3A_1064 : i32 to index
    %get3A_1066 = arith.constant 96 : index
    %get3A_1067 = tpu.vector_load %arg6[%get3A_1065, %get3A_1066] {strides = array<i32>} : memref<2x128xi32, #tpu.memory_space<vmem>>, vector<1x16xi32>,
    %get3A_1068 = vector.shape_cast %get3A_1067 : vector<1x16xi32> to vector<16xi32>
    %swap3A_1069 = arith.constant 32 : index
    %swap3A_1070 = tpu.vector_load %arg13[%swap3A_1069] {strides = array<i32>} : memref<64xi32, #tpu.memory_space<vmem>>, vector<16xi32>,
    %swap3A_1071 = vector.shape_cast %swap3A_1070 : vector<16xi32> to vector<16xi32>
    %swap3A_1072 = vector.shape_cast %get3A_1068 : vector<16xi32> to vector<16xi32>
    tpu.vector_store %arg13[%swap3A_1069], %swap3A_1072 {strides = array<i32>} : memref<64xi32, #tpu.memory_space<vmem>>, vector<16xi32>,
    %get3A_1073 = arith.constant 0 : i32
    %get3A_1074 = arith.index_cast %get3A_1073 : i32 to index
    %get3A_1075 = arith.constant 112 : index
    %get3A_1076 = tpu.vector_load %arg6[%get3A_1074, %get3A_1075] {strides = array<i32>} : memref<2x128xi32, #tpu.memory_space<vmem>>, vector<1x16xi32>,
    %get3A_1077 = vector.shape_cast %get3A_1076 : vector<1x16xi32> to vector<16xi32>
    %swap3A_1078 = arith.constant 48 : index
    %swap3A_1079 = tpu.vector_load %arg13[%swap3A_1078] {strides = array<i32>} : memref<64xi32, #tpu.memory_space<vmem>>, vector<16xi32>,
    %swap3A_1080 = vector.shape_cast %swap3A_1079 : vector<16xi32> to vector<16xi32>
    %swap3A_1081 = vector.shape_cast %get3A_1077 : vector<16xi32> to vector<16xi32>
    tpu.vector_store %arg13[%swap3A_1078], %swap3A_1081 {strides = array<i32>} : memref<64xi32, #tpu.memory_space<vmem>>, vector<16xi32>,
    %dma_start3A_1082 = arith.constant 3 : i32
    %dma_start3A_1083 = arith.constant 0 : i32
    %dma_start3A_1084 = arith.constant 0 : i32
    %dma_start3A_1085 = tpu.memref_slice %arg9[%dma_start3A_1082, %dma_start3A_1083, %dma_start3A_1084] : memref<4x64x128xf32, #tpu.memory_space<vmem>> -> memref<1x64x128xf32, #tpu.memory_space<vmem>>
    %dma_start3A_1086 = tpu.memref_squeeze %dma_start3A_1085 : memref<1x64x128xf32, #tpu.memory_space<vmem>> -> memref<64x128xf32, #tpu.memory_space<vmem>>
    %dma_start3A_1087 = arith.constant 0 : i32
    %dma_start3A_1088 = arith.constant 0 : i32
    %dma_start3A_1089 = tpu.memref_slice %arg3[%dma_start3A_1087, %dma_start3A_1088] : memref<10000x128xf32, #tpu.memory_space<hbm>> -> memref<10000x128xf32, #tpu.memory_space<hbm>>
    tpu.enqueue_indirect_dma source(%dma_start3A_1089 : memref<10000x128xf32, #tpu.memory_space<hbm>>) target(%dma_start3A_1086 : memref<64x128xf32, #tpu.memory_space<vmem>>) offsets(%arg13 : memref<64xi32, #tpu.memory_space<vmem>>) semaphore(%arg26 : memref<!tpu.dma_semaphore, #tpu.memory_space<semaphore_mem>>)
    %dma_wait3A_1090 = arith.constant 1 : i32
    %dma_wait3A_1091 = arith.constant 0 : i32
    %dma_wait3A_1092 = arith.constant 0 : i32
    %dma_wait3A_1093 = tpu.memref_slice %arg9[%dma_wait3A_1090, %dma_wait3A_1091, %dma_wait3A_1092] : memref<4x64x128xf32, #tpu.memory_space<vmem>> -> memref<1x64x128xf32, #tpu.memory_space<vmem>>
    %dma_wait3A_1094 = tpu.memref_squeeze %dma_wait3A_1093 : memref<1x64x128xf32, #tpu.memory_space<vmem>> -> memref<64x128xf32, #tpu.memory_space<vmem>>
    %dma_wait3A_1095 = arith.constant 0 : i32
    %dma_wait3A_1096 = arith.constant 0 : i32
    %dma_wait3A_1097 = tpu.memref_slice %arg3[%dma_wait3A_1095, %dma_wait3A_1096] : memref<10000x128xf32, #tpu.memory_space<hbm>> -> memref<10000x128xf32, #tpu.memory_space<hbm>>
    tpu.wait_indirect_dma semaphore(%arg24 : memref<!tpu.dma_semaphore, #tpu.memory_space<semaphore_mem>>) src(%dma_wait3A_1097 : memref<10000x128xf32, #tpu.memory_space<hbm>>) dst(%dma_wait3A_1094 : memref<64x128xf32, #tpu.memory_space<vmem>>)
    %get3A_1098 = arith.constant 1 : i32
    %get3A_1099 = arith.index_cast %get3A_1098 : i32 to index
    %get3A_1100 = arith.constant 64 : index
    %get3A_1101 = tpu.vector_load %arg5[%get3A_1099, %get3A_1100] {strides = array<i32>} : memref<2x128xi32, #tpu.memory_space<vmem>>, vector<1x16xi32>,
    %get3A_1102 = vector.shape_cast %get3A_1101 : vector<1x16xi32> to vector<16xi32>
    %swap3A_1103 = arith.constant 0 : index
    %swap3A_1104 = tpu.vector_load %arg15[%swap3A_1103] {strides = array<i32>} : memref<64xi32, #tpu.memory_space<vmem>>, vector<16xi32>,
    %swap3A_1105 = vector.shape_cast %swap3A_1104 : vector<16xi32> to vector<16xi32>
    %swap3A_1106 = vector.shape_cast %get3A_1102 : vector<16xi32> to vector<16xi32>
    tpu.vector_store %arg15[%swap3A_1103], %swap3A_1106 {strides = array<i32>} : memref<64xi32, #tpu.memory_space<vmem>>, vector<16xi32>,
    %get3A_1107 = arith.constant 1 : i32
    %get3A_1108 = arith.index_cast %get3A_1107 : i32 to index
    %get3A_1109 = arith.constant 80 : index
    %get3A_1110 = tpu.vector_load %arg5[%get3A_1108, %get3A_1109] {strides = array<i32>} : memref<2x128xi32, #tpu.memory_space<vmem>>, vector<1x16xi32>,
    %get3A_1111 = vector.shape_cast %get3A_1110 : vector<1x16xi32> to vector<16xi32>
    %swap3A_1112 = arith.constant 16 : index
    %swap3A_1113 = tpu.vector_load %arg15[%swap3A_1112] {strides = array<i32>} : memref<64xi32, #tpu.memory_space<vmem>>, vector<16xi32>,
    %swap3A_1114 = vector.shape_cast %swap3A_1113 : vector<16xi32> to vector<16xi32>
    %swap3A_1115 = vector.shape_cast %get3A_1111 : vector<16xi32> to vector<16xi32>
    tpu.vector_store %arg15[%swap3A_1112], %swap3A_1115 {strides = array<i32>} : memref<64xi32, #tpu.memory_space<vmem>>, vector<16xi32>,
    %get3A_1116 = arith.constant 1 : i32
    %get3A_1117 = arith.index_cast %get3A_1116 : i32 to index
    %get3A_1118 = arith.constant 96 : index
    %get3A_1119 = tpu.vector_load %arg5[%get3A_1117, %get3A_1118] {strides = array<i32>} : memref<2x128xi32, #tpu.memory_space<vmem>>, vector<1x16xi32>,
    %get3A_1120 = vector.shape_cast %get3A_1119 : vector<1x16xi32> to vector<16xi32>
    %swap3A_1121 = arith.constant 32 : index
    %swap3A_1122 = tpu.vector_load %arg15[%swap3A_1121] {strides = array<i32>} : memref<64xi32, #tpu.memory_space<vmem>>, vector<16xi32>,
    %swap3A_1123 = vector.shape_cast %swap3A_1122 : vector<16xi32> to vector<16xi32>
    %swap3A_1124 = vector.shape_cast %get3A_1120 : vector<16xi32> to vector<16xi32>
    tpu.vector_store %arg15[%swap3A_1121], %swap3A_1124 {strides = array<i32>} : memref<64xi32, #tpu.memory_space<vmem>>, vector<16xi32>,
    %get3A_1125 = arith.constant 1 : i32
    %get3A_1126 = arith.index_cast %get3A_1125 : i32 to index
    %get3A_1127 = arith.constant 112 : index
    %get3A_1128 = tpu.vector_load %arg5[%get3A_1126, %get3A_1127] {strides = array<i32>} : memref<2x128xi32, #tpu.memory_space<vmem>>, vector<1x16xi32>,
    %get3A_1129 = vector.shape_cast %get3A_1128 : vector<1x16xi32> to vector<16xi32>
    %swap3A_1130 = arith.constant 48 : index
    %swap3A_1131 = tpu.vector_load %arg15[%swap3A_1130] {strides = array<i32>} : memref<64xi32, #tpu.memory_space<vmem>>, vector<16xi32>,
    %swap3A_1132 = vector.shape_cast %swap3A_1131 : vector<16xi32> to vector<16xi32>
    %swap3A_1133 = vector.shape_cast %get3A_1129 : vector<16xi32> to vector<16xi32>
    tpu.vector_store %arg15[%swap3A_1130], %swap3A_1133 {strides = array<i32>} : memref<64xi32, #tpu.memory_space<vmem>>, vector<16xi32>,
    %run_scoped3A_1134 = arith.constant 1 : i32
    "tpu.region"() ({
      %run_scoped3A_1414 = tpu.sem_alloc : memref<!tpu.dma_semaphore, #tpu.memory_space<semaphore_mem>>
      %dma_start3A_1415 = arith.constant 0 : i32
      %dma_start3A_1416 = arith.constant 0 : i32
      %dma_start3A_1417 = tpu.memref_slice %arg9[%run_scoped3A_1134, %dma_start3A_1415, %dma_start3A_1416] : memref<4x64x128xf32, #tpu.memory_space<vmem>> -> memref<1x64x128xf32, #tpu.memory_space<vmem>>
      %dma_start3A_1418 = tpu.memref_squeeze %dma_start3A_1417 : memref<1x64x128xf32, #tpu.memory_space<vmem>> -> memref<64x128xf32, #tpu.memory_space<vmem>>
      %dma_start3A_1419 = arith.constant 0 : i32
      %dma_start3A_1420 = arith.constant 0 : i32
      %dma_start3A_1421 = tpu.memref_slice %arg18[%dma_start3A_1419, %dma_start3A_1420] : memref<10240x128xf32, #tpu.memory_space<vmem_shared>> -> memref<10240x128xf32, #tpu.memory_space<vmem_shared>>
      tpu.enqueue_indirect_dma source(%dma_start3A_1418 : memref<64x128xf32, #tpu.memory_space<vmem>>) target(%dma_start3A_1421 : memref<10240x128xf32, #tpu.memory_space<vmem_shared>>) offsets(%arg15 : memref<64xi32, #tpu.memory_space<vmem>>) semaphore(%run_scoped3A_1414 : memref<!tpu.dma_semaphore, #tpu.memory_space<semaphore_mem>>) {add = true}
      %dma_wait3A_1422 = arith.constant 0 : i32
      %dma_wait3A_1423 = arith.constant 0 : i32
      %dma_wait3A_1424 = tpu.memref_slice %arg9[%run_scoped3A_1134, %dma_wait3A_1422, %dma_wait3A_1423] : memref<4x64x128xf32, #tpu.memory_space<vmem>> -> memref<1x64x128xf32, #tpu.memory_space<vmem>>
      %dma_wait3A_1425 = tpu.memref_squeeze %dma_wait3A_1424 : memref<1x64x128xf32, #tpu.memory_space<vmem>> -> memref<64x128xf32, #tpu.memory_space<vmem>>
      %dma_wait3A_1426 = arith.constant 0 : i32
      %dma_wait3A_1427 = arith.constant 0 : i32
      %dma_wait3A_1428 = tpu.memref_slice %arg18[%dma_wait3A_1426, %dma_wait3A_1427] : memref<10240x128xf32, #tpu.memory_space<vmem_shared>> -> memref<10240x128xf32, #tpu.memory_space<vmem_shared>>
      tpu.wait_indirect_dma semaphore(%run_scoped3A_1414 : memref<!tpu.dma_semaphore, #tpu.memory_space<semaphore_mem>>) src(%dma_wait3A_1425 : memref<64x128xf32, #tpu.memory_space<vmem>>) dst(%dma_wait3A_1428 : memref<10240x128xf32, #tpu.memory_space<vmem_shared>>)
      tpu.yield
    }) : () -> ()
    %dma_wait3A_1135 = arith.constant 0 : i32
    %dma_wait3A_1136 = arith.constant 0 : i32
    %dma_wait3A_1137 = tpu.memref_slice %arg2[%dma_wait3A_1135, %dma_wait3A_1136] : memref<2x320000xi32, #tpu.memory_space<hbm>> -> memref<2x128xi32, #tpu.memory_space<hbm>>
    %dma_wait3A_1138 = arith.constant 0 : i32
    %dma_wait3A_1139 = arith.constant 0 : i32
    %dma_wait3A_1140 = tpu.memref_slice %arg2[%dma_wait3A_1138, %dma_wait3A_1139] : memref<2x320000xi32, #tpu.memory_space<hbm>> -> memref<2x128xi32, #tpu.memory_space<hbm>>
    tpu.wait_dma2 semaphore(%arg21 : memref<!tpu.dma_semaphore, #tpu.memory_space<semaphore_mem>>) src(%dma_wait3A_1140 : memref<2x128xi32, #tpu.memory_space<hbm>>) dst(%arg7 : memref<2x128xi32, #tpu.memory_space<vmem>>)
    %get3A_1141 = arith.constant 0 : i32
    %get3A_1142 = arith.index_cast %get3A_1141 : i32 to index
    %get3A_1143 = arith.constant 0 : index
    %get3A_1144 = tpu.vector_load %arg7[%get3A_1142, %get3A_1143] {strides = array<i32>} : memref<2x128xi32, #tpu.memory_space<vmem>>, vector<1x16xi32>,
    %get3A_1145 = vector.shape_cast %get3A_1144 : vector<1x16xi32> to vector<16xi32>
    %swap3A_1146 = arith.constant 0 : index
    %swap3A_1147 = tpu.vector_load %arg10[%swap3A_1146] {strides = array<i32>} : memref<64xi32, #tpu.memory_space<vmem>>, vector<16xi32>,
    %swap3A_1148 = vector.shape_cast %swap3A_1147 : vector<16xi32> to vector<16xi32>
    %swap3A_1149 = vector.shape_cast %get3A_1145 : vector<16xi32> to vector<16xi32>
    tpu.vector_store %arg10[%swap3A_1146], %swap3A_1149 {strides = array<i32>} : memref<64xi32, #tpu.memory_space<vmem>>, vector<16xi32>,
    %get3A_1150 = arith.constant 0 : i32
    %get3A_1151 = arith.index_cast %get3A_1150 : i32 to index
    %get3A_1152 = arith.constant 16 : index
    %get3A_1153 = tpu.vector_load %arg7[%get3A_1151, %get3A_1152] {strides = array<i32>} : memref<2x128xi32, #tpu.memory_space<vmem>>, vector<1x16xi32>,
    %get3A_1154 = vector.shape_cast %get3A_1153 : vector<1x16xi32> to vector<16xi32>
    %swap3A_1155 = arith.constant 16 : index
    %swap3A_1156 = tpu.vector_load %arg10[%swap3A_1155] {strides = array<i32>} : memref<64xi32, #tpu.memory_space<vmem>>, vector<16xi32>,
    %swap3A_1157 = vector.shape_cast %swap3A_1156 : vector<16xi32> to vector<16xi32>
    %swap3A_1158 = vector.shape_cast %get3A_1154 : vector<16xi32> to vector<16xi32>
    tpu.vector_store %arg10[%swap3A_1155], %swap3A_1158 {strides = array<i32>} : memref<64xi32, #tpu.memory_space<vmem>>, vector<16xi32>,
    %get3A_1159 = arith.constant 0 : i32
    %get3A_1160 = arith.index_cast %get3A_1159 : i32 to index
    %get3A_1161 = arith.constant 32 : index
    %get3A_1162 = tpu.vector_load %arg7[%get3A_1160, %get3A_1161] {strides = array<i32>} : memref<2x128xi32, #tpu.memory_space<vmem>>, vector<1x16xi32>,
    %get3A_1163 = vector.shape_cast %get3A_1162 : vector<1x16xi32> to vector<16xi32>
    %swap3A_1164 = arith.constant 32 : index
    %swap3A_1165 = tpu.vector_load %arg10[%swap3A_1164] {strides = array<i32>} : memref<64xi32, #tpu.memory_space<vmem>>, vector<16xi32>,
    %swap3A_1166 = vector.shape_cast %swap3A_1165 : vector<16xi32> to vector<16xi32>
    %swap3A_1167 = vector.shape_cast %get3A_1163 : vector<16xi32> to vector<16xi32>
    tpu.vector_store %arg10[%swap3A_1164], %swap3A_1167 {strides = array<i32>} : memref<64xi32, #tpu.memory_space<vmem>>, vector<16xi32>,
    %get3A_1168 = arith.constant 0 : i32
    %get3A_1169 = arith.index_cast %get3A_1168 : i32 to index
    %get3A_1170 = arith.constant 48 : index
    %get3A_1171 = tpu.vector_load %arg7[%get3A_1169, %get3A_1170] {strides = array<i32>} : memref<2x128xi32, #tpu.memory_space<vmem>>, vector<1x16xi32>,
    %get3A_1172 = vector.shape_cast %get3A_1171 : vector<1x16xi32> to vector<16xi32>
    %swap3A_1173 = arith.constant 48 : index
    %swap3A_1174 = tpu.vector_load %arg10[%swap3A_1173] {strides = array<i32>} : memref<64xi32, #tpu.memory_space<vmem>>, vector<16xi32>,
    %swap3A_1175 = vector.shape_cast %swap3A_1174 : vector<16xi32> to vector<16xi32>
    %swap3A_1176 = vector.shape_cast %get3A_1172 : vector<16xi32> to vector<16xi32>
    tpu.vector_store %arg10[%swap3A_1173], %swap3A_1176 {strides = array<i32>} : memref<64xi32, #tpu.memory_space<vmem>>, vector<16xi32>,
    %dma_start3A_1177 = arith.constant 0 : i32
    %dma_start3A_1178 = arith.constant 0 : i32
    %dma_start3A_1179 = arith.constant 0 : i32
    %dma_start3A_1180 = tpu.memref_slice %arg9[%dma_start3A_1177, %dma_start3A_1178, %dma_start3A_1179] : memref<4x64x128xf32, #tpu.memory_space<vmem>> -> memref<1x64x128xf32, #tpu.memory_space<vmem>>
    %dma_start3A_1181 = tpu.memref_squeeze %dma_start3A_1180 : memref<1x64x128xf32, #tpu.memory_space<vmem>> -> memref<64x128xf32, #tpu.memory_space<vmem>>
    %dma_start3A_1182 = arith.constant 0 : i32
    %dma_start3A_1183 = arith.constant 0 : i32
    %dma_start3A_1184 = tpu.memref_slice %arg3[%dma_start3A_1182, %dma_start3A_1183] : memref<10000x128xf32, #tpu.memory_space<hbm>> -> memref<10000x128xf32, #tpu.memory_space<hbm>>
    tpu.enqueue_indirect_dma source(%dma_start3A_1184 : memref<10000x128xf32, #tpu.memory_space<hbm>>) target(%dma_start3A_1181 : memref<64x128xf32, #tpu.memory_space<vmem>>) offsets(%arg10 : memref<64xi32, #tpu.memory_space<vmem>>) semaphore(%arg23 : memref<!tpu.dma_semaphore, #tpu.memory_space<semaphore_mem>>)
    %dma_wait3A_1185 = arith.constant 2 : i32
    %dma_wait3A_1186 = arith.constant 0 : i32
    %dma_wait3A_1187 = arith.constant 0 : i32
    %dma_wait3A_1188 = tpu.memref_slice %arg9[%dma_wait3A_1185, %dma_wait3A_1186, %dma_wait3A_1187] : memref<4x64x128xf32, #tpu.memory_space<vmem>> -> memref<1x64x128xf32, #tpu.memory_space<vmem>>
    %dma_wait3A_1189 = tpu.memref_squeeze %dma_wait3A_1188 : memref<1x64x128xf32, #tpu.memory_space<vmem>> -> memref<64x128xf32, #tpu.memory_space<vmem>>
    %dma_wait3A_1190 = arith.constant 0 : i32
    %dma_wait3A_1191 = arith.constant 0 : i32
    %dma_wait3A_1192 = tpu.memref_slice %arg3[%dma_wait3A_1190, %dma_wait3A_1191] : memref<10000x128xf32, #tpu.memory_space<hbm>> -> memref<10000x128xf32, #tpu.memory_space<hbm>>
    tpu.wait_indirect_dma semaphore(%arg25 : memref<!tpu.dma_semaphore, #tpu.memory_space<semaphore_mem>>) src(%dma_wait3A_1192 : memref<10000x128xf32, #tpu.memory_space<hbm>>) dst(%dma_wait3A_1189 : memref<64x128xf32, #tpu.memory_space<vmem>>)
    %get3A_1193 = arith.constant 1 : i32
    %get3A_1194 = arith.index_cast %get3A_1193 : i32 to index
    %get3A_1195 = arith.constant 0 : index
    %get3A_1196 = tpu.vector_load %arg6[%get3A_1194, %get3A_1195] {strides = array<i32>} : memref<2x128xi32, #tpu.memory_space<vmem>>, vector<1x16xi32>,
    %get3A_1197 = vector.shape_cast %get3A_1196 : vector<1x16xi32> to vector<16xi32>
    %swap3A_1198 = arith.constant 0 : index
    %swap3A_1199 = tpu.vector_load %arg16[%swap3A_1198] {strides = array<i32>} : memref<64xi32, #tpu.memory_space<vmem>>, vector<16xi32>,
    %swap3A_1200 = vector.shape_cast %swap3A_1199 : vector<16xi32> to vector<16xi32>
    %swap3A_1201 = vector.shape_cast %get3A_1197 : vector<16xi32> to vector<16xi32>
    tpu.vector_store %arg16[%swap3A_1198], %swap3A_1201 {strides = array<i32>} : memref<64xi32, #tpu.memory_space<vmem>>, vector<16xi32>,
    %get3A_1202 = arith.constant 1 : i32
    %get3A_1203 = arith.index_cast %get3A_1202 : i32 to index
    %get3A_1204 = arith.constant 16 : index
    %get3A_1205 = tpu.vector_load %arg6[%get3A_1203, %get3A_1204] {strides = array<i32>} : memref<2x128xi32, #tpu.memory_space<vmem>>, vector<1x16xi32>,
    %get3A_1206 = vector.shape_cast %get3A_1205 : vector<1x16xi32> to vector<16xi32>
    %swap3A_1207 = arith.constant 16 : index
    %swap3A_1208 = tpu.vector_load %arg16[%swap3A_1207] {strides = array<i32>} : memref<64xi32, #tpu.memory_space<vmem>>, vector<16xi32>,
    %swap3A_1209 = vector.shape_cast %swap3A_1208 : vector<16xi32> to vector<16xi32>
    %swap3A_1210 = vector.shape_cast %get3A_1206 : vector<16xi32> to vector<16xi32>
    tpu.vector_store %arg16[%swap3A_1207], %swap3A_1210 {strides = array<i32>} : memref<64xi32, #tpu.memory_space<vmem>>, vector<16xi32>,
    %get3A_1211 = arith.constant 1 : i32
    %get3A_1212 = arith.index_cast %get3A_1211 : i32 to index
    %get3A_1213 = arith.constant 32 : index
    %get3A_1214 = tpu.vector_load %arg6[%get3A_1212, %get3A_1213] {strides = array<i32>} : memref<2x128xi32, #tpu.memory_space<vmem>>, vector<1x16xi32>,
    %get3A_1215 = vector.shape_cast %get3A_1214 : vector<1x16xi32> to vector<16xi32>
    %swap3A_1216 = arith.constant 32 : index
    %swap3A_1217 = tpu.vector_load %arg16[%swap3A_1216] {strides = array<i32>} : memref<64xi32, #tpu.memory_space<vmem>>, vector<16xi32>,
    %swap3A_1218 = vector.shape_cast %swap3A_1217 : vector<16xi32> to vector<16xi32>
    %swap3A_1219 = vector.shape_cast %get3A_1215 : vector<16xi32> to vector<16xi32>
    tpu.vector_store %arg16[%swap3A_1216], %swap3A_1219 {strides = array<i32>} : memref<64xi32, #tpu.memory_space<vmem>>, vector<16xi32>,
    %get3A_1220 = arith.constant 1 : i32
    %get3A_1221 = arith.index_cast %get3A_1220 : i32 to index
    %get3A_1222 = arith.constant 48 : index
    %get3A_1223 = tpu.vector_load %arg6[%get3A_1221, %get3A_1222] {strides = array<i32>} : memref<2x128xi32, #tpu.memory_space<vmem>>, vector<1x16xi32>,
    %get3A_1224 = vector.shape_cast %get3A_1223 : vector<1x16xi32> to vector<16xi32>
    %swap3A_1225 = arith.constant 48 : index
    %swap3A_1226 = tpu.vector_load %arg16[%swap3A_1225] {strides = array<i32>} : memref<64xi32, #tpu.memory_space<vmem>>, vector<16xi32>,
    %swap3A_1227 = vector.shape_cast %swap3A_1226 : vector<16xi32> to vector<16xi32>
    %swap3A_1228 = vector.shape_cast %get3A_1224 : vector<16xi32> to vector<16xi32>
    tpu.vector_store %arg16[%swap3A_1225], %swap3A_1228 {strides = array<i32>} : memref<64xi32, #tpu.memory_space<vmem>>, vector<16xi32>,
    %run_scoped3A_1229 = arith.constant 2 : i32
    "tpu.region"() ({
      %run_scoped3A_1414 = tpu.sem_alloc : memref<!tpu.dma_semaphore, #tpu.memory_space<semaphore_mem>>
      %dma_start3A_1415 = arith.constant 0 : i32
      %dma_start3A_1416 = arith.constant 0 : i32
      %dma_start3A_1417 = tpu.memref_slice %arg9[%run_scoped3A_1229, %dma_start3A_1415, %dma_start3A_1416] : memref<4x64x128xf32, #tpu.memory_space<vmem>> -> memref<1x64x128xf32, #tpu.memory_space<vmem>>
      %dma_start3A_1418 = tpu.memref_squeeze %dma_start3A_1417 : memref<1x64x128xf32, #tpu.memory_space<vmem>> -> memref<64x128xf32, #tpu.memory_space<vmem>>
      %dma_start3A_1419 = arith.constant 0 : i32
      %dma_start3A_1420 = arith.constant 0 : i32
      %dma_start3A_1421 = tpu.memref_slice %arg18[%dma_start3A_1419, %dma_start3A_1420] : memref<10240x128xf32, #tpu.memory_space<vmem_shared>> -> memref<10240x128xf32, #tpu.memory_space<vmem_shared>>
      tpu.enqueue_indirect_dma source(%dma_start3A_1418 : memref<64x128xf32, #tpu.memory_space<vmem>>) target(%dma_start3A_1421 : memref<10240x128xf32, #tpu.memory_space<vmem_shared>>) offsets(%arg16 : memref<64xi32, #tpu.memory_space<vmem>>) semaphore(%run_scoped3A_1414 : memref<!tpu.dma_semaphore, #tpu.memory_space<semaphore_mem>>) {add = true}
      %dma_wait3A_1422 = arith.constant 0 : i32
      %dma_wait3A_1423 = arith.constant 0 : i32
      %dma_wait3A_1424 = tpu.memref_slice %arg9[%run_scoped3A_1229, %dma_wait3A_1422, %dma_wait3A_1423] : memref<4x64x128xf32, #tpu.memory_space<vmem>> -> memref<1x64x128xf32, #tpu.memory_space<vmem>>
      %dma_wait3A_1425 = tpu.memref_squeeze %dma_wait3A_1424 : memref<1x64x128xf32, #tpu.memory_space<vmem>> -> memref<64x128xf32, #tpu.memory_space<vmem>>
      %dma_wait3A_1426 = arith.constant 0 : i32
      %dma_wait3A_1427 = arith.constant 0 : i32
      %dma_wait3A_1428 = tpu.memref_slice %arg18[%dma_wait3A_1426, %dma_wait3A_1427] : memref<10240x128xf32, #tpu.memory_space<vmem_shared>> -> memref<10240x128xf32, #tpu.memory_space<vmem_shared>>
      tpu.wait_indirect_dma semaphore(%run_scoped3A_1414 : memref<!tpu.dma_semaphore, #tpu.memory_space<semaphore_mem>>) src(%dma_wait3A_1425 : memref<64x128xf32, #tpu.memory_space<vmem>>) dst(%dma_wait3A_1428 : memref<10240x128xf32, #tpu.memory_space<vmem_shared>>)
      tpu.yield
    }) : () -> ()
    %get3A_1230 = arith.constant 0 : i32
    %get3A_1231 = arith.index_cast %get3A_1230 : i32 to index
    %get3A_1232 = arith.constant 64 : index
    %get3A_1233 = tpu.vector_load %arg7[%get3A_1231, %get3A_1232] {strides = array<i32>} : memref<2x128xi32, #tpu.memory_space<vmem>>, vector<1x16xi32>,
    %get3A_1234 = vector.shape_cast %get3A_1233 : vector<1x16xi32> to vector<16xi32>
    %swap3A_1235 = arith.constant 0 : index
    %swap3A_1236 = tpu.vector_load %arg11[%swap3A_1235] {strides = array<i32>} : memref<64xi32, #tpu.memory_space<vmem>>, vector<16xi32>,
    %swap3A_1237 = vector.shape_cast %swap3A_1236 : vector<16xi32> to vector<16xi32>
    %swap3A_1238 = vector.shape_cast %get3A_1234 : vector<16xi32> to vector<16xi32>
    tpu.vector_store %arg11[%swap3A_1235], %swap3A_1238 {strides = array<i32>} : memref<64xi32, #tpu.memory_space<vmem>>, vector<16xi32>,
    %get3A_1239 = arith.constant 0 : i32
    %get3A_1240 = arith.index_cast %get3A_1239 : i32 to index
    %get3A_1241 = arith.constant 80 : index
    %get3A_1242 = tpu.vector_load %arg7[%get3A_1240, %get3A_1241] {strides = array<i32>} : memref<2x128xi32, #tpu.memory_space<vmem>>, vector<1x16xi32>,
    %get3A_1243 = vector.shape_cast %get3A_1242 : vector<1x16xi32> to vector<16xi32>
    %swap3A_1244 = arith.constant 16 : index
    %swap3A_1245 = tpu.vector_load %arg11[%swap3A_1244] {strides = array<i32>} : memref<64xi32, #tpu.memory_space<vmem>>, vector<16xi32>,
    %swap3A_1246 = vector.shape_cast %swap3A_1245 : vector<16xi32> to vector<16xi32>
    %swap3A_1247 = vector.shape_cast %get3A_1243 : vector<16xi32> to vector<16xi32>
    tpu.vector_store %arg11[%swap3A_1244], %swap3A_1247 {strides = array<i32>} : memref<64xi32, #tpu.memory_space<vmem>>, vector<16xi32>,
    %get3A_1248 = arith.constant 0 : i32
    %get3A_1249 = arith.index_cast %get3A_1248 : i32 to index
    %get3A_1250 = arith.constant 96 : index
    %get3A_1251 = tpu.vector_load %arg7[%get3A_1249, %get3A_1250] {strides = array<i32>} : memref<2x128xi32, #tpu.memory_space<vmem>>, vector<1x16xi32>,
    %get3A_1252 = vector.shape_cast %get3A_1251 : vector<1x16xi32> to vector<16xi32>
    %swap3A_1253 = arith.constant 32 : index
    %swap3A_1254 = tpu.vector_load %arg11[%swap3A_1253] {strides = array<i32>} : memref<64xi32, #tpu.memory_space<vmem>>, vector<16xi32>,
    %swap3A_1255 = vector.shape_cast %swap3A_1254 : vector<16xi32> to vector<16xi32>
    %swap3A_1256 = vector.shape_cast %get3A_1252 : vector<16xi32> to vector<16xi32>
    tpu.vector_store %arg11[%swap3A_1253], %swap3A_1256 {strides = array<i32>} : memref<64xi32, #tpu.memory_space<vmem>>, vector<16xi32>,
    %get3A_1257 = arith.constant 0 : i32
    %get3A_1258 = arith.index_cast %get3A_1257 : i32 to index
    %get3A_1259 = arith.constant 112 : index
    %get3A_1260 = tpu.vector_load %arg7[%get3A_1258, %get3A_1259] {strides = array<i32>} : memref<2x128xi32, #tpu.memory_space<vmem>>, vector<1x16xi32>,
    %get3A_1261 = vector.shape_cast %get3A_1260 : vector<1x16xi32> to vector<16xi32>
    %swap3A_1262 = arith.constant 48 : index
    %swap3A_1263 = tpu.vector_load %arg11[%swap3A_1262] {strides = array<i32>} : memref<64xi32, #tpu.memory_space<vmem>>, vector<16xi32>,
    %swap3A_1264 = vector.shape_cast %swap3A_1263 : vector<16xi32> to vector<16xi32>
    %swap3A_1265 = vector.shape_cast %get3A_1261 : vector<16xi32> to vector<16xi32>
    tpu.vector_store %arg11[%swap3A_1262], %swap3A_1265 {strides = array<i32>} : memref<64xi32, #tpu.memory_space<vmem>>, vector<16xi32>,
    %dma_start3A_1266 = arith.constant 1 : i32
    %dma_start3A_1267 = arith.constant 0 : i32
    %dma_start3A_1268 = arith.constant 0 : i32
    %dma_start3A_1269 = tpu.memref_slice %arg9[%dma_start3A_1266, %dma_start3A_1267, %dma_start3A_1268] : memref<4x64x128xf32, #tpu.memory_space<vmem>> -> memref<1x64x128xf32, #tpu.memory_space<vmem>>
    %dma_start3A_1270 = tpu.memref_squeeze %dma_start3A_1269 : memref<1x64x128xf32, #tpu.memory_space<vmem>> -> memref<64x128xf32, #tpu.memory_space<vmem>>
    %dma_start3A_1271 = arith.constant 0 : i32
    %dma_start3A_1272 = arith.constant 0 : i32
    %dma_start3A_1273 = tpu.memref_slice %arg3[%dma_start3A_1271, %dma_start3A_1272] : memref<10000x128xf32, #tpu.memory_space<hbm>> -> memref<10000x128xf32, #tpu.memory_space<hbm>>
    tpu.enqueue_indirect_dma source(%dma_start3A_1273 : memref<10000x128xf32, #tpu.memory_space<hbm>>) target(%dma_start3A_1270 : memref<64x128xf32, #tpu.memory_space<vmem>>) offsets(%arg11 : memref<64xi32, #tpu.memory_space<vmem>>) semaphore(%arg24 : memref<!tpu.dma_semaphore, #tpu.memory_space<semaphore_mem>>)
    %dma_wait3A_1274 = arith.constant 3 : i32
    %dma_wait3A_1275 = arith.constant 0 : i32
    %dma_wait3A_1276 = arith.constant 0 : i32
    %dma_wait3A_1277 = tpu.memref_slice %arg9[%dma_wait3A_1274, %dma_wait3A_1275, %dma_wait3A_1276] : memref<4x64x128xf32, #tpu.memory_space<vmem>> -> memref<1x64x128xf32, #tpu.memory_space<vmem>>
    %dma_wait3A_1278 = tpu.memref_squeeze %dma_wait3A_1277 : memref<1x64x128xf32, #tpu.memory_space<vmem>> -> memref<64x128xf32, #tpu.memory_space<vmem>>
    %dma_wait3A_1279 = arith.constant 0 : i32
    %dma_wait3A_1280 = arith.constant 0 : i32
    %dma_wait3A_1281 = tpu.memref_slice %arg3[%dma_wait3A_1279, %dma_wait3A_1280] : memref<10000x128xf32, #tpu.memory_space<hbm>> -> memref<10000x128xf32, #tpu.memory_space<hbm>>
    tpu.wait_indirect_dma semaphore(%arg26 : memref<!tpu.dma_semaphore, #tpu.memory_space<semaphore_mem>>) src(%dma_wait3A_1281 : memref<10000x128xf32, #tpu.memory_space<hbm>>) dst(%dma_wait3A_1278 : memref<64x128xf32, #tpu.memory_space<vmem>>)
    %get3A_1282 = arith.constant 1 : i32
    %get3A_1283 = arith.index_cast %get3A_1282 : i32 to index
    %get3A_1284 = arith.constant 64 : index
    %get3A_1285 = tpu.vector_load %arg6[%get3A_1283, %get3A_1284] {strides = array<i32>} : memref<2x128xi32, #tpu.memory_space<vmem>>, vector<1x16xi32>,
    %get3A_1286 = vector.shape_cast %get3A_1285 : vector<1x16xi32> to vector<16xi32>
    %swap3A_1287 = arith.constant 0 : index
    %swap3A_1288 = tpu.vector_load %arg17[%swap3A_1287] {strides = array<i32>} : memref<64xi32, #tpu.memory_space<vmem>>, vector<16xi32>,
    %swap3A_1289 = vector.shape_cast %swap3A_1288 : vector<16xi32> to vector<16xi32>
    %swap3A_1290 = vector.shape_cast %get3A_1286 : vector<16xi32> to vector<16xi32>
    tpu.vector_store %arg17[%swap3A_1287], %swap3A_1290 {strides = array<i32>} : memref<64xi32, #tpu.memory_space<vmem>>, vector<16xi32>,
    %get3A_1291 = arith.constant 1 : i32
    %get3A_1292 = arith.index_cast %get3A_1291 : i32 to index
    %get3A_1293 = arith.constant 80 : index
    %get3A_1294 = tpu.vector_load %arg6[%get3A_1292, %get3A_1293] {strides = array<i32>} : memref<2x128xi32, #tpu.memory_space<vmem>>, vector<1x16xi32>,
    %get3A_1295 = vector.shape_cast %get3A_1294 : vector<1x16xi32> to vector<16xi32>
    %swap3A_1296 = arith.constant 16 : index
    %swap3A_1297 = tpu.vector_load %arg17[%swap3A_1296] {strides = array<i32>} : memref<64xi32, #tpu.memory_space<vmem>>, vector<16xi32>,
    %swap3A_1298 = vector.shape_cast %swap3A_1297 : vector<16xi32> to vector<16xi32>
    %swap3A_1299 = vector.shape_cast %get3A_1295 : vector<16xi32> to vector<16xi32>
    tpu.vector_store %arg17[%swap3A_1296], %swap3A_1299 {strides = array<i32>} : memref<64xi32, #tpu.memory_space<vmem>>, vector<16xi32>,
    %get3A_1300 = arith.constant 1 : i32
    %get3A_1301 = arith.index_cast %get3A_1300 : i32 to index
    %get3A_1302 = arith.constant 96 : index
    %get3A_1303 = tpu.vector_load %arg6[%get3A_1301, %get3A_1302] {strides = array<i32>} : memref<2x128xi32, #tpu.memory_space<vmem>>, vector<1x16xi32>,
    %get3A_1304 = vector.shape_cast %get3A_1303 : vector<1x16xi32> to vector<16xi32>
    %swap3A_1305 = arith.constant 32 : index
    %swap3A_1306 = tpu.vector_load %arg17[%swap3A_1305] {strides = array<i32>} : memref<64xi32, #tpu.memory_space<vmem>>, vector<16xi32>,
    %swap3A_1307 = vector.shape_cast %swap3A_1306 : vector<16xi32> to vector<16xi32>
    %swap3A_1308 = vector.shape_cast %get3A_1304 : vector<16xi32> to vector<16xi32>
    tpu.vector_store %arg17[%swap3A_1305], %swap3A_1308 {strides = array<i32>} : memref<64xi32, #tpu.memory_space<vmem>>, vector<16xi32>,
    %get3A_1309 = arith.constant 1 : i32
    %get3A_1310 = arith.index_cast %get3A_1309 : i32 to index
    %get3A_1311 = arith.constant 112 : index
    %get3A_1312 = tpu.vector_load %arg6[%get3A_1310, %get3A_1311] {strides = array<i32>} : memref<2x128xi32, #tpu.memory_space<vmem>>, vector<1x16xi32>,
    %get3A_1313 = vector.shape_cast %get3A_1312 : vector<1x16xi32> to vector<16xi32>
    %swap3A_1314 = arith.constant 48 : index
    %swap3A_1315 = tpu.vector_load %arg17[%swap3A_1314] {strides = array<i32>} : memref<64xi32, #tpu.memory_space<vmem>>, vector<16xi32>,
    %swap3A_1316 = vector.shape_cast %swap3A_1315 : vector<16xi32> to vector<16xi32>
    %swap3A_1317 = vector.shape_cast %get3A_1313 : vector<16xi32> to vector<16xi32>
    tpu.vector_store %arg17[%swap3A_1314], %swap3A_1317 {strides = array<i32>} : memref<64xi32, #tpu.memory_space<vmem>>, vector<16xi32>,
    %run_scoped3A_1318 = arith.constant 3 : i32
    "tpu.region"() ({
      %run_scoped3A_1414 = tpu.sem_alloc : memref<!tpu.dma_semaphore, #tpu.memory_space<semaphore_mem>>
      %dma_start3A_1415 = arith.constant 0 : i32
      %dma_start3A_1416 = arith.constant 0 : i32
      %dma_start3A_1417 = tpu.memref_slice %arg9[%run_scoped3A_1318, %dma_start3A_1415, %dma_start3A_1416] : memref<4x64x128xf32, #tpu.memory_space<vmem>> -> memref<1x64x128xf32, #tpu.memory_space<vmem>>
      %dma_start3A_1418 = tpu.memref_squeeze %dma_start3A_1417 : memref<1x64x128xf32, #tpu.memory_space<vmem>> -> memref<64x128xf32, #tpu.memory_space<vmem>>
      %dma_start3A_1419 = arith.constant 0 : i32
      %dma_start3A_1420 = arith.constant 0 : i32
      %dma_start3A_1421 = tpu.memref_slice %arg18[%dma_start3A_1419, %dma_start3A_1420] : memref<10240x128xf32, #tpu.memory_space<vmem_shared>> -> memref<10240x128xf32, #tpu.memory_space<vmem_shared>>
      tpu.enqueue_indirect_dma source(%dma_start3A_1418 : memref<64x128xf32, #tpu.memory_space<vmem>>) target(%dma_start3A_1421 : memref<10240x128xf32, #tpu.memory_space<vmem_shared>>) offsets(%arg17 : memref<64xi32, #tpu.memory_space<vmem>>) semaphore(%run_scoped3A_1414 : memref<!tpu.dma_semaphore, #tpu.memory_space<semaphore_mem>>) {add = true}
      %dma_wait3A_1422 = arith.constant 0 : i32
      %dma_wait3A_1423 = arith.constant 0 : i32
      %dma_wait3A_1424 = tpu.memref_slice %arg9[%run_scoped3A_1318, %dma_wait3A_1422, %dma_wait3A_1423] : memref<4x64x128xf32, #tpu.memory_space<vmem>> -> memref<1x64x128xf32, #tpu.memory_space<vmem>>
      %dma_wait3A_1425 = tpu.memref_squeeze %dma_wait3A_1424 : memref<1x64x128xf32, #tpu.memory_space<vmem>> -> memref<64x128xf32, #tpu.memory_space<vmem>>
      %dma_wait3A_1426 = arith.constant 0 : i32
      %dma_wait3A_1427 = arith.constant 0 : i32
      %dma_wait3A_1428 = tpu.memref_slice %arg18[%dma_wait3A_1426, %dma_wait3A_1427] : memref<10240x128xf32, #tpu.memory_space<vmem_shared>> -> memref<10240x128xf32, #tpu.memory_space<vmem_shared>>
      tpu.wait_indirect_dma semaphore(%run_scoped3A_1414 : memref<!tpu.dma_semaphore, #tpu.memory_space<semaphore_mem>>) src(%dma_wait3A_1425 : memref<64x128xf32, #tpu.memory_space<vmem>>) dst(%dma_wait3A_1428 : memref<10240x128xf32, #tpu.memory_space<vmem_shared>>)
      tpu.yield
    }) : () -> ()
    %dma_wait3A_1319 = arith.constant 0 : i32
    %dma_wait3A_1320 = arith.constant 0 : i32
    %dma_wait3A_1321 = arith.constant 0 : i32
    %dma_wait3A_1322 = tpu.memref_slice %arg9[%dma_wait3A_1319, %dma_wait3A_1320, %dma_wait3A_1321] : memref<4x64x128xf32, #tpu.memory_space<vmem>> -> memref<1x64x128xf32, #tpu.memory_space<vmem>>
    %dma_wait3A_1323 = tpu.memref_squeeze %dma_wait3A_1322 : memref<1x64x128xf32, #tpu.memory_space<vmem>> -> memref<64x128xf32, #tpu.memory_space<vmem>>
    %dma_wait3A_1324 = arith.constant 0 : i32
    %dma_wait3A_1325 = arith.constant 0 : i32
    %dma_wait3A_1326 = tpu.memref_slice %arg3[%dma_wait3A_1324, %dma_wait3A_1325] : memref<10000x128xf32, #tpu.memory_space<hbm>> -> memref<10000x128xf32, #tpu.memory_space<hbm>>
    tpu.wait_indirect_dma semaphore(%arg23 : memref<!tpu.dma_semaphore, #tpu.memory_space<semaphore_mem>>) src(%dma_wait3A_1326 : memref<10000x128xf32, #tpu.memory_space<hbm>>) dst(%dma_wait3A_1323 : memref<64x128xf32, #tpu.memory_space<vmem>>)
    %get3A_1327 = arith.constant 1 : i32
    %get3A_1328 = arith.index_cast %get3A_1327 : i32 to index
    %get3A_1329 = arith.constant 0 : index
    %get3A_1330 = tpu.vector_load %arg7[%get3A_1328, %get3A_1329] {strides = array<i32>} : memref<2x128xi32, #tpu.memory_space<vmem>>, vector<1x16xi32>,
    %get3A_1331 = vector.shape_cast %get3A_1330 : vector<1x16xi32> to vector<16xi32>
    %swap3A_1332 = arith.constant 0 : index
    %swap3A_1333 = tpu.vector_load %arg14[%swap3A_1332] {strides = array<i32>} : memref<64xi32, #tpu.memory_space<vmem>>, vector<16xi32>,
    %swap3A_1334 = vector.shape_cast %swap3A_1333 : vector<16xi32> to vector<16xi32>
    %swap3A_1335 = vector.shape_cast %get3A_1331 : vector<16xi32> to vector<16xi32>
    tpu.vector_store %arg14[%swap3A_1332], %swap3A_1335 {strides = array<i32>} : memref<64xi32, #tpu.memory_space<vmem>>, vector<16xi32>,
    %get3A_1336 = arith.constant 1 : i32
    %get3A_1337 = arith.index_cast %get3A_1336 : i32 to index
    %get3A_1338 = arith.constant 16 : index
    %get3A_1339 = tpu.vector_load %arg7[%get3A_1337, %get3A_1338] {strides = array<i32>} : memref<2x128xi32, #tpu.memory_space<vmem>>, vector<1x16xi32>,
    %get3A_1340 = vector.shape_cast %get3A_1339 : vector<1x16xi32> to vector<16xi32>
    %swap3A_1341 = arith.constant 16 : index
    %swap3A_1342 = tpu.vector_load %arg14[%swap3A_1341] {strides = array<i32>} : memref<64xi32, #tpu.memory_space<vmem>>, vector<16xi32>,
    %swap3A_1343 = vector.shape_cast %swap3A_1342 : vector<16xi32> to vector<16xi32>
    %swap3A_1344 = vector.shape_cast %get3A_1340 : vector<16xi32> to vector<16xi32>
    tpu.vector_store %arg14[%swap3A_1341], %swap3A_1344 {strides = array<i32>} : memref<64xi32, #tpu.memory_space<vmem>>, vector<16xi32>,
    %get3A_1345 = arith.constant 1 : i32
    %get3A_1346 = arith.index_cast %get3A_1345 : i32 to index
    %get3A_1347 = arith.constant 32 : index
    %get3A_1348 = tpu.vector_load %arg7[%get3A_1346, %get3A_1347] {strides = array<i32>} : memref<2x128xi32, #tpu.memory_space<vmem>>, vector<1x16xi32>,
    %get3A_1349 = vector.shape_cast %get3A_1348 : vector<1x16xi32> to vector<16xi32>
    %swap3A_1350 = arith.constant 32 : index
    %swap3A_1351 = tpu.vector_load %arg14[%swap3A_1350] {strides = array<i32>} : memref<64xi32, #tpu.memory_space<vmem>>, vector<16xi32>,
    %swap3A_1352 = vector.shape_cast %swap3A_1351 : vector<16xi32> to vector<16xi32>
    %swap3A_1353 = vector.shape_cast %get3A_1349 : vector<16xi32> to vector<16xi32>
    tpu.vector_store %arg14[%swap3A_1350], %swap3A_1353 {strides = array<i32>} : memref<64xi32, #tpu.memory_space<vmem>>, vector<16xi32>,
    %get3A_1354 = arith.constant 1 : i32
    %get3A_1355 = arith.index_cast %get3A_1354 : i32 to index
    %get3A_1356 = arith.constant 48 : index
    %get3A_1357 = tpu.vector_load %arg7[%get3A_1355, %get3A_1356] {strides = array<i32>} : memref<2x128xi32, #tpu.memory_space<vmem>>, vector<1x16xi32>,
    %get3A_1358 = vector.shape_cast %get3A_1357 : vector<1x16xi32> to vector<16xi32>
    %swap3A_1359 = arith.constant 48 : index
    %swap3A_1360 = tpu.vector_load %arg14[%swap3A_1359] {strides = array<i32>} : memref<64xi32, #tpu.memory_space<vmem>>, vector<16xi32>,
    %swap3A_1361 = vector.shape_cast %swap3A_1360 : vector<16xi32> to vector<16xi32>
    %swap3A_1362 = vector.shape_cast %get3A_1358 : vector<16xi32> to vector<16xi32>
    tpu.vector_store %arg14[%swap3A_1359], %swap3A_1362 {strides = array<i32>} : memref<64xi32, #tpu.memory_space<vmem>>, vector<16xi32>,
    %dma_wait3A_1363 = arith.constant 1 : i32
    %dma_wait3A_1364 = arith.constant 0 : i32
    %dma_wait3A_1365 = arith.constant 0 : i32
    %dma_wait3A_1366 = tpu.memref_slice %arg9[%dma_wait3A_1363, %dma_wait3A_1364, %dma_wait3A_1365] : memref<4x64x128xf32, #tpu.memory_space<vmem>> -> memref<1x64x128xf32, #tpu.memory_space<vmem>>
    %dma_wait3A_1367 = tpu.memref_squeeze %dma_wait3A_1366 : memref<1x64x128xf32, #tpu.memory_space<vmem>> -> memref<64x128xf32, #tpu.memory_space<vmem>>
    %dma_wait3A_1368 = arith.constant 0 : i32
    %dma_wait3A_1369 = arith.constant 0 : i32
    %dma_wait3A_1370 = tpu.memref_slice %arg3[%dma_wait3A_1368, %dma_wait3A_1369] : memref<10000x128xf32, #tpu.memory_space<hbm>> -> memref<10000x128xf32, #tpu.memory_space<hbm>>
    tpu.wait_indirect_dma semaphore(%arg24 : memref<!tpu.dma_semaphore, #tpu.memory_space<semaphore_mem>>) src(%dma_wait3A_1370 : memref<10000x128xf32, #tpu.memory_space<hbm>>) dst(%dma_wait3A_1367 : memref<64x128xf32, #tpu.memory_space<vmem>>)
    %get3A_1371 = arith.constant 1 : i32
    %get3A_1372 = arith.index_cast %get3A_1371 : i32 to index
    %get3A_1373 = arith.constant 64 : index
    %get3A_1374 = tpu.vector_load %arg7[%get3A_1372, %get3A_1373] {strides = array<i32>} : memref<2x128xi32, #tpu.memory_space<vmem>>, vector<1x16xi32>,
    %get3A_1375 = vector.shape_cast %get3A_1374 : vector<1x16xi32> to vector<16xi32>
    %swap3A_1376 = arith.constant 0 : index
    %swap3A_1377 = tpu.vector_load %arg15[%swap3A_1376] {strides = array<i32>} : memref<64xi32, #tpu.memory_space<vmem>>, vector<16xi32>,
    %swap3A_1378 = vector.shape_cast %swap3A_1377 : vector<16xi32> to vector<16xi32>
    %swap3A_1379 = vector.shape_cast %get3A_1375 : vector<16xi32> to vector<16xi32>
    tpu.vector_store %arg15[%swap3A_1376], %swap3A_1379 {strides = array<i32>} : memref<64xi32, #tpu.memory_space<vmem>>, vector<16xi32>,
    %get3A_1380 = arith.constant 1 : i32
    %get3A_1381 = arith.index_cast %get3A_1380 : i32 to index
    %get3A_1382 = arith.constant 80 : index
    %get3A_1383 = tpu.vector_load %arg7[%get3A_1381, %get3A_1382] {strides = array<i32>} : memref<2x128xi32, #tpu.memory_space<vmem>>, vector<1x16xi32>,
    %get3A_1384 = vector.shape_cast %get3A_1383 : vector<1x16xi32> to vector<16xi32>
    %swap3A_1385 = arith.constant 16 : index
    %swap3A_1386 = tpu.vector_load %arg15[%swap3A_1385] {strides = array<i32>} : memref<64xi32, #tpu.memory_space<vmem>>, vector<16xi32>,
    %swap3A_1387 = vector.shape_cast %swap3A_1386 : vector<16xi32> to vector<16xi32>
    %swap3A_1388 = vector.shape_cast %get3A_1384 : vector<16xi32> to vector<16xi32>
    tpu.vector_store %arg15[%swap3A_1385], %swap3A_1388 {strides = array<i32>} : memref<64xi32, #tpu.memory_space<vmem>>, vector<16xi32>,
    %get3A_1389 = arith.constant 1 : i32
    %get3A_1390 = arith.index_cast %get3A_1389 : i32 to index
    %get3A_1391 = arith.constant 96 : index
    %get3A_1392 = tpu.vector_load %arg7[%get3A_1390, %get3A_1391] {strides = array<i32>} : memref<2x128xi32, #tpu.memory_space<vmem>>, vector<1x16xi32>,
    %get3A_1393 = vector.shape_cast %get3A_1392 : vector<1x16xi32> to vector<16xi32>
    %swap3A_1394 = arith.constant 32 : index
    %swap3A_1395 = tpu.vector_load %arg15[%swap3A_1394] {strides = array<i32>} : memref<64xi32, #tpu.memory_space<vmem>>, vector<16xi32>,
    %swap3A_1396 = vector.shape_cast %swap3A_1395 : vector<16xi32> to vector<16xi32>
    %swap3A_1397 = vector.shape_cast %get3A_1393 : vector<16xi32> to vector<16xi32>
    tpu.vector_store %arg15[%swap3A_1394], %swap3A_1397 {strides = array<i32>} : memref<64xi32, #tpu.memory_space<vmem>>, vector<16xi32>,
    %get3A_1398 = arith.constant 1 : i32
    %get3A_1399 = arith.index_cast %get3A_1398 : i32 to index
    %get3A_1400 = arith.constant 112 : index
    %get3A_1401 = tpu.vector_load %arg7[%get3A_1399, %get3A_1400] {strides = array<i32>} : memref<2x128xi32, #tpu.memory_space<vmem>>, vector<1x16xi32>,
    %get3A_1402 = vector.shape_cast %get3A_1401 : vector<1x16xi32> to vector<16xi32>
    %swap3A_1403 = arith.constant 48 : index
    %swap3A_1404 = tpu.vector_load %arg15[%swap3A_1403] {strides = array<i32>} : memref<64xi32, #tpu.memory_space<vmem>>, vector<16xi32>,
    %swap3A_1405 = vector.shape_cast %swap3A_1404 : vector<16xi32> to vector<16xi32>
    %swap3A_1406 = vector.shape_cast %get3A_1402 : vector<16xi32> to vector<16xi32>
    tpu.vector_store %arg15[%swap3A_1403], %swap3A_1406 {strides = array<i32>} : memref<64xi32, #tpu.memory_space<vmem>>, vector<16xi32>,
    %lt3A = arith.constant 4 : i32
    %lt3A_1407 = arith.cmpi slt, %add3A, %lt3A : i32
    %convert_element_type3A = arith.extui %lt3A_1407 : i1 to i32
    %cond3A = arith.constant 0 : i32
    %cond3A_1408 = arith.cmpi ne, %convert_element_type3A, %cond3A : i32
    scf.if %cond3A_1408 {
      %run_scoped3A_1414 = arith.constant 0 : i32
      "tpu.region"() ({
        %run_scoped3A_1416 = tpu.sem_alloc : memref<!tpu.dma_semaphore, #tpu.memory_space<semaphore_mem>>
        %dma_start3A_1417 = arith.constant 0 : i32
        %dma_start3A_1418 = arith.constant 0 : i32
        %dma_start3A_1419 = tpu.memref_slice %arg9[%run_scoped3A_1414, %dma_start3A_1417, %dma_start3A_1418] : memref<4x64x128xf32, #tpu.memory_space<vmem>> -> memref<1x64x128xf32, #tpu.memory_space<vmem>>
        %dma_start3A_1420 = tpu.memref_squeeze %dma_start3A_1419 : memref<1x64x128xf32, #tpu.memory_space<vmem>> -> memref<64x128xf32, #tpu.memory_space<vmem>>
        %dma_start3A_1421 = arith.constant 0 : i32
        %dma_start3A_1422 = arith.constant 0 : i32
        %dma_start3A_1423 = tpu.memref_slice %arg18[%dma_start3A_1421, %dma_start3A_1422] : memref<10240x128xf32, #tpu.memory_space<vmem_shared>> -> memref<10240x128xf32, #tpu.memory_space<vmem_shared>>
        tpu.enqueue_indirect_dma source(%dma_start3A_1420 : memref<64x128xf32, #tpu.memory_space<vmem>>) target(%dma_start3A_1423 : memref<10240x128xf32, #tpu.memory_space<vmem_shared>>) offsets(%arg14 : memref<64xi32, #tpu.memory_space<vmem>>) semaphore(%run_scoped3A_1416 : memref<!tpu.dma_semaphore, #tpu.memory_space<semaphore_mem>>) {add = true}
        %dma_wait3A_1424 = arith.constant 0 : i32
        %dma_wait3A_1425 = arith.constant 0 : i32
        %dma_wait3A_1426 = tpu.memref_slice %arg9[%run_scoped3A_1414, %dma_wait3A_1424, %dma_wait3A_1425] : memref<4x64x128xf32, #tpu.memory_space<vmem>> -> memref<1x64x128xf32, #tpu.memory_space<vmem>>
        %dma_wait3A_1427 = tpu.memref_squeeze %dma_wait3A_1426 : memref<1x64x128xf32, #tpu.memory_space<vmem>> -> memref<64x128xf32, #tpu.memory_space<vmem>>
        %dma_wait3A_1428 = arith.constant 0 : i32
        %dma_wait3A_1429 = arith.constant 0 : i32
        %dma_wait3A_1430 = tpu.memref_slice %arg18[%dma_wait3A_1428, %dma_wait3A_1429] : memref<10240x128xf32, #tpu.memory_space<vmem_shared>> -> memref<10240x128xf32, #tpu.memory_space<vmem_shared>>
        tpu.wait_indirect_dma semaphore(%run_scoped3A_1416 : memref<!tpu.dma_semaphore, #tpu.memory_space<semaphore_mem>>) src(%dma_wait3A_1427 : memref<64x128xf32, #tpu.memory_space<vmem>>) dst(%dma_wait3A_1430 : memref<10240x128xf32, #tpu.memory_space<vmem_shared>>)
        tpu.yield
      }) : () -> ()
      %run_scoped3A_1415 = arith.constant 1 : i32
      "tpu.region"() ({
        %run_scoped3A_1416 = tpu.sem_alloc : memref<!tpu.dma_semaphore, #tpu.memory_space<semaphore_mem>>
        %dma_start3A_1417 = arith.constant 0 : i32
        %dma_start3A_1418 = arith.constant 0 : i32
        %dma_start3A_1419 = tpu.memref_slice %arg9[%run_scoped3A_1415, %dma_start3A_1417, %dma_start3A_1418] : memref<4x64x128xf32, #tpu.memory_space<vmem>> -> memref<1x64x128xf32, #tpu.memory_space<vmem>>
        %dma_start3A_1420 = tpu.memref_squeeze %dma_start3A_1419 : memref<1x64x128xf32, #tpu.memory_space<vmem>> -> memref<64x128xf32, #tpu.memory_space<vmem>>
        %dma_start3A_1421 = arith.constant 0 : i32
        %dma_start3A_1422 = arith.constant 0 : i32
        %dma_start3A_1423 = tpu.memref_slice %arg18[%dma_start3A_1421, %dma_start3A_1422] : memref<10240x128xf32, #tpu.memory_space<vmem_shared>> -> memref<10240x128xf32, #tpu.memory_space<vmem_shared>>
        tpu.enqueue_indirect_dma source(%dma_start3A_1420 : memref<64x128xf32, #tpu.memory_space<vmem>>) target(%dma_start3A_1423 : memref<10240x128xf32, #tpu.memory_space<vmem_shared>>) offsets(%arg15 : memref<64xi32, #tpu.memory_space<vmem>>) semaphore(%run_scoped3A_1416 : memref<!tpu.dma_semaphore, #tpu.memory_space<semaphore_mem>>) {add = true}
        %dma_wait3A_1424 = arith.constant 0 : i32
        %dma_wait3A_1425 = arith.constant 0 : i32
        %dma_wait3A_1426 = tpu.memref_slice %arg9[%run_scoped3A_1415, %dma_wait3A_1424, %dma_wait3A_1425] : memref<4x64x128xf32, #tpu.memory_space<vmem>> -> memref<1x64x128xf32, #tpu.memory_space<vmem>>
        %dma_wait3A_1427 = tpu.memref_squeeze %dma_wait3A_1426 : memref<1x64x128xf32, #tpu.memory_space<vmem>> -> memref<64x128xf32, #tpu.memory_space<vmem>>
        %dma_wait3A_1428 = arith.constant 0 : i32
        %dma_wait3A_1429 = arith.constant 0 : i32
        %dma_wait3A_1430 = tpu.memref_slice %arg18[%dma_wait3A_1428, %dma_wait3A_1429] : memref<10240x128xf32, #tpu.memory_space<vmem_shared>> -> memref<10240x128xf32, #tpu.memory_space<vmem_shared>>
        tpu.wait_indirect_dma semaphore(%run_scoped3A_1416 : memref<!tpu.dma_semaphore, #tpu.memory_space<semaphore_mem>>) src(%dma_wait3A_1427 : memref<64x128xf32, #tpu.memory_space<vmem>>) dst(%dma_wait3A_1430 : memref<10240x128xf32, #tpu.memory_space<vmem_shared>>)
        tpu.yield
      }) : () -> ()
    } else {
    }
    %barrier3A_1409 = arith.constant 0 : index
    tpu.barrier barrier_id(%barrier3A_1409)
    %mul3A_1410 = arith.constant 640 : i32
    %mul3A_1411 = arith.muli %arg1, %mul3A_1410 : i32
    %mul3A_1412 = arith.constant 640 : i32
    %mul3A_1413 = arith.muli %arg1, %mul3A_1412 : i32
    "tpu.region"() ({
      %run_scoped3A_1414 = tpu.sem_alloc : memref<!tpu.dma_semaphore, #tpu.memory_space<semaphore_mem>>
      %dma_start3A_1415 = arith.constant 0 : i32
      %dma_start3A_1416 = tpu.memref_slice %arg4[%arg0, %mul3A_1413, %dma_start3A_1415] : memref<2x10240x128xf32, #tpu.memory_space<hbm>> -> memref<1x640x128xf32, #tpu.memory_space<hbm>>
      %dma_start3A_1417 = tpu.memref_squeeze %dma_start3A_1416 : memref<1x640x128xf32, #tpu.memory_space<hbm>> -> memref<640x128xf32, #tpu.memory_space<hbm>>
      %dma_start3A_1418 = arith.constant 0 : i32
      %dma_start3A_1419 = tpu.memref_slice %arg18[%mul3A_1411, %dma_start3A_1418] : memref<10240x128xf32, #tpu.memory_space<vmem_shared>> -> memref<640x128xf32, #tpu.memory_space<vmem_shared>>
      tpu.enqueue_dma source(%dma_start3A_1419 : memref<640x128xf32, #tpu.memory_space<vmem_shared>>) target(%dma_start3A_1417 : memref<640x128xf32, #tpu.memory_space<hbm>>) target_semaphore(%run_scoped3A_1414 : memref<!tpu.dma_semaphore, #tpu.memory_space<semaphore_mem>>)
      %dma_wait3A_1420 = arith.constant 0 : i32
      %dma_wait3A_1421 = tpu.memref_slice %arg4[%arg0, %mul3A_1413, %dma_wait3A_1420] : memref<2x10240x128xf32, #tpu.memory_space<hbm>> -> memref<1x640x128xf32, #tpu.memory_space<hbm>>
      %dma_wait3A_1422 = tpu.memref_squeeze %dma_wait3A_1421 : memref<1x640x128xf32, #tpu.memory_space<hbm>> -> memref<640x128xf32, #tpu.memory_space<hbm>>
      %dma_wait3A_1423 = arith.constant 0 : i32
      %dma_wait3A_1424 = tpu.memref_slice %arg18[%mul3A_1411, %dma_wait3A_1423] : memref<10240x128xf32, #tpu.memory_space<vmem_shared>> -> memref<640x128xf32, #tpu.memory_space<vmem_shared>>
      tpu.wait_dma2 semaphore(%run_scoped3A_1414 : memref<!tpu.dma_semaphore, #tpu.memory_space<semaphore_mem>>) src(%dma_wait3A_1424 : memref<640x128xf32, #tpu.memory_space<vmem_shared>>) dst(%dma_wait3A_1422 : memref<640x128xf32, #tpu.memory_space<hbm>>)
      tpu.yield
    }) : () -> ()
    return
  }
}

module attributes {stable_mosaic.version = 14 : i64} {
  func.func @_out_body(%arg0: memref<2x10240x128xf32, #tpu.memory_space<vmem>>, %arg1: memref<128x128xf32, #tpu.memory_space<vmem>>, %arg2: memref<10000x128xf32, #tpu.memory_space<vmem>>) attributes {dimension_semantics = [], scalar_prefetch = 0 : i64, scratch_operands = 0 : i64, tpu.core_type = #tpu.core_type<tc>} {
    %get3A = arith.constant 0 : index
    %get3A_0 = arith.constant 0 : index
    %get3A_1 = arith.constant 0 : index
    %get3A_2 = vector.load %arg0[%get3A, %get3A_0, %get3A_1] : memref<2x10240x128xf32, #tpu.memory_space<vmem>>, vector<1x10000x128xf32>
    %get3A_3 = vector.shape_cast %get3A_2 : vector<1x10000x128xf32> to vector<10000x128xf32>
    %get3A_4 = arith.constant 1 : index
    %get3A_5 = arith.constant 0 : index
    %get3A_6 = arith.constant 0 : index
    %get3A_7 = vector.load %arg0[%get3A_4, %get3A_5, %get3A_6] : memref<2x10240x128xf32, #tpu.memory_space<vmem>>, vector<1x10000x128xf32>
    %get3A_8 = vector.shape_cast %get3A_7 : vector<1x10000x128xf32> to vector<10000x128xf32>
    %add3A = arith.addf %get3A_3, %get3A_8 : vector<10000x128xf32>
    %get3A_9 = arith.constant 0 : index
    %get3A_10 = arith.constant 0 : index
    %get3A_11 = vector.load %arg1[%get3A_9, %get3A_10] : memref<128x128xf32, #tpu.memory_space<vmem>>, vector<128x128xf32>
    %dot_general3A = arith.constant dense<0.000000e+00> : vector<10000x128xf32>
    %dot_general3A_12 = tpu.matmul %add3A, %get3A_11, %dot_general3A {dimension_numbers = #tpu.dot_dimension_numbers<[1], [0], [0], [1], [0, 0, 1, 1], [], []>, transpose_lhs_hint = false} : vector<10000x128xf32>, vector<128x128xf32>, vector<10000x128xf32> -> vector<10000x128xf32>
    %max3A = arith.constant 0.000000e+00 : f32
    %max3A_13 = vector.broadcast %max3A : f32 to vector<10000x128xf32>
    %max3A_14 = arith.maximumf %dot_general3A_12, %max3A_13 : vector<10000x128xf32>
    %swap3A = arith.constant 0 : index
    %swap3A_15 = arith.constant 0 : index
    %swap3A_16 = vector.load %arg2[%swap3A, %swap3A_15] : memref<10000x128xf32, #tpu.memory_space<vmem>>, vector<10000x128xf32>
    tpu.vector_store %arg2[%swap3A, %swap3A_15], %max3A_14 {strides = array<i32>} : memref<10000x128xf32, #tpu.memory_space<vmem>>, vector<10000x128xf32>,
    return
  }
}

module attributes {stable_mosaic.version = 14 : i64} {
  func.func @_prep_body(%arg0: memref<10000x128xf32, #tpu.memory_space<vmem>>, %arg1: memref<128x128xf32, #tpu.memory_space<vmem>>, %arg2: memref<10000x128xf32, #tpu.memory_space<vmem>>) attributes {dimension_semantics = [], scalar_prefetch = 0 : i64, scratch_operands = 0 : i64, tpu.core_type = #tpu.core_type<tc>} {
    %get3A = arith.constant 0 : index
    %get3A_0 = arith.constant 0 : index
    %get3A_1 = vector.load %arg0[%get3A, %get3A_0] : memref<10000x128xf32, #tpu.memory_space<vmem>>, vector<10000x128xf32>
    %get3A_2 = arith.constant 0 : index
    %get3A_3 = arith.constant 0 : index
    %get3A_4 = vector.load %arg1[%get3A_2, %get3A_3] : memref<128x128xf32, #tpu.memory_space<vmem>>, vector<128x128xf32>
    %dot_general3A = arith.constant dense<0.000000e+00> : vector<10000x128xf32>
    %dot_general3A_5 = tpu.matmul %get3A_1, %get3A_4, %dot_general3A {dimension_numbers = #tpu.dot_dimension_numbers<[1], [1], [0], [0], [0, 0, 1, 0], [], []>, transpose_lhs_hint = false} : vector<10000x128xf32>, vector<128x128xf32>, vector<10000x128xf32> -> vector<10000x128xf32>
    %mul3A = arith.mulf %dot_general3A_5, %get3A_1 : vector<10000x128xf32>
    %reduce_sum3A = arith.constant dense<0.000000e+00> : vector<10000xf32>
    %reduce_sum3A_6 = vector.multi_reduction <add>, %mul3A, %reduce_sum3A [1] : vector<10000x128xf32> to vector<10000xf32>
    %broadcast_in_dim3A = vector.shape_cast %reduce_sum3A_6 : vector<10000xf32> to vector<10000x1xf32>
    %sqrt3A = arith.constant 1.280000e+02 : f32
    %sqrt3A_7 = math.sqrt %sqrt3A : f32
    %div3A = vector.broadcast %sqrt3A_7 : f32 to vector<10000x1xf32>
    %div3A_8 = arith.divf %broadcast_in_dim3A, %div3A : vector<10000x1xf32>
    %reduce_max3A = vector.shape_cast %div3A_8 : vector<10000x1xf32> to vector<1x10000x1xf32>
    %reduce_max3A_9 = arith.constant dense<0xFF800000> : vector<1xf32>
    %reduce_max3A_10 = vector.multi_reduction <maximumf>, %reduce_max3A, %reduce_max3A_9 [1, 2] : vector<1x10000x1xf32> to vector<1xf32>
    %reduce_max3A_11 = vector.shape_cast %reduce_max3A_10 : vector<1xf32> to vector<1x1x1xf32>
    %reduce_max3A_12 = vector.extract %reduce_max3A_11[0, 0, 0] : f32 from vector<1x1x1xf32>
    %sub3A = vector.broadcast %reduce_max3A_12 : f32 to vector<10000x1xf32>
    %sub3A_13 = arith.subf %div3A_8, %sub3A : vector<10000x1xf32>
    %exp3A = math.exp %sub3A_13 : vector<10000x1xf32>
    %reduce_sum3A_14 = vector.shape_cast %exp3A : vector<10000x1xf32> to vector<1x10000x1xf32>
    %reduce_sum3A_15 = arith.constant dense<0.000000e+00> : vector<1xf32>
    %reduce_sum3A_16 = vector.multi_reduction <add>, %reduce_sum3A_14, %reduce_sum3A_15 [1, 2] : vector<1x10000x1xf32> to vector<1xf32>
    %reduce_sum3A_17 = vector.shape_cast %reduce_sum3A_16 : vector<1xf32> to vector<1x1x1xf32>
    %reduce_sum3A_18 = vector.extract %reduce_sum3A_17[0, 0, 0] : f32 from vector<1x1x1xf32>
    %div3A_19 = vector.broadcast %reduce_sum3A_18 : f32 to vector<10000x1xf32>
    %div3A_20 = arith.divf %exp3A, %div3A_19 : vector<10000x1xf32>
    %mul3A_21 = vector.broadcast %div3A_20 : vector<10000x1xf32> to vector<10000x128xf32>
    %mul3A_22 = arith.mulf %get3A_1, %mul3A_21 : vector<10000x128xf32>
    %swap3A = arith.constant 0 : index
    %swap3A_23 = arith.constant 0 : index
    %swap3A_24 = vector.load %arg2[%swap3A, %swap3A_23] : memref<10000x128xf32, #tpu.memory_space<vmem>>, vector<10000x128xf32>
    tpu.vector_store %arg2[%swap3A, %swap3A_23], %mul3A_22 {strides = array<i32>} : memref<10000x128xf32, #tpu.memory_space<vmem>>, vector<10000x128xf32>,
    return
  }
}

</mosaic_0001>

<sc_bundles>
// kernel: kernel.5.cloned.1.call-start
scs
__scs_entry_jumppad:
0x0: {  	(pc) =	sbr.rel $0x88, $3  }
0x1: {  	(tag) =	ssettag $0x0;
	lr =	simm.s32 $0x1  }
0x2: {  	[smem:$0x3F9D] =	sst lr;
	_ =	strace $0xD0000000  }
0x3: {  	_ = 	snop  }
0x4: {  	_ = 	snop  }
0x5: {  	_ = 	snop  }
0x6: {  	_ = 	snop  }
0x7: {  	_ = 	snop  }
__scs_overlays_trampoline_lowered:
0x8: {  	[smem:$0x3FAC] =	sst s0  }
0x9: {  	[smem:$0x3FAD] =	sst s1  }
0xa: {  	[smem:$0x3FAE] =	sst s2  }
0xb: {  	[smem:$0x3FAF] =	sst s3  }
0xc: {  	[smem:$0x3FB0] =	sst s4  }
0xd: {  	[smem:$0x3FB1] =	sst s5  }
0xe: {  	[smem:$0x3FB2] =	sst s6  }
0xf: {  	[smem:$0x3FB3] =	sst s7  }
0x10: {  	[smem:$0x3FB4] =	sst s8  }
0x11: {  	[smem:$0x3FB5] =	sst s9;
	s0 =	simm.s32 @!p0 $0x0  }
0x12: {  	s1 =	sld [smem:$0x3F9B];
	s0 =	simm.s32 @p0 $0x1  }
0x13: {  	[smem:$0x3FB6] =	sst s0;
	s0 =	simm.s32 @!p1 $0x0  }
0x14: {  	s2 =	sld [smem:$0x3F9A];
	s0 =	simm.s32 @p1 $0x1  }
0x15: {  	[smem:$0x3FB7] =	sst s0;
	s0 =	simm.s32 @!p2 $0x0  }
0x16: {  	s3 =	sld [smem:$0x3FDB];
	s0 =	simm.s32 @p2 $0x1  }
0x17: {  	s4 =	simm.s32 $0x1BF5;
	[smem:$0x3FB9] =	sst s0  }
0x18: {  	s0 =	sld [smem:$0x3F9C];
	_ =	swait.ge [sflag:s4], $0x0  }
0x19: {  	s7 =	sld [smem:$0x3F9D]  }
0x1a: {  	s8 =	sadd.s32 $0xFFFFE003, lr  }
0x1b: {  	s9 =	sadd.s32 $0xFFFFFEF7, lr;
	s5 =	simm.s32 $0xFFFFFFFF;
	p2 =	slt.u32 s8, $0xFFFFF086  }
0x1c: {  	p1 =	slt.u32 s9, $0xF7A;
	s5 =	simm.s32 @!p2 $0x0  }
0x1d: {  	s5 =	simm.s32 @p1 $0x1;
	p0 =	seq.s32 s7, s2  }
0x1e: {  	s7 =	smul.u32 @!p0 $0xF7A, s2;
	p2 =	seq.s32 @!p0 s5, $0x0  }
0x1f: {  	s9 =	smul.u32 $0xF7A, s1;
	s8 =	simm.s32 @!p0 $0x1BF5;
	p2 =	por !p2, p0  }
0x20: {  	[sflag:s8] =	ssyncset.s32 @!p0 $0xFFFFF086;
	s6 =	sadd.s32 @!p0 s3, s7;
	s7 =	simm.s32 @!p0 $0x108  }
0x21: {  	s3 =	sadd.s32 s3, s9;
	s6 =	sadd.s32 @!p0 $0x88, s6;
	s7 =	simm.s32 @p2 $0x1082  }
0x22: {  	[simem:s7], [sflag:s8] =	dma.local @!p0 [hbm:s6], $0xF7A  }
0x23: {  	s9 =	sor.u32 $0xD0000000, s2;
	s6 =	simm.s32 $0x108;
	_ =	swait.ge @!p0 [sflag:s8], $0x0  }
0x24: {  	s3 =	sadd.s32 $0x88, s3;
	s6 =	simm.s32 @!p1 $0x1082;
	[sflag:s4] =	ssyncset.s32 $0xFFFFF086  }
0x25: {  	[simem:s6], [sflag:s4] =	dma.local [hbm:s3], $0xF7A  }
0x26: {  	[smem:$0x3F9D] =	sst s1;
	(tag) =	ssettag s2;
	_ =	strace s9  }
0x27: {  	s1 =	sld [smem:$0x3FAD]  }
0x28: {  	s2 =	sld [smem:$0x3FAE]  }
0x29: {  	s4 =	sld [smem:$0x3FB0]  }
0x2a: {  	p0 =	seq.s32 s5, $0x0;
	s5 =	sld [smem:$0x3FB1]  }
0x2b: {  	s6 =	sld [smem:$0x3FB2]  }
0x2c: {  	s7 =	sld [smem:$0x3FB3]  }
0x2d: {  	s3 =	simm.s32 $0x108;
	s8 =	sld [smem:$0x3FB4]  }
0x2e: {  	s3 =	simm.s32 @!p0 $0x1082;
	s9 =	sld [smem:$0x3FB5]  }
0x2f: {  	lr =	sadd.s32 s0, s3;
	s0 =	sld [smem:$0x3FAC]  }
0x30: {  	s3 =	sld [smem:$0x3FAF]  }
0x31: {  	[smem:$0x3FB8] =	sst s10  }
0x32: {  	s10 =	sld [smem:$0x3FB6];
	_ =	sdelay $0x3  }
0x33: {  	p0 =	seq.s32 s10, $0x1;
	s10 =	sld [smem:$0x3FB8];
	_ =	sdelay $0x3  }
0x34: {  	[smem:$0x3FB8] =	sst s10  }
0x35: {  	s10 =	sld [smem:$0x3FB7];
	_ =	sdelay $0x3  }
0x36: {  	p1 =	seq.s32 s10, $0x1;
	s10 =	sld [smem:$0x3FB8];
	_ =	sdelay $0x3  }
0x37: {  	[smem:$0x3FB8] =	sst s10  }
0x38: {  	s10 =	sld [smem:$0x3FB9]  }
0x39: {  	_ = 	snop;
	(pc) =	sbr.ind lr, $3  }
0x3a: {  	_ = 	snop  }
0x3b: {  	_ = 	snop  }
0x3c: {  	p2 =	seq.s32 s10, $0x1;
	s10 =	sld [smem:$0x3FB8]  }
0x3d: {  	_ =	shalt  }
0x3e: {  	_ =	shalt  }
0x3f: {  	_ =	shalt  }
0x40: {  	_ =	shalt  }
0x41: {  	_ =	shalt  }
0x42: {  	_ =	shalt  }
0x43: {  	_ =	shalt  }
0x44: {  	_ =	shalt  }
0x45: {  	_ =	shalt  }
0x46: {  	_ =	shalt  }
0x47: {  	_ =	shalt  }
0x48: {  	_ =	shalt  }
0x49: {  	_ =	shalt  }
0x4a: {  	_ =	shalt  }
0x4b: {  	_ =	shalt  }
0x4c: {  	_ =	shalt  }
0x4d: {  	_ =	shalt  }
0x4e: {  	_ =	shalt  }
0x4f: {  	_ =	shalt  }
0x50: {  	_ =	shalt  }
0x51: {  	_ =	shalt  }
0x52: {  	_ =	shalt  }
0x53: {  	_ =	shalt  }
0x54: {  	_ =	shalt  }
0x55: {  	_ =	shalt  }
0x56: {  	_ =	shalt  }
0x57: {  	_ =	shalt  }
0x58: {  	_ =	shalt  }
0x59: {  	_ =	shalt  }
0x5a: {  	_ =	shalt  }
0x5b: {  	_ =	shalt  }
0x5c: {  	_ =	shalt  }
0x5d: {  	_ =	shalt  }
0x5e: {  	_ =	shalt  }
0x5f: {  	_ =	shalt  }
0x60: {  	_ =	shalt  }
0x61: {  	_ =	shalt  }
0x62: {  	_ =	shalt  }
0x63: {  	_ =	shalt  }
0x64: {  	_ =	shalt  }
0x65: {  	_ =	shalt  }
0x66: {  	_ =	shalt  }
0x67: {  	_ =	shalt  }
0x68: {  	_ =	shalt  }
0x69: {  	_ =	shalt  }
0x6a: {  	_ =	shalt  }
0x6b: {  	_ =	shalt  }
0x6c: {  	_ =	shalt  }
0x6d: {  	_ =	shalt  }
0x6e: {  	_ =	shalt  }
0x6f: {  	_ =	shalt  }
0x70: {  	_ =	shalt  }
0x71: {  	_ =	shalt  }
0x72: {  	_ =	shalt  }
0x73: {  	_ =	shalt  }
0x74: {  	_ =	shalt  }
0x75: {  	_ =	shalt  }
0x76: {  	_ =	shalt  }
0x77: {  	_ =	shalt  }
0x78: {  	_ =	shalt  }
0x79: {  	_ =	shalt  }
0x7a: {  	_ =	shalt  }
0x7b: {  	_ =	shalt  }
0x7c: {  	_ =	shalt  }
0x7d: {  	_ =	shalt  }
0x7e: {  	_ =	shalt  }
0x7f: {  	_ =	shalt  }
0x80: {  	_ =	shalt  }
0x81: {  	_ =	shalt  }
0x82: {  	_ =	shalt  }
0x83: {  	_ =	shalt  }
0x84: {  	_ =	shalt  }
0x85: {  	_ =	shalt  }
0x86: {  	_ =	shalt  }
0x87: {  	_ =	shalt  }
.Lfunc_end0:
.L_simem_size_0:
called_computation_lowered:
.L_overlay_start_0:
0x88: {  	s2 =	sld [smem:$0x3FD9]  }
0x89: {  	s3 =	sld [smem:$0x3FFE];
	_ =	sdelay $0x1  }
0x8a: {  	s1 =	srdreg.scid  }
0x8b: {  	s0 =	sand.u32 $0x1, s1  }
0x8c: {  	s17 =	sshll.u32 s0, $0xA;
	s2 =	sadd.s32 s3, s2  }
0x8d: {  	s2 =	sadd.s32 s2, s17  }
0x8e: {  	[smem:$0x3FC4] =	sst s2  }
0x8f: {  	_ = 	snop  }
0x90: {  	s2 =	sld [smem:$0x3FC8]  }
0x91: {  	s18 =	sld [smem:$0x3FD0];
	(tm) =	ssettm $0x1  }
0x92: {  	s4 =	sld [smem:$0x3FFB];
	_ =	sdelay $0x3  }
0x93: {  	_ =	strace s4  }
0x94: {  	s4 =	sld [smem:$0x3FFC];
	_ =	sdelay $0x3  }
0x95: {  	_ =	strace s4  }
0x96: {  	s4 =	sld [smem:$0x3FFD];
	_ =	sdelay $0x3  }
0x97: {  	_ =	strace s4  }
0x98: {  	_ =	strace $0x8FFFFFFF  }
0x99: {  	s19 =	sld [smem:$0x3FDB];
	_ =	sdelay $0x1  }
0x9a: {  	s5 =	simm.s32 $_scs_section_size  }
0x9b: {  	s6 =	simm.s32 $_size__tile_overlayer_lowered;
	s7 =	simm.s32 $_tile_overlayer_lowered  }
0x9c: {  	s22 =	simm.s32 $0x1BFF;
	s21 =	sshll.u32 s7, $0x1;
	s4 =	sadd.s32 s5, s19  }
0x9d: {  	s8 =	simm.s32 $0x0;
	s20 =	sshll.u32 s6, $0x1;
	s6 =	sadd.s32 s21, s4  }
0x9e: {  	[timem:s8], [sflag:s22] =	dma.local [hbm:s6], s20  }
0x9f: {  	_ =	swait.ge [sflag:s22], s20  }
0xa0: {  	s5 =	ssub.s32 $0x0, s20;
	[sflag:s22] =	ssyncset.done $0x0  }
0xa1: {  	[sflag:s22] =	ssyncadd.s32 s5;
	_ =	sdelay $0x1  }
0xa2: {  	s23 =	simm.s32 $0x1B8B  }
0xa3: {  	_ =	swait.ge [sflag:s23], $0x1  }
0xa4: {  	[sflag:s23] =	ssyncset.done $0x0  }
0xa5: {  	s25 =	simm.s32 $0x1B8E;
	s24 =	sld [smem:$0x3FFE];
	[sflag:s23] =	ssyncadd.s32 $0xFFFFFFFF  }
0xa6: {  	s26 =	simm.s32 $execute0_lowered;
	[smem:$0x3FD2] =	sst s25  }
0xa7: {  	s6 =	sshll.u32 s26, $0x1;
	_ =	strace $0x80000046;
	[dreg:$0x1] =	wrdreg $0xFFFFFFFF  }
0xa8: {  	s28 =	simm.s32 $_size_execute0_lowered;
	s4 =	sadd.s32 s4, s6;
	[dreg:$0x0] =	wrdreg $0x0  }
0xa9: {  	s6 =	sshll.u32 s28, $0x1;
	[dreg:$0x2] =	wrdreg s4  }
0xaa: {  	[dreg:$0x3] =	wrdreg s6  }
0xab: {  	[dreg:$0x4] =	wrdreg $0xC0  }
0xac: {  	_ =	task [dreg:s8], $0x5FFFF  }
0xad: {  	[dreg:$0x1] =	wrdreg $0xFFFFFFFF  }
0xae: {  	[dreg:$0x0] =	wrdreg $0x60  }
0xaf: {  	[dreg:$0x2] =	wrdreg s2  }
0xb0: {  	[dreg:$0x3] =	wrdreg s18  }
0xb1: {  	[dreg:$0x4] =	wrdreg s24  }
0xb2: {  	[dreg:$0x5] =	wrdreg $0x88000  }
0xb3: {  	[dreg:$0x6] =	wrdreg $0x9  }
0xb4: {  	_ =	task.clear_ibuf [dreg:s8], $0x7FFFF;
	_ =	strace $0x90000046  }
0xb5: {  	s29 =	simm.s32 $0x9;
	_ =	strace $0x80000048  }
0xb6: {  	_ =	swait.ge [sflag:s29], $0x1  }
0xb7: {  	[sflag:s29] =	ssyncadd.s32 $0xFFFFFFFF  }
0xb8: {  	_ =	strace $0x90000048  }
0xb9: {  	_ =	sfence  }
0xba: {  	s30 =	sld [smem:$0x0];
	_ =	sdelay $0x2  }
0xbb: {  	s31 =	sshll.u32 s1, $0xD;
	s1 =	sshrl.u32 s1, $0x2  }
0xbc: {  	s3 =	sand.u32 $0x4000, s31;
	s1 =	sadd.s32 s1, s30  }
0xbd: {  	s0 =	sor.u32 s3, s0;
	s1 =	sshll.u32 s1, $0x11  }
0xbe: {  	s0 =	sor.u32 s1, s0  }
0xbf: {  	s0 =	sadd.s32 $0x8F2B, s0  }
0xc0: {  	[sflag:s0] =	ssyncadd.remote.s32 $0x1  }
0xc1: {  	_ =	sfence.sel $0xFFFF  }
0xc2: {  	[dreg:$0x0] =	wrdreg $0xFFFFFFFF;
	(pc) =	sbr.abs _section_cstart, $3  }
0xc3: {  	[dreg:$0x1] =	wrdreg $0xFFFFFFFF  }
0xc4: {  	_ =	task.clear_ibuf [dreg:s8], $0x2FFFF;
	_ =	strace $0x9FFFFFFF  }
0xc5: {  	(tm) =	ssettm $0x7FFFFFFF  }
tec
execute0_lowered:
.L_overlay_start_1:
0x0: {  	(tag) =	ssettag $0x1  }
0x1: {  	s0 =	rddreg [dreg:$0x0]  }
0x2: {  	s2 =	rddreg [dreg:$0x1]  }
0x3: {  	s1 =	rddreg [dreg:$0x2];
	s13 =	stileid.u32  }
0x4: {  	s4 =	srdreg.scid;
	s8 =	smul.u32 $0x14000, s13  }
0x5: {  	s5 =	sand.u32 $0x1, s4;
	s7 =	sshll.u32 s13, $0x1;
	s12 =	smul.u32 $0x50000, s13  }
0x6: {  	s3 =	rddreg [dreg:$0x3];
	s6 =	smul.u32 $0x140000, s5;
	s7 =	sor.u32 s5, s7  }
0x7: {  	s4 =	simm.s32 $0x0;
	s22 =	ssub.s32 $0x2, s5;
	s9 =	smul.u32 $0x9C0, s7  }
0x8: {  	[smem:$0x7FF] =	sst s4;
	s10 =	smul.u32 $0x4E00, s7;
	s11 =	sshrl.u32 s22, $0x1  }
0x9: {  	_ =	strace $0x80000047;
	s7 =	sshll.u32 s7, $0x5;
	s6 =	sadd.s32 s8, s6  }
0xa: {  	s25 =	sshrl.u32 s12, $0x2;
	s7 =	sand.u32 $0x60, s7;
	s6 =	sshrl.u32 s6, $0x3  }
0xb: {  	s23 =	sadd.s32 s0, s9;
	s24 =	sshrl.u32 s10, $0x3;
	s7 =	sadd.s32 s7, s0  }
0xc: {  	s1 =	sadd.s32 s6, s1;
	[dreg:$0x6] =	wrdreg s23;
	s26 =	sadd.s32 $0x20, s23  }
0xd: {  	s6 =	ssub.s32 s22, s11;
	s11 =	sadd.s32 s25, s3;
	[dreg:$0x7] =	wrdreg s26  }
0xe: {  	s8 =	sadd.s32 s0, s24;
	s7 =	sadd.s32 $0x13800, s7;
	[dreg:$0x8] =	wrdreg s11  }
0xf: {  	s12 =	sadd.s32 $0x40, s8;
	[dreg:$0x16] =	wrdreg s7  }
0x10: {  	s14 =	sadd.s32 $0x2000, s11;
	[dreg:$0x9] =	wrdreg s12  }
0x11: {  	s15 =	sadd.s32 $0x4000, s11;
	[dreg:$0xa] =	wrdreg s14  }
0x12: {  	s28 =	simm.s32 $0x40;
	s16 =	sadd.s32 $0x6000, s11;
	[dreg:$0xb] =	wrdreg s15  }
0x13: {  	s29 =	simm.s32 $0x8400;
	s17 =	sadd.s32 $0x8000, s11;
	[dreg:$0xc] =	wrdreg s16  }
0x14: {  	s30 =	simm.s32 $0x400;
	s18 =	sadd.s32 $0xA000, s11;
	[dreg:$0xd] =	wrdreg s17  }
0x15: {  	s31 =	simm.s32 $0x8480;
	s19 =	sadd.s32 $0xC000, s11;
	[dreg:$0xe] =	wrdreg s18  }
0x16: {  	p0 =	sgt.u32 s13, $0x1;
	s20 =	sadd.s32 $0xE000, s11;
	[dreg:$0xf] =	wrdreg s19  }
0x17: {  	s5 =	smul.u32 $0x9C0, s5;
	s21 =	sadd.s32 $0x10000, s11;
	[dreg:$0x10] =	wrdreg s20  }
0x18: {  	s9 =	simm.s32 $0x6400;
	s22 =	sadd.s32 $0x12000, s11;
	[dreg:$0x11] =	wrdreg s21  }
0x19: {  	s10 =	simm.s32 $0x9;
	s24 =	sadd.s32 $0x60, s8;
	[dreg:$0x12] =	wrdreg s22  }
0x1a: {  	s23 =	smul.u32 $0x1380, s13;
	s25 =	sadd.s32 $0x980, s8;
	[dreg:$0x13] =	wrdreg s24  }
0x1b: {  	s13 =	simm.s32 $0x8580;
	s8 =	sadd.s32 $0x9A0, s8;
	[dreg:$0x14] =	wrdreg s25  }
0x1c: {  	s1 =	sadd.s32 $0xE00, s1;
	s26 =	smax.u32 s6, $0x1;
	[dreg:$0x15] =	wrdreg s8  }
0x1d: {  	s6 =	simm.s32 $0x8500;
	s11 =	simm.s32 $0x5;
	[dreg:$0x17] =	wrdreg s1  }
0x1e: {  	s7 =	simm.s32 $0x0;
	s0 =	sadd.s32 s23, s0;
	[dreg:$0x18] =	wrdreg s26  }
0x1f: {  	s24 =	simm.s32 $0x100;
	s25 =	simm.s32 $0x200;
	s26 =	simm.s32 $0x1  }
0x20: {  	s1 =	simm.s32 $0x2;
	s8 =	simm.s32 $0x4400;
	s12 =	simm.s32 $0x8600  }
0x21: {  	s14 =	simm.s32 $0x300;
	s15 =	simm.s32 $0x6;
	s16 =	simm.s32 $0x8680  }
0x22: {  	s17 =	simm.s32 $0x3;
	s18 =	simm.s32 $0x7;
	s19 =	simm.s32 $0x8700  }
0x23: {  	s20 =	simm.s32 $0x8;
	s21 =	simm.s32 $0x8780;
	s0 =	sadd.s32 s5, s0  }
0x24: {  	v0 =	vimm.f32 $0.0e+00;
	s22 =	simm.s32 $0x4;
	[dreg:$0x5] =	wrdreg s0;
	s0 =	simm.s32 $0x2400  }
.LBB2_1:
0x25: {  	[dreg:$0x19] =	wrdreg s7  }
0x26: {  	s5 =	rddreg [dreg:$0x6]  }
0x27: {  	[tilespmem:s4], [sflag:$0x1] =	stream.linear.gather [hbm4b:s5+s4], $0x100, $0x38;
	[tilespmem:$0x1C800] =	vst v63  }
0x28: {  	s7 =	rddreg [dreg:$0x7]  }
0x29: {  	[tilespmem:s24], [sflag:$0x2] =	stream.linear.gather [hbm4b:s7+s4], $0x100, $0x38;
	[tilespmem:$0x1C800] =	vst v63  }
0x2a: {  	s23 =	rddreg [dreg:$0x9]  }
0x2b: {  	[tilespmem:s25], [sflag:$0x3] =	stream.linear.gather [hbm4b:s23+s4], $0x100, $0x38;
	[tilespmem:$0x1C800] =	vst v63  }
0x2c: {  	_ =	swait.ge [sflag:s26], $0x100  }
0x2d: {  	[sflag:s26] =	ssyncset.done $0x0  }
0x2e: {  	[sflag:s26] =	ssyncadd.s32 $0xFFFFFF00  }
0x2f: {  	v1 =	vld [tilespmem:$0x0]  }
0x30: {  	v2 =	vld [tilespmem:$0x10]  }
0x31: {  	v3 =	vld [tilespmem:$0x20]  }
0x32: {  	v4 =	vld [tilespmem:$0x30];
	_ =	sdelay $0x1  }
0x33: {  	[tilespmem:$0x8400] =	vst v1  }
0x34: {  	[tilespmem:$0x8410] =	vst v2  }
0x35: {  	[tilespmem:$0x8420] =	vst v3  }
0x36: {  	[tilespmem:$0x8430] =	vst v4  }
0x37: {  	[tilespmem:s30], [sflag:$0x5] =	stream.indirect.gather [hbm4b:s2+s28], $0x80, s29, s28, $0xb8;
	[tilespmem:$0x1C800] =	vst v63  }
0x38: {  	v1 =	vld [tilespmem:$0x40]  }
0x39: {  	v2 =	vld [tilespmem:$0x50]  }
0x3a: {  	v3 =	vld [tilespmem:$0x60]  }
0x3b: {  	v62 =	vld [tilespmem:$0x70];
	_ =	sdelay $0x1  }
0x3c: {  	[tilespmem:$0x8480] =	vst v1  }
0x3d: {  	[tilespmem:$0x8490] =	vst v2  }
0x3e: {  	[tilespmem:$0x84A0] =	vst v3  }
0x3f: {  	[tilespmem:$0x84B0] =	vst v62  }
0x40: {  	[tilespmem:s0], [sflag:$0x6] =	stream.indirect.gather [hbm4b:s2+s28], $0x80, s31, s28, $0xb8;
	[tilespmem:$0x1C800] =	vst v63  }
0x41: {  	_ =	swait.ge [sflag:s1], $0x100  }
0x42: {  	[sflag:s1] =	ssyncset.done $0x0  }
0x43: {  	[sflag:s1] =	ssyncadd.s32 $0xFFFFFF00  }
0x44: {  	v1 =	vld [tilespmem:$0x100]  }
0x45: {  	v2 =	vld [tilespmem:$0x110]  }
0x46: {  	v3 =	vld [tilespmem:$0x120]  }
0x47: {  	v63 =	vld [tilespmem:$0x130];
	_ =	sdelay $0x1  }
0x48: {  	[tilespmem:$0x8500] =	vst v1  }
0x49: {  	[tilespmem:$0x8510] =	vst v2  }
0x4a: {  	[tilespmem:$0x8520] =	vst v3  }
0x4b: {  	s5 =	simm.s32 $0x0;
	s7 =	simm.s32 $0x200;
	[tilespmem:$0x8530] =	vst v63  }
0x4c: {  	[tilespmem:s8], [sflag:$0x7] =	stream.indirect.gather [hbm4b:s2+s28], $0x80, s6, s28, $0xb8;
	[tilespmem:$0x1C800] =	vst v63  }
.LBB2_2:
0x4d: {  	p1 =	sne.s32 s7, $0x7E00;
	[tilespmem:s5+$0x6470] =	vst v0  }
0x4e: {  	[tilespmem:s5+$0x6400] =	vst v0  }
0x4f: {  	[tilespmem:s5+$0x6410] =	vst v0  }
.Ltmp0:
0x50: {  	[tilespmem:s5+$0x6420] =	vst v0;
	(pc) =	sbr.rel @p1 .LBB2_2-.Ltmp0, $4  }
0x51: {  	[tilespmem:s5+$0x6430] =	vst v0  }
0x52: {  	[tilespmem:s5+$0x6440] =	vst v0  }
0x53: {  	[tilespmem:s5+$0x6450] =	vst v0  }
0x54: {  	[tilespmem:s5+$0x6460] =	vst v0;
	s5 =	sshra.s32 s7, $0x2;
	s7 =	sadd.s32 $0x200, s7  }
0x55: {  	[tilespmem:s5+$0x6470] =	vst v0  }
0x56: {  	[tilespmem:s5+$0x6400] =	vst v0  }
0x57: {  	[tilespmem:s5+$0x6410] =	vst v0  }
0x58: {  	[tilespmem:s5+$0x6420] =	vst v0  }
0x59: {  	[tilespmem:s5+$0x6430] =	vst v0  }
0x5a: {  	[tilespmem:s5+$0x6440] =	vst v0  }
0x5b: {  	[tilespmem:s5+$0x6450] =	vst v0  }
0x5c: {  	[tilespmem:s5+$0x6460] =	vst v0;
	s23 =	rddreg [dreg:$0x8]  }
0x5d: {  	[spmem:s23] =	stream.linear.scatter [tilespmem:s9], [sflag:$0x9], $0x2000, $0x38;
	[tilespmem:$0x1C800] =	vst v63  }
0x5e: {  	_ =	swait.ge [sflag:s10], $0x2000  }
0x5f: {  	[sflag:s10] =	ssyncset.done $0x0  }
0x60: {  	s7 =	rddreg [dreg:$0xa];
	[sflag:s10] =	ssyncadd.s32 $0xFFFFE000  }
0x61: {  	[spmem:s7] =	stream.linear.scatter [tilespmem:s9], [sflag:$0x9], $0x2000, $0x38;
	[tilespmem:$0x1C800] =	vst v63  }
0x62: {  	_ =	swait.ge [sflag:s10], $0x2000  }
0x63: {  	[sflag:s10] =	ssyncset.done $0x0  }
0x64: {  	s23 =	rddreg [dreg:$0xb];
	[sflag:s10] =	ssyncadd.s32 $0xFFFFE000  }
0x65: {  	[spmem:s23] =	stream.linear.scatter [tilespmem:s9], [sflag:$0x9], $0x2000, $0x38;
	[tilespmem:$0x1C800] =	vst v63  }
0x66: {  	_ =	swait.ge [sflag:s10], $0x2000  }
0x67: {  	[sflag:s10] =	ssyncset.done $0x0  }
0x68: {  	s7 =	rddreg [dreg:$0xc];
	[sflag:s10] =	ssyncadd.s32 $0xFFFFE000  }
0x69: {  	[spmem:s7] =	stream.linear.scatter [tilespmem:s9], [sflag:$0x9], $0x2000, $0x38;
	[tilespmem:$0x1C800] =	vst v63  }
0x6a: {  	_ =	swait.ge [sflag:s10], $0x2000  }
0x6b: {  	[sflag:s10] =	ssyncset.done $0x0  }
0x6c: {  	s23 =	rddreg [dreg:$0xd];
	[sflag:s10] =	ssyncadd.s32 $0xFFFFE000  }
0x6d: {  	[spmem:s23] =	stream.linear.scatter [tilespmem:s9], [sflag:$0x9], $0x2000, $0x38;
	[tilespmem:$0x1C800] =	vst v63  }
0x6e: {  	_ =	swait.ge [sflag:s10], $0x2000  }
0x6f: {  	[sflag:s10] =	ssyncset.done $0x0  }
0x70: {  	s7 =	rddreg [dreg:$0xe];
	[sflag:s10] =	ssyncadd.s32 $0xFFFFE000  }
0x71: {  	[spmem:s7] =	stream.linear.scatter [tilespmem:s9], [sflag:$0x9], $0x2000, $0x38;
	[tilespmem:$0x1C800] =	vst v63  }
0x72: {  	_ =	swait.ge [sflag:s10], $0x2000  }
0x73: {  	[sflag:s10] =	ssyncset.done $0x0  }
0x74: {  	s23 =	rddreg [dreg:$0xf];
	[sflag:s10] =	ssyncadd.s32 $0xFFFFE000  }
0x75: {  	[spmem:s23] =	stream.linear.scatter [tilespmem:s9], [sflag:$0x9], $0x2000, $0x38;
	[tilespmem:$0x1C800] =	vst v63  }
0x76: {  	_ =	swait.ge [sflag:s10], $0x2000  }
0x77: {  	[sflag:s10] =	ssyncset.done $0x0  }
0x78: {  	s7 =	rddreg [dreg:$0x10];
	[sflag:s10] =	ssyncadd.s32 $0xFFFFE000  }
0x79: {  	[spmem:s7] =	stream.linear.scatter [tilespmem:s9], [sflag:$0x9], $0x2000, $0x38;
	[tilespmem:$0x1C800] =	vst v63  }
0x7a: {  	_ =	swait.ge [sflag:s10], $0x2000  }
0x7b: {  	[sflag:s10] =	ssyncset.done $0x0  }
0x7c: {  	s23 =	rddreg [dreg:$0x11];
	[sflag:s10] =	ssyncadd.s32 $0xFFFFE000  }
0x7d: {  	[spmem:s23] =	stream.linear.scatter [tilespmem:s9], [sflag:$0x9], $0x2000, $0x38;
	[tilespmem:$0x1C800] =	vst v63  }
0x7e: {  	_ =	swait.ge [sflag:s10], $0x2000  }
0x7f: {  	[sflag:s10] =	ssyncset.done $0x0  }
0x80: {  	s7 =	rddreg [dreg:$0x12];
	[sflag:s10] =	ssyncadd.s32 $0xFFFFE000  }
0x81: {  	[spmem:s7] =	stream.linear.scatter [tilespmem:s9], [sflag:$0x9], $0x2000, $0x38;
	[tilespmem:$0x1C800] =	vst v63  }
0x82: {  	_ =	swait.ge [sflag:s10], $0x2000  }
0x83: {  	[sflag:s10] =	ssyncset.done $0x0  }
0x84: {  	[sflag:s10] =	ssyncadd.s32 $0xFFFFE000  }
0x85: {  	[bflag:$0x0] =	sbarrier.arrive $0xFFFF  }
0x86: {  	_ =	swait.ge [sflag:s11], $0x2000  }
0x87: {  	[sflag:s11] =	ssyncset.done $0x0  }
0x88: {  	[sflag:s11] =	ssyncadd.s32 $0xFFFFE000  }
0x89: {  	v1 =	vld [tilespmem:$0x80]  }
0x8a: {  	v2 =	vld [tilespmem:$0x90]  }
0x8b: {  	v3 =	vld [tilespmem:$0xA0]  }
0x8c: {  	v4 =	vld [tilespmem:$0xB0];
	_ =	sdelay $0x1  }
0x8d: {  	[tilespmem:$0x8600] =	vst v1  }
0x8e: {  	[tilespmem:$0x8610] =	vst v2  }
0x8f: {  	[tilespmem:$0x8620] =	vst v3  }
0x90: {  	[tilespmem:$0x8630] =	vst v4  }
0x91: {  	[spmem:s3] =	stream.indirect.scatter.add.f32 [tilespmem:s30], [sflag:$0x9], $0x80, s12, s28, $0xb8;
	[tilespmem:$0x1C800] =	vst v63  }
0x92: {  	_ =	swait.ge [sflag:s10], $0x2000  }
0x93: {  	[sflag:s10] =	ssyncset.done $0x0  }
0x94: {  	[sflag:s10] =	ssyncadd.s32 $0xFFFFE000  }
0x95: {  	v1 =	vld [tilespmem:$0x140]  }
0x96: {  	v2 =	vld [tilespmem:$0x150]  }
0x97: {  	v3 =	vld [tilespmem:$0x160]  }
0x98: {  	v4 =	vld [tilespmem:$0x170];
	_ =	sdelay $0x1  }
0x99: {  	[tilespmem:$0x8580] =	vst v1  }
0x9a: {  	[tilespmem:$0x8590] =	vst v2  }
0x9b: {  	[tilespmem:$0x85A0] =	vst v3  }
0x9c: {  	[tilespmem:$0x85B0] =	vst v4  }
0x9d: {  	[tilespmem:s9], [sflag:$0x8] =	stream.indirect.gather [hbm4b:s2+s28], $0x80, s13, s28, $0xb8;
	[tilespmem:$0x1C800] =	vst v63  }
0x9e: {  	s23 =	simm.s32 $0x0;
	s7 =	rddreg [dreg:$0x13]  }
0x9f: {  	[tilespmem:s14], [sflag:$0x4] =	stream.linear.gather [hbm4b:s7+s23], $0x100, $0x38;
	[tilespmem:$0x1C800] =	vst v63  }
0xa0: {  	_ =	swait.ge [sflag:s15], $0x2000  }
0xa1: {  	[sflag:s15] =	ssyncset.done $0x0  }
0xa2: {  	[sflag:s15] =	ssyncadd.s32 $0xFFFFE000  }
0xa3: {  	v1 =	vld [tilespmem:$0xF0]  }
0xa4: {  	v2 =	vld [tilespmem:$0xC0]  }
0xa5: {  	v3 =	vld [tilespmem:$0xE0]  }
0xa6: {  	v4 =	vld [tilespmem:$0xD0];
	_ =	sdelay $0x1  }
0xa7: {  	[tilespmem:$0x86B0] =	vst v1  }
0xa8: {  	[tilespmem:$0x8680] =	vst v2  }
0xa9: {  	[tilespmem:$0x86A0] =	vst v3  }
0xaa: {  	[tilespmem:$0x8690] =	vst v4  }
0xab: {  	[spmem:s3] =	stream.indirect.scatter.add.f32 [tilespmem:s0], [sflag:$0x9], $0x80, s16, s28, $0xb8;
	[tilespmem:$0x1C800] =	vst v63  }
0xac: {  	_ =	swait.ge [sflag:s10], $0x2000  }
0xad: {  	[sflag:s10] =	ssyncset.done $0x0  }
0xae: {  	[sflag:s10] =	ssyncadd.s32 $0xFFFFE000  }
0xaf: {  	_ =	swait.ge [sflag:s17], $0x100  }
0xb0: {  	[sflag:s17] =	ssyncset.done $0x0  }
0xb1: {  	[sflag:s17] =	ssyncadd.s32 $0xFFFFFF00  }
0xb2: {  	v1 =	vld [tilespmem:$0x220]  }
0xb3: {  	v2 =	vld [tilespmem:$0x210]  }
0xb4: {  	v3 =	vld [tilespmem:$0x200]  }
0xb5: {  	v4 =	vld [tilespmem:$0x230];
	_ =	sdelay $0x1  }
0xb6: {  	[tilespmem:$0x8420] =	vst v1  }
0xb7: {  	[tilespmem:$0x8410] =	vst v2  }
0xb8: {  	[tilespmem:$0x8400] =	vst v3  }
0xb9: {  	[tilespmem:$0x8430] =	vst v4  }
0xba: {  	[tilespmem:s30], [sflag:$0x5] =	stream.indirect.gather [hbm4b:s2+s28], $0x80, s29, s28, $0xb8;
	[tilespmem:$0x1C800] =	vst v63  }
0xbb: {  	_ =	swait.ge [sflag:s18], $0x2000  }
0xbc: {  	[sflag:s18] =	ssyncset.done $0x0  }
0xbd: {  	[sflag:s18] =	ssyncadd.s32 $0xFFFFE000  }
0xbe: {  	v1 =	vld [tilespmem:$0x1A0]  }
0xbf: {  	v2 =	vld [tilespmem:$0x190]  }
0xc0: {  	v3 =	vld [tilespmem:$0x180]  }
0xc1: {  	v4 =	vld [tilespmem:$0x1B0];
	_ =	sdelay $0x1  }
0xc2: {  	[tilespmem:$0x8720] =	vst v1  }
0xc3: {  	[tilespmem:$0x8710] =	vst v2  }
0xc4: {  	[tilespmem:$0x8700] =	vst v3  }
0xc5: {  	[tilespmem:$0x8730] =	vst v4  }
0xc6: {  	[spmem:s3] =	stream.indirect.scatter.add.f32 [tilespmem:s8], [sflag:$0x9], $0x80, s19, s28, $0xb8;
	[tilespmem:$0x1C800] =	vst v63  }
0xc7: {  	_ =	swait.ge [sflag:s10], $0x2000  }
0xc8: {  	[sflag:s10] =	ssyncset.done $0x0  }
0xc9: {  	[sflag:s10] =	ssyncadd.s32 $0xFFFFE000  }
0xca: {  	v1 =	vld [tilespmem:$0x260]  }
0xcb: {  	v2 =	vld [tilespmem:$0x240]  }
0xcc: {  	v3 =	vld [tilespmem:$0x250]  }
0xcd: {  	v4 =	vld [tilespmem:$0x270];
	_ =	sdelay $0x1  }
0xce: {  	[tilespmem:$0x84A0] =	vst v1  }
0xcf: {  	[tilespmem:$0x8480] =	vst v2  }
0xd0: {  	s7 =	rddreg [dreg:$0x5];
	[tilespmem:$0x8490] =	vst v3  }
0xd1: {  	s5 =	sadd.s32 $0x0, s7;
	[tilespmem:$0x84B0] =	vst v4  }
0xd2: {  	[tilespmem:s0], [sflag:$0x6] =	stream.indirect.gather [hbm4b:s2+s28], $0x80, s31, s28, $0xb8;
	[tilespmem:$0x1C800] =	vst v63  }
0xd3: {  	s23 =	sadd.s32 $0x80, s5  }
0xd4: {  	[tilespmem:s4], [sflag:$0x1] =	stream.linear.gather [hbm4b:s23+s4], $0x100, $0x38;
	[tilespmem:$0x1C800] =	vst v63  }
0xd5: {  	_ =	swait.ge [sflag:s20], $0x2000  }
0xd6: {  	[sflag:s20] =	ssyncset.done $0x0  }
0xd7: {  	[sflag:s20] =	ssyncadd.s32 $0xFFFFE000  }
0xd8: {  	v1 =	vld [tilespmem:$0x1D0]  }
0xd9: {  	v2 =	vld [tilespmem:$0x1F0]  }
0xda: {  	v3 =	vld [tilespmem:$0x1E0]  }
0xdb: {  	v4 =	vld [tilespmem:$0x1C0];
	_ =	sdelay $0x1  }
0xdc: {  	[tilespmem:$0x8790] =	vst v1  }
0xdd: {  	[tilespmem:$0x87B0] =	vst v2  }
0xde: {  	[tilespmem:$0x87A0] =	vst v3  }
0xdf: {  	[tilespmem:$0x8780] =	vst v4  }
0xe0: {  	[spmem:s3] =	stream.indirect.scatter.add.f32 [tilespmem:s9], [sflag:$0x9], $0x80, s21, s28, $0xb8;
	[tilespmem:$0x1C800] =	vst v63  }
0xe1: {  	_ =	swait.ge [sflag:s10], $0x2000  }
0xe2: {  	[sflag:s10] =	ssyncset.done $0x0  }
0xe3: {  	[sflag:s10] =	ssyncadd.s32 $0xFFFFE000  }
0xe4: {  	_ =	swait.ge [sflag:s22], $0x100  }
0xe5: {  	[sflag:s22] =	ssyncset.done $0x0  }
0xe6: {  	[sflag:s22] =	ssyncadd.s32 $0xFFFFFF00  }
0xe7: {  	v1 =	vld [tilespmem:$0x310]  }
0xe8: {  	v2 =	vld [tilespmem:$0x320]  }
0xe9: {  	v3 =	vld [tilespmem:$0x330]  }
0xea: {  	v4 =	vld [tilespmem:$0x300];
	_ =	sdelay $0x1  }
0xeb: {  	[tilespmem:$0x8510] =	vst v1  }
0xec: {  	[tilespmem:$0x8520] =	vst v2  }
0xed: {  	[tilespmem:$0x8530] =	vst v3  }
0xee: {  	[tilespmem:$0x8500] =	vst v4  }
0xef: {  	[tilespmem:s8], [sflag:$0x7] =	stream.indirect.gather [hbm4b:s2+s28], $0x80, s6, s28, $0xb8;
	[tilespmem:$0x1C800] =	vst v63  }
0xf0: {  	_ =	swait.ge [sflag:s11], $0x2000  }
0xf1: {  	[sflag:s11] =	ssyncset.done $0x0  }
0xf2: {  	[sflag:s11] =	ssyncadd.s32 $0xFFFFE000  }
0xf3: {  	v1 =	vld [tilespmem:$0x2A0]  }
0xf4: {  	v2 =	vld [tilespmem:$0x280]  }
0xf5: {  	v3 =	vld [tilespmem:$0x2B0]  }
0xf6: {  	v4 =	vld [tilespmem:$0x290];
	_ =	sdelay $0x1  }
0xf7: {  	[tilespmem:$0x8620] =	vst v1  }
0xf8: {  	[tilespmem:$0x8600] =	vst v2  }
0xf9: {  	[tilespmem:$0x8630] =	vst v3  }
0xfa: {  	[tilespmem:$0x8610] =	vst v4  }
0xfb: {  	[spmem:s3] =	stream.indirect.scatter.add.f32 [tilespmem:s30], [sflag:$0x9], $0x80, s12, s28, $0xb8;
	[tilespmem:$0x1C800] =	vst v63  }
0xfc: {  	_ =	swait.ge [sflag:s10], $0x2000  }
0xfd: {  	[sflag:s10] =	ssyncset.done $0x0  }
0xfe: {  	[sflag:s10] =	ssyncadd.s32 $0xFFFFE000  }
0xff: {  	v1 =	vld [tilespmem:$0x360]  }
0x100: {  	v2 =	vld [tilespmem:$0x340]  }
0x101: {  	v3 =	vld [tilespmem:$0x370]  }
0x102: {  	v4 =	vld [tilespmem:$0x350];
	_ =	sdelay $0x1  }
0x103: {  	[tilespmem:$0x85A0] =	vst v1  }
0x104: {  	[tilespmem:$0x8580] =	vst v2  }
0x105: {  	[tilespmem:$0x85B0] =	vst v3  }
0x106: {  	[tilespmem:$0x8590] =	vst v4  }
0x107: {  	[tilespmem:s9], [sflag:$0x8] =	stream.indirect.gather [hbm4b:s2+s28], $0x80, s13, s28, $0xb8;
	[tilespmem:$0x1C800] =	vst v63  }
0x108: {  	s23 =	sadd.s32 $0xA0, s5  }
0x109: {  	[tilespmem:s24], [sflag:$0x2] =	stream.linear.gather [hbm4b:s23+s4], $0x100, $0x38;
	[tilespmem:$0x1C800] =	vst v63  }
0x10a: {  	_ =	swait.ge [sflag:s15], $0x2000  }
0x10b: {  	[sflag:s15] =	ssyncset.done $0x0  }
0x10c: {  	[sflag:s15] =	ssyncadd.s32 $0xFFFFE000  }
0x10d: {  	v1 =	vld [tilespmem:$0x2F0]  }
0x10e: {  	v2 =	vld [tilespmem:$0x2D0]  }
0x10f: {  	v3 =	vld [tilespmem:$0x2C0]  }
0x110: {  	v4 =	vld [tilespmem:$0x2E0];
	_ =	sdelay $0x1  }
0x111: {  	[tilespmem:$0x86B0] =	vst v1  }
0x112: {  	[tilespmem:$0x8690] =	vst v2  }
0x113: {  	[tilespmem:$0x8680] =	vst v3  }
0x114: {  	[tilespmem:$0x86A0] =	vst v4  }
0x115: {  	[spmem:s3] =	stream.indirect.scatter.add.f32 [tilespmem:s0], [sflag:$0x9], $0x80, s16, s28, $0xb8;
	[tilespmem:$0x1C800] =	vst v63  }
0x116: {  	_ =	swait.ge [sflag:s10], $0x2000  }
0x117: {  	[sflag:s10] =	ssyncset.done $0x0  }
0x118: {  	[sflag:s10] =	ssyncadd.s32 $0xFFFFE000  }
0x119: {  	_ =	swait.ge [sflag:s26], $0x100  }
0x11a: {  	[sflag:s26] =	ssyncset.done $0x0  }
0x11b: {  	[sflag:s26] =	ssyncadd.s32 $0xFFFFFF00  }
0x11c: {  	v1 =	vld [tilespmem:$0x20]  }
0x11d: {  	v2 =	vld [tilespmem:$0x10]  }
0x11e: {  	v3 =	vld [tilespmem:$0x0]  }
0x11f: {  	v4 =	vld [tilespmem:$0x30];
	_ =	sdelay $0x1  }
0x120: {  	[tilespmem:$0x8420] =	vst v1  }
0x121: {  	[tilespmem:$0x8410] =	vst v2  }
0x122: {  	[tilespmem:$0x8400] =	vst v3  }
0x123: {  	[tilespmem:$0x8430] =	vst v4  }
0x124: {  	[tilespmem:s30], [sflag:$0x5] =	stream.indirect.gather [hbm4b:s2+s28], $0x80, s29, s28, $0xb8;
	[tilespmem:$0x1C800] =	vst v63  }
0x125: {  	_ =	swait.ge [sflag:s18], $0x2000  }
0x126: {  	[sflag:s18] =	ssyncset.done $0x0  }
0x127: {  	[sflag:s18] =	ssyncadd.s32 $0xFFFFE000  }
0x128: {  	v1 =	vld [tilespmem:$0x3A0]  }
0x129: {  	v2 =	vld [tilespmem:$0x380]  }
0x12a: {  	v3 =	vld [tilespmem:$0x3B0]  }
0x12b: {  	v4 =	vld [tilespmem:$0x390];
	_ =	sdelay $0x1  }
0x12c: {  	[tilespmem:$0x8720] =	vst v1  }
0x12d: {  	[tilespmem:$0x8700] =	vst v2  }
0x12e: {  	[tilespmem:$0x8730] =	vst v3  }
0x12f: {  	[tilespmem:$0x8710] =	vst v4  }
0x130: {  	[spmem:s3] =	stream.indirect.scatter.add.f32 [tilespmem:s8], [sflag:$0x9], $0x80, s19, s28, $0xb8;
	[tilespmem:$0x1C800] =	vst v63  }
0x131: {  	_ =	swait.ge [sflag:s10], $0x2000  }
0x132: {  	[sflag:s10] =	ssyncset.done $0x0  }
0x133: {  	[sflag:s10] =	ssyncadd.s32 $0xFFFFE000  }
0x134: {  	v1 =	vld [tilespmem:$0x60]  }
0x135: {  	v2 =	vld [tilespmem:$0x40]  }
0x136: {  	v3 =	vld [tilespmem:$0x70]  }
0x137: {  	v4 =	vld [tilespmem:$0x50];
	_ =	sdelay $0x1  }
0x138: {  	[tilespmem:$0x84A0] =	vst v1  }
0x139: {  	[tilespmem:$0x8480] =	vst v2  }
0x13a: {  	[tilespmem:$0x84B0] =	vst v3  }
0x13b: {  	[tilespmem:$0x8490] =	vst v4  }
0x13c: {  	[tilespmem:s0], [sflag:$0x6] =	stream.indirect.gather [hbm4b:s2+s28], $0x80, s31, s28, $0xb8;
	[tilespmem:$0x1C800] =	vst v63  }
0x13d: {  	s23 =	sadd.s32 $0xC0, s5  }
0x13e: {  	[tilespmem:s25], [sflag:$0x3] =	stream.linear.gather [hbm4b:s23+s4], $0x100, $0x38;
	[tilespmem:$0x1C800] =	vst v63  }
0x13f: {  	_ =	swait.ge [sflag:s20], $0x2000  }
0x140: {  	[sflag:s20] =	ssyncset.done $0x0  }
0x141: {  	[sflag:s20] =	ssyncadd.s32 $0xFFFFE000  }
0x142: {  	v1 =	vld [tilespmem:$0x3C0]  }
0x143: {  	v2 =	vld [tilespmem:$0x3D0]  }
0x144: {  	v3 =	vld [tilespmem:$0x3E0]  }
0x145: {  	s7 =	simm.s32 $0x80;
	v4 =	vld [tilespmem:$0x3F0]  }
.LBB2_4:
0x146: {  	_ = 	snop  }
0x147: {  	[tilespmem:$0x8780] =	vst v1  }
0x148: {  	[tilespmem:$0x8790] =	vst v2  }
0x149: {  	[tilespmem:$0x87A0] =	vst v3  }
0x14a: {  	[tilespmem:$0x87B0] =	vst v4  }
0x14b: {  	[spmem:s3] =	stream.indirect.scatter.add.f32 [tilespmem:s9], [sflag:$0x9], $0x80, s21, s28, $0xb8;
	[tilespmem:$0x1C800] =	vst v63  }
0x14c: {  	_ =	swait.ge [sflag:s10], $0x2000  }
0x14d: {  	[sflag:s10] =	ssyncset.done $0x0  }
0x14e: {  	[sflag:s10] =	ssyncadd.s32 $0xFFFFE000  }
0x14f: {  	_ =	swait.ge [sflag:s1], $0x100  }
0x150: {  	[sflag:s1] =	ssyncset.done $0x0  }
0x151: {  	[sflag:s1] =	ssyncadd.s32 $0xFFFFFF00  }
0x152: {  	v1 =	vld [tilespmem:$0x130]  }
0x153: {  	v2 =	vld [tilespmem:$0x100]  }
0x154: {  	v3 =	vld [tilespmem:$0x120]  }
0x155: {  	v4 =	vld [tilespmem:$0x110];
	_ =	sdelay $0x1  }
0x156: {  	[tilespmem:$0x8530] =	vst v1  }
0x157: {  	[tilespmem:$0x8500] =	vst v2  }
0x158: {  	[tilespmem:$0x8520] =	vst v3  }
0x159: {  	[tilespmem:$0x8510] =	vst v4  }
0x15a: {  	[tilespmem:s8], [sflag:$0x7] =	stream.indirect.gather [hbm4b:s2+s28], $0x80, s6, s28, $0xb8;
	[tilespmem:$0x1C800] =	vst v63  }
0x15b: {  	_ =	swait.ge [sflag:s11], $0x2000  }
0x15c: {  	[sflag:s11] =	ssyncset.done $0x0  }
0x15d: {  	[sflag:s11] =	ssyncadd.s32 $0xFFFFE000  }
0x15e: {  	v1 =	vld [tilespmem:$0x80]  }
0x15f: {  	v2 =	vld [tilespmem:$0x90]  }
0x160: {  	v3 =	vld [tilespmem:$0xA0]  }
0x161: {  	v4 =	vld [tilespmem:$0xB0];
	_ =	sdelay $0x1  }
0x162: {  	[tilespmem:$0x8600] =	vst v1  }
0x163: {  	[tilespmem:$0x8610] =	vst v2  }
0x164: {  	[tilespmem:$0x8620] =	vst v3  }
0x165: {  	[tilespmem:$0x8630] =	vst v4  }
0x166: {  	[spmem:s3] =	stream.indirect.scatter.add.f32 [tilespmem:s30], [sflag:$0x9], $0x80, s12, s28, $0xb8;
	[tilespmem:$0x1C800] =	vst v63  }
0x167: {  	_ =	swait.ge [sflag:s10], $0x2000  }
0x168: {  	[sflag:s10] =	ssyncset.done $0x0  }
0x169: {  	[sflag:s10] =	ssyncadd.s32 $0xFFFFE000  }
0x16a: {  	v1 =	vld [tilespmem:$0x140]  }
0x16b: {  	v2 =	vld [tilespmem:$0x170]  }
0x16c: {  	v3 =	vld [tilespmem:$0x150]  }
0x16d: {  	v4 =	vld [tilespmem:$0x160];
	_ =	sdelay $0x1  }
0x16e: {  	[tilespmem:$0x8580] =	vst v1  }
0x16f: {  	[tilespmem:$0x85B0] =	vst v2  }
0x170: {  	[tilespmem:$0x8590] =	vst v3  }
0x171: {  	[tilespmem:$0x85A0] =	vst v4  }
0x172: {  	[tilespmem:s9], [sflag:$0x8] =	stream.indirect.gather [hbm4b:s2+s28], $0x80, s13, s28, $0xb8;
	[tilespmem:$0x1C800] =	vst v63  }
0x173: {  	s5 =	sadd.s32 $0xE0, s5  }
0x174: {  	[tilespmem:s14], [sflag:$0x4] =	stream.linear.gather [hbm4b:s5+s4], $0x100, $0x38;
	[tilespmem:$0x1C800] =	vst v63  }
0x175: {  	_ =	swait.ge [sflag:s15], $0x2000  }
0x176: {  	[sflag:s15] =	ssyncset.done $0x0  }
0x177: {  	[sflag:s15] =	ssyncadd.s32 $0xFFFFE000  }
0x178: {  	v1 =	vld [tilespmem:$0xF0]  }
0x179: {  	v2 =	vld [tilespmem:$0xC0]  }
0x17a: {  	v3 =	vld [tilespmem:$0xE0]  }
0x17b: {  	v4 =	vld [tilespmem:$0xD0];
	_ =	sdelay $0x1  }
0x17c: {  	[tilespmem:$0x86B0] =	vst v1  }
0x17d: {  	[tilespmem:$0x8680] =	vst v2  }
0x17e: {  	[tilespmem:$0x86A0] =	vst v3  }
0x17f: {  	[tilespmem:$0x8690] =	vst v4  }
0x180: {  	[spmem:s3] =	stream.indirect.scatter.add.f32 [tilespmem:s0], [sflag:$0x9], $0x80, s16, s28, $0xb8;
	[tilespmem:$0x1C800] =	vst v63  }
0x181: {  	_ =	swait.ge [sflag:s10], $0x2000  }
0x182: {  	[sflag:s10] =	ssyncset.done $0x0  }
0x183: {  	[sflag:s10] =	ssyncadd.s32 $0xFFFFE000  }
0x184: {  	_ =	swait.ge [sflag:s17], $0x100  }
0x185: {  	[sflag:s17] =	ssyncset.done $0x0  }
0x186: {  	[sflag:s17] =	ssyncadd.s32 $0xFFFFFF00  }
0x187: {  	v1 =	vld [tilespmem:$0x220]  }
0x188: {  	v2 =	vld [tilespmem:$0x210]  }
0x189: {  	v3 =	vld [tilespmem:$0x200]  }
0x18a: {  	v4 =	vld [tilespmem:$0x230];
	_ =	sdelay $0x1  }
0x18b: {  	[tilespmem:$0x8420] =	vst v1  }
0x18c: {  	[tilespmem:$0x8410] =	vst v2  }
0x18d: {  	[tilespmem:$0x8400] =	vst v3  }
0x18e: {  	[tilespmem:$0x8430] =	vst v4  }
0x18f: {  	[tilespmem:s30], [sflag:$0x5] =	stream.indirect.gather [hbm4b:s2+s28], $0x80, s29, s28, $0xb8;
	[tilespmem:$0x1C800] =	vst v63  }
0x190: {  	_ =	swait.ge [sflag:s18], $0x2000  }
0x191: {  	[sflag:s18] =	ssyncset.done $0x0  }
0x192: {  	[sflag:s18] =	ssyncadd.s32 $0xFFFFE000  }
0x193: {  	v1 =	vld [tilespmem:$0x1A0]  }
0x194: {  	v2 =	vld [tilespmem:$0x190]  }
0x195: {  	v3 =	vld [tilespmem:$0x180]  }
0x196: {  	v4 =	vld [tilespmem:$0x1B0];
	_ =	sdelay $0x1  }
0x197: {  	[tilespmem:$0x8720] =	vst v1  }
0x198: {  	[tilespmem:$0x8710] =	vst v2  }
0x199: {  	[tilespmem:$0x8700] =	vst v3  }
0x19a: {  	[tilespmem:$0x8730] =	vst v4  }
0x19b: {  	[spmem:s3] =	stream.indirect.scatter.add.f32 [tilespmem:s8], [sflag:$0x9], $0x80, s19, s28, $0xb8;
	[tilespmem:$0x1C800] =	vst v63  }
0x19c: {  	_ =	swait.ge [sflag:s10], $0x2000  }
0x19d: {  	[sflag:s10] =	ssyncset.done $0x0  }
0x19e: {  	[sflag:s10] =	ssyncadd.s32 $0xFFFFE000  }
0x19f: {  	v1 =	vld [tilespmem:$0x260]  }
0x1a0: {  	v2 =	vld [tilespmem:$0x240]  }
0x1a1: {  	v3 =	vld [tilespmem:$0x250]  }
0x1a2: {  	v4 =	vld [tilespmem:$0x270];
	_ =	sdelay $0x1  }
0x1a3: {  	[tilespmem:$0x84A0] =	vst v1  }
0x1a4: {  	[tilespmem:$0x8480] =	vst v2  }
0x1a5: {  	s23 =	smov.u32 s7;
	s5 =	rddreg [dreg:$0x5];
	[tilespmem:$0x8490] =	vst v3  }
0x1a6: {  	s5 =	sadd.s32 s23, s5;
	[tilespmem:$0x84B0] =	vst v4  }
0x1a7: {  	[tilespmem:s0], [sflag:$0x6] =	stream.indirect.gather [hbm4b:s2+s28], $0x80, s31, s28, $0xb8;
	[tilespmem:$0x1C800] =	vst v63  }
0x1a8: {  	s23 =	sadd.s32 $0x80, s5  }
0x1a9: {  	[tilespmem:s4], [sflag:$0x1] =	stream.linear.gather [hbm4b:s23+s4], $0x100, $0x38;
	[tilespmem:$0x1C800] =	vst v63  }
0x1aa: {  	_ =	swait.ge [sflag:s20], $0x2000  }
0x1ab: {  	[sflag:s20] =	ssyncset.done $0x0  }
0x1ac: {  	[sflag:s20] =	ssyncadd.s32 $0xFFFFE000  }
0x1ad: {  	v1 =	vld [tilespmem:$0x1D0]  }
0x1ae: {  	v2 =	vld [tilespmem:$0x1F0]  }
0x1af: {  	v3 =	vld [tilespmem:$0x1E0]  }
0x1b0: {  	v4 =	vld [tilespmem:$0x1C0];
	_ =	sdelay $0x1  }
0x1b1: {  	[tilespmem:$0x8790] =	vst v1  }
0x1b2: {  	[tilespmem:$0x87B0] =	vst v2  }
0x1b3: {  	[tilespmem:$0x87A0] =	vst v3  }
0x1b4: {  	[tilespmem:$0x8780] =	vst v4  }
0x1b5: {  	[spmem:s3] =	stream.indirect.scatter.add.f32 [tilespmem:s9], [sflag:$0x9], $0x80, s21, s28, $0xb8;
	[tilespmem:$0x1C800] =	vst v63  }
0x1b6: {  	_ =	swait.ge [sflag:s10], $0x2000  }
0x1b7: {  	[sflag:s10] =	ssyncset.done $0x0  }
0x1b8: {  	[sflag:s10] =	ssyncadd.s32 $0xFFFFE000  }
0x1b9: {  	_ =	swait.ge [sflag:s22], $0x100  }
0x1ba: {  	[sflag:s22] =	ssyncset.done $0x0  }
0x1bb: {  	[sflag:s22] =	ssyncadd.s32 $0xFFFFFF00  }
0x1bc: {  	v1 =	vld [tilespmem:$0x310]  }
0x1bd: {  	v2 =	vld [tilespmem:$0x320]  }
0x1be: {  	v3 =	vld [tilespmem:$0x330]  }
0x1bf: {  	v4 =	vld [tilespmem:$0x300];
	_ =	sdelay $0x1  }
0x1c0: {  	[tilespmem:$0x8510] =	vst v1  }
0x1c1: {  	[tilespmem:$0x8520] =	vst v2  }
0x1c2: {  	[tilespmem:$0x8530] =	vst v3  }
0x1c3: {  	[tilespmem:$0x8500] =	vst v4  }
0x1c4: {  	[tilespmem:s8], [sflag:$0x7] =	stream.indirect.gather [hbm4b:s2+s28], $0x80, s6, s28, $0xb8;
	[tilespmem:$0x1C800] =	vst v63  }
0x1c5: {  	_ =	swait.ge [sflag:s11], $0x2000  }
0x1c6: {  	[sflag:s11] =	ssyncset.done $0x0  }
0x1c7: {  	[sflag:s11] =	ssyncadd.s32 $0xFFFFE000  }
0x1c8: {  	v1 =	vld [tilespmem:$0x2A0]  }
0x1c9: {  	v2 =	vld [tilespmem:$0x280]  }
0x1ca: {  	v3 =	vld [tilespmem:$0x2B0]  }
0x1cb: {  	v4 =	vld [tilespmem:$0x290];
	_ =	sdelay $0x1  }
0x1cc: {  	[tilespmem:$0x8620] =	vst v1  }
0x1cd: {  	[tilespmem:$0x8600] =	vst v2  }
0x1ce: {  	[tilespmem:$0x8630] =	vst v3  }
0x1cf: {  	[tilespmem:$0x8610] =	vst v4  }
0x1d0: {  	[spmem:s3] =	stream.indirect.scatter.add.f32 [tilespmem:s30], [sflag:$0x9], $0x80, s12, s28, $0xb8;
	[tilespmem:$0x1C800] =	vst v63  }
0x1d1: {  	_ =	swait.ge [sflag:s10], $0x2000  }
0x1d2: {  	[sflag:s10] =	ssyncset.done $0x0  }
0x1d3: {  	[sflag:s10] =	ssyncadd.s32 $0xFFFFE000  }
0x1d4: {  	v1 =	vld [tilespmem:$0x360]  }
0x1d5: {  	v2 =	vld [tilespmem:$0x340]  }
0x1d6: {  	v3 =	vld [tilespmem:$0x370]  }
0x1d7: {  	v4 =	vld [tilespmem:$0x350];
	_ =	sdelay $0x1  }
0x1d8: {  	[tilespmem:$0x85A0] =	vst v1  }
0x1d9: {  	[tilespmem:$0x8580] =	vst v2  }
0x1da: {  	[tilespmem:$0x85B0] =	vst v3  }
0x1db: {  	[tilespmem:$0x8590] =	vst v4  }
0x1dc: {  	[tilespmem:s9], [sflag:$0x8] =	stream.indirect.gather [hbm4b:s2+s28], $0x80, s13, s28, $0xb8;
	[tilespmem:$0x1C800] =	vst v63  }
0x1dd: {  	s23 =	sadd.s32 $0xA0, s5  }
0x1de: {  	[tilespmem:s24], [sflag:$0x2] =	stream.linear.gather [hbm4b:s23+s4], $0x100, $0x38;
	[tilespmem:$0x1C800] =	vst v63  }
0x1df: {  	_ =	swait.ge [sflag:s15], $0x2000  }
0x1e0: {  	[sflag:s15] =	ssyncset.done $0x0  }
0x1e1: {  	[sflag:s15] =	ssyncadd.s32 $0xFFFFE000  }
0x1e2: {  	v1 =	vld [tilespmem:$0x2F0]  }
0x1e3: {  	v2 =	vld [tilespmem:$0x2D0]  }
0x1e4: {  	v3 =	vld [tilespmem:$0x2C0]  }
0x1e5: {  	v4 =	vld [tilespmem:$0x2E0];
	_ =	sdelay $0x1  }
0x1e6: {  	[tilespmem:$0x86B0] =	vst v1  }
0x1e7: {  	[tilespmem:$0x8690] =	vst v2  }
0x1e8: {  	[tilespmem:$0x8680] =	vst v3  }
0x1e9: {  	[tilespmem:$0x86A0] =	vst v4  }
0x1ea: {  	[spmem:s3] =	stream.indirect.scatter.add.f32 [tilespmem:s0], [sflag:$0x9], $0x80, s16, s28, $0xb8;
	[tilespmem:$0x1C800] =	vst v63  }
0x1eb: {  	_ =	swait.ge [sflag:s10], $0x2000  }
0x1ec: {  	[sflag:s10] =	ssyncset.done $0x0  }
0x1ed: {  	[sflag:s10] =	ssyncadd.s32 $0xFFFFE000  }
0x1ee: {  	_ =	swait.ge [sflag:s26], $0x100  }
0x1ef: {  	[sflag:s26] =	ssyncset.done $0x0  }
0x1f0: {  	[sflag:s26] =	ssyncadd.s32 $0xFFFFFF00  }
0x1f1: {  	v1 =	vld [tilespmem:$0x20]  }
0x1f2: {  	v2 =	vld [tilespmem:$0x10]  }
0x1f3: {  	v3 =	vld [tilespmem:$0x0]  }
0x1f4: {  	v4 =	vld [tilespmem:$0x30];
	_ =	sdelay $0x1  }
0x1f5: {  	[tilespmem:$0x8420] =	vst v1  }
0x1f6: {  	[tilespmem:$0x8410] =	vst v2  }
0x1f7: {  	[tilespmem:$0x8400] =	vst v3  }
0x1f8: {  	[tilespmem:$0x8430] =	vst v4  }
0x1f9: {  	[tilespmem:s30], [sflag:$0x5] =	stream.indirect.gather [hbm4b:s2+s28], $0x80, s29, s28, $0xb8;
	[tilespmem:$0x1C800] =	vst v63  }
0x1fa: {  	_ =	swait.ge [sflag:s18], $0x2000  }
0x1fb: {  	[sflag:s18] =	ssyncset.done $0x0  }
0x1fc: {  	[sflag:s18] =	ssyncadd.s32 $0xFFFFE000  }
0x1fd: {  	v1 =	vld [tilespmem:$0x3A0]  }
0x1fe: {  	v2 =	vld [tilespmem:$0x380]  }
0x1ff: {  	v3 =	vld [tilespmem:$0x3B0]  }
0x200: {  	v4 =	vld [tilespmem:$0x390];
	_ =	sdelay $0x1  }
0x201: {  	[tilespmem:$0x8720] =	vst v1  }
0x202: {  	[tilespmem:$0x8700] =	vst v2  }
0x203: {  	[tilespmem:$0x8730] =	vst v3  }
0x204: {  	[tilespmem:$0x8710] =	vst v4  }
0x205: {  	[spmem:s3] =	stream.indirect.scatter.add.f32 [tilespmem:s8], [sflag:$0x9], $0x80, s19, s28, $0xb8;
	[tilespmem:$0x1C800] =	vst v63  }
0x206: {  	_ =	swait.ge [sflag:s10], $0x2000  }
0x207: {  	[sflag:s10] =	ssyncset.done $0x0  }
0x208: {  	[sflag:s10] =	ssyncadd.s32 $0xFFFFE000  }
0x209: {  	v1 =	vld [tilespmem:$0x60]  }
0x20a: {  	v2 =	vld [tilespmem:$0x40]  }
0x20b: {  	v3 =	vld [tilespmem:$0x70]  }
0x20c: {  	v4 =	vld [tilespmem:$0x50];
	_ =	sdelay $0x1  }
0x20d: {  	[tilespmem:$0x84A0] =	vst v1  }
0x20e: {  	[tilespmem:$0x8480] =	vst v2  }
0x20f: {  	[tilespmem:$0x84B0] =	vst v3  }
0x210: {  	[tilespmem:$0x8490] =	vst v4  }
0x211: {  	[tilespmem:s0], [sflag:$0x6] =	stream.indirect.gather [hbm4b:s2+s28], $0x80, s31, s28, $0xb8;
	[tilespmem:$0x1C800] =	vst v63  }
0x212: {  	s23 =	sadd.s32 $0xC0, s5  }
0x213: {  	[tilespmem:s25], [sflag:$0x3] =	stream.linear.gather [hbm4b:s23+s4], $0x100, $0x38;
	[tilespmem:$0x1C800] =	vst v63  }
0x214: {  	_ =	swait.ge [sflag:s20], $0x2000  }
0x215: {  	p1 =	sne.s32 s7, $0x880;
	[sflag:s20] =	ssyncset.done $0x0  }
.Ltmp1:
0x216: {  	[sflag:s20] =	ssyncadd.s32 $0xFFFFE000;
	(pc) =	sbr.rel @p1 .LBB2_4-.Ltmp1, $4  }
0x217: {  	v1 =	vld [tilespmem:$0x3C0]  }
0x218: {  	v2 =	vld [tilespmem:$0x3D0]  }
0x219: {  	v3 =	vld [tilespmem:$0x3E0]  }
0x21a: {  	s7 =	sadd.s32 $0x80, s7;
	v4 =	vld [tilespmem:$0x3F0]  }
0x21b: {  	_ = 	snop  }
0x21c: {  	[tilespmem:$0x8780] =	vst v1  }
0x21d: {  	[tilespmem:$0x8790] =	vst v2  }
0x21e: {  	[tilespmem:$0x87A0] =	vst v3  }
0x21f: {  	[tilespmem:$0x87B0] =	vst v4  }
0x220: {  	[spmem:s3] =	stream.indirect.scatter.add.f32 [tilespmem:s9], [sflag:$0x9], $0x80, s21, s28, $0xb8;
	[tilespmem:$0x1C800] =	vst v63  }
0x221: {  	_ =	swait.ge [sflag:s10], $0x2000  }
0x222: {  	[sflag:s10] =	ssyncset.done $0x0  }
0x223: {  	[sflag:s10] =	ssyncadd.s32 $0xFFFFE000  }
0x224: {  	_ =	swait.ge [sflag:s1], $0x100  }
0x225: {  	[sflag:s1] =	ssyncset.done $0x0  }
0x226: {  	[sflag:s1] =	ssyncadd.s32 $0xFFFFFF00  }
0x227: {  	v1 =	vld [tilespmem:$0x130]  }
0x228: {  	v2 =	vld [tilespmem:$0x100]  }
0x229: {  	v3 =	vld [tilespmem:$0x120]  }
0x22a: {  	v38 =	vld [tilespmem:$0x110];
	_ =	sdelay $0x1  }
0x22b: {  	[tilespmem:$0x8530] =	vst v1  }
0x22c: {  	[tilespmem:$0x8500] =	vst v2  }
0x22d: {  	[tilespmem:$0x8520] =	vst v3  }
0x22e: {  	[tilespmem:$0x8510] =	vst v38  }
0x22f: {  	[tilespmem:s8], [sflag:$0x7] =	stream.indirect.gather [hbm4b:s2+s28], $0x80, s6, s28, $0xb8;
	[tilespmem:$0x1C800] =	vst v63  }
0x230: {  	_ =	swait.ge [sflag:s11], $0x2000  }
0x231: {  	[sflag:s11] =	ssyncset.done $0x0  }
0x232: {  	[sflag:s11] =	ssyncadd.s32 $0xFFFFE000  }
0x233: {  	v1 =	vld [tilespmem:$0x80]  }
0x234: {  	v2 =	vld [tilespmem:$0x90]  }
0x235: {  	v3 =	vld [tilespmem:$0xA0]  }
0x236: {  	v39 =	vld [tilespmem:$0xB0];
	_ =	sdelay $0x1  }
0x237: {  	[tilespmem:$0x8600] =	vst v1  }
0x238: {  	[tilespmem:$0x8610] =	vst v2  }
0x239: {  	[tilespmem:$0x8620] =	vst v3  }
0x23a: {  	[tilespmem:$0x8630] =	vst v39  }
0x23b: {  	[spmem:s3] =	stream.indirect.scatter.add.f32 [tilespmem:s30], [sflag:$0x9], $0x80, s12, s28, $0xb8;
	[tilespmem:$0x1C800] =	vst v63  }
0x23c: {  	_ =	swait.ge [sflag:s10], $0x2000  }
0x23d: {  	[sflag:s10] =	ssyncset.done $0x0  }
0x23e: {  	[sflag:s10] =	ssyncadd.s32 $0xFFFFE000  }
0x23f: {  	v1 =	vld [tilespmem:$0x140]  }
0x240: {  	v2 =	vld [tilespmem:$0x170]  }
0x241: {  	v3 =	vld [tilespmem:$0x150]  }
0x242: {  	v40 =	vld [tilespmem:$0x160];
	_ =	sdelay $0x1  }
0x243: {  	[tilespmem:$0x8580] =	vst v1  }
0x244: {  	[tilespmem:$0x85B0] =	vst v2  }
0x245: {  	[tilespmem:$0x8590] =	vst v3  }
0x246: {  	[tilespmem:$0x85A0] =	vst v40  }
0x247: {  	[tilespmem:s9], [sflag:$0x8] =	stream.indirect.gather [hbm4b:s2+s28], $0x80, s13, s28, $0xb8;
	[tilespmem:$0x1C800] =	vst v63  }
0x248: {  	s5 =	sadd.s32 $0xE0, s5  }
0x249: {  	[tilespmem:s14], [sflag:$0x4] =	stream.linear.gather [hbm4b:s5+s4], $0x100, $0x38;
	[tilespmem:$0x1C800] =	vst v63  }
0x24a: {  	_ =	swait.ge [sflag:s15], $0x2000  }
0x24b: {  	[sflag:s15] =	ssyncset.done $0x0  }
0x24c: {  	[sflag:s15] =	ssyncadd.s32 $0xFFFFE000  }
0x24d: {  	v1 =	vld [tilespmem:$0xC0]  }
0x24e: {  	v2 =	vld [tilespmem:$0xD0]  }
0x24f: {  	v3 =	vld [tilespmem:$0xE0]  }
0x250: {  	v41 =	vld [tilespmem:$0xF0];
	_ =	sdelay $0x1  }
0x251: {  	[tilespmem:$0x8680] =	vst v1  }
0x252: {  	[tilespmem:$0x8690] =	vst v2  }
0x253: {  	[tilespmem:$0x86A0] =	vst v3  }
0x254: {  	[tilespmem:$0x86B0] =	vst v41  }
0x255: {  	[spmem:s3] =	stream.indirect.scatter.add.f32 [tilespmem:s0], [sflag:$0x9], $0x80, s16, s28, $0xb8;
	[tilespmem:$0x1C800] =	vst v63  }
0x256: {  	_ =	swait.ge [sflag:s10], $0x2000  }
0x257: {  	[sflag:s10] =	ssyncset.done $0x0  }
0x258: {  	[sflag:s10] =	ssyncadd.s32 $0xFFFFE000  }
0x259: {  	_ =	swait.ge [sflag:s17], $0x100  }
0x25a: {  	[sflag:s17] =	ssyncset.done $0x0  }
0x25b: {  	[sflag:s17] =	ssyncadd.s32 $0xFFFFFF00  }
0x25c: {  	v1 =	vld [tilespmem:$0x200]  }
0x25d: {  	v2 =	vld [tilespmem:$0x210]  }
0x25e: {  	v3 =	vld [tilespmem:$0x220]  }
0x25f: {  	v42 =	vld [tilespmem:$0x230];
	_ =	sdelay $0x1  }
0x260: {  	[tilespmem:$0x8400] =	vst v1  }
0x261: {  	[tilespmem:$0x8410] =	vst v2  }
0x262: {  	[tilespmem:$0x8420] =	vst v3  }
0x263: {  	[tilespmem:$0x8430] =	vst v42  }
0x264: {  	[tilespmem:s30], [sflag:$0x5] =	stream.indirect.gather [hbm4b:s2+s28], $0x80, s29, s28, $0xb8;
	[tilespmem:$0x1C800] =	vst v63  }
0x265: {  	_ =	swait.ge [sflag:s18], $0x2000  }
0x266: {  	[sflag:s18] =	ssyncset.done $0x0  }
0x267: {  	[sflag:s18] =	ssyncadd.s32 $0xFFFFE000  }
0x268: {  	v1 =	vld [tilespmem:$0x180]  }
0x269: {  	v2 =	vld [tilespmem:$0x190]  }
0x26a: {  	v3 =	vld [tilespmem:$0x1A0]  }
0x26b: {  	v43 =	vld [tilespmem:$0x1B0];
	_ =	sdelay $0x1  }
0x26c: {  	[tilespmem:$0x8700] =	vst v1  }
0x26d: {  	[tilespmem:$0x8710] =	vst v2  }
0x26e: {  	[tilespmem:$0x8720] =	vst v3  }
0x26f: {  	[tilespmem:$0x8730] =	vst v43  }
0x270: {  	[spmem:s3] =	stream.indirect.scatter.add.f32 [tilespmem:s8], [sflag:$0x9], $0x80, s19, s28, $0xb8;
	[tilespmem:$0x1C800] =	vst v63  }
0x271: {  	_ =	swait.ge [sflag:s10], $0x2000  }
0x272: {  	[sflag:s10] =	ssyncset.done $0x0  }
0x273: {  	[sflag:s10] =	ssyncadd.s32 $0xFFFFE000  }
0x274: {  	v1 =	vld [tilespmem:$0x240]  }
0x275: {  	v2 =	vld [tilespmem:$0x250]  }
0x276: {  	v3 =	vld [tilespmem:$0x260]  }
0x277: {  	v44 =	vld [tilespmem:$0x270];
	_ =	sdelay $0x1  }
0x278: {  	[tilespmem:$0x8480] =	vst v1  }
0x279: {  	[tilespmem:$0x8490] =	vst v2  }
0x27a: {  	[tilespmem:$0x84A0] =	vst v3  }
0x27b: {  	[tilespmem:$0x84B0] =	vst v44  }
0x27c: {  	[tilespmem:s0], [sflag:$0x6] =	stream.indirect.gather [hbm4b:s2+s28], $0x80, s31, s28, $0xb8;
	[tilespmem:$0x1C800] =	vst v63  }
0x27d: {  	s23 =	rddreg [dreg:$0x14]  }
0x27e: {  	[tilespmem:s4], [sflag:$0x1] =	stream.linear.gather [hbm4b:s23+s4], $0x100, $0x38;
	[tilespmem:$0x1C800] =	vst v63  }
0x27f: {  	_ =	swait.ge [sflag:s20], $0x2000  }
0x280: {  	[sflag:s20] =	ssyncset.done $0x0  }
0x281: {  	[sflag:s20] =	ssyncadd.s32 $0xFFFFE000  }
0x282: {  	v1 =	vld [tilespmem:$0x1C0]  }
0x283: {  	v2 =	vld [tilespmem:$0x1D0]  }
0x284: {  	v3 =	vld [tilespmem:$0x1E0]  }
0x285: {  	v45 =	vld [tilespmem:$0x1F0];
	_ =	sdelay $0x1  }
0x286: {  	[tilespmem:$0x8780] =	vst v1  }
0x287: {  	[tilespmem:$0x8790] =	vst v2  }
0x288: {  	[tilespmem:$0x87A0] =	vst v3  }
0x289: {  	[tilespmem:$0x87B0] =	vst v45  }
0x28a: {  	[spmem:s3] =	stream.indirect.scatter.add.f32 [tilespmem:s9], [sflag:$0x9], $0x80, s21, s28, $0xb8;
	[tilespmem:$0x1C800] =	vst v63  }
0x28b: {  	_ =	swait.ge [sflag:s10], $0x2000  }
0x28c: {  	[sflag:s10] =	ssyncset.done $0x0  }
0x28d: {  	[sflag:s10] =	ssyncadd.s32 $0xFFFFE000  }
0x28e: {  	_ =	swait.ge [sflag:s22], $0x100  }
0x28f: {  	[sflag:s22] =	ssyncset.done $0x0  }
0x290: {  	[sflag:s22] =	ssyncadd.s32 $0xFFFFFF00  }
0x291: {  	v1 =	vld [tilespmem:$0x300]  }
0x292: {  	v2 =	vld [tilespmem:$0x310]  }
0x293: {  	v3 =	vld [tilespmem:$0x320]  }
0x294: {  	v46 =	vld [tilespmem:$0x330];
	_ =	sdelay $0x1  }
0x295: {  	[tilespmem:$0x8500] =	vst v1  }
0x296: {  	[tilespmem:$0x8510] =	vst v2  }
0x297: {  	[tilespmem:$0x8520] =	vst v3  }
0x298: {  	[tilespmem:$0x8530] =	vst v46  }
0x299: {  	[tilespmem:s8], [sflag:$0x7] =	stream.indirect.gather [hbm4b:s2+s28], $0x80, s6, s28, $0xb8;
	[tilespmem:$0x1C800] =	vst v63  }
0x29a: {  	_ =	swait.ge [sflag:s11], $0x2000  }
0x29b: {  	[sflag:s11] =	ssyncset.done $0x0  }
0x29c: {  	[sflag:s11] =	ssyncadd.s32 $0xFFFFE000  }
0x29d: {  	v1 =	vld [tilespmem:$0x280]  }
0x29e: {  	v2 =	vld [tilespmem:$0x290]  }
0x29f: {  	v3 =	vld [tilespmem:$0x2A0]  }
0x2a0: {  	v47 =	vld [tilespmem:$0x2B0];
	_ =	sdelay $0x1  }
0x2a1: {  	[tilespmem:$0x8600] =	vst v1  }
0x2a2: {  	[tilespmem:$0x8610] =	vst v2  }
0x2a3: {  	[tilespmem:$0x8620] =	vst v3  }
0x2a4: {  	[tilespmem:$0x8630] =	vst v47  }
0x2a5: {  	[spmem:s3] =	stream.indirect.scatter.add.f32 [tilespmem:s30], [sflag:$0x9], $0x80, s12, s28, $0xb8;
	[tilespmem:$0x1C800] =	vst v63  }
0x2a6: {  	_ =	swait.ge [sflag:s10], $0x2000  }
0x2a7: {  	[sflag:s10] =	ssyncset.done $0x0  }
0x2a8: {  	[sflag:s10] =	ssyncadd.s32 $0xFFFFE000  }
0x2a9: {  	v1 =	vld [tilespmem:$0x340]  }
0x2aa: {  	v2 =	vld [tilespmem:$0x350]  }
0x2ab: {  	v3 =	vld [tilespmem:$0x360]  }
0x2ac: {  	v48 =	vld [tilespmem:$0x370];
	_ =	sdelay $0x1  }
0x2ad: {  	[tilespmem:$0x8580] =	vst v1  }
0x2ae: {  	[tilespmem:$0x8590] =	vst v2  }
0x2af: {  	[tilespmem:$0x85A0] =	vst v3  }
0x2b0: {  	[tilespmem:$0x85B0] =	vst v48  }
0x2b1: {  	[tilespmem:s9], [sflag:$0x8] =	stream.indirect.gather [hbm4b:s2+s28], $0x80, s13, s28, $0xb8;
	[tilespmem:$0x1C800] =	vst v63  }
0x2b2: {  	s7 =	rddreg [dreg:$0x15]  }
0x2b3: {  	[tilespmem:s24], [sflag:$0x2] =	stream.linear.gather [hbm4b:s7+s4], $0x100, $0x38;
	[tilespmem:$0x1C800] =	vst v63  }
0x2b4: {  	_ =	swait.ge [sflag:s15], $0x2000  }
0x2b5: {  	[sflag:s15] =	ssyncset.done $0x0  }
0x2b6: {  	[sflag:s15] =	ssyncadd.s32 $0xFFFFE000  }
0x2b7: {  	v1 =	vld [tilespmem:$0x2C0]  }
0x2b8: {  	v2 =	vld [tilespmem:$0x2D0]  }
0x2b9: {  	v3 =	vld [tilespmem:$0x2E0]  }
0x2ba: {  	v49 =	vld [tilespmem:$0x2F0];
	_ =	sdelay $0x1  }
0x2bb: {  	[tilespmem:$0x8680] =	vst v1  }
0x2bc: {  	[tilespmem:$0x8690] =	vst v2  }
0x2bd: {  	[tilespmem:$0x86A0] =	vst v3  }
0x2be: {  	[tilespmem:$0x86B0] =	vst v49  }
0x2bf: {  	[spmem:s3] =	stream.indirect.scatter.add.f32 [tilespmem:s0], [sflag:$0x9], $0x80, s16, s28, $0xb8;
	[tilespmem:$0x1C800] =	vst v63  }
0x2c0: {  	_ =	swait.ge [sflag:s10], $0x2000  }
0x2c1: {  	[sflag:s10] =	ssyncset.done $0x0  }
0x2c2: {  	[sflag:s10] =	ssyncadd.s32 $0xFFFFE000  }
0x2c3: {  	_ =	swait.ge [sflag:s26], $0x100  }
0x2c4: {  	[sflag:s26] =	ssyncset.done $0x0  }
0x2c5: {  	[sflag:s26] =	ssyncadd.s32 $0xFFFFFF00  }
0x2c6: {  	v1 =	vld [tilespmem:$0x0]  }
0x2c7: {  	v2 =	vld [tilespmem:$0x10]  }
0x2c8: {  	v3 =	vld [tilespmem:$0x20]  }
0x2c9: {  	v50 =	vld [tilespmem:$0x30];
	_ =	sdelay $0x1  }
0x2ca: {  	[tilespmem:$0x8400] =	vst v1  }
0x2cb: {  	[tilespmem:$0x8410] =	vst v2  }
0x2cc: {  	[tilespmem:$0x8420] =	vst v3  }
0x2cd: {  	[tilespmem:$0x8430] =	vst v50  }
0x2ce: {  	[tilespmem:s30], [sflag:$0x5] =	stream.indirect.gather [hbm4b:s2+s28], $0x80, s29, s28, $0xb8;
	[tilespmem:$0x1C800] =	vst v63  }
0x2cf: {  	_ =	swait.ge [sflag:s18], $0x2000  }
0x2d0: {  	[sflag:s18] =	ssyncset.done $0x0  }
0x2d1: {  	[sflag:s18] =	ssyncadd.s32 $0xFFFFE000  }
0x2d2: {  	v1 =	vld [tilespmem:$0x380]  }
0x2d3: {  	v2 =	vld [tilespmem:$0x390]  }
0x2d4: {  	v3 =	vld [tilespmem:$0x3A0]  }
0x2d5: {  	v51 =	vld [tilespmem:$0x3B0];
	_ =	sdelay $0x1  }
0x2d6: {  	[tilespmem:$0x8700] =	vst v1  }
0x2d7: {  	[tilespmem:$0x8710] =	vst v2  }
0x2d8: {  	[tilespmem:$0x8720] =	vst v3  }
0x2d9: {  	[tilespmem:$0x8730] =	vst v51  }
0x2da: {  	[spmem:s3] =	stream.indirect.scatter.add.f32 [tilespmem:s8], [sflag:$0x9], $0x80, s19, s28, $0xb8;
	[tilespmem:$0x1C800] =	vst v63  }
0x2db: {  	_ =	swait.ge [sflag:s10], $0x2000  }
0x2dc: {  	[sflag:s10] =	ssyncset.done $0x0  }
0x2dd: {  	[sflag:s10] =	ssyncadd.s32 $0xFFFFE000  }
0x2de: {  	v1 =	vld [tilespmem:$0x40]  }
0x2df: {  	v2 =	vld [tilespmem:$0x50]  }
0x2e0: {  	v3 =	vld [tilespmem:$0x60]  }
0x2e1: {  	v52 =	vld [tilespmem:$0x70];
	_ =	sdelay $0x1  }
0x2e2: {  	[tilespmem:$0x8480] =	vst v1  }
0x2e3: {  	[tilespmem:$0x8490] =	vst v2  }
0x2e4: {  	[tilespmem:$0x84A0] =	vst v3  }
0x2e5: {  	[tilespmem:$0x84B0] =	vst v52  }
0x2e6: {  	[tilespmem:s0], [sflag:$0x6] =	stream.indirect.gather [hbm4b:s2+s28], $0x80, s31, s28, $0xb8;
	[tilespmem:$0x1C800] =	vst v63  }
0x2e7: {  	s23 =	rddreg [dreg:$0x16]  }
0x2e8: {  	[tilespmem:s25], [sflag:$0x3] =	stream.linear.gather [hbm4b:s23+s4], $0x100, $0x38;
	[tilespmem:$0x1C800] =	vst v63  }
0x2e9: {  	_ =	swait.ge [sflag:s20], $0x2000  }
0x2ea: {  	[sflag:s20] =	ssyncset.done $0x0  }
0x2eb: {  	[sflag:s20] =	ssyncadd.s32 $0xFFFFE000  }
0x2ec: {  	v1 =	vld [tilespmem:$0x3C0]  }
0x2ed: {  	v2 =	vld [tilespmem:$0x3D0]  }
0x2ee: {  	v3 =	vld [tilespmem:$0x3E0]  }
0x2ef: {  	v53 =	vld [tilespmem:$0x3F0];
	_ =	sdelay $0x1  }
0x2f0: {  	[tilespmem:$0x8780] =	vst v1  }
0x2f1: {  	[tilespmem:$0x8790] =	vst v2  }
0x2f2: {  	[tilespmem:$0x87A0] =	vst v3  }
0x2f3: {  	[tilespmem:$0x87B0] =	vst v53  }
0x2f4: {  	[spmem:s3] =	stream.indirect.scatter.add.f32 [tilespmem:s9], [sflag:$0x9], $0x80, s21, s28, $0xb8;
	[tilespmem:$0x1C800] =	vst v63  }
0x2f5: {  	_ =	swait.ge [sflag:s10], $0x2000  }
0x2f6: {  	[sflag:s10] =	ssyncset.done $0x0  }
0x2f7: {  	[sflag:s10] =	ssyncadd.s32 $0xFFFFE000  }
0x2f8: {  	_ =	swait.ge [sflag:s1], $0x100  }
0x2f9: {  	[sflag:s1] =	ssyncset.done $0x0  }
0x2fa: {  	[sflag:s1] =	ssyncadd.s32 $0xFFFFFF00  }
0x2fb: {  	v1 =	vld [tilespmem:$0x100]  }
0x2fc: {  	v2 =	vld [tilespmem:$0x110]  }
0x2fd: {  	v3 =	vld [tilespmem:$0x120]  }
0x2fe: {  	v54 =	vld [tilespmem:$0x130];
	_ =	sdelay $0x1  }
0x2ff: {  	[tilespmem:$0x8500] =	vst v1  }
0x300: {  	[tilespmem:$0x8510] =	vst v2  }
0x301: {  	[tilespmem:$0x8520] =	vst v3  }
0x302: {  	[tilespmem:$0x8530] =	vst v54  }
0x303: {  	[tilespmem:s8], [sflag:$0x7] =	stream.indirect.gather [hbm4b:s2+s28], $0x80, s6, s28, $0xb8;
	[tilespmem:$0x1C800] =	vst v63  }
0x304: {  	_ =	swait.ge [sflag:s11], $0x2000  }
0x305: {  	[sflag:s11] =	ssyncset.done $0x0  }
0x306: {  	[sflag:s11] =	ssyncadd.s32 $0xFFFFE000  }
0x307: {  	v1 =	vld [tilespmem:$0x80]  }
0x308: {  	v2 =	vld [tilespmem:$0x90]  }
0x309: {  	v3 =	vld [tilespmem:$0xA0]  }
0x30a: {  	v55 =	vld [tilespmem:$0xB0];
	_ =	sdelay $0x1  }
0x30b: {  	[tilespmem:$0x8600] =	vst v1  }
0x30c: {  	[tilespmem:$0x8610] =	vst v2  }
0x30d: {  	[tilespmem:$0x8620] =	vst v3  }
0x30e: {  	[tilespmem:$0x8630] =	vst v55  }
0x30f: {  	[spmem:s3] =	stream.indirect.scatter.add.f32 [tilespmem:s30], [sflag:$0x9], $0x80, s12, s28, $0xb8;
	[tilespmem:$0x1C800] =	vst v63  }
0x310: {  	_ =	swait.ge [sflag:s10], $0x2000  }
0x311: {  	[sflag:s10] =	ssyncset.done $0x0  }
0x312: {  	[sflag:s10] =	ssyncadd.s32 $0xFFFFE000  }
0x313: {  	v1 =	vld [tilespmem:$0x140]  }
0x314: {  	v2 =	vld [tilespmem:$0x150]  }
0x315: {  	v3 =	vld [tilespmem:$0x160]  }
0x316: {  	v56 =	vld [tilespmem:$0x170];
	_ =	sdelay $0x1  }
0x317: {  	[tilespmem:$0x8580] =	vst v1  }
0x318: {  	[tilespmem:$0x8590] =	vst v2  }
0x319: {  	[tilespmem:$0x85A0] =	vst v3  }
0x31a: {  	[tilespmem:$0x85B0] =	vst v56  }
0x31b: {  	[tilespmem:s9], [sflag:$0x8] =	stream.indirect.gather [hbm4b:s2+s28], $0x80, s13, s28, $0xb8;
	[tilespmem:$0x1C800] =	vst v63  }
0x31c: {  	_ =	swait.ge [sflag:s15], $0x2000  }
0x31d: {  	[sflag:s15] =	ssyncset.done $0x0  }
0x31e: {  	[sflag:s15] =	ssyncadd.s32 $0xFFFFE000  }
0x31f: {  	v1 =	vld [tilespmem:$0xC0]  }
0x320: {  	v2 =	vld [tilespmem:$0xD0]  }
0x321: {  	v3 =	vld [tilespmem:$0xE0]  }
0x322: {  	v57 =	vld [tilespmem:$0xF0];
	_ =	sdelay $0x1  }
0x323: {  	[tilespmem:$0x8680] =	vst v1  }
0x324: {  	[tilespmem:$0x8690] =	vst v2  }
0x325: {  	[tilespmem:$0x86A0] =	vst v3  }
0x326: {  	[tilespmem:$0x86B0] =	vst v57  }
0x327: {  	[spmem:s3] =	stream.indirect.scatter.add.f32 [tilespmem:s0], [sflag:$0x9], $0x80, s16, s28, $0xb8;
	[tilespmem:$0x1C800] =	vst v63  }
0x328: {  	_ =	swait.ge [sflag:s10], $0x2000  }
0x329: {  	[sflag:s10] =	ssyncset.done $0x0  }
0x32a: {  	[sflag:s10] =	ssyncadd.s32 $0xFFFFE000  }
0x32b: {  	_ =	swait.ge [sflag:s17], $0x100  }
0x32c: {  	[sflag:s17] =	ssyncset.done $0x0  }
0x32d: {  	[sflag:s17] =	ssyncadd.s32 $0xFFFFFF00  }
0x32e: {  	v1 =	vld [tilespmem:$0x200]  }
0x32f: {  	v2 =	vld [tilespmem:$0x210]  }
0x330: {  	v3 =	vld [tilespmem:$0x220]  }
0x331: {  	v58 =	vld [tilespmem:$0x230];
	_ =	sdelay $0x1  }
0x332: {  	[tilespmem:$0x8400] =	vst v1  }
0x333: {  	[tilespmem:$0x8410] =	vst v2  }
0x334: {  	[tilespmem:$0x8420] =	vst v3  }
0x335: {  	[tilespmem:$0x8430] =	vst v58  }
0x336: {  	[tilespmem:s30], [sflag:$0x5] =	stream.indirect.gather [hbm4b:s2+s28], $0x80, s29, s28, $0xb8;
	[tilespmem:$0x1C800] =	vst v63  }
0x337: {  	_ =	swait.ge [sflag:s18], $0x2000  }
0x338: {  	[sflag:s18] =	ssyncset.done $0x0  }
0x339: {  	[sflag:s18] =	ssyncadd.s32 $0xFFFFE000  }
0x33a: {  	v1 =	vld [tilespmem:$0x180]  }
0x33b: {  	v2 =	vld [tilespmem:$0x190]  }
0x33c: {  	v3 =	vld [tilespmem:$0x1A0]  }
0x33d: {  	v59 =	vld [tilespmem:$0x1B0];
	_ =	sdelay $0x1  }
0x33e: {  	[tilespmem:$0x8700] =	vst v1  }
0x33f: {  	[tilespmem:$0x8710] =	vst v2  }
0x340: {  	[tilespmem:$0x8720] =	vst v3  }
0x341: {  	[tilespmem:$0x8730] =	vst v59  }
0x342: {  	[spmem:s3] =	stream.indirect.scatter.add.f32 [tilespmem:s8], [sflag:$0x9], $0x80, s19, s28, $0xb8;
	[tilespmem:$0x1C800] =	vst v63  }
0x343: {  	_ =	swait.ge [sflag:s10], $0x2000  }
0x344: {  	[sflag:s10] =	ssyncset.done $0x0  }
0x345: {  	[sflag:s10] =	ssyncadd.s32 $0xFFFFE000  }
0x346: {  	v1 =	vld [tilespmem:$0x240]  }
0x347: {  	v2 =	vld [tilespmem:$0x250]  }
0x348: {  	v3 =	vld [tilespmem:$0x260]  }
0x349: {  	v60 =	vld [tilespmem:$0x270];
	_ =	sdelay $0x1  }
0x34a: {  	[tilespmem:$0x8480] =	vst v1  }
0x34b: {  	[tilespmem:$0x8490] =	vst v2  }
0x34c: {  	[tilespmem:$0x84A0] =	vst v3  }
0x34d: {  	[tilespmem:$0x84B0] =	vst v60  }
0x34e: {  	[tilespmem:s0], [sflag:$0x6] =	stream.indirect.gather [hbm4b:s2+s28], $0x80, s31, s28, $0xb8;
	[tilespmem:$0x1C800] =	vst v63  }
0x34f: {  	_ =	swait.ge [sflag:s20], $0x2000  }
0x350: {  	[sflag:s20] =	ssyncset.done $0x0  }
0x351: {  	[sflag:s20] =	ssyncadd.s32 $0xFFFFE000  }
0x352: {  	v1 =	vld [tilespmem:$0x1C0]  }
0x353: {  	v2 =	vld [tilespmem:$0x1D0]  }
0x354: {  	v3 =	vld [tilespmem:$0x1E0]  }
0x355: {  	v61 =	vld [tilespmem:$0x1F0];
	_ =	sdelay $0x1  }
0x356: {  	[tilespmem:$0x8780] =	vst v1  }
0x357: {  	[tilespmem:$0x8790] =	vst v2  }
0x358: {  	[tilespmem:$0x87A0] =	vst v3  }
0x359: {  	[tilespmem:$0x87B0] =	vst v61  }
0x35a: {  	[spmem:s3] =	stream.indirect.scatter.add.f32 [tilespmem:s9], [sflag:$0x9], $0x80, s21, s28, $0xb8;
	[tilespmem:$0x1C800] =	vst v63  }
0x35b: {  	_ =	swait.ge [sflag:s10], $0x2000  }
0x35c: {  	[sflag:s10] =	ssyncset.done $0x0  }
0x35d: {  	[sflag:s10] =	ssyncadd.s32 $0xFFFFE000  }
0x35e: {  	_ =	swait.ge [sflag:s11], $0x2000  }
0x35f: {  	[sflag:s11] =	ssyncset.done $0x0  }
0x360: {  	[sflag:s11] =	ssyncadd.s32 $0xFFFFE000  }
0x361: {  	v1 =	vld [tilespmem:$0x280]  }
0x362: {  	v2 =	vld [tilespmem:$0x290]  }
0x363: {  	v3 =	vld [tilespmem:$0x2A0]  }
0x364: {  	v62 =	vld [tilespmem:$0x2B0];
	_ =	sdelay $0x1  }
0x365: {  	[tilespmem:$0x8600] =	vst v1  }
0x366: {  	[tilespmem:$0x8610] =	vst v2  }
0x367: {  	[tilespmem:$0x8620] =	vst v3  }
0x368: {  	[tilespmem:$0x8630] =	vst v62  }
0x369: {  	_ =	swait.ge [sflag:s15], $0x2000  }
0x36a: {  	[sflag:s15] =	ssyncset.done $0x0  }
0x36b: {  	[sflag:s15] =	ssyncadd.s32 $0xFFFFE000  }
0x36c: {  	v1 =	vld [tilespmem:$0x2C0]  }
0x36d: {  	v2 =	vld [tilespmem:$0x2D0]  }
0x36e: {  	v3 =	vld [tilespmem:$0x2E0]  }
0x36f: {  	v63 =	vld [tilespmem:$0x2F0];
	_ =	sdelay $0x1  }
0x370: {  	[tilespmem:$0x8680] =	vst v1  }
0x371: {  	[tilespmem:$0x8690] =	vst v2  }
0x372: {  	[tilespmem:$0x86A0] =	vst v3  }
0x373: {  	s5 =	simm.s32 @!p0 $0x40;
	s7 =	simm.s32 @!p0 $0x8600;
	s23 =	simm.s32 @!p0 $0x400;
	[tilespmem:$0x86B0] =	vst v63  }
0x374: {  	[spmem:s3] =	stream.indirect.scatter.add.f32 @!p0 [tilespmem:s23], [sflag:$0x9], $0x80, s7, s5, $0xb8;
	[tilespmem:$0x1C800] =	vst v63  }
0x375: {  	s5 =	simm.s32 @!p0 $0x9  }
0x376: {  	_ =	swait.ge @!p0 [sflag:s5], $0x2000  }
0x377: {  	s23 =	simm.s32 @!p0 $0x2400;
	[sflag:s5] =	ssyncset.done @!p0 $0x0  }
0x378: {  	s7 =	simm.s32 @!p0 $0x40;
	[sflag:s5] =	ssyncadd.s32 @!p0 $0xFFFFE000;
	s5 =	simm.s32 @!p0 $0x8680  }
0x379: {  	[spmem:s3] =	stream.indirect.scatter.add.f32 @!p0 [tilespmem:s23], [sflag:$0x9], $0x80, s5, s7, $0xb8;
	[tilespmem:$0x1C800] =	vst v63  }
0x37a: {  	s5 =	simm.s32 @!p0 $0x9  }
0x37b: {  	_ =	swait.ge @!p0 [sflag:s5], $0x2000  }
0x37c: {  	[sflag:s5] =	ssyncset.done @!p0 $0x0  }
0x37d: {  	[sflag:s5] =	ssyncadd.s32 @!p0 $0xFFFFE000  }
0x37e: {  	s7 =	stileid.u32;
	[bflag:$0x0] =	sbarrier.arrive $0xFFFF  }
0x37f: {  	s5 =	sshll.u32 s7, $0x6;
	s23 =	rddreg [dreg:$0x8]  }
0x380: {  	s5 =	sor.u32 $0x1C09, s5;
	s7 =	sshrl.u32 s23, $0x3;
	s23 =	rddreg [dreg:$0x17]  }
0x381: {  	[hbm:s23], [sflag:s5] =	dma.local [spmem:s7], $0x2800  }
0x382: {  	_ =	swait.ge [sflag:s10], $0x2800  }
0x383: {  	s5 =	rddreg [dreg:$0x19]  }
0x384: {  	s23 =	rddreg [dreg:$0x18];
	s7 =	sadd.s32 $0x1, s5  }
0x385: {  	p1 =	sne.s32 s7, s23  }
.Ltmp2:
0x386: {  	_ = 	snop;
	(pc) =	sbr.rel @p1 .LBB2_1-.Ltmp2, $3  }
0x387: {  	_ =	sdelay $0x1  }
0x388: {  	[sflag:s10] =	ssyncset.done $0x0  }
0x389: {  	[sflag:s10] =	ssyncadd.s32 $0xFFFFD800  }
0x38a: {  	_ =	sfence.sel $0x180000  }
0x38b: {  	[bflag:$0x0] =	sbarrier.arrive $0xFFFF  }
0x38c: {  	_ =	strace $0x90000047  }
0x38d: {  	s0 =	stileid.u32;
	[bflag:$0x2] =	sbarrier.arrive $0xFFFF  }
0x38e: {  	p0 =	sne.s32 s0, $0x0;
	s0 =	rddreg [dreg:$0x4]  }
0x38f: {  	s0 =	sadd.s32 @!p0 $0x100000, s0  }
0x390: {  	[sflag:s0] =	ssyncadd.tile.s32 @!p0 $0x1;
	_ =	shalt  }
.Lfunc_end2:
_tile_overlayer_lowered:
.L_overlay_start_2:
0x391: {  	(tag) =	ssettag $0x2  }
0x392: {  	s0 =	rddreg [dreg:$0x0];
	s2 =	stileid.u32  }
0x393: {  	s1 =	rddreg [dreg:$0x1];
	p0 =	sne.s32 s2, $0x0  }
0x394: {  	s3 =	rddreg [dreg:$0x2];
	[bflag:$0x3] =	sbarrier.arrive $0xFFFF;
	s2 =	simm.s32 @!p0 $0x1C09  }
0x395: {  	[timem:s3], [sflag:s2] =	dma.local @!p0 [hbm:s0], s1  }
0x396: {  	s0 =	simm.s32 @!p0 $0x9  }
0x397: {  	_ =	swait.ge @!p0 [sflag:s0], s1  }
0x398: {  	s1 =	ssub.s32 @!p0 $0x0, s1;
	[sflag:s0] =	ssyncset.done @!p0 $0x0  }
0x399: {  	[sflag:s0] =	ssyncadd.s32 @!p0 s1  }
0x39a: {  	[bflag:$0x3] =	sbarrier.arrive $0xFFFF  }
0x39b: {  	_ =	shalt  }

</sc_bundles>
